<compile_context>
chip_gen: v7x
topology: tpu7x:2x2x1
jax: 0.10.2.dev20260603
libtpu: 0.0.44.dev20260713+nightly
codegen_flags: <defaults>
</compile_context>

<pallas_src>
import functools

import jax
import jax.numpy as jnp
from jax import lax
from jax.experimental import pallas as pl
from jax.experimental.pallas import tpu as pltpu
from jax.experimental.pallas import tpu_sc as plsc

EMB = 16
LANES = 16
NUM_CORES = 2
NUM_SUBCORES = 16
NUM_WORKERS = NUM_CORES * NUM_SUBCORES
CHUNK = 1024
NBUF = 4
COMB = 96 * 8


@functools.cache
def _build(total):
    assert total % (NUM_WORKERS * CHUNK) == 0
    per_w = total // NUM_WORKERS
    n_chunks = per_w // CHUNK
    assert n_chunks % NBUF == 0 and n_chunks >= 3 * NBUF
    mesh = plsc.VectorSubcoreMesh(core_axis_name="c", subcore_axis_name="s")

    scratch = (
        [pltpu.VMEM((CHUNK,), jnp.int32) for _ in range(NBUF)]
        + [pltpu.VMEM((CHUNK,), jnp.int32) for _ in range(NBUF)]
        + [pltpu.VMEM((CHUNK,), jnp.int32) for _ in range(NBUF)]
        + [pltpu.VMEM((CHUNK, EMB), jnp.float32) for _ in range(NBUF)]
        + [
            pltpu.VMEM((COMB * EMB,), jnp.float32),
            pltpu.VMEM((24 * EMB,), jnp.float32),
            pltpu.VMEM((4 * EMB,), jnp.float32),
            pltpu.VMEM((8 * EMB,), jnp.float32),
        ]
        + [pltpu.SemaphoreType.DMA for _ in range(3 * NBUF)]
    )

    @functools.partial(
        pl.kernel,
        out_type=jax.ShapeDtypeStruct((total, EMB), jnp.float32),
        mesh=mesh,
        compiler_params=pltpu.CompilerParams(
            needs_layout_passes=False, use_tc_tiling_on_sc=False),
        scratch_types=scratch,
    )
    def k(src_hbm, t_hbm, m_hbm, hour_hbm, min_hbm, mode_hbm, loc_hbm,
          out_hbm, *sc):
        idx = sc[0:NBUF]
        tb = sc[NBUF:2 * NBUF]
        mb = sc[2 * NBUF:3 * NBUF]
        rows = sc[3 * NBUF:4 * NBUF]
        comb_v, hour_v, min_v, mode_v = sc[4 * NBUF:4 * NBUF + 4]
        isem = sc[4 * NBUF + 4:4 * NBUF + 4 + NBUF]
        gsem = sc[4 * NBUF + 4 + NBUF:4 * NBUF + 4 + 2 * NBUF]
        osem = sc[4 * NBUF + 4 + 2 * NBUF:]

        wid = lax.axis_index("s") * NUM_CORES + lax.axis_index("c")
        base_w = wid * per_w
        lane = lax.iota(jnp.int32, LANES)
        kvecs = [(lane + d) & (EMB - 1) for d in range(EMB)]

        pltpu.sync_copy(hour_hbm, hour_v)
        pltpu.sync_copy(min_hbm, min_v)
        pltpu.sync_copy(mode_hbm, mode_v)

        def build_comb(g, _):
            cvec = lane + g * LANES
            hoff = (cvec >> 5) * EMB
            mioff = ((cvec >> 3) & 3) * EMB
            mooff = (cvec & 7) * EMB
            coff = cvec * EMB
            for d in range(EMB):
                col = (plsc.load_gather(hour_v, [hoff + kvecs[d]])
                       + plsc.load_gather(min_v, [mioff + kvecs[d]])
                       + plsc.load_gather(mode_v, [mooff + kvecs[d]]))
                plsc.store_scatter(comb_v, [coff + kvecs[d]], col)
            return 0

        lax.fori_loop(0, COMB // LANES, build_comb, 0)

        def stage(j, r):
            base = base_w + j * CHUNK
            pltpu.async_copy(src_hbm.at[pl.ds(base, CHUNK)], idx[r], isem[r])
            pltpu.async_copy(t_hbm.at[pl.ds(base, CHUNK)], tb[r], isem[r])
            pltpu.async_copy(m_hbm.at[pl.ds(base, CHUNK)], mb[r], isem[r])

        def fire(j, r, drain_store):
            base = base_w + j * CHUNK
            pltpu.make_async_copy(src_hbm.at[pl.ds(base, CHUNK)], idx[r], isem[r]).wait()
            pltpu.make_async_copy(t_hbm.at[pl.ds(base, CHUNK)], tb[r], isem[r]).wait()
            pltpu.make_async_copy(m_hbm.at[pl.ds(base, CHUNK)], mb[r], isem[r]).wait()
            if drain_store:
                pbase = base_w + (j - NBUF) * CHUNK
                pltpu.make_async_copy(
                    rows[r], out_hbm.at[pl.ds(pbase, CHUNK)], osem[r]).wait()
            pltpu.async_copy(loc_hbm.at[idx[r]], rows[r], gsem[r])

        def process(j, r):
            base = base_w + j * CHUNK
            pltpu.make_async_copy(loc_hbm.at[idx[r]], rows[r], gsem[r]).wait()

            def group_body(g, _):
                cvec = tb[r][pl.ds(g * LANES, LANES)] * 8 + mb[r][pl.ds(g * LANES, LANES)]
                coff = cvec * EMB
                rid = lane + g * LANES
                cols = [plsc.load_gather(comb_v, [coff + kvecs[d]])
                        for d in range(EMB)]
                for d in range(EMB):
                    plsc.addupdate_scatter(rows[r], [rid, kvecs[d]], cols[d])
                return 0

            lax.fori_loop(0, CHUNK // LANES, group_body, 0)
            pltpu.async_copy(rows[r], out_hbm.at[pl.ds(base, CHUNK)], osem[r])

        stage(0, 0)
        stage(1, 1)
        fire(0, 0, False)
        for i in range(NBUF):
            stage(i + 2, (i + 2) % NBUF)
            fire(i + 1, (i + 1) % NBUF, i + 1 >= NBUF)
            process(i, i % NBUF)

        def block(bk, _):
            i0 = NBUF + bk * NBUF
            for rr in range(NBUF):
                i = i0 + rr
                stage(i + 2, (rr + 2) % NBUF)
                fire(i + 1, (rr + 1) % NBUF, True)
                process(i, rr)
            return 0

        lax.fori_loop(0, (n_chunks - 2 * NBUF) // NBUF, block, 0)

        for i in range(n_chunks - NBUF, n_chunks):
            if i + 2 < n_chunks:
                stage(i + 2, (i + 2) % NBUF)
            if i + 1 < n_chunks:
                fire(i + 1, (i + 1) % NBUF, True)
            process(i, i % NBUF)
        for r in range(NBUF):
            j = n_chunks - NBUF + r
            pltpu.make_async_copy(
                rows[r], out_hbm.at[pl.ds(base_w + j * CHUNK, CHUNK)], osem[r]).wait()

    return k


def kernel(src, time, mode, emb_loc, emb_mode, emb_hour, emb_min):
    B, L = src.shape
    src_f = src.reshape(-1).astype(jnp.int32)
    t_f = time.reshape(-1).astype(jnp.int32)
    m_f = mode.reshape(-1).astype(jnp.int32)
    out = _build(B * L)(src_f, t_f, m_f,
                        emb_hour.reshape(-1), emb_min.reshape(-1),
                        emb_mode.reshape(-1), emb_loc)
    return out.reshape(B, L, EMB)

# --- scband reference (transcript-rebuilt; emitter-appended) ---
"""Pipeline reference for scband-all-embedding-17343077941681 (READ-ONLY COPY).

The authoritative reference and input builder live on the scoring server;
editing this copy changes nothing except your own understanding.
"""

import jax, jax.numpy as jnp
import numpy as np

TOTAL_LOC_NUM = 1000000
EMB = 16
B, L = 16384, 200

def setup_inputs(seed: int = 0) -> dict:
    key = jax.random.key(seed)
    k1, k2, k3, k4, k5, k6, k7 = jax.random.split(key, 7)
    src = jax.random.randint(k1, (B, L), 0, TOTAL_LOC_NUM, dtype=jnp.int64 if jax.config.jax_enable_x64 else jnp.int32)
    time = jax.random.randint(k2, (B, L), 0, 96, dtype=jnp.int32)
    mode = jax.random.randint(k3, (B, L), 0, 8, dtype=jnp.int32)
    emb_loc = jax.random.normal(k4, (TOTAL_LOC_NUM, EMB), dtype=jnp.float32)
    emb_mode = jax.random.normal(k5, (8, EMB), dtype=jnp.float32)
    emb_hour = jax.random.normal(k6, (24, EMB), dtype=jnp.float32)
    emb_min = jax.random.normal(k7, (4, EMB), dtype=jnp.float32)
    return {"src": src, "time": time, "mode": mode,
            "emb_loc": emb_loc, "emb_mode": emb_mode,
            "emb_hour": emb_hour, "emb_min": emb_min}

def reference(src, time, mode, emb_loc, emb_mode, emb_hour, emb_min):
    # emb = self.emb_loc(src)
    emb = jnp.take(emb_loc, src, axis=0)
    # if_include_time: hour = time // 4 (floor), minutes = time % 4
    hour = jnp.floor_divide(time, 4)
    minutes = jnp.mod(time, 4)
    emb = emb + jnp.take(emb_hour, hour, axis=0) + jnp.take(emb_min, minutes, axis=0)
    # if_include_mode
    emb = emb + jnp.take(emb_mode, mode, axis=0)
    return emb

if __name__ == "__main__":
    import jax
    _d = setup_inputs()
    print(jax.jit(kernel)(*tuple(_d.values())))

</pallas_src>

<mosaic_0001>
#map = affine_map<(d0, d1) -> (0)>
#map1 = affine_map<(d0, d1) -> (0, 0)>
module attributes {stable_mosaic.version = 14 : i64} {
  func.func @k(%arg0: i32, %arg1: i32, %arg2: memref<3276800xi32, #tpu.memory_space<hbm>>, %arg3: memref<3276800xi32, #tpu.memory_space<hbm>>, %arg4: memref<3276800xi32, #tpu.memory_space<hbm>>, %arg5: memref<384xf32, #tpu.memory_space<hbm>>, %arg6: memref<64xf32, #tpu.memory_space<hbm>>, %arg7: memref<128xf32, #tpu.memory_space<hbm>>, %arg8: memref<1000000x16xf32, #tpu.memory_space<hbm>>, %arg9: memref<3276800x16xf32, #tpu.memory_space<hbm>>, %arg10: memref<1024xi32, #tpu.memory_space<vmem>>, %arg11: memref<1024xi32, #tpu.memory_space<vmem>>, %arg12: memref<1024xi32, #tpu.memory_space<vmem>>, %arg13: memref<1024xi32, #tpu.memory_space<vmem>>, %arg14: memref<1024xi32, #tpu.memory_space<vmem>>, %arg15: memref<1024xi32, #tpu.memory_space<vmem>>, %arg16: memref<1024xi32, #tpu.memory_space<vmem>>, %arg17: memref<1024xi32, #tpu.memory_space<vmem>>, %arg18: memref<1024xi32, #tpu.memory_space<vmem>>, %arg19: memref<1024xi32, #tpu.memory_space<vmem>>, %arg20: memref<1024xi32, #tpu.memory_space<vmem>>, %arg21: memref<1024xi32, #tpu.memory_space<vmem>>, %arg22: memref<1024x16xf32, #tpu.memory_space<vmem>>, %arg23: memref<1024x16xf32, #tpu.memory_space<vmem>>, %arg24: memref<1024x16xf32, #tpu.memory_space<vmem>>, %arg25: memref<1024x16xf32, #tpu.memory_space<vmem>>, %arg26: memref<12288xf32, #tpu.memory_space<vmem>>, %arg27: memref<384xf32, #tpu.memory_space<vmem>>, %arg28: memref<64xf32, #tpu.memory_space<vmem>>, %arg29: memref<128xf32, #tpu.memory_space<vmem>>, %arg30: memref<!tpu.dma_semaphore, #tpu.memory_space<semaphore_mem>>, %arg31: memref<!tpu.dma_semaphore, #tpu.memory_space<semaphore_mem>>, %arg32: memref<!tpu.dma_semaphore, #tpu.memory_space<semaphore_mem>>, %arg33: memref<!tpu.dma_semaphore, #tpu.memory_space<semaphore_mem>>, %arg34: memref<!tpu.dma_semaphore, #tpu.memory_space<semaphore_mem>>, %arg35: memref<!tpu.dma_semaphore, #tpu.memory_space<semaphore_mem>>, %arg36: memref<!tpu.dma_semaphore, #tpu.memory_space<semaphore_mem>>, %arg37: memref<!tpu.dma_semaphore, #tpu.memory_space<semaphore_mem>>, %arg38: memref<!tpu.dma_semaphore, #tpu.memory_space<semaphore_mem>>, %arg39: memref<!tpu.dma_semaphore, #tpu.memory_space<semaphore_mem>>, %arg40: memref<!tpu.dma_semaphore, #tpu.memory_space<semaphore_mem>>, %arg41: memref<!tpu.dma_semaphore, #tpu.memory_space<semaphore_mem>>) attributes {dimension_semantics = [#tpu.dimension_semantics<core_parallel>, #tpu.dimension_semantics<subcore_parallel>], iteration_bounds = array<i64: 2, 16>, scalar_prefetch = 0 : i64, scratch_operands = 32 : i64, tpu.core_type = #tpu.core_type<sc_vector_subcore>, window_params = [{transform_indices = #map}, {transform_indices = #map}, {transform_indices = #map}, {transform_indices = #map}, {transform_indices = #map}, {transform_indices = #map}, {transform_indices = #map1}, {transform_indices = #map1}]} {
    %mul3A = arith.constant 2 : i32
    %mul3A_0 = arith.muli %arg1, %mul3A : i32
    %add3A = arith.addi %mul3A_0, %arg0 : i32
    %mul3A_1 = arith.constant 102400 : i32
    %mul3A_2 = arith.muli %add3A, %mul3A_1 : i32
    %iota3A = tpu.iota {dimensions = array<i32: 0>} : vector<16xi32>
    %add3A_3 = arith.constant 0 : i32
    %add3A_4 = vector.broadcast %add3A_3 : i32 to vector<16xi32>
    %add3A_5 = arith.addi %iota3A, %add3A_4 : vector<16xi32>
    %and3A = arith.constant 15 : i32
    %and3A_6 = vector.broadcast %and3A : i32 to vector<16xi32>
    %and3A_7 = arith.andi %add3A_5, %and3A_6 : vector<16xi32>
    %add3A_8 = arith.constant 1 : i32
    %add3A_9 = vector.broadcast %add3A_8 : i32 to vector<16xi32>
    %add3A_10 = arith.addi %iota3A, %add3A_9 : vector<16xi32>
    %and3A_11 = arith.constant 15 : i32
    %and3A_12 = vector.broadcast %and3A_11 : i32 to vector<16xi32>
    %and3A_13 = arith.andi %add3A_10, %and3A_12 : vector<16xi32>
    %add3A_14 = arith.constant 2 : i32
    %add3A_15 = vector.broadcast %add3A_14 : i32 to vector<16xi32>
    %add3A_16 = arith.addi %iota3A, %add3A_15 : vector<16xi32>
    %and3A_17 = arith.constant 15 : i32
    %and3A_18 = vector.broadcast %and3A_17 : i32 to vector<16xi32>
    %and3A_19 = arith.andi %add3A_16, %and3A_18 : vector<16xi32>
    %add3A_20 = arith.constant 3 : i32
    %add3A_21 = vector.broadcast %add3A_20 : i32 to vector<16xi32>
    %add3A_22 = arith.addi %iota3A, %add3A_21 : vector<16xi32>
    %and3A_23 = arith.constant 15 : i32
    %and3A_24 = vector.broadcast %and3A_23 : i32 to vector<16xi32>
    %and3A_25 = arith.andi %add3A_22, %and3A_24 : vector<16xi32>
    %add3A_26 = arith.constant 4 : i32
    %add3A_27 = vector.broadcast %add3A_26 : i32 to vector<16xi32>
    %add3A_28 = arith.addi %iota3A, %add3A_27 : vector<16xi32>
    %and3A_29 = arith.constant 15 : i32
    %and3A_30 = vector.broadcast %and3A_29 : i32 to vector<16xi32>
    %and3A_31 = arith.andi %add3A_28, %and3A_30 : vector<16xi32>
    %add3A_32 = arith.constant 5 : i32
    %add3A_33 = vector.broadcast %add3A_32 : i32 to vector<16xi32>
    %add3A_34 = arith.addi %iota3A, %add3A_33 : vector<16xi32>
    %and3A_35 = arith.constant 15 : i32
    %and3A_36 = vector.broadcast %and3A_35 : i32 to vector<16xi32>
    %and3A_37 = arith.andi %add3A_34, %and3A_36 : vector<16xi32>
    %add3A_38 = arith.constant 6 : i32
    %add3A_39 = vector.broadcast %add3A_38 : i32 to vector<16xi32>
    %add3A_40 = arith.addi %iota3A, %add3A_39 : vector<16xi32>
    %and3A_41 = arith.constant 15 : i32
    %and3A_42 = vector.broadcast %and3A_41 : i32 to vector<16xi32>
    %and3A_43 = arith.andi %add3A_40, %and3A_42 : vector<16xi32>
    %add3A_44 = arith.constant 7 : i32
    %add3A_45 = vector.broadcast %add3A_44 : i32 to vector<16xi32>
    %add3A_46 = arith.addi %iota3A, %add3A_45 : vector<16xi32>
    %and3A_47 = arith.constant 15 : i32
    %and3A_48 = vector.broadcast %and3A_47 : i32 to vector<16xi32>
    %and3A_49 = arith.andi %add3A_46, %and3A_48 : vector<16xi32>
    %add3A_50 = arith.constant 8 : i32
    %add3A_51 = vector.broadcast %add3A_50 : i32 to vector<16xi32>
    %add3A_52 = arith.addi %iota3A, %add3A_51 : vector<16xi32>
    %and3A_53 = arith.constant 15 : i32
    %and3A_54 = vector.broadcast %and3A_53 : i32 to vector<16xi32>
    %and3A_55 = arith.andi %add3A_52, %and3A_54 : vector<16xi32>
    %add3A_56 = arith.constant 9 : i32
    %add3A_57 = vector.broadcast %add3A_56 : i32 to vector<16xi32>
    %add3A_58 = arith.addi %iota3A, %add3A_57 : vector<16xi32>
    %and3A_59 = arith.constant 15 : i32
    %and3A_60 = vector.broadcast %and3A_59 : i32 to vector<16xi32>
    %and3A_61 = arith.andi %add3A_58, %and3A_60 : vector<16xi32>
    %add3A_62 = arith.constant 10 : i32
    %add3A_63 = vector.broadcast %add3A_62 : i32 to vector<16xi32>
    %add3A_64 = arith.addi %iota3A, %add3A_63 : vector<16xi32>
    %and3A_65 = arith.constant 15 : i32
    %and3A_66 = vector.broadcast %and3A_65 : i32 to vector<16xi32>
    %and3A_67 = arith.andi %add3A_64, %and3A_66 : vector<16xi32>
    %add3A_68 = arith.constant 11 : i32
    %add3A_69 = vector.broadcast %add3A_68 : i32 to vector<16xi32>
    %add3A_70 = arith.addi %iota3A, %add3A_69 : vector<16xi32>
    %and3A_71 = arith.constant 15 : i32
    %and3A_72 = vector.broadcast %and3A_71 : i32 to vector<16xi32>
    %and3A_73 = arith.andi %add3A_70, %and3A_72 : vector<16xi32>
    %add3A_74 = arith.constant 12 : i32
    %add3A_75 = vector.broadcast %add3A_74 : i32 to vector<16xi32>
    %add3A_76 = arith.addi %iota3A, %add3A_75 : vector<16xi32>
    %and3A_77 = arith.constant 15 : i32
    %and3A_78 = vector.broadcast %and3A_77 : i32 to vector<16xi32>
    %and3A_79 = arith.andi %add3A_76, %and3A_78 : vector<16xi32>
    %add3A_80 = arith.constant 13 : i32
    %add3A_81 = vector.broadcast %add3A_80 : i32 to vector<16xi32>
    %add3A_82 = arith.addi %iota3A, %add3A_81 : vector<16xi32>
    %and3A_83 = arith.constant 15 : i32
    %and3A_84 = vector.broadcast %and3A_83 : i32 to vector<16xi32>
    %and3A_85 = arith.andi %add3A_82, %and3A_84 : vector<16xi32>
    %add3A_86 = arith.constant 14 : i32
    %add3A_87 = vector.broadcast %add3A_86 : i32 to vector<16xi32>
    %add3A_88 = arith.addi %iota3A, %add3A_87 : vector<16xi32>
    %and3A_89 = arith.constant 15 : i32
    %and3A_90 = vector.broadcast %and3A_89 : i32 to vector<16xi32>
    %and3A_91 = arith.andi %add3A_88, %and3A_90 : vector<16xi32>
    %add3A_92 = arith.constant 15 : i32
    %add3A_93 = vector.broadcast %add3A_92 : i32 to vector<16xi32>
    %add3A_94 = arith.addi %iota3A, %add3A_93 : vector<16xi32>
    %and3A_95 = arith.constant 15 : i32
    %and3A_96 = vector.broadcast %and3A_95 : i32 to vector<16xi32>
    %and3A_97 = arith.andi %add3A_94, %and3A_96 : vector<16xi32>
    "tpu.region"() ({
      %run_scoped3A = tpu.sem_alloc : memref<!tpu.dma_semaphore, #tpu.memory_space<semaphore_mem>>
      tpu.enqueue_dma source(%arg5 : memref<384xf32, #tpu.memory_space<hbm>>) target(%arg27 : memref<384xf32, #tpu.memory_space<vmem>>) target_semaphore(%run_scoped3A : memref<!tpu.dma_semaphore, #tpu.memory_space<semaphore_mem>>)
      tpu.wait_dma2 semaphore(%run_scoped3A : memref<!tpu.dma_semaphore, #tpu.memory_space<semaphore_mem>>) src(%arg5 : memref<384xf32, #tpu.memory_space<hbm>>) dst(%arg27 : memref<384xf32, #tpu.memory_space<vmem>>)
      tpu.yield
    }) : () -> ()
    "tpu.region"() ({
      %run_scoped3A = tpu.sem_alloc : memref<!tpu.dma_semaphore, #tpu.memory_space<semaphore_mem>>
      tpu.enqueue_dma source(%arg6 : memref<64xf32, #tpu.memory_space<hbm>>) target(%arg28 : memref<64xf32, #tpu.memory_space<vmem>>) target_semaphore(%run_scoped3A : memref<!tpu.dma_semaphore, #tpu.memory_space<semaphore_mem>>)
      tpu.wait_dma2 semaphore(%run_scoped3A : memref<!tpu.dma_semaphore, #tpu.memory_space<semaphore_mem>>) src(%arg6 : memref<64xf32, #tpu.memory_space<hbm>>) dst(%arg28 : memref<64xf32, #tpu.memory_space<vmem>>)
      tpu.yield
    }) : () -> ()
    "tpu.region"() ({
      %run_scoped3A = tpu.sem_alloc : memref<!tpu.dma_semaphore, #tpu.memory_space<semaphore_mem>>
      tpu.enqueue_dma source(%arg7 : memref<128xf32, #tpu.memory_space<hbm>>) target(%arg29 : memref<128xf32, #tpu.memory_space<vmem>>) target_semaphore(%run_scoped3A : memref<!tpu.dma_semaphore, #tpu.memory_space<semaphore_mem>>)
      tpu.wait_dma2 semaphore(%run_scoped3A : memref<!tpu.dma_semaphore, #tpu.memory_space<semaphore_mem>>) src(%arg7 : memref<128xf32, #tpu.memory_space<hbm>>) dst(%arg29 : memref<128xf32, #tpu.memory_space<vmem>>)
      tpu.yield
    }) : () -> ()
    %scan3A = arith.constant 0 : i32
    %scan3A_98 = arith.constant 0 : i32
    %scan3A_99 = arith.constant 48 : i32
    %scan3A_100 = arith.addi %scan3A_98, %scan3A_99 : i32
    %scan3A_101 = arith.constant 1 : i32
    %scan3A_102 = scf.for %scan3A_437 = %scan3A_98 to %scan3A_100 step %scan3A_101 iter_args(%scan3A_438 = %scan3A) -> (i32)  : i32 {
      %mul3A_439 = arith.constant 16 : i32
      %mul3A_440 = arith.muli %scan3A_437, %mul3A_439 : i32
      %add3A_441 = vector.broadcast %mul3A_440 : i32 to vector<16xi32>
      %add3A_442 = arith.addi %iota3A, %add3A_441 : vector<16xi32>
      %shift_right_arithmetic3A = arith.constant 5 : i32
      %shift_right_arithmetic3A_443 = vector.broadcast %shift_right_arithmetic3A : i32 to vector<16xi32>
      %shift_right_arithmetic3A_444 = arith.shrsi %add3A_442, %shift_right_arithmetic3A_443 : vector<16xi32>
      %mul3A_445 = arith.constant 16 : i32
      %mul3A_446 = vector.broadcast %mul3A_445 : i32 to vector<16xi32>
      %mul3A_447 = arith.muli %shift_right_arithmetic3A_444, %mul3A_446 : vector<16xi32>
      %shift_right_arithmetic3A_448 = arith.constant 3 : i32
      %shift_right_arithmetic3A_449 = vector.broadcast %shift_right_arithmetic3A_448 : i32 to vector<16xi32>
      %shift_right_arithmetic3A_450 = arith.shrsi %add3A_442, %shift_right_arithmetic3A_449 : vector<16xi32>
      %and3A_451 = arith.constant 3 : i32
      %and3A_452 = vector.broadcast %and3A_451 : i32 to vector<16xi32>
      %and3A_453 = arith.andi %shift_right_arithmetic3A_450, %and3A_452 : vector<16xi32>
      %mul3A_454 = arith.constant 16 : i32
      %mul3A_455 = vector.broadcast %mul3A_454 : i32 to vector<16xi32>
      %mul3A_456 = arith.muli %and3A_453, %mul3A_455 : vector<16xi32>
      %and3A_457 = arith.constant 7 : i32
      %and3A_458 = vector.broadcast %and3A_457 : i32 to vector<16xi32>
      %and3A_459 = arith.andi %add3A_442, %and3A_458 : vector<16xi32>
      %mul3A_460 = arith.constant 16 : i32
      %mul3A_461 = vector.broadcast %mul3A_460 : i32 to vector<16xi32>
      %mul3A_462 = arith.muli %and3A_459, %mul3A_461 : vector<16xi32>
      %mul3A_463 = arith.constant 16 : i32
      %mul3A_464 = vector.broadcast %mul3A_463 : i32 to vector<16xi32>
      %mul3A_465 = arith.muli %add3A_442, %mul3A_464 : vector<16xi32>
      %add3A_466 = arith.addi %mul3A_447, %and3A_7 : vector<16xi32>
      %gather3A = tpu.vector_load_idx %arg27[%add3A_466] : memref<384xf32, #tpu.memory_space<vmem>>[vector<16xi32>], vector<16xf32>,
      %add3A_467 = arith.addi %mul3A_456, %and3A_7 : vector<16xi32>
      %gather3A_468 = tpu.vector_load_idx %arg28[%add3A_467] : memref<64xf32, #tpu.memory_space<vmem>>[vector<16xi32>], vector<16xf32>,
      %add3A_469 = arith.addf %gather3A, %gather3A_468 : vector<16xf32>
      %add3A_470 = arith.addi %mul3A_462, %and3A_7 : vector<16xi32>
      %gather3A_471 = tpu.vector_load_idx %arg29[%add3A_470] : memref<128xf32, #tpu.memory_space<vmem>>[vector<16xi32>], vector<16xf32>,
      %add3A_472 = arith.addf %add3A_469, %gather3A_471 : vector<16xf32>
      %add3A_473 = arith.addi %mul3A_465, %and3A_7 : vector<16xi32>
      tpu.vector_store_idx %arg26[%add3A_473], %add3A_472 : memref<12288xf32, #tpu.memory_space<vmem>>[vector<16xi32>], vector<16xf32>,
      %add3A_474 = arith.addi %mul3A_447, %and3A_13 : vector<16xi32>
      %gather3A_475 = tpu.vector_load_idx %arg27[%add3A_474] : memref<384xf32, #tpu.memory_space<vmem>>[vector<16xi32>], vector<16xf32>,
      %add3A_476 = arith.addi %mul3A_456, %and3A_13 : vector<16xi32>
      %gather3A_477 = tpu.vector_load_idx %arg28[%add3A_476] : memref<64xf32, #tpu.memory_space<vmem>>[vector<16xi32>], vector<16xf32>,
      %add3A_478 = arith.addf %gather3A_475, %gather3A_477 : vector<16xf32>
      %add3A_479 = arith.addi %mul3A_462, %and3A_13 : vector<16xi32>
      %gather3A_480 = tpu.vector_load_idx %arg29[%add3A_479] : memref<128xf32, #tpu.memory_space<vmem>>[vector<16xi32>], vector<16xf32>,
      %add3A_481 = arith.addf %add3A_478, %gather3A_480 : vector<16xf32>
      %add3A_482 = arith.addi %mul3A_465, %and3A_13 : vector<16xi32>
      tpu.vector_store_idx %arg26[%add3A_482], %add3A_481 : memref<12288xf32, #tpu.memory_space<vmem>>[vector<16xi32>], vector<16xf32>,
      %add3A_483 = arith.addi %mul3A_447, %and3A_19 : vector<16xi32>
      %gather3A_484 = tpu.vector_load_idx %arg27[%add3A_483] : memref<384xf32, #tpu.memory_space<vmem>>[vector<16xi32>], vector<16xf32>,
      %add3A_485 = arith.addi %mul3A_456, %and3A_19 : vector<16xi32>
      %gather3A_486 = tpu.vector_load_idx %arg28[%add3A_485] : memref<64xf32, #tpu.memory_space<vmem>>[vector<16xi32>], vector<16xf32>,
      %add3A_487 = arith.addf %gather3A_484, %gather3A_486 : vector<16xf32>
      %add3A_488 = arith.addi %mul3A_462, %and3A_19 : vector<16xi32>
      %gather3A_489 = tpu.vector_load_idx %arg29[%add3A_488] : memref<128xf32, #tpu.memory_space<vmem>>[vector<16xi32>], vector<16xf32>,
      %add3A_490 = arith.addf %add3A_487, %gather3A_489 : vector<16xf32>
      %add3A_491 = arith.addi %mul3A_465, %and3A_19 : vector<16xi32>
      tpu.vector_store_idx %arg26[%add3A_491], %add3A_490 : memref<12288xf32, #tpu.memory_space<vmem>>[vector<16xi32>], vector<16xf32>,
      %add3A_492 = arith.addi %mul3A_447, %and3A_25 : vector<16xi32>
      %gather3A_493 = tpu.vector_load_idx %arg27[%add3A_492] : memref<384xf32, #tpu.memory_space<vmem>>[vector<16xi32>], vector<16xf32>,
      %add3A_494 = arith.addi %mul3A_456, %and3A_25 : vector<16xi32>
      %gather3A_495 = tpu.vector_load_idx %arg28[%add3A_494] : memref<64xf32, #tpu.memory_space<vmem>>[vector<16xi32>], vector<16xf32>,
      %add3A_496 = arith.addf %gather3A_493, %gather3A_495 : vector<16xf32>
      %add3A_497 = arith.addi %mul3A_462, %and3A_25 : vector<16xi32>
      %gather3A_498 = tpu.vector_load_idx %arg29[%add3A_497] : memref<128xf32, #tpu.memory_space<vmem>>[vector<16xi32>], vector<16xf32>,
      %add3A_499 = arith.addf %add3A_496, %gather3A_498 : vector<16xf32>
      %add3A_500 = arith.addi %mul3A_465, %and3A_25 : vector<16xi32>
      tpu.vector_store_idx %arg26[%add3A_500], %add3A_499 : memref<12288xf32, #tpu.memory_space<vmem>>[vector<16xi32>], vector<16xf32>,
      %add3A_501 = arith.addi %mul3A_447, %and3A_31 : vector<16xi32>
      %gather3A_502 = tpu.vector_load_idx %arg27[%add3A_501] : memref<384xf32, #tpu.memory_space<vmem>>[vector<16xi32>], vector<16xf32>,
      %add3A_503 = arith.addi %mul3A_456, %and3A_31 : vector<16xi32>
      %gather3A_504 = tpu.vector_load_idx %arg28[%add3A_503] : memref<64xf32, #tpu.memory_space<vmem>>[vector<16xi32>], vector<16xf32>,
      %add3A_505 = arith.addf %gather3A_502, %gather3A_504 : vector<16xf32>
      %add3A_506 = arith.addi %mul3A_462, %and3A_31 : vector<16xi32>
      %gather3A_507 = tpu.vector_load_idx %arg29[%add3A_506] : memref<128xf32, #tpu.memory_space<vmem>>[vector<16xi32>], vector<16xf32>,
      %add3A_508 = arith.addf %add3A_505, %gather3A_507 : vector<16xf32>
      %add3A_509 = arith.addi %mul3A_465, %and3A_31 : vector<16xi32>
      tpu.vector_store_idx %arg26[%add3A_509], %add3A_508 : memref<12288xf32, #tpu.memory_space<vmem>>[vector<16xi32>], vector<16xf32>,
      %add3A_510 = arith.addi %mul3A_447, %and3A_37 : vector<16xi32>
      %gather3A_511 = tpu.vector_load_idx %arg27[%add3A_510] : memref<384xf32, #tpu.memory_space<vmem>>[vector<16xi32>], vector<16xf32>,
      %add3A_512 = arith.addi %mul3A_456, %and3A_37 : vector<16xi32>
      %gather3A_513 = tpu.vector_load_idx %arg28[%add3A_512] : memref<64xf32, #tpu.memory_space<vmem>>[vector<16xi32>], vector<16xf32>,
      %add3A_514 = arith.addf %gather3A_511, %gather3A_513 : vector<16xf32>
      %add3A_515 = arith.addi %mul3A_462, %and3A_37 : vector<16xi32>
      %gather3A_516 = tpu.vector_load_idx %arg29[%add3A_515] : memref<128xf32, #tpu.memory_space<vmem>>[vector<16xi32>], vector<16xf32>,
      %add3A_517 = arith.addf %add3A_514, %gather3A_516 : vector<16xf32>
      %add3A_518 = arith.addi %mul3A_465, %and3A_37 : vector<16xi32>
      tpu.vector_store_idx %arg26[%add3A_518], %add3A_517 : memref<12288xf32, #tpu.memory_space<vmem>>[vector<16xi32>], vector<16xf32>,
      %add3A_519 = arith.addi %mul3A_447, %and3A_43 : vector<16xi32>
      %gather3A_520 = tpu.vector_load_idx %arg27[%add3A_519] : memref<384xf32, #tpu.memory_space<vmem>>[vector<16xi32>], vector<16xf32>,
      %add3A_521 = arith.addi %mul3A_456, %and3A_43 : vector<16xi32>
      %gather3A_522 = tpu.vector_load_idx %arg28[%add3A_521] : memref<64xf32, #tpu.memory_space<vmem>>[vector<16xi32>], vector<16xf32>,
      %add3A_523 = arith.addf %gather3A_520, %gather3A_522 : vector<16xf32>
      %add3A_524 = arith.addi %mul3A_462, %and3A_43 : vector<16xi32>
      %gather3A_525 = tpu.vector_load_idx %arg29[%add3A_524] : memref<128xf32, #tpu.memory_space<vmem>>[vector<16xi32>], vector<16xf32>,
      %add3A_526 = arith.addf %add3A_523, %gather3A_525 : vector<16xf32>
      %add3A_527 = arith.addi %mul3A_465, %and3A_43 : vector<16xi32>
      tpu.vector_store_idx %arg26[%add3A_527], %add3A_526 : memref<12288xf32, #tpu.memory_space<vmem>>[vector<16xi32>], vector<16xf32>,
      %add3A_528 = arith.addi %mul3A_447, %and3A_49 : vector<16xi32>
      %gather3A_529 = tpu.vector_load_idx %arg27[%add3A_528] : memref<384xf32, #tpu.memory_space<vmem>>[vector<16xi32>], vector<16xf32>,
      %add3A_530 = arith.addi %mul3A_456, %and3A_49 : vector<16xi32>
      %gather3A_531 = tpu.vector_load_idx %arg28[%add3A_530] : memref<64xf32, #tpu.memory_space<vmem>>[vector<16xi32>], vector<16xf32>,
      %add3A_532 = arith.addf %gather3A_529, %gather3A_531 : vector<16xf32>
      %add3A_533 = arith.addi %mul3A_462, %and3A_49 : vector<16xi32>
      %gather3A_534 = tpu.vector_load_idx %arg29[%add3A_533] : memref<128xf32, #tpu.memory_space<vmem>>[vector<16xi32>], vector<16xf32>,
      %add3A_535 = arith.addf %add3A_532, %gather3A_534 : vector<16xf32>
      %add3A_536 = arith.addi %mul3A_465, %and3A_49 : vector<16xi32>
      tpu.vector_store_idx %arg26[%add3A_536], %add3A_535 : memref<12288xf32, #tpu.memory_space<vmem>>[vector<16xi32>], vector<16xf32>,
      %add3A_537 = arith.addi %mul3A_447, %and3A_55 : vector<16xi32>
      %gather3A_538 = tpu.vector_load_idx %arg27[%add3A_537] : memref<384xf32, #tpu.memory_space<vmem>>[vector<16xi32>], vector<16xf32>,
      %add3A_539 = arith.addi %mul3A_456, %and3A_55 : vector<16xi32>
      %gather3A_540 = tpu.vector_load_idx %arg28[%add3A_539] : memref<64xf32, #tpu.memory_space<vmem>>[vector<16xi32>], vector<16xf32>,
      %add3A_541 = arith.addf %gather3A_538, %gather3A_540 : vector<16xf32>
      %add3A_542 = arith.addi %mul3A_462, %and3A_55 : vector<16xi32>
      %gather3A_543 = tpu.vector_load_idx %arg29[%add3A_542] : memref<128xf32, #tpu.memory_space<vmem>>[vector<16xi32>], vector<16xf32>,
      %add3A_544 = arith.addf %add3A_541, %gather3A_543 : vector<16xf32>
      %add3A_545 = arith.addi %mul3A_465, %and3A_55 : vector<16xi32>
      tpu.vector_store_idx %arg26[%add3A_545], %add3A_544 : memref<12288xf32, #tpu.memory_space<vmem>>[vector<16xi32>], vector<16xf32>,
      %add3A_546 = arith.addi %mul3A_447, %and3A_61 : vector<16xi32>
      %gather3A_547 = tpu.vector_load_idx %arg27[%add3A_546] : memref<384xf32, #tpu.memory_space<vmem>>[vector<16xi32>], vector<16xf32>,
      %add3A_548 = arith.addi %mul3A_456, %and3A_61 : vector<16xi32>
      %gather3A_549 = tpu.vector_load_idx %arg28[%add3A_548] : memref<64xf32, #tpu.memory_space<vmem>>[vector<16xi32>], vector<16xf32>,
      %add3A_550 = arith.addf %gather3A_547, %gather3A_549 : vector<16xf32>
      %add3A_551 = arith.addi %mul3A_462, %and3A_61 : vector<16xi32>
      %gather3A_552 = tpu.vector_load_idx %arg29[%add3A_551] : memref<128xf32, #tpu.memory_space<vmem>>[vector<16xi32>], vector<16xf32>,
      %add3A_553 = arith.addf %add3A_550, %gather3A_552 : vector<16xf32>
      %add3A_554 = arith.addi %mul3A_465, %and3A_61 : vector<16xi32>
      tpu.vector_store_idx %arg26[%add3A_554], %add3A_553 : memref<12288xf32, #tpu.memory_space<vmem>>[vector<16xi32>], vector<16xf32>,
      %add3A_555 = arith.addi %mul3A_447, %and3A_67 : vector<16xi32>
      %gather3A_556 = tpu.vector_load_idx %arg27[%add3A_555] : memref<384xf32, #tpu.memory_space<vmem>>[vector<16xi32>], vector<16xf32>,
      %add3A_557 = arith.addi %mul3A_456, %and3A_67 : vector<16xi32>
      %gather3A_558 = tpu.vector_load_idx %arg28[%add3A_557] : memref<64xf32, #tpu.memory_space<vmem>>[vector<16xi32>], vector<16xf32>,
      %add3A_559 = arith.addf %gather3A_556, %gather3A_558 : vector<16xf32>
      %add3A_560 = arith.addi %mul3A_462, %and3A_67 : vector<16xi32>
      %gather3A_561 = tpu.vector_load_idx %arg29[%add3A_560] : memref<128xf32, #tpu.memory_space<vmem>>[vector<16xi32>], vector<16xf32>,
      %add3A_562 = arith.addf %add3A_559, %gather3A_561 : vector<16xf32>
      %add3A_563 = arith.addi %mul3A_465, %and3A_67 : vector<16xi32>
      tpu.vector_store_idx %arg26[%add3A_563], %add3A_562 : memref<12288xf32, #tpu.memory_space<vmem>>[vector<16xi32>], vector<16xf32>,
      %add3A_564 = arith.addi %mul3A_447, %and3A_73 : vector<16xi32>
      %gather3A_565 = tpu.vector_load_idx %arg27[%add3A_564] : memref<384xf32, #tpu.memory_space<vmem>>[vector<16xi32>], vector<16xf32>,
      %add3A_566 = arith.addi %mul3A_456, %and3A_73 : vector<16xi32>
      %gather3A_567 = tpu.vector_load_idx %arg28[%add3A_566] : memref<64xf32, #tpu.memory_space<vmem>>[vector<16xi32>], vector<16xf32>,
      %add3A_568 = arith.addf %gather3A_565, %gather3A_567 : vector<16xf32>
      %add3A_569 = arith.addi %mul3A_462, %and3A_73 : vector<16xi32>
      %gather3A_570 = tpu.vector_load_idx %arg29[%add3A_569] : memref<128xf32, #tpu.memory_space<vmem>>[vector<16xi32>], vector<16xf32>,
      %add3A_571 = arith.addf %add3A_568, %gather3A_570 : vector<16xf32>
      %add3A_572 = arith.addi %mul3A_465, %and3A_73 : vector<16xi32>
      tpu.vector_store_idx %arg26[%add3A_572], %add3A_571 : memref<12288xf32, #tpu.memory_space<vmem>>[vector<16xi32>], vector<16xf32>,
      %add3A_573 = arith.addi %mul3A_447, %and3A_79 : vector<16xi32>
      %gather3A_574 = tpu.vector_load_idx %arg27[%add3A_573] : memref<384xf32, #tpu.memory_space<vmem>>[vector<16xi32>], vector<16xf32>,
      %add3A_575 = arith.addi %mul3A_456, %and3A_79 : vector<16xi32>
      %gather3A_576 = tpu.vector_load_idx %arg28[%add3A_575] : memref<64xf32, #tpu.memory_space<vmem>>[vector<16xi32>], vector<16xf32>,
      %add3A_577 = arith.addf %gather3A_574, %gather3A_576 : vector<16xf32>
      %add3A_578 = arith.addi %mul3A_462, %and3A_79 : vector<16xi32>
      %gather3A_579 = tpu.vector_load_idx %arg29[%add3A_578] : memref<128xf32, #tpu.memory_space<vmem>>[vector<16xi32>], vector<16xf32>,
      %add3A_580 = arith.addf %add3A_577, %gather3A_579 : vector<16xf32>
      %add3A_581 = arith.addi %mul3A_465, %and3A_79 : vector<16xi32>
      tpu.vector_store_idx %arg26[%add3A_581], %add3A_580 : memref<12288xf32, #tpu.memory_space<vmem>>[vector<16xi32>], vector<16xf32>,
      %add3A_582 = arith.addi %mul3A_447, %and3A_85 : vector<16xi32>
      %gather3A_583 = tpu.vector_load_idx %arg27[%add3A_582] : memref<384xf32, #tpu.memory_space<vmem>>[vector<16xi32>], vector<16xf32>,
      %add3A_584 = arith.addi %mul3A_456, %and3A_85 : vector<16xi32>
      %gather3A_585 = tpu.vector_load_idx %arg28[%add3A_584] : memref<64xf32, #tpu.memory_space<vmem>>[vector<16xi32>], vector<16xf32>,
      %add3A_586 = arith.addf %gather3A_583, %gather3A_585 : vector<16xf32>
      %add3A_587 = arith.addi %mul3A_462, %and3A_85 : vector<16xi32>
      %gather3A_588 = tpu.vector_load_idx %arg29[%add3A_587] : memref<128xf32, #tpu.memory_space<vmem>>[vector<16xi32>], vector<16xf32>,
      %add3A_589 = arith.addf %add3A_586, %gather3A_588 : vector<16xf32>
      %add3A_590 = arith.addi %mul3A_465, %and3A_85 : vector<16xi32>
      tpu.vector_store_idx %arg26[%add3A_590], %add3A_589 : memref<12288xf32, #tpu.memory_space<vmem>>[vector<16xi32>], vector<16xf32>,
      %add3A_591 = arith.addi %mul3A_447, %and3A_91 : vector<16xi32>
      %gather3A_592 = tpu.vector_load_idx %arg27[%add3A_591] : memref<384xf32, #tpu.memory_space<vmem>>[vector<16xi32>], vector<16xf32>,
      %add3A_593 = arith.addi %mul3A_456, %and3A_91 : vector<16xi32>
      %gather3A_594 = tpu.vector_load_idx %arg28[%add3A_593] : memref<64xf32, #tpu.memory_space<vmem>>[vector<16xi32>], vector<16xf32>,
      %add3A_595 = arith.addf %gather3A_592, %gather3A_594 : vector<16xf32>
      %add3A_596 = arith.addi %mul3A_462, %and3A_91 : vector<16xi32>
      %gather3A_597 = tpu.vector_load_idx %arg29[%add3A_596] : memref<128xf32, #tpu.memory_space<vmem>>[vector<16xi32>], vector<16xf32>,
      %add3A_598 = arith.addf %add3A_595, %gather3A_597 : vector<16xf32>
      %add3A_599 = arith.addi %mul3A_465, %and3A_91 : vector<16xi32>
      tpu.vector_store_idx %arg26[%add3A_599], %add3A_598 : memref<12288xf32, #tpu.memory_space<vmem>>[vector<16xi32>], vector<16xf32>,
      %add3A_600 = arith.addi %mul3A_447, %and3A_97 : vector<16xi32>
      %gather3A_601 = tpu.vector_load_idx %arg27[%add3A_600] : memref<384xf32, #tpu.memory_space<vmem>>[vector<16xi32>], vector<16xf32>,
      %add3A_602 = arith.addi %mul3A_456, %and3A_97 : vector<16xi32>
      %gather3A_603 = tpu.vector_load_idx %arg28[%add3A_602] : memref<64xf32, #tpu.memory_space<vmem>>[vector<16xi32>], vector<16xf32>,
      %add3A_604 = arith.addf %gather3A_601, %gather3A_603 : vector<16xf32>
      %add3A_605 = arith.addi %mul3A_462, %and3A_97 : vector<16xi32>
      %gather3A_606 = tpu.vector_load_idx %arg29[%add3A_605] : memref<128xf32, #tpu.memory_space<vmem>>[vector<16xi32>], vector<16xf32>,
      %add3A_607 = arith.addf %add3A_604, %gather3A_606 : vector<16xf32>
      %add3A_608 = arith.addi %mul3A_465, %and3A_97 : vector<16xi32>
      tpu.vector_store_idx %arg26[%add3A_608], %add3A_607 : memref<12288xf32, #tpu.memory_space<vmem>>[vector<16xi32>], vector<16xf32>,
      %scan3A_609 = arith.constant 0 : i32
      scf.yield %scan3A_609 : i32
    }
    %scan3A_103 = arith.constant 48 : i32
    %add3A_104 = arith.constant 0 : i32
    %add3A_105 = arith.addi %mul3A_2, %add3A_104 : i32
    %dma_start3A = tpu.memref_slice %arg2[%add3A_105] : memref<3276800xi32, #tpu.memory_space<hbm>> -> memref<1024xi32, #tpu.memory_space<hbm>>
    %dma_start3A_106 = tpu.memref_slice %arg2[%add3A_105] : memref<3276800xi32, #tpu.memory_space<hbm>> -> memref<1024xi32, #tpu.memory_space<hbm>>
    tpu.enqueue_dma source(%dma_start3A_106 : memref<1024xi32, #tpu.memory_space<hbm>>) target(%arg10 : memref<1024xi32, #tpu.memory_space<vmem>>) target_semaphore(%arg30 : memref<!tpu.dma_semaphore, #tpu.memory_space<semaphore_mem>>)
    %dma_start3A_107 = tpu.memref_slice %arg3[%add3A_105] : memref<3276800xi32, #tpu.memory_space<hbm>> -> memref<1024xi32, #tpu.memory_space<hbm>>
    %dma_start3A_108 = tpu.memref_slice %arg3[%add3A_105] : memref<3276800xi32, #tpu.memory_space<hbm>> -> memref<1024xi32, #tpu.memory_space<hbm>>
    tpu.enqueue_dma source(%dma_start3A_108 : memref<1024xi32, #tpu.memory_space<hbm>>) target(%arg14 : memref<1024xi32, #tpu.memory_space<vmem>>) target_semaphore(%arg30 : memref<!tpu.dma_semaphore, #tpu.memory_space<semaphore_mem>>)
    %dma_start3A_109 = tpu.memref_slice %arg4[%add3A_105] : memref<3276800xi32, #tpu.memory_space<hbm>> -> memref<1024xi32, #tpu.memory_space<hbm>>
    %dma_start3A_110 = tpu.memref_slice %arg4[%add3A_105] : memref<3276800xi32, #tpu.memory_space<hbm>> -> memref<1024xi32, #tpu.memory_space<hbm>>
    tpu.enqueue_dma source(%dma_start3A_110 : memref<1024xi32, #tpu.memory_space<hbm>>) target(%arg18 : memref<1024xi32, #tpu.memory_space<vmem>>) target_semaphore(%arg30 : memref<!tpu.dma_semaphore, #tpu.memory_space<semaphore_mem>>)
    %add3A_111 = arith.constant 1024 : i32
    %add3A_112 = arith.addi %mul3A_2, %add3A_111 : i32
    %dma_start3A_113 = tpu.memref_slice %arg2[%add3A_112] : memref<3276800xi32, #tpu.memory_space<hbm>> -> memref<1024xi32, #tpu.memory_space<hbm>>
    %dma_start3A_114 = tpu.memref_slice %arg2[%add3A_112] : memref<3276800xi32, #tpu.memory_space<hbm>> -> memref<1024xi32, #tpu.memory_space<hbm>>
    tpu.enqueue_dma source(%dma_start3A_114 : memref<1024xi32, #tpu.memory_space<hbm>>) target(%arg11 : memref<1024xi32, #tpu.memory_space<vmem>>) target_semaphore(%arg31 : memref<!tpu.dma_semaphore, #tpu.memory_space<semaphore_mem>>)
    %dma_start3A_115 = tpu.memref_slice %arg3[%add3A_112] : memref<3276800xi32, #tpu.memory_space<hbm>> -> memref<1024xi32, #tpu.memory_space<hbm>>
    %dma_start3A_116 = tpu.memref_slice %arg3[%add3A_112] : memref<3276800xi32, #tpu.memory_space<hbm>> -> memref<1024xi32, #tpu.memory_space<hbm>>
    tpu.enqueue_dma source(%dma_start3A_116 : memref<1024xi32, #tpu.memory_space<hbm>>) target(%arg15 : memref<1024xi32, #tpu.memory_space<vmem>>) target_semaphore(%arg31 : memref<!tpu.dma_semaphore, #tpu.memory_space<semaphore_mem>>)
    %dma_start3A_117 = tpu.memref_slice %arg4[%add3A_112] : memref<3276800xi32, #tpu.memory_space<hbm>> -> memref<1024xi32, #tpu.memory_space<hbm>>
    %dma_start3A_118 = tpu.memref_slice %arg4[%add3A_112] : memref<3276800xi32, #tpu.memory_space<hbm>> -> memref<1024xi32, #tpu.memory_space<hbm>>
    tpu.enqueue_dma source(%dma_start3A_118 : memref<1024xi32, #tpu.memory_space<hbm>>) target(%arg19 : memref<1024xi32, #tpu.memory_space<vmem>>) target_semaphore(%arg31 : memref<!tpu.dma_semaphore, #tpu.memory_space<semaphore_mem>>)
    %add3A_119 = arith.constant 0 : i32
    %add3A_120 = arith.addi %mul3A_2, %add3A_119 : i32
    %dma_wait3A = tpu.memref_slice %arg2[%add3A_120] : memref<3276800xi32, #tpu.memory_space<hbm>> -> memref<1024xi32, #tpu.memory_space<hbm>>
    %dma_wait3A_121 = tpu.memref_slice %arg2[%add3A_120] : memref<3276800xi32, #tpu.memory_space<hbm>> -> memref<1024xi32, #tpu.memory_space<hbm>>
    tpu.wait_dma2 semaphore(%arg30 : memref<!tpu.dma_semaphore, #tpu.memory_space<semaphore_mem>>) src(%dma_wait3A_121 : memref<1024xi32, #tpu.memory_space<hbm>>) dst(%arg10 : memref<1024xi32, #tpu.memory_space<vmem>>)
    %dma_wait3A_122 = tpu.memref_slice %arg3[%add3A_120] : memref<3276800xi32, #tpu.memory_space<hbm>> -> memref<1024xi32, #tpu.memory_space<hbm>>
    %dma_wait3A_123 = tpu.memref_slice %arg3[%add3A_120] : memref<3276800xi32, #tpu.memory_space<hbm>> -> memref<1024xi32, #tpu.memory_space<hbm>>
    tpu.wait_dma2 semaphore(%arg30 : memref<!tpu.dma_semaphore, #tpu.memory_space<semaphore_mem>>) src(%dma_wait3A_123 : memref<1024xi32, #tpu.memory_space<hbm>>) dst(%arg14 : memref<1024xi32, #tpu.memory_space<vmem>>)
    %dma_wait3A_124 = tpu.memref_slice %arg4[%add3A_120] : memref<3276800xi32, #tpu.memory_space<hbm>> -> memref<1024xi32, #tpu.memory_space<hbm>>
    %dma_wait3A_125 = tpu.memref_slice %arg4[%add3A_120] : memref<3276800xi32, #tpu.memory_space<hbm>> -> memref<1024xi32, #tpu.memory_space<hbm>>
    tpu.wait_dma2 semaphore(%arg30 : memref<!tpu.dma_semaphore, #tpu.memory_space<semaphore_mem>>) src(%dma_wait3A_125 : memref<1024xi32, #tpu.memory_space<hbm>>) dst(%arg18 : memref<1024xi32, #tpu.memory_space<vmem>>)
    %dma_start3A_126 = arith.constant 0 : i32
    %dma_start3A_127 = arith.constant 0 : i32
    %dma_start3A_128 = tpu.memref_slice %arg8[%dma_start3A_126, %dma_start3A_127] : memref<1000000x16xf32, #tpu.memory_space<hbm>> -> memref<1000000x16xf32, #tpu.memory_space<hbm>>
    tpu.enqueue_indirect_dma source(%dma_start3A_128 : memref<1000000x16xf32, #tpu.memory_space<hbm>>) target(%arg22 : memref<1024x16xf32, #tpu.memory_space<vmem>>) offsets(%arg10 : memref<1024xi32, #tpu.memory_space<vmem>>) semaphore(%arg34 : memref<!tpu.dma_semaphore, #tpu.memory_space<semaphore_mem>>)
    %add3A_129 = arith.constant 2048 : i32
    %add3A_130 = arith.addi %mul3A_2, %add3A_129 : i32
    %dma_start3A_131 = tpu.memref_slice %arg2[%add3A_130] : memref<3276800xi32, #tpu.memory_space<hbm>> -> memref<1024xi32, #tpu.memory_space<hbm>>
    %dma_start3A_132 = tpu.memref_slice %arg2[%add3A_130] : memref<3276800xi32, #tpu.memory_space<hbm>> -> memref<1024xi32, #tpu.memory_space<hbm>>
    tpu.enqueue_dma source(%dma_start3A_132 : memref<1024xi32, #tpu.memory_space<hbm>>) target(%arg12 : memref<1024xi32, #tpu.memory_space<vmem>>) target_semaphore(%arg32 : memref<!tpu.dma_semaphore, #tpu.memory_space<semaphore_mem>>)
    %dma_start3A_133 = tpu.memref_slice %arg3[%add3A_130] : memref<3276800xi32, #tpu.memory_space<hbm>> -> memref<1024xi32, #tpu.memory_space<hbm>>
    %dma_start3A_134 = tpu.memref_slice %arg3[%add3A_130] : memref<3276800xi32, #tpu.memory_space<hbm>> -> memref<1024xi32, #tpu.memory_space<hbm>>
    tpu.enqueue_dma source(%dma_start3A_134 : memref<1024xi32, #tpu.memory_space<hbm>>) target(%arg16 : memref<1024xi32, #tpu.memory_space<vmem>>) target_semaphore(%arg32 : memref<!tpu.dma_semaphore, #tpu.memory_space<semaphore_mem>>)
    %dma_start3A_135 = tpu.memref_slice %arg4[%add3A_130] : memref<3276800xi32, #tpu.memory_space<hbm>> -> memref<1024xi32, #tpu.memory_space<hbm>>
    %dma_start3A_136 = tpu.memref_slice %arg4[%add3A_130] : memref<3276800xi32, #tpu.memory_space<hbm>> -> memref<1024xi32, #tpu.memory_space<hbm>>
    tpu.enqueue_dma source(%dma_start3A_136 : memref<1024xi32, #tpu.memory_space<hbm>>) target(%arg20 : memref<1024xi32, #tpu.memory_space<vmem>>) target_semaphore(%arg32 : memref<!tpu.dma_semaphore, #tpu.memory_space<semaphore_mem>>)
    %add3A_137 = arith.constant 1024 : i32
    %add3A_138 = arith.addi %mul3A_2, %add3A_137 : i32
    %dma_wait3A_139 = tpu.memref_slice %arg2[%add3A_138] : memref<3276800xi32, #tpu.memory_space<hbm>> -> memref<1024xi32, #tpu.memory_space<hbm>>
    %dma_wait3A_140 = tpu.memref_slice %arg2[%add3A_138] : memref<3276800xi32, #tpu.memory_space<hbm>> -> memref<1024xi32, #tpu.memory_space<hbm>>
    tpu.wait_dma2 semaphore(%arg31 : memref<!tpu.dma_semaphore, #tpu.memory_space<semaphore_mem>>) src(%dma_wait3A_140 : memref<1024xi32, #tpu.memory_space<hbm>>) dst(%arg11 : memref<1024xi32, #tpu.memory_space<vmem>>)
    %dma_wait3A_141 = tpu.memref_slice %arg3[%add3A_138] : memref<3276800xi32, #tpu.memory_space<hbm>> -> memref<1024xi32, #tpu.memory_space<hbm>>
    %dma_wait3A_142 = tpu.memref_slice %arg3[%add3A_138] : memref<3276800xi32, #tpu.memory_space<hbm>> -> memref<1024xi32, #tpu.memory_space<hbm>>
    tpu.wait_dma2 semaphore(%arg31 : memref<!tpu.dma_semaphore, #tpu.memory_space<semaphore_mem>>) src(%dma_wait3A_142 : memref<1024xi32, #tpu.memory_space<hbm>>) dst(%arg15 : memref<1024xi32, #tpu.memory_space<vmem>>)
    %dma_wait3A_143 = tpu.memref_slice %arg4[%add3A_138] : memref<3276800xi32, #tpu.memory_space<hbm>> -> memref<1024xi32, #tpu.memory_space<hbm>>
    %dma_wait3A_144 = tpu.memref_slice %arg4[%add3A_138] : memref<3276800xi32, #tpu.memory_space<hbm>> -> memref<1024xi32, #tpu.memory_space<hbm>>
    tpu.wait_dma2 semaphore(%arg31 : memref<!tpu.dma_semaphore, #tpu.memory_space<semaphore_mem>>) src(%dma_wait3A_144 : memref<1024xi32, #tpu.memory_space<hbm>>) dst(%arg19 : memref<1024xi32, #tpu.memory_space<vmem>>)
    %dma_start3A_145 = arith.constant 0 : i32
    %dma_start3A_146 = arith.constant 0 : i32
    %dma_start3A_147 = tpu.memref_slice %arg8[%dma_start3A_145, %dma_start3A_146] : memref<1000000x16xf32, #tpu.memory_space<hbm>> -> memref<1000000x16xf32, #tpu.memory_space<hbm>>
    tpu.enqueue_indirect_dma source(%dma_start3A_147 : memref<1000000x16xf32, #tpu.memory_space<hbm>>) target(%arg23 : memref<1024x16xf32, #tpu.memory_space<vmem>>) offsets(%arg11 : memref<1024xi32, #tpu.memory_space<vmem>>) semaphore(%arg35 : memref<!tpu.dma_semaphore, #tpu.memory_space<semaphore_mem>>)
    %add3A_148 = arith.constant 0 : i32
    %add3A_149 = arith.addi %mul3A_2, %add3A_148 : i32
    %dma_wait3A_150 = arith.constant 0 : i32
    %dma_wait3A_151 = arith.constant 0 : i32
    %dma_wait3A_152 = tpu.memref_slice %arg8[%dma_wait3A_150, %dma_wait3A_151] : memref<1000000x16xf32, #tpu.memory_space<hbm>> -> memref<1000000x16xf32, #tpu.memory_space<hbm>>
    tpu.wait_indirect_dma semaphore(%arg34 : memref<!tpu.dma_semaphore, #tpu.memory_space<semaphore_mem>>) src(%dma_wait3A_152 : memref<1000000x16xf32, #tpu.memory_space<hbm>>) dst(%arg22 : memref<1024x16xf32, #tpu.memory_space<vmem>>)
    %scan3A_153 = arith.constant 0 : i32
    %scan3A_154 = arith.constant 0 : i32
    %scan3A_155 = arith.constant 64 : i32
    %scan3A_156 = arith.addi %scan3A_154, %scan3A_155 : i32
    %scan3A_157 = arith.constant 1 : i32
    %scan3A_158 = scf.for %scan3A_437 = %scan3A_154 to %scan3A_156 step %scan3A_157 iter_args(%scan3A_438 = %scan3A_153) -> (i32)  : i32 {
      %mul3A_439 = arith.constant 16 : i32
      %mul3A_440 = arith.muli %scan3A_437, %mul3A_439 : i32
      %get3A = arith.index_cast %mul3A_440 : i32 to index
      %get3A_441 = tpu.vector_load %arg14[%get3A] {strides = array<i32>} : memref<1024xi32, #tpu.memory_space<vmem>>, vector<16xi32>,
      %mul3A_442 = arith.constant 8 : i32
      %mul3A_443 = vector.broadcast %mul3A_442 : i32 to vector<16xi32>
      %mul3A_444 = arith.muli %get3A_441, %mul3A_443 : vector<16xi32>
      %mul3A_445 = arith.constant 16 : i32
      %mul3A_446 = arith.muli %scan3A_437, %mul3A_445 : i32
      %get3A_447 = arith.index_cast %mul3A_446 : i32 to index
      %get3A_448 = tpu.vector_load %arg18[%get3A_447] {strides = array<i32>} : memref<1024xi32, #tpu.memory_space<vmem>>, vector<16xi32>,
      %add3A_449 = arith.addi %mul3A_444, %get3A_448 : vector<16xi32>
      %mul3A_450 = arith.constant 16 : i32
      %mul3A_451 = vector.broadcast %mul3A_450 : i32 to vector<16xi32>
      %mul3A_452 = arith.muli %add3A_449, %mul3A_451 : vector<16xi32>
      %mul3A_453 = arith.constant 16 : i32
      %mul3A_454 = arith.muli %scan3A_437, %mul3A_453 : i32
      %add3A_455 = vector.broadcast %mul3A_454 : i32 to vector<16xi32>
      %add3A_456 = arith.addi %iota3A, %add3A_455 : vector<16xi32>
      %add3A_457 = arith.addi %mul3A_452, %and3A_7 : vector<16xi32>
      %gather3A = tpu.vector_load_idx %arg26[%add3A_457] : memref<12288xf32, #tpu.memory_space<vmem>>[vector<16xi32>], vector<16xf32>,
      %add3A_458 = arith.addi %mul3A_452, %and3A_13 : vector<16xi32>
      %gather3A_459 = tpu.vector_load_idx %arg26[%add3A_458] : memref<12288xf32, #tpu.memory_space<vmem>>[vector<16xi32>], vector<16xf32>,
      %add3A_460 = arith.addi %mul3A_452, %and3A_19 : vector<16xi32>
      %gather3A_461 = tpu.vector_load_idx %arg26[%add3A_460] : memref<12288xf32, #tpu.memory_space<vmem>>[vector<16xi32>], vector<16xf32>,
      %add3A_462 = arith.addi %mul3A_452, %and3A_25 : vector<16xi32>
      %gather3A_463 = tpu.vector_load_idx %arg26[%add3A_462] : memref<12288xf32, #tpu.memory_space<vmem>>[vector<16xi32>], vector<16xf32>,
      %add3A_464 = arith.addi %mul3A_452, %and3A_31 : vector<16xi32>
      %gather3A_465 = tpu.vector_load_idx %arg26[%add3A_464] : memref<12288xf32, #tpu.memory_space<vmem>>[vector<16xi32>], vector<16xf32>,
      %add3A_466 = arith.addi %mul3A_452, %and3A_37 : vector<16xi32>
      %gather3A_467 = tpu.vector_load_idx %arg26[%add3A_466] : memref<12288xf32, #tpu.memory_space<vmem>>[vector<16xi32>], vector<16xf32>,
      %add3A_468 = arith.addi %mul3A_452, %and3A_43 : vector<16xi32>
      %gather3A_469 = tpu.vector_load_idx %arg26[%add3A_468] : memref<12288xf32, #tpu.memory_space<vmem>>[vector<16xi32>], vector<16xf32>,
      %add3A_470 = arith.addi %mul3A_452, %and3A_49 : vector<16xi32>
      %gather3A_471 = tpu.vector_load_idx %arg26[%add3A_470] : memref<12288xf32, #tpu.memory_space<vmem>>[vector<16xi32>], vector<16xf32>,
      %add3A_472 = arith.addi %mul3A_452, %and3A_55 : vector<16xi32>
      %gather3A_473 = tpu.vector_load_idx %arg26[%add3A_472] : memref<12288xf32, #tpu.memory_space<vmem>>[vector<16xi32>], vector<16xf32>,
      %add3A_474 = arith.addi %mul3A_452, %and3A_61 : vector<16xi32>
      %gather3A_475 = tpu.vector_load_idx %arg26[%add3A_474] : memref<12288xf32, #tpu.memory_space<vmem>>[vector<16xi32>], vector<16xf32>,
      %add3A_476 = arith.addi %mul3A_452, %and3A_67 : vector<16xi32>
      %gather3A_477 = tpu.vector_load_idx %arg26[%add3A_476] : memref<12288xf32, #tpu.memory_space<vmem>>[vector<16xi32>], vector<16xf32>,
      %add3A_478 = arith.addi %mul3A_452, %and3A_73 : vector<16xi32>
      %gather3A_479 = tpu.vector_load_idx %arg26[%add3A_478] : memref<12288xf32, #tpu.memory_space<vmem>>[vector<16xi32>], vector<16xf32>,
      %add3A_480 = arith.addi %mul3A_452, %and3A_79 : vector<16xi32>
      %gather3A_481 = tpu.vector_load_idx %arg26[%add3A_480] : memref<12288xf32, #tpu.memory_space<vmem>>[vector<16xi32>], vector<16xf32>,
      %add3A_482 = arith.addi %mul3A_452, %and3A_85 : vector<16xi32>
      %gather3A_483 = tpu.vector_load_idx %arg26[%add3A_482] : memref<12288xf32, #tpu.memory_space<vmem>>[vector<16xi32>], vector<16xf32>,
      %add3A_484 = arith.addi %mul3A_452, %and3A_91 : vector<16xi32>
      %gather3A_485 = tpu.vector_load_idx %arg26[%add3A_484] : memref<12288xf32, #tpu.memory_space<vmem>>[vector<16xi32>], vector<16xf32>,
      %add3A_486 = arith.addi %mul3A_452, %and3A_97 : vector<16xi32>
      %gather3A_487 = tpu.vector_load_idx %arg26[%add3A_486] : memref<12288xf32, #tpu.memory_space<vmem>>[vector<16xi32>], vector<16xf32>,
      tpu.vector_store_idx %arg22[%add3A_456, %and3A_7], %gather3A {add = true} : memref<1024x16xf32, #tpu.memory_space<vmem>>[vector<16xi32>, vector<16xi32>], vector<16xf32>,
      tpu.vector_store_idx %arg22[%add3A_456, %and3A_13], %gather3A_459 {add = true} : memref<1024x16xf32, #tpu.memory_space<vmem>>[vector<16xi32>, vector<16xi32>], vector<16xf32>,
      tpu.vector_store_idx %arg22[%add3A_456, %and3A_19], %gather3A_461 {add = true} : memref<1024x16xf32, #tpu.memory_space<vmem>>[vector<16xi32>, vector<16xi32>], vector<16xf32>,
      tpu.vector_store_idx %arg22[%add3A_456, %and3A_25], %gather3A_463 {add = true} : memref<1024x16xf32, #tpu.memory_space<vmem>>[vector<16xi32>, vector<16xi32>], vector<16xf32>,
      tpu.vector_store_idx %arg22[%add3A_456, %and3A_31], %gather3A_465 {add = true} : memref<1024x16xf32, #tpu.memory_space<vmem>>[vector<16xi32>, vector<16xi32>], vector<16xf32>,
      tpu.vector_store_idx %arg22[%add3A_456, %and3A_37], %gather3A_467 {add = true} : memref<1024x16xf32, #tpu.memory_space<vmem>>[vector<16xi32>, vector<16xi32>], vector<16xf32>,
      tpu.vector_store_idx %arg22[%add3A_456, %and3A_43], %gather3A_469 {add = true} : memref<1024x16xf32, #tpu.memory_space<vmem>>[vector<16xi32>, vector<16xi32>], vector<16xf32>,
      tpu.vector_store_idx %arg22[%add3A_456, %and3A_49], %gather3A_471 {add = true} : memref<1024x16xf32, #tpu.memory_space<vmem>>[vector<16xi32>, vector<16xi32>], vector<16xf32>,
      tpu.vector_store_idx %arg22[%add3A_456, %and3A_55], %gather3A_473 {add = true} : memref<1024x16xf32, #tpu.memory_space<vmem>>[vector<16xi32>, vector<16xi32>], vector<16xf32>,
      tpu.vector_store_idx %arg22[%add3A_456, %and3A_61], %gather3A_475 {add = true} : memref<1024x16xf32, #tpu.memory_space<vmem>>[vector<16xi32>, vector<16xi32>], vector<16xf32>,
      tpu.vector_store_idx %arg22[%add3A_456, %and3A_67], %gather3A_477 {add = true} : memref<1024x16xf32, #tpu.memory_space<vmem>>[vector<16xi32>, vector<16xi32>], vector<16xf32>,
      tpu.vector_store_idx %arg22[%add3A_456, %and3A_73], %gather3A_479 {add = true} : memref<1024x16xf32, #tpu.memory_space<vmem>>[vector<16xi32>, vector<16xi32>], vector<16xf32>,
      tpu.vector_store_idx %arg22[%add3A_456, %and3A_79], %gather3A_481 {add = true} : memref<1024x16xf32, #tpu.memory_space<vmem>>[vector<16xi32>, vector<16xi32>], vector<16xf32>,
      tpu.vector_store_idx %arg22[%add3A_456, %and3A_85], %gather3A_483 {add = true} : memref<1024x16xf32, #tpu.memory_space<vmem>>[vector<16xi32>, vector<16xi32>], vector<16xf32>,
      tpu.vector_store_idx %arg22[%add3A_456, %and3A_91], %gather3A_485 {add = true} : memref<1024x16xf32, #tpu.memory_space<vmem>>[vector<16xi32>, vector<16xi32>], vector<16xf32>,
      tpu.vector_store_idx %arg22[%add3A_456, %and3A_97], %gather3A_487 {add = true} : memref<1024x16xf32, #tpu.memory_space<vmem>>[vector<16xi32>, vector<16xi32>], vector<16xf32>,
      %scan3A_488 = arith.constant 0 : i32
      scf.yield %scan3A_488 : i32
    }
    %scan3A_159 = arith.constant 64 : i32
    %dma_start3A_160 = arith.constant 0 : i32
    %dma_start3A_161 = tpu.memref_slice %arg9[%add3A_149, %dma_start3A_160] : memref<3276800x16xf32, #tpu.memory_space<hbm>> -> memref<1024x16xf32, #tpu.memory_space<hbm>>
    %dma_start3A_162 = arith.constant 0 : i32
    %dma_start3A_163 = tpu.memref_slice %arg9[%add3A_149, %dma_start3A_162] : memref<3276800x16xf32, #tpu.memory_space<hbm>> -> memref<1024x16xf32, #tpu.memory_space<hbm>>
    tpu.enqueue_dma source(%arg22 : memref<1024x16xf32, #tpu.memory_space<vmem>>) target(%dma_start3A_163 : memref<1024x16xf32, #tpu.memory_space<hbm>>) target_semaphore(%arg38 : memref<!tpu.dma_semaphore, #tpu.memory_space<semaphore_mem>>)
    %add3A_164 = arith.constant 3072 : i32
    %add3A_165 = arith.addi %mul3A_2, %add3A_164 : i32
    %dma_start3A_166 = tpu.memref_slice %arg2[%add3A_165] : memref<3276800xi32, #tpu.memory_space<hbm>> -> memref<1024xi32, #tpu.memory_space<hbm>>
    %dma_start3A_167 = tpu.memref_slice %arg2[%add3A_165] : memref<3276800xi32, #tpu.memory_space<hbm>> -> memref<1024xi32, #tpu.memory_space<hbm>>
    tpu.enqueue_dma source(%dma_start3A_167 : memref<1024xi32, #tpu.memory_space<hbm>>) target(%arg13 : memref<1024xi32, #tpu.memory_space<vmem>>) target_semaphore(%arg33 : memref<!tpu.dma_semaphore, #tpu.memory_space<semaphore_mem>>)
    %dma_start3A_168 = tpu.memref_slice %arg3[%add3A_165] : memref<3276800xi32, #tpu.memory_space<hbm>> -> memref<1024xi32, #tpu.memory_space<hbm>>
    %dma_start3A_169 = tpu.memref_slice %arg3[%add3A_165] : memref<3276800xi32, #tpu.memory_space<hbm>> -> memref<1024xi32, #tpu.memory_space<hbm>>
    tpu.enqueue_dma source(%dma_start3A_169 : memref<1024xi32, #tpu.memory_space<hbm>>) target(%arg17 : memref<1024xi32, #tpu.memory_space<vmem>>) target_semaphore(%arg33 : memref<!tpu.dma_semaphore, #tpu.memory_space<semaphore_mem>>)
    %dma_start3A_170 = tpu.memref_slice %arg4[%add3A_165] : memref<3276800xi32, #tpu.memory_space<hbm>> -> memref<1024xi32, #tpu.memory_space<hbm>>
    %dma_start3A_171 = tpu.memref_slice %arg4[%add3A_165] : memref<3276800xi32, #tpu.memory_space<hbm>> -> memref<1024xi32, #tpu.memory_space<hbm>>
    tpu.enqueue_dma source(%dma_start3A_171 : memref<1024xi32, #tpu.memory_space<hbm>>) target(%arg21 : memref<1024xi32, #tpu.memory_space<vmem>>) target_semaphore(%arg33 : memref<!tpu.dma_semaphore, #tpu.memory_space<semaphore_mem>>)
    %add3A_172 = arith.constant 2048 : i32
    %add3A_173 = arith.addi %mul3A_2, %add3A_172 : i32
    %dma_wait3A_174 = tpu.memref_slice %arg2[%add3A_173] : memref<3276800xi32, #tpu.memory_space<hbm>> -> memref<1024xi32, #tpu.memory_space<hbm>>
    %dma_wait3A_175 = tpu.memref_slice %arg2[%add3A_173] : memref<3276800xi32, #tpu.memory_space<hbm>> -> memref<1024xi32, #tpu.memory_space<hbm>>
    tpu.wait_dma2 semaphore(%arg32 : memref<!tpu.dma_semaphore, #tpu.memory_space<semaphore_mem>>) src(%dma_wait3A_175 : memref<1024xi32, #tpu.memory_space<hbm>>) dst(%arg12 : memref<1024xi32, #tpu.memory_space<vmem>>)
    %dma_wait3A_176 = tpu.memref_slice %arg3[%add3A_173] : memref<3276800xi32, #tpu.memory_space<hbm>> -> memref<1024xi32, #tpu.memory_space<hbm>>
    %dma_wait3A_177 = tpu.memref_slice %arg3[%add3A_173] : memref<3276800xi32, #tpu.memory_space<hbm>> -> memref<1024xi32, #tpu.memory_space<hbm>>
    tpu.wait_dma2 semaphore(%arg32 : memref<!tpu.dma_semaphore, #tpu.memory_space<semaphore_mem>>) src(%dma_wait3A_177 : memref<1024xi32, #tpu.memory_space<hbm>>) dst(%arg16 : memref<1024xi32, #tpu.memory_space<vmem>>)
    %dma_wait3A_178 = tpu.memref_slice %arg4[%add3A_173] : memref<3276800xi32, #tpu.memory_space<hbm>> -> memref<1024xi32, #tpu.memory_space<hbm>>
    %dma_wait3A_179 = tpu.memref_slice %arg4[%add3A_173] : memref<3276800xi32, #tpu.memory_space<hbm>> -> memref<1024xi32, #tpu.memory_space<hbm>>
    tpu.wait_dma2 semaphore(%arg32 : memref<!tpu.dma_semaphore, #tpu.memory_space<semaphore_mem>>) src(%dma_wait3A_179 : memref<1024xi32, #tpu.memory_space<hbm>>) dst(%arg20 : memref<1024xi32, #tpu.memory_space<vmem>>)
    %dma_start3A_180 = arith.constant 0 : i32
    %dma_start3A_181 = arith.constant 0 : i32
    %dma_start3A_182 = tpu.memref_slice %arg8[%dma_start3A_180, %dma_start3A_181] : memref<1000000x16xf32, #tpu.memory_space<hbm>> -> memref<1000000x16xf32, #tpu.memory_space<hbm>>
    tpu.enqueue_indirect_dma source(%dma_start3A_182 : memref<1000000x16xf32, #tpu.memory_space<hbm>>) target(%arg24 : memref<1024x16xf32, #tpu.memory_space<vmem>>) offsets(%arg12 : memref<1024xi32, #tpu.memory_space<vmem>>) semaphore(%arg36 : memref<!tpu.dma_semaphore, #tpu.memory_space<semaphore_mem>>)
    %add3A_183 = arith.constant 1024 : i32
    %add3A_184 = arith.addi %mul3A_2, %add3A_183 : i32
    %dma_wait3A_185 = arith.constant 0 : i32
    %dma_wait3A_186 = arith.constant 0 : i32
    %dma_wait3A_187 = tpu.memref_slice %arg8[%dma_wait3A_185, %dma_wait3A_186] : memref<1000000x16xf32, #tpu.memory_space<hbm>> -> memref<1000000x16xf32, #tpu.memory_space<hbm>>
    tpu.wait_indirect_dma semaphore(%arg35 : memref<!tpu.dma_semaphore, #tpu.memory_space<semaphore_mem>>) src(%dma_wait3A_187 : memref<1000000x16xf32, #tpu.memory_space<hbm>>) dst(%arg23 : memref<1024x16xf32, #tpu.memory_space<vmem>>)
    %scan3A_188 = arith.constant 0 : i32
    %scan3A_189 = arith.constant 0 : i32
    %scan3A_190 = arith.constant 64 : i32
    %scan3A_191 = arith.addi %scan3A_189, %scan3A_190 : i32
    %scan3A_192 = arith.constant 1 : i32
    %scan3A_193 = scf.for %scan3A_437 = %scan3A_189 to %scan3A_191 step %scan3A_192 iter_args(%scan3A_438 = %scan3A_188) -> (i32)  : i32 {
      %mul3A_439 = arith.constant 16 : i32
      %mul3A_440 = arith.muli %scan3A_437, %mul3A_439 : i32
      %get3A = arith.index_cast %mul3A_440 : i32 to index
      %get3A_441 = tpu.vector_load %arg15[%get3A] {strides = array<i32>} : memref<1024xi32, #tpu.memory_space<vmem>>, vector<16xi32>,
      %mul3A_442 = arith.constant 8 : i32
      %mul3A_443 = vector.broadcast %mul3A_442 : i32 to vector<16xi32>
      %mul3A_444 = arith.muli %get3A_441, %mul3A_443 : vector<16xi32>
      %mul3A_445 = arith.constant 16 : i32
      %mul3A_446 = arith.muli %scan3A_437, %mul3A_445 : i32
      %get3A_447 = arith.index_cast %mul3A_446 : i32 to index
      %get3A_448 = tpu.vector_load %arg19[%get3A_447] {strides = array<i32>} : memref<1024xi32, #tpu.memory_space<vmem>>, vector<16xi32>,
      %add3A_449 = arith.addi %mul3A_444, %get3A_448 : vector<16xi32>
      %mul3A_450 = arith.constant 16 : i32
      %mul3A_451 = vector.broadcast %mul3A_450 : i32 to vector<16xi32>
      %mul3A_452 = arith.muli %add3A_449, %mul3A_451 : vector<16xi32>
      %mul3A_453 = arith.constant 16 : i32
      %mul3A_454 = arith.muli %scan3A_437, %mul3A_453 : i32
      %add3A_455 = vector.broadcast %mul3A_454 : i32 to vector<16xi32>
      %add3A_456 = arith.addi %iota3A, %add3A_455 : vector<16xi32>
      %add3A_457 = arith.addi %mul3A_452, %and3A_7 : vector<16xi32>
      %gather3A = tpu.vector_load_idx %arg26[%add3A_457] : memref<12288xf32, #tpu.memory_space<vmem>>[vector<16xi32>], vector<16xf32>,
      %add3A_458 = arith.addi %mul3A_452, %and3A_13 : vector<16xi32>
      %gather3A_459 = tpu.vector_load_idx %arg26[%add3A_458] : memref<12288xf32, #tpu.memory_space<vmem>>[vector<16xi32>], vector<16xf32>,
      %add3A_460 = arith.addi %mul3A_452, %and3A_19 : vector<16xi32>
      %gather3A_461 = tpu.vector_load_idx %arg26[%add3A_460] : memref<12288xf32, #tpu.memory_space<vmem>>[vector<16xi32>], vector<16xf32>,
      %add3A_462 = arith.addi %mul3A_452, %and3A_25 : vector<16xi32>
      %gather3A_463 = tpu.vector_load_idx %arg26[%add3A_462] : memref<12288xf32, #tpu.memory_space<vmem>>[vector<16xi32>], vector<16xf32>,
      %add3A_464 = arith.addi %mul3A_452, %and3A_31 : vector<16xi32>
      %gather3A_465 = tpu.vector_load_idx %arg26[%add3A_464] : memref<12288xf32, #tpu.memory_space<vmem>>[vector<16xi32>], vector<16xf32>,
      %add3A_466 = arith.addi %mul3A_452, %and3A_37 : vector<16xi32>
      %gather3A_467 = tpu.vector_load_idx %arg26[%add3A_466] : memref<12288xf32, #tpu.memory_space<vmem>>[vector<16xi32>], vector<16xf32>,
      %add3A_468 = arith.addi %mul3A_452, %and3A_43 : vector<16xi32>
      %gather3A_469 = tpu.vector_load_idx %arg26[%add3A_468] : memref<12288xf32, #tpu.memory_space<vmem>>[vector<16xi32>], vector<16xf32>,
      %add3A_470 = arith.addi %mul3A_452, %and3A_49 : vector<16xi32>
      %gather3A_471 = tpu.vector_load_idx %arg26[%add3A_470] : memref<12288xf32, #tpu.memory_space<vmem>>[vector<16xi32>], vector<16xf32>,
      %add3A_472 = arith.addi %mul3A_452, %and3A_55 : vector<16xi32>
      %gather3A_473 = tpu.vector_load_idx %arg26[%add3A_472] : memref<12288xf32, #tpu.memory_space<vmem>>[vector<16xi32>], vector<16xf32>,
      %add3A_474 = arith.addi %mul3A_452, %and3A_61 : vector<16xi32>
      %gather3A_475 = tpu.vector_load_idx %arg26[%add3A_474] : memref<12288xf32, #tpu.memory_space<vmem>>[vector<16xi32>], vector<16xf32>,
      %add3A_476 = arith.addi %mul3A_452, %and3A_67 : vector<16xi32>
      %gather3A_477 = tpu.vector_load_idx %arg26[%add3A_476] : memref<12288xf32, #tpu.memory_space<vmem>>[vector<16xi32>], vector<16xf32>,
      %add3A_478 = arith.addi %mul3A_452, %and3A_73 : vector<16xi32>
      %gather3A_479 = tpu.vector_load_idx %arg26[%add3A_478] : memref<12288xf32, #tpu.memory_space<vmem>>[vector<16xi32>], vector<16xf32>,
      %add3A_480 = arith.addi %mul3A_452, %and3A_79 : vector<16xi32>
      %gather3A_481 = tpu.vector_load_idx %arg26[%add3A_480] : memref<12288xf32, #tpu.memory_space<vmem>>[vector<16xi32>], vector<16xf32>,
      %add3A_482 = arith.addi %mul3A_452, %and3A_85 : vector<16xi32>
      %gather3A_483 = tpu.vector_load_idx %arg26[%add3A_482] : memref<12288xf32, #tpu.memory_space<vmem>>[vector<16xi32>], vector<16xf32>,
      %add3A_484 = arith.addi %mul3A_452, %and3A_91 : vector<16xi32>
      %gather3A_485 = tpu.vector_load_idx %arg26[%add3A_484] : memref<12288xf32, #tpu.memory_space<vmem>>[vector<16xi32>], vector<16xf32>,
      %add3A_486 = arith.addi %mul3A_452, %and3A_97 : vector<16xi32>
      %gather3A_487 = tpu.vector_load_idx %arg26[%add3A_486] : memref<12288xf32, #tpu.memory_space<vmem>>[vector<16xi32>], vector<16xf32>,
      tpu.vector_store_idx %arg23[%add3A_456, %and3A_7], %gather3A {add = true} : memref<1024x16xf32, #tpu.memory_space<vmem>>[vector<16xi32>, vector<16xi32>], vector<16xf32>,
      tpu.vector_store_idx %arg23[%add3A_456, %and3A_13], %gather3A_459 {add = true} : memref<1024x16xf32, #tpu.memory_space<vmem>>[vector<16xi32>, vector<16xi32>], vector<16xf32>,
      tpu.vector_store_idx %arg23[%add3A_456, %and3A_19], %gather3A_461 {add = true} : memref<1024x16xf32, #tpu.memory_space<vmem>>[vector<16xi32>, vector<16xi32>], vector<16xf32>,
      tpu.vector_store_idx %arg23[%add3A_456, %and3A_25], %gather3A_463 {add = true} : memref<1024x16xf32, #tpu.memory_space<vmem>>[vector<16xi32>, vector<16xi32>], vector<16xf32>,
      tpu.vector_store_idx %arg23[%add3A_456, %and3A_31], %gather3A_465 {add = true} : memref<1024x16xf32, #tpu.memory_space<vmem>>[vector<16xi32>, vector<16xi32>], vector<16xf32>,
      tpu.vector_store_idx %arg23[%add3A_456, %and3A_37], %gather3A_467 {add = true} : memref<1024x16xf32, #tpu.memory_space<vmem>>[vector<16xi32>, vector<16xi32>], vector<16xf32>,
      tpu.vector_store_idx %arg23[%add3A_456, %and3A_43], %gather3A_469 {add = true} : memref<1024x16xf32, #tpu.memory_space<vmem>>[vector<16xi32>, vector<16xi32>], vector<16xf32>,
      tpu.vector_store_idx %arg23[%add3A_456, %and3A_49], %gather3A_471 {add = true} : memref<1024x16xf32, #tpu.memory_space<vmem>>[vector<16xi32>, vector<16xi32>], vector<16xf32>,
      tpu.vector_store_idx %arg23[%add3A_456, %and3A_55], %gather3A_473 {add = true} : memref<1024x16xf32, #tpu.memory_space<vmem>>[vector<16xi32>, vector<16xi32>], vector<16xf32>,
      tpu.vector_store_idx %arg23[%add3A_456, %and3A_61], %gather3A_475 {add = true} : memref<1024x16xf32, #tpu.memory_space<vmem>>[vector<16xi32>, vector<16xi32>], vector<16xf32>,
      tpu.vector_store_idx %arg23[%add3A_456, %and3A_67], %gather3A_477 {add = true} : memref<1024x16xf32, #tpu.memory_space<vmem>>[vector<16xi32>, vector<16xi32>], vector<16xf32>,
      tpu.vector_store_idx %arg23[%add3A_456, %and3A_73], %gather3A_479 {add = true} : memref<1024x16xf32, #tpu.memory_space<vmem>>[vector<16xi32>, vector<16xi32>], vector<16xf32>,
      tpu.vector_store_idx %arg23[%add3A_456, %and3A_79], %gather3A_481 {add = true} : memref<1024x16xf32, #tpu.memory_space<vmem>>[vector<16xi32>, vector<16xi32>], vector<16xf32>,
      tpu.vector_store_idx %arg23[%add3A_456, %and3A_85], %gather3A_483 {add = true} : memref<1024x16xf32, #tpu.memory_space<vmem>>[vector<16xi32>, vector<16xi32>], vector<16xf32>,
      tpu.vector_store_idx %arg23[%add3A_456, %and3A_91], %gather3A_485 {add = true} : memref<1024x16xf32, #tpu.memory_space<vmem>>[vector<16xi32>, vector<16xi32>], vector<16xf32>,
      tpu.vector_store_idx %arg23[%add3A_456, %and3A_97], %gather3A_487 {add = true} : memref<1024x16xf32, #tpu.memory_space<vmem>>[vector<16xi32>, vector<16xi32>], vector<16xf32>,
      %scan3A_488 = arith.constant 0 : i32
      scf.yield %scan3A_488 : i32
    }
    %scan3A_194 = arith.constant 64 : i32
    %dma_start3A_195 = arith.constant 0 : i32
    %dma_start3A_196 = tpu.memref_slice %arg9[%add3A_184, %dma_start3A_195] : memref<3276800x16xf32, #tpu.memory_space<hbm>> -> memref<1024x16xf32, #tpu.memory_space<hbm>>
    %dma_start3A_197 = arith.constant 0 : i32
    %dma_start3A_198 = tpu.memref_slice %arg9[%add3A_184, %dma_start3A_197] : memref<3276800x16xf32, #tpu.memory_space<hbm>> -> memref<1024x16xf32, #tpu.memory_space<hbm>>
    tpu.enqueue_dma source(%arg23 : memref<1024x16xf32, #tpu.memory_space<vmem>>) target(%dma_start3A_198 : memref<1024x16xf32, #tpu.memory_space<hbm>>) target_semaphore(%arg39 : memref<!tpu.dma_semaphore, #tpu.memory_space<semaphore_mem>>)
    %add3A_199 = arith.constant 4096 : i32
    %add3A_200 = arith.addi %mul3A_2, %add3A_199 : i32
    %dma_start3A_201 = tpu.memref_slice %arg2[%add3A_200] : memref<3276800xi32, #tpu.memory_space<hbm>> -> memref<1024xi32, #tpu.memory_space<hbm>>
    %dma_start3A_202 = tpu.memref_slice %arg2[%add3A_200] : memref<3276800xi32, #tpu.memory_space<hbm>> -> memref<1024xi32, #tpu.memory_space<hbm>>
    tpu.enqueue_dma source(%dma_start3A_202 : memref<1024xi32, #tpu.memory_space<hbm>>) target(%arg10 : memref<1024xi32, #tpu.memory_space<vmem>>) target_semaphore(%arg30 : memref<!tpu.dma_semaphore, #tpu.memory_space<semaphore_mem>>)
    %dma_start3A_203 = tpu.memref_slice %arg3[%add3A_200] : memref<3276800xi32, #tpu.memory_space<hbm>> -> memref<1024xi32, #tpu.memory_space<hbm>>
    %dma_start3A_204 = tpu.memref_slice %arg3[%add3A_200] : memref<3276800xi32, #tpu.memory_space<hbm>> -> memref<1024xi32, #tpu.memory_space<hbm>>
    tpu.enqueue_dma source(%dma_start3A_204 : memref<1024xi32, #tpu.memory_space<hbm>>) target(%arg14 : memref<1024xi32, #tpu.memory_space<vmem>>) target_semaphore(%arg30 : memref<!tpu.dma_semaphore, #tpu.memory_space<semaphore_mem>>)
    %dma_start3A_205 = tpu.memref_slice %arg4[%add3A_200] : memref<3276800xi32, #tpu.memory_space<hbm>> -> memref<1024xi32, #tpu.memory_space<hbm>>
    %dma_start3A_206 = tpu.memref_slice %arg4[%add3A_200] : memref<3276800xi32, #tpu.memory_space<hbm>> -> memref<1024xi32, #tpu.memory_space<hbm>>
    tpu.enqueue_dma source(%dma_start3A_206 : memref<1024xi32, #tpu.memory_space<hbm>>) target(%arg18 : memref<1024xi32, #tpu.memory_space<vmem>>) target_semaphore(%arg30 : memref<!tpu.dma_semaphore, #tpu.memory_space<semaphore_mem>>)
    %add3A_207 = arith.constant 3072 : i32
    %add3A_208 = arith.addi %mul3A_2, %add3A_207 : i32
    %dma_wait3A_209 = tpu.memref_slice %arg2[%add3A_208] : memref<3276800xi32, #tpu.memory_space<hbm>> -> memref<1024xi32, #tpu.memory_space<hbm>>
    %dma_wait3A_210 = tpu.memref_slice %arg2[%add3A_208] : memref<3276800xi32, #tpu.memory_space<hbm>> -> memref<1024xi32, #tpu.memory_space<hbm>>
    tpu.wait_dma2 semaphore(%arg33 : memref<!tpu.dma_semaphore, #tpu.memory_space<semaphore_mem>>) src(%dma_wait3A_210 : memref<1024xi32, #tpu.memory_space<hbm>>) dst(%arg13 : memref<1024xi32, #tpu.memory_space<vmem>>)
    %dma_wait3A_211 = tpu.memref_slice %arg3[%add3A_208] : memref<3276800xi32, #tpu.memory_space<hbm>> -> memref<1024xi32, #tpu.memory_space<hbm>>
    %dma_wait3A_212 = tpu.memref_slice %arg3[%add3A_208] : memref<3276800xi32, #tpu.memory_space<hbm>> -> memref<1024xi32, #tpu.memory_space<hbm>>
    tpu.wait_dma2 semaphore(%arg33 : memref<!tpu.dma_semaphore, #tpu.memory_space<semaphore_mem>>) src(%dma_wait3A_212 : memref<1024xi32, #tpu.memory_space<hbm>>) dst(%arg17 : memref<1024xi32, #tpu.memory_space<vmem>>)
    %dma_wait3A_213 = tpu.memref_slice %arg4[%add3A_208] : memref<3276800xi32, #tpu.memory_space<hbm>> -> memref<1024xi32, #tpu.memory_space<hbm>>
    %dma_wait3A_214 = tpu.memref_slice %arg4[%add3A_208] : memref<3276800xi32, #tpu.memory_space<hbm>> -> memref<1024xi32, #tpu.memory_space<hbm>>
    tpu.wait_dma2 semaphore(%arg33 : memref<!tpu.dma_semaphore, #tpu.memory_space<semaphore_mem>>) src(%dma_wait3A_214 : memref<1024xi32, #tpu.memory_space<hbm>>) dst(%arg21 : memref<1024xi32, #tpu.memory_space<vmem>>)
    %dma_start3A_215 = arith.constant 0 : i32
    %dma_start3A_216 = arith.constant 0 : i32
    %dma_start3A_217 = tpu.memref_slice %arg8[%dma_start3A_215, %dma_start3A_216] : memref<1000000x16xf32, #tpu.memory_space<hbm>> -> memref<1000000x16xf32, #tpu.memory_space<hbm>>
    tpu.enqueue_indirect_dma source(%dma_start3A_217 : memref<1000000x16xf32, #tpu.memory_space<hbm>>) target(%arg25 : memref<1024x16xf32, #tpu.memory_space<vmem>>) offsets(%arg13 : memref<1024xi32, #tpu.memory_space<vmem>>) semaphore(%arg37 : memref<!tpu.dma_semaphore, #tpu.memory_space<semaphore_mem>>)
    %add3A_218 = arith.constant 2048 : i32
    %add3A_219 = arith.addi %mul3A_2, %add3A_218 : i32
    %dma_wait3A_220 = arith.constant 0 : i32
    %dma_wait3A_221 = arith.constant 0 : i32
    %dma_wait3A_222 = tpu.memref_slice %arg8[%dma_wait3A_220, %dma_wait3A_221] : memref<1000000x16xf32, #tpu.memory_space<hbm>> -> memref<1000000x16xf32, #tpu.memory_space<hbm>>
    tpu.wait_indirect_dma semaphore(%arg36 : memref<!tpu.dma_semaphore, #tpu.memory_space<semaphore_mem>>) src(%dma_wait3A_222 : memref<1000000x16xf32, #tpu.memory_space<hbm>>) dst(%arg24 : memref<1024x16xf32, #tpu.memory_space<vmem>>)
    %scan3A_223 = arith.constant 0 : i32
    %scan3A_224 = arith.constant 0 : i32
    %scan3A_225 = arith.constant 64 : i32
    %scan3A_226 = arith.addi %scan3A_224, %scan3A_225 : i32
    %scan3A_227 = arith.constant 1 : i32
    %scan3A_228 = scf.for %scan3A_437 = %scan3A_224 to %scan3A_226 step %scan3A_227 iter_args(%scan3A_438 = %scan3A_223) -> (i32)  : i32 {
      %mul3A_439 = arith.constant 16 : i32
      %mul3A_440 = arith.muli %scan3A_437, %mul3A_439 : i32
      %get3A = arith.index_cast %mul3A_440 : i32 to index
      %get3A_441 = tpu.vector_load %arg16[%get3A] {strides = array<i32>} : memref<1024xi32, #tpu.memory_space<vmem>>, vector<16xi32>,
      %mul3A_442 = arith.constant 8 : i32
      %mul3A_443 = vector.broadcast %mul3A_442 : i32 to vector<16xi32>
      %mul3A_444 = arith.muli %get3A_441, %mul3A_443 : vector<16xi32>
      %mul3A_445 = arith.constant 16 : i32
      %mul3A_446 = arith.muli %scan3A_437, %mul3A_445 : i32
      %get3A_447 = arith.index_cast %mul3A_446 : i32 to index
      %get3A_448 = tpu.vector_load %arg20[%get3A_447] {strides = array<i32>} : memref<1024xi32, #tpu.memory_space<vmem>>, vector<16xi32>,
      %add3A_449 = arith.addi %mul3A_444, %get3A_448 : vector<16xi32>
      %mul3A_450 = arith.constant 16 : i32
      %mul3A_451 = vector.broadcast %mul3A_450 : i32 to vector<16xi32>
      %mul3A_452 = arith.muli %add3A_449, %mul3A_451 : vector<16xi32>
      %mul3A_453 = arith.constant 16 : i32
      %mul3A_454 = arith.muli %scan3A_437, %mul3A_453 : i32
      %add3A_455 = vector.broadcast %mul3A_454 : i32 to vector<16xi32>
      %add3A_456 = arith.addi %iota3A, %add3A_455 : vector<16xi32>
      %add3A_457 = arith.addi %mul3A_452, %and3A_7 : vector<16xi32>
      %gather3A = tpu.vector_load_idx %arg26[%add3A_457] : memref<12288xf32, #tpu.memory_space<vmem>>[vector<16xi32>], vector<16xf32>,
      %add3A_458 = arith.addi %mul3A_452, %and3A_13 : vector<16xi32>
      %gather3A_459 = tpu.vector_load_idx %arg26[%add3A_458] : memref<12288xf32, #tpu.memory_space<vmem>>[vector<16xi32>], vector<16xf32>,
      %add3A_460 = arith.addi %mul3A_452, %and3A_19 : vector<16xi32>
      %gather3A_461 = tpu.vector_load_idx %arg26[%add3A_460] : memref<12288xf32, #tpu.memory_space<vmem>>[vector<16xi32>], vector<16xf32>,
      %add3A_462 = arith.addi %mul3A_452, %and3A_25 : vector<16xi32>
      %gather3A_463 = tpu.vector_load_idx %arg26[%add3A_462] : memref<12288xf32, #tpu.memory_space<vmem>>[vector<16xi32>], vector<16xf32>,
      %add3A_464 = arith.addi %mul3A_452, %and3A_31 : vector<16xi32>
      %gather3A_465 = tpu.vector_load_idx %arg26[%add3A_464] : memref<12288xf32, #tpu.memory_space<vmem>>[vector<16xi32>], vector<16xf32>,
      %add3A_466 = arith.addi %mul3A_452, %and3A_37 : vector<16xi32>
      %gather3A_467 = tpu.vector_load_idx %arg26[%add3A_466] : memref<12288xf32, #tpu.memory_space<vmem>>[vector<16xi32>], vector<16xf32>,
      %add3A_468 = arith.addi %mul3A_452, %and3A_43 : vector<16xi32>
      %gather3A_469 = tpu.vector_load_idx %arg26[%add3A_468] : memref<12288xf32, #tpu.memory_space<vmem>>[vector<16xi32>], vector<16xf32>,
      %add3A_470 = arith.addi %mul3A_452, %and3A_49 : vector<16xi32>
      %gather3A_471 = tpu.vector_load_idx %arg26[%add3A_470] : memref<12288xf32, #tpu.memory_space<vmem>>[vector<16xi32>], vector<16xf32>,
      %add3A_472 = arith.addi %mul3A_452, %and3A_55 : vector<16xi32>
      %gather3A_473 = tpu.vector_load_idx %arg26[%add3A_472] : memref<12288xf32, #tpu.memory_space<vmem>>[vector<16xi32>], vector<16xf32>,
      %add3A_474 = arith.addi %mul3A_452, %and3A_61 : vector<16xi32>
      %gather3A_475 = tpu.vector_load_idx %arg26[%add3A_474] : memref<12288xf32, #tpu.memory_space<vmem>>[vector<16xi32>], vector<16xf32>,
      %add3A_476 = arith.addi %mul3A_452, %and3A_67 : vector<16xi32>
      %gather3A_477 = tpu.vector_load_idx %arg26[%add3A_476] : memref<12288xf32, #tpu.memory_space<vmem>>[vector<16xi32>], vector<16xf32>,
      %add3A_478 = arith.addi %mul3A_452, %and3A_73 : vector<16xi32>
      %gather3A_479 = tpu.vector_load_idx %arg26[%add3A_478] : memref<12288xf32, #tpu.memory_space<vmem>>[vector<16xi32>], vector<16xf32>,
      %add3A_480 = arith.addi %mul3A_452, %and3A_79 : vector<16xi32>
      %gather3A_481 = tpu.vector_load_idx %arg26[%add3A_480] : memref<12288xf32, #tpu.memory_space<vmem>>[vector<16xi32>], vector<16xf32>,
      %add3A_482 = arith.addi %mul3A_452, %and3A_85 : vector<16xi32>
      %gather3A_483 = tpu.vector_load_idx %arg26[%add3A_482] : memref<12288xf32, #tpu.memory_space<vmem>>[vector<16xi32>], vector<16xf32>,
      %add3A_484 = arith.addi %mul3A_452, %and3A_91 : vector<16xi32>
      %gather3A_485 = tpu.vector_load_idx %arg26[%add3A_484] : memref<12288xf32, #tpu.memory_space<vmem>>[vector<16xi32>], vector<16xf32>,
      %add3A_486 = arith.addi %mul3A_452, %and3A_97 : vector<16xi32>
      %gather3A_487 = tpu.vector_load_idx %arg26[%add3A_486] : memref<12288xf32, #tpu.memory_space<vmem>>[vector<16xi32>], vector<16xf32>,
      tpu.vector_store_idx %arg24[%add3A_456, %and3A_7], %gather3A {add = true} : memref<1024x16xf32, #tpu.memory_space<vmem>>[vector<16xi32>, vector<16xi32>], vector<16xf32>,
      tpu.vector_store_idx %arg24[%add3A_456, %and3A_13], %gather3A_459 {add = true} : memref<1024x16xf32, #tpu.memory_space<vmem>>[vector<16xi32>, vector<16xi32>], vector<16xf32>,
      tpu.vector_store_idx %arg24[%add3A_456, %and3A_19], %gather3A_461 {add = true} : memref<1024x16xf32, #tpu.memory_space<vmem>>[vector<16xi32>, vector<16xi32>], vector<16xf32>,
      tpu.vector_store_idx %arg24[%add3A_456, %and3A_25], %gather3A_463 {add = true} : memref<1024x16xf32, #tpu.memory_space<vmem>>[vector<16xi32>, vector<16xi32>], vector<16xf32>,
      tpu.vector_store_idx %arg24[%add3A_456, %and3A_31], %gather3A_465 {add = true} : memref<1024x16xf32, #tpu.memory_space<vmem>>[vector<16xi32>, vector<16xi32>], vector<16xf32>,
      tpu.vector_store_idx %arg24[%add3A_456, %and3A_37], %gather3A_467 {add = true} : memref<1024x16xf32, #tpu.memory_space<vmem>>[vector<16xi32>, vector<16xi32>], vector<16xf32>,
      tpu.vector_store_idx %arg24[%add3A_456, %and3A_43], %gather3A_469 {add = true} : memref<1024x16xf32, #tpu.memory_space<vmem>>[vector<16xi32>, vector<16xi32>], vector<16xf32>,
      tpu.vector_store_idx %arg24[%add3A_456, %and3A_49], %gather3A_471 {add = true} : memref<1024x16xf32, #tpu.memory_space<vmem>>[vector<16xi32>, vector<16xi32>], vector<16xf32>,
      tpu.vector_store_idx %arg24[%add3A_456, %and3A_55], %gather3A_473 {add = true} : memref<1024x16xf32, #tpu.memory_space<vmem>>[vector<16xi32>, vector<16xi32>], vector<16xf32>,
      tpu.vector_store_idx %arg24[%add3A_456, %and3A_61], %gather3A_475 {add = true} : memref<1024x16xf32, #tpu.memory_space<vmem>>[vector<16xi32>, vector<16xi32>], vector<16xf32>,
      tpu.vector_store_idx %arg24[%add3A_456, %and3A_67], %gather3A_477 {add = true} : memref<1024x16xf32, #tpu.memory_space<vmem>>[vector<16xi32>, vector<16xi32>], vector<16xf32>,
      tpu.vector_store_idx %arg24[%add3A_456, %and3A_73], %gather3A_479 {add = true} : memref<1024x16xf32, #tpu.memory_space<vmem>>[vector<16xi32>, vector<16xi32>], vector<16xf32>,
      tpu.vector_store_idx %arg24[%add3A_456, %and3A_79], %gather3A_481 {add = true} : memref<1024x16xf32, #tpu.memory_space<vmem>>[vector<16xi32>, vector<16xi32>], vector<16xf32>,
      tpu.vector_store_idx %arg24[%add3A_456, %and3A_85], %gather3A_483 {add = true} : memref<1024x16xf32, #tpu.memory_space<vmem>>[vector<16xi32>, vector<16xi32>], vector<16xf32>,
      tpu.vector_store_idx %arg24[%add3A_456, %and3A_91], %gather3A_485 {add = true} : memref<1024x16xf32, #tpu.memory_space<vmem>>[vector<16xi32>, vector<16xi32>], vector<16xf32>,
      tpu.vector_store_idx %arg24[%add3A_456, %and3A_97], %gather3A_487 {add = true} : memref<1024x16xf32, #tpu.memory_space<vmem>>[vector<16xi32>, vector<16xi32>], vector<16xf32>,
      %scan3A_488 = arith.constant 0 : i32
      scf.yield %scan3A_488 : i32
    }
    %scan3A_229 = arith.constant 64 : i32
    %dma_start3A_230 = arith.constant 0 : i32
    %dma_start3A_231 = tpu.memref_slice %arg9[%add3A_219, %dma_start3A_230] : memref<3276800x16xf32, #tpu.memory_space<hbm>> -> memref<1024x16xf32, #tpu.memory_space<hbm>>
    %dma_start3A_232 = arith.constant 0 : i32
    %dma_start3A_233 = tpu.memref_slice %arg9[%add3A_219, %dma_start3A_232] : memref<3276800x16xf32, #tpu.memory_space<hbm>> -> memref<1024x16xf32, #tpu.memory_space<hbm>>
    tpu.enqueue_dma source(%arg24 : memref<1024x16xf32, #tpu.memory_space<vmem>>) target(%dma_start3A_233 : memref<1024x16xf32, #tpu.memory_space<hbm>>) target_semaphore(%arg40 : memref<!tpu.dma_semaphore, #tpu.memory_space<semaphore_mem>>)
    %add3A_234 = arith.constant 5120 : i32
    %add3A_235 = arith.addi %mul3A_2, %add3A_234 : i32
    %dma_start3A_236 = tpu.memref_slice %arg2[%add3A_235] : memref<3276800xi32, #tpu.memory_space<hbm>> -> memref<1024xi32, #tpu.memory_space<hbm>>
    %dma_start3A_237 = tpu.memref_slice %arg2[%add3A_235] : memref<3276800xi32, #tpu.memory_space<hbm>> -> memref<1024xi32, #tpu.memory_space<hbm>>
    tpu.enqueue_dma source(%dma_start3A_237 : memref<1024xi32, #tpu.memory_space<hbm>>) target(%arg11 : memref<1024xi32, #tpu.memory_space<vmem>>) target_semaphore(%arg31 : memref<!tpu.dma_semaphore, #tpu.memory_space<semaphore_mem>>)
    %dma_start3A_238 = tpu.memref_slice %arg3[%add3A_235] : memref<3276800xi32, #tpu.memory_space<hbm>> -> memref<1024xi32, #tpu.memory_space<hbm>>
    %dma_start3A_239 = tpu.memref_slice %arg3[%add3A_235] : memref<3276800xi32, #tpu.memory_space<hbm>> -> memref<1024xi32, #tpu.memory_space<hbm>>
    tpu.enqueue_dma source(%dma_start3A_239 : memref<1024xi32, #tpu.memory_space<hbm>>) target(%arg15 : memref<1024xi32, #tpu.memory_space<vmem>>) target_semaphore(%arg31 : memref<!tpu.dma_semaphore, #tpu.memory_space<semaphore_mem>>)
    %dma_start3A_240 = tpu.memref_slice %arg4[%add3A_235] : memref<3276800xi32, #tpu.memory_space<hbm>> -> memref<1024xi32, #tpu.memory_space<hbm>>
    %dma_start3A_241 = tpu.memref_slice %arg4[%add3A_235] : memref<3276800xi32, #tpu.memory_space<hbm>> -> memref<1024xi32, #tpu.memory_space<hbm>>
    tpu.enqueue_dma source(%dma_start3A_241 : memref<1024xi32, #tpu.memory_space<hbm>>) target(%arg19 : memref<1024xi32, #tpu.memory_space<vmem>>) target_semaphore(%arg31 : memref<!tpu.dma_semaphore, #tpu.memory_space<semaphore_mem>>)
    %add3A_242 = arith.constant 4096 : i32
    %add3A_243 = arith.addi %mul3A_2, %add3A_242 : i32
    %dma_wait3A_244 = tpu.memref_slice %arg2[%add3A_243] : memref<3276800xi32, #tpu.memory_space<hbm>> -> memref<1024xi32, #tpu.memory_space<hbm>>
    %dma_wait3A_245 = tpu.memref_slice %arg2[%add3A_243] : memref<3276800xi32, #tpu.memory_space<hbm>> -> memref<1024xi32, #tpu.memory_space<hbm>>
    tpu.wait_dma2 semaphore(%arg30 : memref<!tpu.dma_semaphore, #tpu.memory_space<semaphore_mem>>) src(%dma_wait3A_245 : memref<1024xi32, #tpu.memory_space<hbm>>) dst(%arg10 : memref<1024xi32, #tpu.memory_space<vmem>>)
    %dma_wait3A_246 = tpu.memref_slice %arg3[%add3A_243] : memref<3276800xi32, #tpu.memory_space<hbm>> -> memref<1024xi32, #tpu.memory_space<hbm>>
    %dma_wait3A_247 = tpu.memref_slice %arg3[%add3A_243] : memref<3276800xi32, #tpu.memory_space<hbm>> -> memref<1024xi32, #tpu.memory_space<hbm>>
    tpu.wait_dma2 semaphore(%arg30 : memref<!tpu.dma_semaphore, #tpu.memory_space<semaphore_mem>>) src(%dma_wait3A_247 : memref<1024xi32, #tpu.memory_space<hbm>>) dst(%arg14 : memref<1024xi32, #tpu.memory_space<vmem>>)
    %dma_wait3A_248 = tpu.memref_slice %arg4[%add3A_243] : memref<3276800xi32, #tpu.memory_space<hbm>> -> memref<1024xi32, #tpu.memory_space<hbm>>
    %dma_wait3A_249 = tpu.memref_slice %arg4[%add3A_243] : memref<3276800xi32, #tpu.memory_space<hbm>> -> memref<1024xi32, #tpu.memory_space<hbm>>
    tpu.wait_dma2 semaphore(%arg30 : memref<!tpu.dma_semaphore, #tpu.memory_space<semaphore_mem>>) src(%dma_wait3A_249 : memref<1024xi32, #tpu.memory_space<hbm>>) dst(%arg18 : memref<1024xi32, #tpu.memory_space<vmem>>)
    %add3A_250 = arith.constant 0 : i32
    %add3A_251 = arith.addi %mul3A_2, %add3A_250 : i32
    %dma_wait3A_252 = arith.constant 0 : i32
    %dma_wait3A_253 = tpu.memref_slice %arg9[%add3A_251, %dma_wait3A_252] : memref<3276800x16xf32, #tpu.memory_space<hbm>> -> memref<1024x16xf32, #tpu.memory_space<hbm>>
    %dma_wait3A_254 = arith.constant 0 : i32
    %dma_wait3A_255 = tpu.memref_slice %arg9[%add3A_251, %dma_wait3A_254] : memref<3276800x16xf32, #tpu.memory_space<hbm>> -> memref<1024x16xf32, #tpu.memory_space<hbm>>
    tpu.wait_dma2 semaphore(%arg38 : memref<!tpu.dma_semaphore, #tpu.memory_space<semaphore_mem>>) src(%arg22 : memref<1024x16xf32, #tpu.memory_space<vmem>>) dst(%dma_wait3A_255 : memref<1024x16xf32, #tpu.memory_space<hbm>>)
    %dma_start3A_256 = arith.constant 0 : i32
    %dma_start3A_257 = arith.constant 0 : i32
    %dma_start3A_258 = tpu.memref_slice %arg8[%dma_start3A_256, %dma_start3A_257] : memref<1000000x16xf32, #tpu.memory_space<hbm>> -> memref<1000000x16xf32, #tpu.memory_space<hbm>>
    tpu.enqueue_indirect_dma source(%dma_start3A_258 : memref<1000000x16xf32, #tpu.memory_space<hbm>>) target(%arg22 : memref<1024x16xf32, #tpu.memory_space<vmem>>) offsets(%arg10 : memref<1024xi32, #tpu.memory_space<vmem>>) semaphore(%arg34 : memref<!tpu.dma_semaphore, #tpu.memory_space<semaphore_mem>>)
    %add3A_259 = arith.constant 3072 : i32
    %add3A_260 = arith.addi %mul3A_2, %add3A_259 : i32
    %dma_wait3A_261 = arith.constant 0 : i32
    %dma_wait3A_262 = arith.constant 0 : i32
    %dma_wait3A_263 = tpu.memref_slice %arg8[%dma_wait3A_261, %dma_wait3A_262] : memref<1000000x16xf32, #tpu.memory_space<hbm>> -> memref<1000000x16xf32, #tpu.memory_space<hbm>>
    tpu.wait_indirect_dma semaphore(%arg37 : memref<!tpu.dma_semaphore, #tpu.memory_space<semaphore_mem>>) src(%dma_wait3A_263 : memref<1000000x16xf32, #tpu.memory_space<hbm>>) dst(%arg25 : memref<1024x16xf32, #tpu.memory_space<vmem>>)
    %scan3A_264 = arith.constant 0 : i32
    %scan3A_265 = arith.constant 0 : i32
    %scan3A_266 = arith.constant 64 : i32
    %scan3A_267 = arith.addi %scan3A_265, %scan3A_266 : i32
    %scan3A_268 = arith.constant 1 : i32
    %scan3A_269 = scf.for %scan3A_437 = %scan3A_265 to %scan3A_267 step %scan3A_268 iter_args(%scan3A_438 = %scan3A_264) -> (i32)  : i32 {
      %mul3A_439 = arith.constant 16 : i32
      %mul3A_440 = arith.muli %scan3A_437, %mul3A_439 : i32
      %get3A = arith.index_cast %mul3A_440 : i32 to index
      %get3A_441 = tpu.vector_load %arg17[%get3A] {strides = array<i32>} : memref<1024xi32, #tpu.memory_space<vmem>>, vector<16xi32>,
      %mul3A_442 = arith.constant 8 : i32
      %mul3A_443 = vector.broadcast %mul3A_442 : i32 to vector<16xi32>
      %mul3A_444 = arith.muli %get3A_441, %mul3A_443 : vector<16xi32>
      %mul3A_445 = arith.constant 16 : i32
      %mul3A_446 = arith.muli %scan3A_437, %mul3A_445 : i32
      %get3A_447 = arith.index_cast %mul3A_446 : i32 to index
      %get3A_448 = tpu.vector_load %arg21[%get3A_447] {strides = array<i32>} : memref<1024xi32, #tpu.memory_space<vmem>>, vector<16xi32>,
      %add3A_449 = arith.addi %mul3A_444, %get3A_448 : vector<16xi32>
      %mul3A_450 = arith.constant 16 : i32
      %mul3A_451 = vector.broadcast %mul3A_450 : i32 to vector<16xi32>
      %mul3A_452 = arith.muli %add3A_449, %mul3A_451 : vector<16xi32>
      %mul3A_453 = arith.constant 16 : i32
      %mul3A_454 = arith.muli %scan3A_437, %mul3A_453 : i32
      %add3A_455 = vector.broadcast %mul3A_454 : i32 to vector<16xi32>
      %add3A_456 = arith.addi %iota3A, %add3A_455 : vector<16xi32>
      %add3A_457 = arith.addi %mul3A_452, %and3A_7 : vector<16xi32>
      %gather3A = tpu.vector_load_idx %arg26[%add3A_457] : memref<12288xf32, #tpu.memory_space<vmem>>[vector<16xi32>], vector<16xf32>,
      %add3A_458 = arith.addi %mul3A_452, %and3A_13 : vector<16xi32>
      %gather3A_459 = tpu.vector_load_idx %arg26[%add3A_458] : memref<12288xf32, #tpu.memory_space<vmem>>[vector<16xi32>], vector<16xf32>,
      %add3A_460 = arith.addi %mul3A_452, %and3A_19 : vector<16xi32>
      %gather3A_461 = tpu.vector_load_idx %arg26[%add3A_460] : memref<12288xf32, #tpu.memory_space<vmem>>[vector<16xi32>], vector<16xf32>,
      %add3A_462 = arith.addi %mul3A_452, %and3A_25 : vector<16xi32>
      %gather3A_463 = tpu.vector_load_idx %arg26[%add3A_462] : memref<12288xf32, #tpu.memory_space<vmem>>[vector<16xi32>], vector<16xf32>,
      %add3A_464 = arith.addi %mul3A_452, %and3A_31 : vector<16xi32>
      %gather3A_465 = tpu.vector_load_idx %arg26[%add3A_464] : memref<12288xf32, #tpu.memory_space<vmem>>[vector<16xi32>], vector<16xf32>,
      %add3A_466 = arith.addi %mul3A_452, %and3A_37 : vector<16xi32>
      %gather3A_467 = tpu.vector_load_idx %arg26[%add3A_466] : memref<12288xf32, #tpu.memory_space<vmem>>[vector<16xi32>], vector<16xf32>,
      %add3A_468 = arith.addi %mul3A_452, %and3A_43 : vector<16xi32>
      %gather3A_469 = tpu.vector_load_idx %arg26[%add3A_468] : memref<12288xf32, #tpu.memory_space<vmem>>[vector<16xi32>], vector<16xf32>,
      %add3A_470 = arith.addi %mul3A_452, %and3A_49 : vector<16xi32>
      %gather3A_471 = tpu.vector_load_idx %arg26[%add3A_470] : memref<12288xf32, #tpu.memory_space<vmem>>[vector<16xi32>], vector<16xf32>,
      %add3A_472 = arith.addi %mul3A_452, %and3A_55 : vector<16xi32>
      %gather3A_473 = tpu.vector_load_idx %arg26[%add3A_472] : memref<12288xf32, #tpu.memory_space<vmem>>[vector<16xi32>], vector<16xf32>,
      %add3A_474 = arith.addi %mul3A_452, %and3A_61 : vector<16xi32>
      %gather3A_475 = tpu.vector_load_idx %arg26[%add3A_474] : memref<12288xf32, #tpu.memory_space<vmem>>[vector<16xi32>], vector<16xf32>,
      %add3A_476 = arith.addi %mul3A_452, %and3A_67 : vector<16xi32>
      %gather3A_477 = tpu.vector_load_idx %arg26[%add3A_476] : memref<12288xf32, #tpu.memory_space<vmem>>[vector<16xi32>], vector<16xf32>,
      %add3A_478 = arith.addi %mul3A_452, %and3A_73 : vector<16xi32>
      %gather3A_479 = tpu.vector_load_idx %arg26[%add3A_478] : memref<12288xf32, #tpu.memory_space<vmem>>[vector<16xi32>], vector<16xf32>,
      %add3A_480 = arith.addi %mul3A_452, %and3A_79 : vector<16xi32>
      %gather3A_481 = tpu.vector_load_idx %arg26[%add3A_480] : memref<12288xf32, #tpu.memory_space<vmem>>[vector<16xi32>], vector<16xf32>,
      %add3A_482 = arith.addi %mul3A_452, %and3A_85 : vector<16xi32>
      %gather3A_483 = tpu.vector_load_idx %arg26[%add3A_482] : memref<12288xf32, #tpu.memory_space<vmem>>[vector<16xi32>], vector<16xf32>,
      %add3A_484 = arith.addi %mul3A_452, %and3A_91 : vector<16xi32>
      %gather3A_485 = tpu.vector_load_idx %arg26[%add3A_484] : memref<12288xf32, #tpu.memory_space<vmem>>[vector<16xi32>], vector<16xf32>,
      %add3A_486 = arith.addi %mul3A_452, %and3A_97 : vector<16xi32>
      %gather3A_487 = tpu.vector_load_idx %arg26[%add3A_486] : memref<12288xf32, #tpu.memory_space<vmem>>[vector<16xi32>], vector<16xf32>,
      tpu.vector_store_idx %arg25[%add3A_456, %and3A_7], %gather3A {add = true} : memref<1024x16xf32, #tpu.memory_space<vmem>>[vector<16xi32>, vector<16xi32>], vector<16xf32>,
      tpu.vector_store_idx %arg25[%add3A_456, %and3A_13], %gather3A_459 {add = true} : memref<1024x16xf32, #tpu.memory_space<vmem>>[vector<16xi32>, vector<16xi32>], vector<16xf32>,
      tpu.vector_store_idx %arg25[%add3A_456, %and3A_19], %gather3A_461 {add = true} : memref<1024x16xf32, #tpu.memory_space<vmem>>[vector<16xi32>, vector<16xi32>], vector<16xf32>,
      tpu.vector_store_idx %arg25[%add3A_456, %and3A_25], %gather3A_463 {add = true} : memref<1024x16xf32, #tpu.memory_space<vmem>>[vector<16xi32>, vector<16xi32>], vector<16xf32>,
      tpu.vector_store_idx %arg25[%add3A_456, %and3A_31], %gather3A_465 {add = true} : memref<1024x16xf32, #tpu.memory_space<vmem>>[vector<16xi32>, vector<16xi32>], vector<16xf32>,
      tpu.vector_store_idx %arg25[%add3A_456, %and3A_37], %gather3A_467 {add = true} : memref<1024x16xf32, #tpu.memory_space<vmem>>[vector<16xi32>, vector<16xi32>], vector<16xf32>,
      tpu.vector_store_idx %arg25[%add3A_456, %and3A_43], %gather3A_469 {add = true} : memref<1024x16xf32, #tpu.memory_space<vmem>>[vector<16xi32>, vector<16xi32>], vector<16xf32>,
      tpu.vector_store_idx %arg25[%add3A_456, %and3A_49], %gather3A_471 {add = true} : memref<1024x16xf32, #tpu.memory_space<vmem>>[vector<16xi32>, vector<16xi32>], vector<16xf32>,
      tpu.vector_store_idx %arg25[%add3A_456, %and3A_55], %gather3A_473 {add = true} : memref<1024x16xf32, #tpu.memory_space<vmem>>[vector<16xi32>, vector<16xi32>], vector<16xf32>,
      tpu.vector_store_idx %arg25[%add3A_456, %and3A_61], %gather3A_475 {add = true} : memref<1024x16xf32, #tpu.memory_space<vmem>>[vector<16xi32>, vector<16xi32>], vector<16xf32>,
      tpu.vector_store_idx %arg25[%add3A_456, %and3A_67], %gather3A_477 {add = true} : memref<1024x16xf32, #tpu.memory_space<vmem>>[vector<16xi32>, vector<16xi32>], vector<16xf32>,
      tpu.vector_store_idx %arg25[%add3A_456, %and3A_73], %gather3A_479 {add = true} : memref<1024x16xf32, #tpu.memory_space<vmem>>[vector<16xi32>, vector<16xi32>], vector<16xf32>,
      tpu.vector_store_idx %arg25[%add3A_456, %and3A_79], %gather3A_481 {add = true} : memref<1024x16xf32, #tpu.memory_space<vmem>>[vector<16xi32>, vector<16xi32>], vector<16xf32>,
      tpu.vector_store_idx %arg25[%add3A_456, %and3A_85], %gather3A_483 {add = true} : memref<1024x16xf32, #tpu.memory_space<vmem>>[vector<16xi32>, vector<16xi32>], vector<16xf32>,
      tpu.vector_store_idx %arg25[%add3A_456, %and3A_91], %gather3A_485 {add = true} : memref<1024x16xf32, #tpu.memory_space<vmem>>[vector<16xi32>, vector<16xi32>], vector<16xf32>,
      tpu.vector_store_idx %arg25[%add3A_456, %and3A_97], %gather3A_487 {add = true} : memref<1024x16xf32, #tpu.memory_space<vmem>>[vector<16xi32>, vector<16xi32>], vector<16xf32>,
      %scan3A_488 = arith.constant 0 : i32
      scf.yield %scan3A_488 : i32
    }
    %scan3A_270 = arith.constant 64 : i32
    %dma_start3A_271 = arith.constant 0 : i32
    %dma_start3A_272 = tpu.memref_slice %arg9[%add3A_260, %dma_start3A_271] : memref<3276800x16xf32, #tpu.memory_space<hbm>> -> memref<1024x16xf32, #tpu.memory_space<hbm>>
    %dma_start3A_273 = arith.constant 0 : i32
    %dma_start3A_274 = tpu.memref_slice %arg9[%add3A_260, %dma_start3A_273] : memref<3276800x16xf32, #tpu.memory_space<hbm>> -> memref<1024x16xf32, #tpu.memory_space<hbm>>
    tpu.enqueue_dma source(%arg25 : memref<1024x16xf32, #tpu.memory_space<vmem>>) target(%dma_start3A_274 : memref<1024x16xf32, #tpu.memory_space<hbm>>) target_semaphore(%arg41 : memref<!tpu.dma_semaphore, #tpu.memory_space<semaphore_mem>>)
    %scan3A_275 = arith.constant 0 : i32
    %scan3A_276 = arith.constant 0 : i32
    %scan3A_277 = arith.constant 23 : i32
    %scan3A_278 = arith.addi %scan3A_276, %scan3A_277 : i32
    %scan3A_279 = arith.constant 1 : i32
    %scan3A_280 = scf.for %scan3A_437 = %scan3A_276 to %scan3A_278 step %scan3A_279 iter_args(%scan3A_438 = %scan3A_275) -> (i32)  : i32 {
      %mul3A_439 = arith.constant 4 : i32
      %mul3A_440 = arith.muli %scan3A_437, %mul3A_439 : i32
      %add3A_441 = arith.constant 4 : i32
      %add3A_442 = arith.addi %add3A_441, %mul3A_440 : i32
      %add3A_443 = arith.constant 0 : i32
      %add3A_444 = arith.addi %add3A_442, %add3A_443 : i32
      %add3A_445 = arith.constant 2 : i32
      %add3A_446 = arith.addi %add3A_444, %add3A_445 : i32
      %mul3A_447 = arith.constant 1024 : i32
      %mul3A_448 = arith.muli %add3A_446, %mul3A_447 : i32
      %add3A_449 = arith.addi %mul3A_2, %mul3A_448 : i32
      %dma_start3A_450 = tpu.memref_slice %arg2[%add3A_449] : memref<3276800xi32, #tpu.memory_space<hbm>> -> memref<1024xi32, #tpu.memory_space<hbm>>
      %dma_start3A_451 = tpu.memref_slice %arg2[%add3A_449] : memref<3276800xi32, #tpu.memory_space<hbm>> -> memref<1024xi32, #tpu.memory_space<hbm>>
      tpu.enqueue_dma source(%dma_start3A_451 : memref<1024xi32, #tpu.memory_space<hbm>>) target(%arg12 : memref<1024xi32, #tpu.memory_space<vmem>>) target_semaphore(%arg32 : memref<!tpu.dma_semaphore, #tpu.memory_space<semaphore_mem>>)
      %dma_start3A_452 = tpu.memref_slice %arg3[%add3A_449] : memref<3276800xi32, #tpu.memory_space<hbm>> -> memref<1024xi32, #tpu.memory_space<hbm>>
      %dma_start3A_453 = tpu.memref_slice %arg3[%add3A_449] : memref<3276800xi32, #tpu.memory_space<hbm>> -> memref<1024xi32, #tpu.memory_space<hbm>>
      tpu.enqueue_dma source(%dma_start3A_453 : memref<1024xi32, #tpu.memory_space<hbm>>) target(%arg16 : memref<1024xi32, #tpu.memory_space<vmem>>) target_semaphore(%arg32 : memref<!tpu.dma_semaphore, #tpu.memory_space<semaphore_mem>>)
      %dma_start3A_454 = tpu.memref_slice %arg4[%add3A_449] : memref<3276800xi32, #tpu.memory_space<hbm>> -> memref<1024xi32, #tpu.memory_space<hbm>>
      %dma_start3A_455 = tpu.memref_slice %arg4[%add3A_449] : memref<3276800xi32, #tpu.memory_space<hbm>> -> memref<1024xi32, #tpu.memory_space<hbm>>
      tpu.enqueue_dma source(%dma_start3A_455 : memref<1024xi32, #tpu.memory_space<hbm>>) target(%arg20 : memref<1024xi32, #tpu.memory_space<vmem>>) target_semaphore(%arg32 : memref<!tpu.dma_semaphore, #tpu.memory_space<semaphore_mem>>)
      %add3A_456 = arith.constant 1 : i32
      %add3A_457 = arith.addi %add3A_444, %add3A_456 : i32
      %mul3A_458 = arith.constant 1024 : i32
      %mul3A_459 = arith.muli %add3A_457, %mul3A_458 : i32
      %add3A_460 = arith.addi %mul3A_2, %mul3A_459 : i32
      %dma_wait3A_461 = tpu.memref_slice %arg2[%add3A_460] : memref<3276800xi32, #tpu.memory_space<hbm>> -> memref<1024xi32, #tpu.memory_space<hbm>>
      %dma_wait3A_462 = tpu.memref_slice %arg2[%add3A_460] : memref<3276800xi32, #tpu.memory_space<hbm>> -> memref<1024xi32, #tpu.memory_space<hbm>>
      tpu.wait_dma2 semaphore(%arg31 : memref<!tpu.dma_semaphore, #tpu.memory_space<semaphore_mem>>) src(%dma_wait3A_462 : memref<1024xi32, #tpu.memory_space<hbm>>) dst(%arg11 : memref<1024xi32, #tpu.memory_space<vmem>>)
      %dma_wait3A_463 = tpu.memref_slice %arg3[%add3A_460] : memref<3276800xi32, #tpu.memory_space<hbm>> -> memref<1024xi32, #tpu.memory_space<hbm>>
      %dma_wait3A_464 = tpu.memref_slice %arg3[%add3A_460] : memref<3276800xi32, #tpu.memory_space<hbm>> -> memref<1024xi32, #tpu.memory_space<hbm>>
      tpu.wait_dma2 semaphore(%arg31 : memref<!tpu.dma_semaphore, #tpu.memory_space<semaphore_mem>>) src(%dma_wait3A_464 : memref<1024xi32, #tpu.memory_space<hbm>>) dst(%arg15 : memref<1024xi32, #tpu.memory_space<vmem>>)
      %dma_wait3A_465 = tpu.memref_slice %arg4[%add3A_460] : memref<3276800xi32, #tpu.memory_space<hbm>> -> memref<1024xi32, #tpu.memory_space<hbm>>
      %dma_wait3A_466 = tpu.memref_slice %arg4[%add3A_460] : memref<3276800xi32, #tpu.memory_space<hbm>> -> memref<1024xi32, #tpu.memory_space<hbm>>
      tpu.wait_dma2 semaphore(%arg31 : memref<!tpu.dma_semaphore, #tpu.memory_space<semaphore_mem>>) src(%dma_wait3A_466 : memref<1024xi32, #tpu.memory_space<hbm>>) dst(%arg19 : memref<1024xi32, #tpu.memory_space<vmem>>)
      %sub3A = arith.constant 4 : i32
      %sub3A_467 = arith.subi %add3A_457, %sub3A : i32
      %mul3A_468 = arith.constant 1024 : i32
      %mul3A_469 = arith.muli %sub3A_467, %mul3A_468 : i32
      %add3A_470 = arith.addi %mul3A_2, %mul3A_469 : i32
      %dma_wait3A_471 = arith.constant 0 : i32
      %dma_wait3A_472 = tpu.memref_slice %arg9[%add3A_470, %dma_wait3A_471] : memref<3276800x16xf32, #tpu.memory_space<hbm>> -> memref<1024x16xf32, #tpu.memory_space<hbm>>
      %dma_wait3A_473 = arith.constant 0 : i32
      %dma_wait3A_474 = tpu.memref_slice %arg9[%add3A_470, %dma_wait3A_473] : memref<3276800x16xf32, #tpu.memory_space<hbm>> -> memref<1024x16xf32, #tpu.memory_space<hbm>>
      tpu.wait_dma2 semaphore(%arg39 : memref<!tpu.dma_semaphore, #tpu.memory_space<semaphore_mem>>) src(%arg23 : memref<1024x16xf32, #tpu.memory_space<vmem>>) dst(%dma_wait3A_474 : memref<1024x16xf32, #tpu.memory_space<hbm>>)
      %dma_start3A_475 = arith.constant 0 : i32
      %dma_start3A_476 = arith.constant 0 : i32
      %dma_start3A_477 = tpu.memref_slice %arg8[%dma_start3A_475, %dma_start3A_476] : memref<1000000x16xf32, #tpu.memory_space<hbm>> -> memref<1000000x16xf32, #tpu.memory_space<hbm>>
      tpu.enqueue_indirect_dma source(%dma_start3A_477 : memref<1000000x16xf32, #tpu.memory_space<hbm>>) target(%arg23 : memref<1024x16xf32, #tpu.memory_space<vmem>>) offsets(%arg11 : memref<1024xi32, #tpu.memory_space<vmem>>) semaphore(%arg35 : memref<!tpu.dma_semaphore, #tpu.memory_space<semaphore_mem>>)
      %mul3A_478 = arith.constant 1024 : i32
      %mul3A_479 = arith.muli %add3A_444, %mul3A_478 : i32
      %add3A_480 = arith.addi %mul3A_2, %mul3A_479 : i32
      %dma_wait3A_481 = arith.constant 0 : i32
      %dma_wait3A_482 = arith.constant 0 : i32
      %dma_wait3A_483 = tpu.memref_slice %arg8[%dma_wait3A_481, %dma_wait3A_482] : memref<1000000x16xf32, #tpu.memory_space<hbm>> -> memref<1000000x16xf32, #tpu.memory_space<hbm>>
      tpu.wait_indirect_dma semaphore(%arg34 : memref<!tpu.dma_semaphore, #tpu.memory_space<semaphore_mem>>) src(%dma_wait3A_483 : memref<1000000x16xf32, #tpu.memory_space<hbm>>) dst(%arg22 : memref<1024x16xf32, #tpu.memory_space<vmem>>)
      %scan3A_484 = arith.constant 0 : i32
      %scan3A_485 = arith.constant 0 : i32
      %scan3A_486 = arith.constant 64 : i32
      %scan3A_487 = arith.addi %scan3A_485, %scan3A_486 : i32
      %scan3A_488 = arith.constant 1 : i32
      %scan3A_489 = scf.for %scan3A_655 = %scan3A_485 to %scan3A_487 step %scan3A_488 iter_args(%scan3A_656 = %scan3A_484) -> (i32)  : i32 {
        %mul3A_657 = arith.constant 16 : i32
        %mul3A_658 = arith.muli %scan3A_655, %mul3A_657 : i32
        %get3A = arith.index_cast %mul3A_658 : i32 to index
        %get3A_659 = tpu.vector_load %arg14[%get3A] {strides = array<i32>} : memref<1024xi32, #tpu.memory_space<vmem>>, vector<16xi32>,
        %mul3A_660 = arith.constant 8 : i32
        %mul3A_661 = vector.broadcast %mul3A_660 : i32 to vector<16xi32>
        %mul3A_662 = arith.muli %get3A_659, %mul3A_661 : vector<16xi32>
        %mul3A_663 = arith.constant 16 : i32
        %mul3A_664 = arith.muli %scan3A_655, %mul3A_663 : i32
        %get3A_665 = arith.index_cast %mul3A_664 : i32 to index
        %get3A_666 = tpu.vector_load %arg18[%get3A_665] {strides = array<i32>} : memref<1024xi32, #tpu.memory_space<vmem>>, vector<16xi32>,
        %add3A_667 = arith.addi %mul3A_662, %get3A_666 : vector<16xi32>
        %mul3A_668 = arith.constant 16 : i32
        %mul3A_669 = vector.broadcast %mul3A_668 : i32 to vector<16xi32>
        %mul3A_670 = arith.muli %add3A_667, %mul3A_669 : vector<16xi32>
        %mul3A_671 = arith.constant 16 : i32
        %mul3A_672 = arith.muli %scan3A_655, %mul3A_671 : i32
        %add3A_673 = vector.broadcast %mul3A_672 : i32 to vector<16xi32>
        %add3A_674 = arith.addi %iota3A, %add3A_673 : vector<16xi32>
        %add3A_675 = arith.addi %mul3A_670, %and3A_7 : vector<16xi32>
        %gather3A = tpu.vector_load_idx %arg26[%add3A_675] : memref<12288xf32, #tpu.memory_space<vmem>>[vector<16xi32>], vector<16xf32>,
        %add3A_676 = arith.addi %mul3A_670, %and3A_13 : vector<16xi32>
        %gather3A_677 = tpu.vector_load_idx %arg26[%add3A_676] : memref<12288xf32, #tpu.memory_space<vmem>>[vector<16xi32>], vector<16xf32>,
        %add3A_678 = arith.addi %mul3A_670, %and3A_19 : vector<16xi32>
        %gather3A_679 = tpu.vector_load_idx %arg26[%add3A_678] : memref<12288xf32, #tpu.memory_space<vmem>>[vector<16xi32>], vector<16xf32>,
        %add3A_680 = arith.addi %mul3A_670, %and3A_25 : vector<16xi32>
        %gather3A_681 = tpu.vector_load_idx %arg26[%add3A_680] : memref<12288xf32, #tpu.memory_space<vmem>>[vector<16xi32>], vector<16xf32>,
        %add3A_682 = arith.addi %mul3A_670, %and3A_31 : vector<16xi32>
        %gather3A_683 = tpu.vector_load_idx %arg26[%add3A_682] : memref<12288xf32, #tpu.memory_space<vmem>>[vector<16xi32>], vector<16xf32>,
        %add3A_684 = arith.addi %mul3A_670, %and3A_37 : vector<16xi32>
        %gather3A_685 = tpu.vector_load_idx %arg26[%add3A_684] : memref<12288xf32, #tpu.memory_space<vmem>>[vector<16xi32>], vector<16xf32>,
        %add3A_686 = arith.addi %mul3A_670, %and3A_43 : vector<16xi32>
        %gather3A_687 = tpu.vector_load_idx %arg26[%add3A_686] : memref<12288xf32, #tpu.memory_space<vmem>>[vector<16xi32>], vector<16xf32>,
        %add3A_688 = arith.addi %mul3A_670, %and3A_49 : vector<16xi32>
        %gather3A_689 = tpu.vector_load_idx %arg26[%add3A_688] : memref<12288xf32, #tpu.memory_space<vmem>>[vector<16xi32>], vector<16xf32>,
        %add3A_690 = arith.addi %mul3A_670, %and3A_55 : vector<16xi32>
        %gather3A_691 = tpu.vector_load_idx %arg26[%add3A_690] : memref<12288xf32, #tpu.memory_space<vmem>>[vector<16xi32>], vector<16xf32>,
        %add3A_692 = arith.addi %mul3A_670, %and3A_61 : vector<16xi32>
        %gather3A_693 = tpu.vector_load_idx %arg26[%add3A_692] : memref<12288xf32, #tpu.memory_space<vmem>>[vector<16xi32>], vector<16xf32>,
        %add3A_694 = arith.addi %mul3A_670, %and3A_67 : vector<16xi32>
        %gather3A_695 = tpu.vector_load_idx %arg26[%add3A_694] : memref<12288xf32, #tpu.memory_space<vmem>>[vector<16xi32>], vector<16xf32>,
        %add3A_696 = arith.addi %mul3A_670, %and3A_73 : vector<16xi32>
        %gather3A_697 = tpu.vector_load_idx %arg26[%add3A_696] : memref<12288xf32, #tpu.memory_space<vmem>>[vector<16xi32>], vector<16xf32>,
        %add3A_698 = arith.addi %mul3A_670, %and3A_79 : vector<16xi32>
        %gather3A_699 = tpu.vector_load_idx %arg26[%add3A_698] : memref<12288xf32, #tpu.memory_space<vmem>>[vector<16xi32>], vector<16xf32>,
        %add3A_700 = arith.addi %mul3A_670, %and3A_85 : vector<16xi32>
        %gather3A_701 = tpu.vector_load_idx %arg26[%add3A_700] : memref<12288xf32, #tpu.memory_space<vmem>>[vector<16xi32>], vector<16xf32>,
        %add3A_702 = arith.addi %mul3A_670, %and3A_91 : vector<16xi32>
        %gather3A_703 = tpu.vector_load_idx %arg26[%add3A_702] : memref<12288xf32, #tpu.memory_space<vmem>>[vector<16xi32>], vector<16xf32>,
        %add3A_704 = arith.addi %mul3A_670, %and3A_97 : vector<16xi32>
        %gather3A_705 = tpu.vector_load_idx %arg26[%add3A_704] : memref<12288xf32, #tpu.memory_space<vmem>>[vector<16xi32>], vector<16xf32>,
        tpu.vector_store_idx %arg22[%add3A_674, %and3A_7], %gather3A {add = true} : memref<1024x16xf32, #tpu.memory_space<vmem>>[vector<16xi32>, vector<16xi32>], vector<16xf32>,
        tpu.vector_store_idx %arg22[%add3A_674, %and3A_13], %gather3A_677 {add = true} : memref<1024x16xf32, #tpu.memory_space<vmem>>[vector<16xi32>, vector<16xi32>], vector<16xf32>,
        tpu.vector_store_idx %arg22[%add3A_674, %and3A_19], %gather3A_679 {add = true} : memref<1024x16xf32, #tpu.memory_space<vmem>>[vector<16xi32>, vector<16xi32>], vector<16xf32>,
        tpu.vector_store_idx %arg22[%add3A_674, %and3A_25], %gather3A_681 {add = true} : memref<1024x16xf32, #tpu.memory_space<vmem>>[vector<16xi32>, vector<16xi32>], vector<16xf32>,
        tpu.vector_store_idx %arg22[%add3A_674, %and3A_31], %gather3A_683 {add = true} : memref<1024x16xf32, #tpu.memory_space<vmem>>[vector<16xi32>, vector<16xi32>], vector<16xf32>,
        tpu.vector_store_idx %arg22[%add3A_674, %and3A_37], %gather3A_685 {add = true} : memref<1024x16xf32, #tpu.memory_space<vmem>>[vector<16xi32>, vector<16xi32>], vector<16xf32>,
        tpu.vector_store_idx %arg22[%add3A_674, %and3A_43], %gather3A_687 {add = true} : memref<1024x16xf32, #tpu.memory_space<vmem>>[vector<16xi32>, vector<16xi32>], vector<16xf32>,
        tpu.vector_store_idx %arg22[%add3A_674, %and3A_49], %gather3A_689 {add = true} : memref<1024x16xf32, #tpu.memory_space<vmem>>[vector<16xi32>, vector<16xi32>], vector<16xf32>,
        tpu.vector_store_idx %arg22[%add3A_674, %and3A_55], %gather3A_691 {add = true} : memref<1024x16xf32, #tpu.memory_space<vmem>>[vector<16xi32>, vector<16xi32>], vector<16xf32>,
        tpu.vector_store_idx %arg22[%add3A_674, %and3A_61], %gather3A_693 {add = true} : memref<1024x16xf32, #tpu.memory_space<vmem>>[vector<16xi32>, vector<16xi32>], vector<16xf32>,
        tpu.vector_store_idx %arg22[%add3A_674, %and3A_67], %gather3A_695 {add = true} : memref<1024x16xf32, #tpu.memory_space<vmem>>[vector<16xi32>, vector<16xi32>], vector<16xf32>,
        tpu.vector_store_idx %arg22[%add3A_674, %and3A_73], %gather3A_697 {add = true} : memref<1024x16xf32, #tpu.memory_space<vmem>>[vector<16xi32>, vector<16xi32>], vector<16xf32>,
        tpu.vector_store_idx %arg22[%add3A_674, %and3A_79], %gather3A_699 {add = true} : memref<1024x16xf32, #tpu.memory_space<vmem>>[vector<16xi32>, vector<16xi32>], vector<16xf32>,
        tpu.vector_store_idx %arg22[%add3A_674, %and3A_85], %gather3A_701 {add = true} : memref<1024x16xf32, #tpu.memory_space<vmem>>[vector<16xi32>, vector<16xi32>], vector<16xf32>,
        tpu.vector_store_idx %arg22[%add3A_674, %and3A_91], %gather3A_703 {add = true} : memref<1024x16xf32, #tpu.memory_space<vmem>>[vector<16xi32>, vector<16xi32>], vector<16xf32>,
        tpu.vector_store_idx %arg22[%add3A_674, %and3A_97], %gather3A_705 {add = true} : memref<1024x16xf32, #tpu.memory_space<vmem>>[vector<16xi32>, vector<16xi32>], vector<16xf32>,
        %scan3A_706 = arith.constant 0 : i32
        scf.yield %scan3A_706 : i32
      }
      %scan3A_490 = arith.constant 64 : i32
      %dma_start3A_491 = arith.constant 0 : i32
      %dma_start3A_492 = tpu.memref_slice %arg9[%add3A_480, %dma_start3A_491] : memref<3276800x16xf32, #tpu.memory_space<hbm>> -> memref<1024x16xf32, #tpu.memory_space<hbm>>
      %dma_start3A_493 = arith.constant 0 : i32
      %dma_start3A_494 = tpu.memref_slice %arg9[%add3A_480, %dma_start3A_493] : memref<3276800x16xf32, #tpu.memory_space<hbm>> -> memref<1024x16xf32, #tpu.memory_space<hbm>>
      tpu.enqueue_dma source(%arg22 : memref<1024x16xf32, #tpu.memory_space<vmem>>) target(%dma_start3A_494 : memref<1024x16xf32, #tpu.memory_space<hbm>>) target_semaphore(%arg38 : memref<!tpu.dma_semaphore, #tpu.memory_space<semaphore_mem>>)
      %add3A_495 = arith.constant 1 : i32
      %add3A_496 = arith.addi %add3A_442, %add3A_495 : i32
      %add3A_497 = arith.constant 2 : i32
      %add3A_498 = arith.addi %add3A_496, %add3A_497 : i32
      %mul3A_499 = arith.constant 1024 : i32
      %mul3A_500 = arith.muli %add3A_498, %mul3A_499 : i32
      %add3A_501 = arith.addi %mul3A_2, %mul3A_500 : i32
      %dma_start3A_502 = tpu.memref_slice %arg2[%add3A_501] : memref<3276800xi32, #tpu.memory_space<hbm>> -> memref<1024xi32, #tpu.memory_space<hbm>>
      %dma_start3A_503 = tpu.memref_slice %arg2[%add3A_501] : memref<3276800xi32, #tpu.memory_space<hbm>> -> memref<1024xi32, #tpu.memory_space<hbm>>
      tpu.enqueue_dma source(%dma_start3A_503 : memref<1024xi32, #tpu.memory_space<hbm>>) target(%arg13 : memref<1024xi32, #tpu.memory_space<vmem>>) target_semaphore(%arg33 : memref<!tpu.dma_semaphore, #tpu.memory_space<semaphore_mem>>)
      %dma_start3A_504 = tpu.memref_slice %arg3[%add3A_501] : memref<3276800xi32, #tpu.memory_space<hbm>> -> memref<1024xi32, #tpu.memory_space<hbm>>
      %dma_start3A_505 = tpu.memref_slice %arg3[%add3A_501] : memref<3276800xi32, #tpu.memory_space<hbm>> -> memref<1024xi32, #tpu.memory_space<hbm>>
      tpu.enqueue_dma source(%dma_start3A_505 : memref<1024xi32, #tpu.memory_space<hbm>>) target(%arg17 : memref<1024xi32, #tpu.memory_space<vmem>>) target_semaphore(%arg33 : memref<!tpu.dma_semaphore, #tpu.memory_space<semaphore_mem>>)
      %dma_start3A_506 = tpu.memref_slice %arg4[%add3A_501] : memref<3276800xi32, #tpu.memory_space<hbm>> -> memref<1024xi32, #tpu.memory_space<hbm>>
      %dma_start3A_507 = tpu.memref_slice %arg4[%add3A_501] : memref<3276800xi32, #tpu.memory_space<hbm>> -> memref<1024xi32, #tpu.memory_space<hbm>>
      tpu.enqueue_dma source(%dma_start3A_507 : memref<1024xi32, #tpu.memory_space<hbm>>) target(%arg21 : memref<1024xi32, #tpu.memory_space<vmem>>) target_semaphore(%arg33 : memref<!tpu.dma_semaphore, #tpu.memory_space<semaphore_mem>>)
      %add3A_508 = arith.constant 1 : i32
      %add3A_509 = arith.addi %add3A_496, %add3A_508 : i32
      %mul3A_510 = arith.constant 1024 : i32
      %mul3A_511 = arith.muli %add3A_509, %mul3A_510 : i32
      %add3A_512 = arith.addi %mul3A_2, %mul3A_511 : i32
      %dma_wait3A_513 = tpu.memref_slice %arg2[%add3A_512] : memref<3276800xi32, #tpu.memory_space<hbm>> -> memref<1024xi32, #tpu.memory_space<hbm>>
      %dma_wait3A_514 = tpu.memref_slice %arg2[%add3A_512] : memref<3276800xi32, #tpu.memory_space<hbm>> -> memref<1024xi32, #tpu.memory_space<hbm>>
      tpu.wait_dma2 semaphore(%arg32 : memref<!tpu.dma_semaphore, #tpu.memory_space<semaphore_mem>>) src(%dma_wait3A_514 : memref<1024xi32, #tpu.memory_space<hbm>>) dst(%arg12 : memref<1024xi32, #tpu.memory_space<vmem>>)
      %dma_wait3A_515 = tpu.memref_slice %arg3[%add3A_512] : memref<3276800xi32, #tpu.memory_space<hbm>> -> memref<1024xi32, #tpu.memory_space<hbm>>
      %dma_wait3A_516 = tpu.memref_slice %arg3[%add3A_512] : memref<3276800xi32, #tpu.memory_space<hbm>> -> memref<1024xi32, #tpu.memory_space<hbm>>
      tpu.wait_dma2 semaphore(%arg32 : memref<!tpu.dma_semaphore, #tpu.memory_space<semaphore_mem>>) src(%dma_wait3A_516 : memref<1024xi32, #tpu.memory_space<hbm>>) dst(%arg16 : memref<1024xi32, #tpu.memory_space<vmem>>)
      %dma_wait3A_517 = tpu.memref_slice %arg4[%add3A_512] : memref<3276800xi32, #tpu.memory_space<hbm>> -> memref<1024xi32, #tpu.memory_space<hbm>>
      %dma_wait3A_518 = tpu.memref_slice %arg4[%add3A_512] : memref<3276800xi32, #tpu.memory_space<hbm>> -> memref<1024xi32, #tpu.memory_space<hbm>>
      tpu.wait_dma2 semaphore(%arg32 : memref<!tpu.dma_semaphore, #tpu.memory_space<semaphore_mem>>) src(%dma_wait3A_518 : memref<1024xi32, #tpu.memory_space<hbm>>) dst(%arg20 : memref<1024xi32, #tpu.memory_space<vmem>>)
      %sub3A_519 = arith.constant 4 : i32
      %sub3A_520 = arith.subi %add3A_509, %sub3A_519 : i32
      %mul3A_521 = arith.constant 1024 : i32
      %mul3A_522 = arith.muli %sub3A_520, %mul3A_521 : i32
      %add3A_523 = arith.addi %mul3A_2, %mul3A_522 : i32
      %dma_wait3A_524 = arith.constant 0 : i32
      %dma_wait3A_525 = tpu.memref_slice %arg9[%add3A_523, %dma_wait3A_524] : memref<3276800x16xf32, #tpu.memory_space<hbm>> -> memref<1024x16xf32, #tpu.memory_space<hbm>>
      %dma_wait3A_526 = arith.constant 0 : i32
      %dma_wait3A_527 = tpu.memref_slice %arg9[%add3A_523, %dma_wait3A_526] : memref<3276800x16xf32, #tpu.memory_space<hbm>> -> memref<1024x16xf32, #tpu.memory_space<hbm>>
      tpu.wait_dma2 semaphore(%arg40 : memref<!tpu.dma_semaphore, #tpu.memory_space<semaphore_mem>>) src(%arg24 : memref<1024x16xf32, #tpu.memory_space<vmem>>) dst(%dma_wait3A_527 : memref<1024x16xf32, #tpu.memory_space<hbm>>)
      %dma_start3A_528 = arith.constant 0 : i32
      %dma_start3A_529 = arith.constant 0 : i32
      %dma_start3A_530 = tpu.memref_slice %arg8[%dma_start3A_528, %dma_start3A_529] : memref<1000000x16xf32, #tpu.memory_space<hbm>> -> memref<1000000x16xf32, #tpu.memory_space<hbm>>
      tpu.enqueue_indirect_dma source(%dma_start3A_530 : memref<1000000x16xf32, #tpu.memory_space<hbm>>) target(%arg24 : memref<1024x16xf32, #tpu.memory_space<vmem>>) offsets(%arg12 : memref<1024xi32, #tpu.memory_space<vmem>>) semaphore(%arg36 : memref<!tpu.dma_semaphore, #tpu.memory_space<semaphore_mem>>)
      %mul3A_531 = arith.constant 1024 : i32
      %mul3A_532 = arith.muli %add3A_496, %mul3A_531 : i32
      %add3A_533 = arith.addi %mul3A_2, %mul3A_532 : i32
      %dma_wait3A_534 = arith.constant 0 : i32
      %dma_wait3A_535 = arith.constant 0 : i32
      %dma_wait3A_536 = tpu.memref_slice %arg8[%dma_wait3A_534, %dma_wait3A_535] : memref<1000000x16xf32, #tpu.memory_space<hbm>> -> memref<1000000x16xf32, #tpu.memory_space<hbm>>
      tpu.wait_indirect_dma semaphore(%arg35 : memref<!tpu.dma_semaphore, #tpu.memory_space<semaphore_mem>>) src(%dma_wait3A_536 : memref<1000000x16xf32, #tpu.memory_space<hbm>>) dst(%arg23 : memref<1024x16xf32, #tpu.memory_space<vmem>>)
      %scan3A_537 = arith.constant 0 : i32
      %scan3A_538 = arith.constant 0 : i32
      %scan3A_539 = arith.constant 64 : i32
      %scan3A_540 = arith.addi %scan3A_538, %scan3A_539 : i32
      %scan3A_541 = arith.constant 1 : i32
      %scan3A_542 = scf.for %scan3A_655 = %scan3A_538 to %scan3A_540 step %scan3A_541 iter_args(%scan3A_656 = %scan3A_537) -> (i32)  : i32 {
        %mul3A_657 = arith.constant 16 : i32
        %mul3A_658 = arith.muli %scan3A_655, %mul3A_657 : i32
        %get3A = arith.index_cast %mul3A_658 : i32 to index
        %get3A_659 = tpu.vector_load %arg15[%get3A] {strides = array<i32>} : memref<1024xi32, #tpu.memory_space<vmem>>, vector<16xi32>,
        %mul3A_660 = arith.constant 8 : i32
        %mul3A_661 = vector.broadcast %mul3A_660 : i32 to vector<16xi32>
        %mul3A_662 = arith.muli %get3A_659, %mul3A_661 : vector<16xi32>
        %mul3A_663 = arith.constant 16 : i32
        %mul3A_664 = arith.muli %scan3A_655, %mul3A_663 : i32
        %get3A_665 = arith.index_cast %mul3A_664 : i32 to index
        %get3A_666 = tpu.vector_load %arg19[%get3A_665] {strides = array<i32>} : memref<1024xi32, #tpu.memory_space<vmem>>, vector<16xi32>,
        %add3A_667 = arith.addi %mul3A_662, %get3A_666 : vector<16xi32>
        %mul3A_668 = arith.constant 16 : i32
        %mul3A_669 = vector.broadcast %mul3A_668 : i32 to vector<16xi32>
        %mul3A_670 = arith.muli %add3A_667, %mul3A_669 : vector<16xi32>
        %mul3A_671 = arith.constant 16 : i32
        %mul3A_672 = arith.muli %scan3A_655, %mul3A_671 : i32
        %add3A_673 = vector.broadcast %mul3A_672 : i32 to vector<16xi32>
        %add3A_674 = arith.addi %iota3A, %add3A_673 : vector<16xi32>
        %add3A_675 = arith.addi %mul3A_670, %and3A_7 : vector<16xi32>
        %gather3A = tpu.vector_load_idx %arg26[%add3A_675] : memref<12288xf32, #tpu.memory_space<vmem>>[vector<16xi32>], vector<16xf32>,
        %add3A_676 = arith.addi %mul3A_670, %and3A_13 : vector<16xi32>
        %gather3A_677 = tpu.vector_load_idx %arg26[%add3A_676] : memref<12288xf32, #tpu.memory_space<vmem>>[vector<16xi32>], vector<16xf32>,
        %add3A_678 = arith.addi %mul3A_670, %and3A_19 : vector<16xi32>
        %gather3A_679 = tpu.vector_load_idx %arg26[%add3A_678] : memref<12288xf32, #tpu.memory_space<vmem>>[vector<16xi32>], vector<16xf32>,
        %add3A_680 = arith.addi %mul3A_670, %and3A_25 : vector<16xi32>
        %gather3A_681 = tpu.vector_load_idx %arg26[%add3A_680] : memref<12288xf32, #tpu.memory_space<vmem>>[vector<16xi32>], vector<16xf32>,
        %add3A_682 = arith.addi %mul3A_670, %and3A_31 : vector<16xi32>
        %gather3A_683 = tpu.vector_load_idx %arg26[%add3A_682] : memref<12288xf32, #tpu.memory_space<vmem>>[vector<16xi32>], vector<16xf32>,
        %add3A_684 = arith.addi %mul3A_670, %and3A_37 : vector<16xi32>
        %gather3A_685 = tpu.vector_load_idx %arg26[%add3A_684] : memref<12288xf32, #tpu.memory_space<vmem>>[vector<16xi32>], vector<16xf32>,
        %add3A_686 = arith.addi %mul3A_670, %and3A_43 : vector<16xi32>
        %gather3A_687 = tpu.vector_load_idx %arg26[%add3A_686] : memref<12288xf32, #tpu.memory_space<vmem>>[vector<16xi32>], vector<16xf32>,
        %add3A_688 = arith.addi %mul3A_670, %and3A_49 : vector<16xi32>
        %gather3A_689 = tpu.vector_load_idx %arg26[%add3A_688] : memref<12288xf32, #tpu.memory_space<vmem>>[vector<16xi32>], vector<16xf32>,
        %add3A_690 = arith.addi %mul3A_670, %and3A_55 : vector<16xi32>
        %gather3A_691 = tpu.vector_load_idx %arg26[%add3A_690] : memref<12288xf32, #tpu.memory_space<vmem>>[vector<16xi32>], vector<16xf32>,
        %add3A_692 = arith.addi %mul3A_670, %and3A_61 : vector<16xi32>
        %gather3A_693 = tpu.vector_load_idx %arg26[%add3A_692] : memref<12288xf32, #tpu.memory_space<vmem>>[vector<16xi32>], vector<16xf32>,
        %add3A_694 = arith.addi %mul3A_670, %and3A_67 : vector<16xi32>
        %gather3A_695 = tpu.vector_load_idx %arg26[%add3A_694] : memref<12288xf32, #tpu.memory_space<vmem>>[vector<16xi32>], vector<16xf32>,
        %add3A_696 = arith.addi %mul3A_670, %and3A_73 : vector<16xi32>
        %gather3A_697 = tpu.vector_load_idx %arg26[%add3A_696] : memref<12288xf32, #tpu.memory_space<vmem>>[vector<16xi32>], vector<16xf32>,
        %add3A_698 = arith.addi %mul3A_670, %and3A_79 : vector<16xi32>
        %gather3A_699 = tpu.vector_load_idx %arg26[%add3A_698] : memref<12288xf32, #tpu.memory_space<vmem>>[vector<16xi32>], vector<16xf32>,
        %add3A_700 = arith.addi %mul3A_670, %and3A_85 : vector<16xi32>
        %gather3A_701 = tpu.vector_load_idx %arg26[%add3A_700] : memref<12288xf32, #tpu.memory_space<vmem>>[vector<16xi32>], vector<16xf32>,
        %add3A_702 = arith.addi %mul3A_670, %and3A_91 : vector<16xi32>
        %gather3A_703 = tpu.vector_load_idx %arg26[%add3A_702] : memref<12288xf32, #tpu.memory_space<vmem>>[vector<16xi32>], vector<16xf32>,
        %add3A_704 = arith.addi %mul3A_670, %and3A_97 : vector<16xi32>
        %gather3A_705 = tpu.vector_load_idx %arg26[%add3A_704] : memref<12288xf32, #tpu.memory_space<vmem>>[vector<16xi32>], vector<16xf32>,
        tpu.vector_store_idx %arg23[%add3A_674, %and3A_7], %gather3A {add = true} : memref<1024x16xf32, #tpu.memory_space<vmem>>[vector<16xi32>, vector<16xi32>], vector<16xf32>,
        tpu.vector_store_idx %arg23[%add3A_674, %and3A_13], %gather3A_677 {add = true} : memref<1024x16xf32, #tpu.memory_space<vmem>>[vector<16xi32>, vector<16xi32>], vector<16xf32>,
        tpu.vector_store_idx %arg23[%add3A_674, %and3A_19], %gather3A_679 {add = true} : memref<1024x16xf32, #tpu.memory_space<vmem>>[vector<16xi32>, vector<16xi32>], vector<16xf32>,
        tpu.vector_store_idx %arg23[%add3A_674, %and3A_25], %gather3A_681 {add = true} : memref<1024x16xf32, #tpu.memory_space<vmem>>[vector<16xi32>, vector<16xi32>], vector<16xf32>,
        tpu.vector_store_idx %arg23[%add3A_674, %and3A_31], %gather3A_683 {add = true} : memref<1024x16xf32, #tpu.memory_space<vmem>>[vector<16xi32>, vector<16xi32>], vector<16xf32>,
        tpu.vector_store_idx %arg23[%add3A_674, %and3A_37], %gather3A_685 {add = true} : memref<1024x16xf32, #tpu.memory_space<vmem>>[vector<16xi32>, vector<16xi32>], vector<16xf32>,
        tpu.vector_store_idx %arg23[%add3A_674, %and3A_43], %gather3A_687 {add = true} : memref<1024x16xf32, #tpu.memory_space<vmem>>[vector<16xi32>, vector<16xi32>], vector<16xf32>,
        tpu.vector_store_idx %arg23[%add3A_674, %and3A_49], %gather3A_689 {add = true} : memref<1024x16xf32, #tpu.memory_space<vmem>>[vector<16xi32>, vector<16xi32>], vector<16xf32>,
        tpu.vector_store_idx %arg23[%add3A_674, %and3A_55], %gather3A_691 {add = true} : memref<1024x16xf32, #tpu.memory_space<vmem>>[vector<16xi32>, vector<16xi32>], vector<16xf32>,
        tpu.vector_store_idx %arg23[%add3A_674, %and3A_61], %gather3A_693 {add = true} : memref<1024x16xf32, #tpu.memory_space<vmem>>[vector<16xi32>, vector<16xi32>], vector<16xf32>,
        tpu.vector_store_idx %arg23[%add3A_674, %and3A_67], %gather3A_695 {add = true} : memref<1024x16xf32, #tpu.memory_space<vmem>>[vector<16xi32>, vector<16xi32>], vector<16xf32>,
        tpu.vector_store_idx %arg23[%add3A_674, %and3A_73], %gather3A_697 {add = true} : memref<1024x16xf32, #tpu.memory_space<vmem>>[vector<16xi32>, vector<16xi32>], vector<16xf32>,
        tpu.vector_store_idx %arg23[%add3A_674, %and3A_79], %gather3A_699 {add = true} : memref<1024x16xf32, #tpu.memory_space<vmem>>[vector<16xi32>, vector<16xi32>], vector<16xf32>,
        tpu.vector_store_idx %arg23[%add3A_674, %and3A_85], %gather3A_701 {add = true} : memref<1024x16xf32, #tpu.memory_space<vmem>>[vector<16xi32>, vector<16xi32>], vector<16xf32>,
        tpu.vector_store_idx %arg23[%add3A_674, %and3A_91], %gather3A_703 {add = true} : memref<1024x16xf32, #tpu.memory_space<vmem>>[vector<16xi32>, vector<16xi32>], vector<16xf32>,
        tpu.vector_store_idx %arg23[%add3A_674, %and3A_97], %gather3A_705 {add = true} : memref<1024x16xf32, #tpu.memory_space<vmem>>[vector<16xi32>, vector<16xi32>], vector<16xf32>,
        %scan3A_706 = arith.constant 0 : i32
        scf.yield %scan3A_706 : i32
      }
      %scan3A_543 = arith.constant 64 : i32
      %dma_start3A_544 = arith.constant 0 : i32
      %dma_start3A_545 = tpu.memref_slice %arg9[%add3A_533, %dma_start3A_544] : memref<3276800x16xf32, #tpu.memory_space<hbm>> -> memref<1024x16xf32, #tpu.memory_space<hbm>>
      %dma_start3A_546 = arith.constant 0 : i32
      %dma_start3A_547 = tpu.memref_slice %arg9[%add3A_533, %dma_start3A_546] : memref<3276800x16xf32, #tpu.memory_space<hbm>> -> memref<1024x16xf32, #tpu.memory_space<hbm>>
      tpu.enqueue_dma source(%arg23 : memref<1024x16xf32, #tpu.memory_space<vmem>>) target(%dma_start3A_547 : memref<1024x16xf32, #tpu.memory_space<hbm>>) target_semaphore(%arg39 : memref<!tpu.dma_semaphore, #tpu.memory_space<semaphore_mem>>)
      %add3A_548 = arith.constant 2 : i32
      %add3A_549 = arith.addi %add3A_442, %add3A_548 : i32
      %add3A_550 = arith.constant 2 : i32
      %add3A_551 = arith.addi %add3A_549, %add3A_550 : i32
      %mul3A_552 = arith.constant 1024 : i32
      %mul3A_553 = arith.muli %add3A_551, %mul3A_552 : i32
      %add3A_554 = arith.addi %mul3A_2, %mul3A_553 : i32
      %dma_start3A_555 = tpu.memref_slice %arg2[%add3A_554] : memref<3276800xi32, #tpu.memory_space<hbm>> -> memref<1024xi32, #tpu.memory_space<hbm>>
      %dma_start3A_556 = tpu.memref_slice %arg2[%add3A_554] : memref<3276800xi32, #tpu.memory_space<hbm>> -> memref<1024xi32, #tpu.memory_space<hbm>>
      tpu.enqueue_dma source(%dma_start3A_556 : memref<1024xi32, #tpu.memory_space<hbm>>) target(%arg10 : memref<1024xi32, #tpu.memory_space<vmem>>) target_semaphore(%arg30 : memref<!tpu.dma_semaphore, #tpu.memory_space<semaphore_mem>>)
      %dma_start3A_557 = tpu.memref_slice %arg3[%add3A_554] : memref<3276800xi32, #tpu.memory_space<hbm>> -> memref<1024xi32, #tpu.memory_space<hbm>>
      %dma_start3A_558 = tpu.memref_slice %arg3[%add3A_554] : memref<3276800xi32, #tpu.memory_space<hbm>> -> memref<1024xi32, #tpu.memory_space<hbm>>
      tpu.enqueue_dma source(%dma_start3A_558 : memref<1024xi32, #tpu.memory_space<hbm>>) target(%arg14 : memref<1024xi32, #tpu.memory_space<vmem>>) target_semaphore(%arg30 : memref<!tpu.dma_semaphore, #tpu.memory_space<semaphore_mem>>)
      %dma_start3A_559 = tpu.memref_slice %arg4[%add3A_554] : memref<3276800xi32, #tpu.memory_space<hbm>> -> memref<1024xi32, #tpu.memory_space<hbm>>
      %dma_start3A_560 = tpu.memref_slice %arg4[%add3A_554] : memref<3276800xi32, #tpu.memory_space<hbm>> -> memref<1024xi32, #tpu.memory_space<hbm>>
      tpu.enqueue_dma source(%dma_start3A_560 : memref<1024xi32, #tpu.memory_space<hbm>>) target(%arg18 : memref<1024xi32, #tpu.memory_space<vmem>>) target_semaphore(%arg30 : memref<!tpu.dma_semaphore, #tpu.memory_space<semaphore_mem>>)
      %add3A_561 = arith.constant 1 : i32
      %add3A_562 = arith.addi %add3A_549, %add3A_561 : i32
      %mul3A_563 = arith.constant 1024 : i32
      %mul3A_564 = arith.muli %add3A_562, %mul3A_563 : i32
      %add3A_565 = arith.addi %mul3A_2, %mul3A_564 : i32
      %dma_wait3A_566 = tpu.memref_slice %arg2[%add3A_565] : memref<3276800xi32, #tpu.memory_space<hbm>> -> memref<1024xi32, #tpu.memory_space<hbm>>
      %dma_wait3A_567 = tpu.memref_slice %arg2[%add3A_565] : memref<3276800xi32, #tpu.memory_space<hbm>> -> memref<1024xi32, #tpu.memory_space<hbm>>
      tpu.wait_dma2 semaphore(%arg33 : memref<!tpu.dma_semaphore, #tpu.memory_space<semaphore_mem>>) src(%dma_wait3A_567 : memref<1024xi32, #tpu.memory_space<hbm>>) dst(%arg13 : memref<1024xi32, #tpu.memory_space<vmem>>)
      %dma_wait3A_568 = tpu.memref_slice %arg3[%add3A_565] : memref<3276800xi32, #tpu.memory_space<hbm>> -> memref<1024xi32, #tpu.memory_space<hbm>>
      %dma_wait3A_569 = tpu.memref_slice %arg3[%add3A_565] : memref<3276800xi32, #tpu.memory_space<hbm>> -> memref<1024xi32, #tpu.memory_space<hbm>>
      tpu.wait_dma2 semaphore(%arg33 : memref<!tpu.dma_semaphore, #tpu.memory_space<semaphore_mem>>) src(%dma_wait3A_569 : memref<1024xi32, #tpu.memory_space<hbm>>) dst(%arg17 : memref<1024xi32, #tpu.memory_space<vmem>>)
      %dma_wait3A_570 = tpu.memref_slice %arg4[%add3A_565] : memref<3276800xi32, #tpu.memory_space<hbm>> -> memref<1024xi32, #tpu.memory_space<hbm>>
      %dma_wait3A_571 = tpu.memref_slice %arg4[%add3A_565] : memref<3276800xi32, #tpu.memory_space<hbm>> -> memref<1024xi32, #tpu.memory_space<hbm>>
      tpu.wait_dma2 semaphore(%arg33 : memref<!tpu.dma_semaphore, #tpu.memory_space<semaphore_mem>>) src(%dma_wait3A_571 : memref<1024xi32, #tpu.memory_space<hbm>>) dst(%arg21 : memref<1024xi32, #tpu.memory_space<vmem>>)
      %sub3A_572 = arith.constant 4 : i32
      %sub3A_573 = arith.subi %add3A_562, %sub3A_572 : i32
      %mul3A_574 = arith.constant 1024 : i32
      %mul3A_575 = arith.muli %sub3A_573, %mul3A_574 : i32
      %add3A_576 = arith.addi %mul3A_2, %mul3A_575 : i32
      %dma_wait3A_577 = arith.constant 0 : i32
      %dma_wait3A_578 = tpu.memref_slice %arg9[%add3A_576, %dma_wait3A_577] : memref<3276800x16xf32, #tpu.memory_space<hbm>> -> memref<1024x16xf32, #tpu.memory_space<hbm>>
      %dma_wait3A_579 = arith.constant 0 : i32
      %dma_wait3A_580 = tpu.memref_slice %arg9[%add3A_576, %dma_wait3A_579] : memref<3276800x16xf32, #tpu.memory_space<hbm>> -> memref<1024x16xf32, #tpu.memory_space<hbm>>
      tpu.wait_dma2 semaphore(%arg41 : memref<!tpu.dma_semaphore, #tpu.memory_space<semaphore_mem>>) src(%arg25 : memref<1024x16xf32, #tpu.memory_space<vmem>>) dst(%dma_wait3A_580 : memref<1024x16xf32, #tpu.memory_space<hbm>>)
      %dma_start3A_581 = arith.constant 0 : i32
      %dma_start3A_582 = arith.constant 0 : i32
      %dma_start3A_583 = tpu.memref_slice %arg8[%dma_start3A_581, %dma_start3A_582] : memref<1000000x16xf32, #tpu.memory_space<hbm>> -> memref<1000000x16xf32, #tpu.memory_space<hbm>>
      tpu.enqueue_indirect_dma source(%dma_start3A_583 : memref<1000000x16xf32, #tpu.memory_space<hbm>>) target(%arg25 : memref<1024x16xf32, #tpu.memory_space<vmem>>) offsets(%arg13 : memref<1024xi32, #tpu.memory_space<vmem>>) semaphore(%arg37 : memref<!tpu.dma_semaphore, #tpu.memory_space<semaphore_mem>>)
      %mul3A_584 = arith.constant 1024 : i32
      %mul3A_585 = arith.muli %add3A_549, %mul3A_584 : i32
      %add3A_586 = arith.addi %mul3A_2, %mul3A_585 : i32
      %dma_wait3A_587 = arith.constant 0 : i32
      %dma_wait3A_588 = arith.constant 0 : i32
      %dma_wait3A_589 = tpu.memref_slice %arg8[%dma_wait3A_587, %dma_wait3A_588] : memref<1000000x16xf32, #tpu.memory_space<hbm>> -> memref<1000000x16xf32, #tpu.memory_space<hbm>>
      tpu.wait_indirect_dma semaphore(%arg36 : memref<!tpu.dma_semaphore, #tpu.memory_space<semaphore_mem>>) src(%dma_wait3A_589 : memref<1000000x16xf32, #tpu.memory_space<hbm>>) dst(%arg24 : memref<1024x16xf32, #tpu.memory_space<vmem>>)
      %scan3A_590 = arith.constant 0 : i32
      %scan3A_591 = arith.constant 0 : i32
      %scan3A_592 = arith.constant 64 : i32
      %scan3A_593 = arith.addi %scan3A_591, %scan3A_592 : i32
      %scan3A_594 = arith.constant 1 : i32
      %scan3A_595 = scf.for %scan3A_655 = %scan3A_591 to %scan3A_593 step %scan3A_594 iter_args(%scan3A_656 = %scan3A_590) -> (i32)  : i32 {
        %mul3A_657 = arith.constant 16 : i32
        %mul3A_658 = arith.muli %scan3A_655, %mul3A_657 : i32
        %get3A = arith.index_cast %mul3A_658 : i32 to index
        %get3A_659 = tpu.vector_load %arg16[%get3A] {strides = array<i32>} : memref<1024xi32, #tpu.memory_space<vmem>>, vector<16xi32>,
        %mul3A_660 = arith.constant 8 : i32
        %mul3A_661 = vector.broadcast %mul3A_660 : i32 to vector<16xi32>
        %mul3A_662 = arith.muli %get3A_659, %mul3A_661 : vector<16xi32>
        %mul3A_663 = arith.constant 16 : i32
        %mul3A_664 = arith.muli %scan3A_655, %mul3A_663 : i32
        %get3A_665 = arith.index_cast %mul3A_664 : i32 to index
        %get3A_666 = tpu.vector_load %arg20[%get3A_665] {strides = array<i32>} : memref<1024xi32, #tpu.memory_space<vmem>>, vector<16xi32>,
        %add3A_667 = arith.addi %mul3A_662, %get3A_666 : vector<16xi32>
        %mul3A_668 = arith.constant 16 : i32
        %mul3A_669 = vector.broadcast %mul3A_668 : i32 to vector<16xi32>
        %mul3A_670 = arith.muli %add3A_667, %mul3A_669 : vector<16xi32>
        %mul3A_671 = arith.constant 16 : i32
        %mul3A_672 = arith.muli %scan3A_655, %mul3A_671 : i32
        %add3A_673 = vector.broadcast %mul3A_672 : i32 to vector<16xi32>
        %add3A_674 = arith.addi %iota3A, %add3A_673 : vector<16xi32>
        %add3A_675 = arith.addi %mul3A_670, %and3A_7 : vector<16xi32>
        %gather3A = tpu.vector_load_idx %arg26[%add3A_675] : memref<12288xf32, #tpu.memory_space<vmem>>[vector<16xi32>], vector<16xf32>,
        %add3A_676 = arith.addi %mul3A_670, %and3A_13 : vector<16xi32>
        %gather3A_677 = tpu.vector_load_idx %arg26[%add3A_676] : memref<12288xf32, #tpu.memory_space<vmem>>[vector<16xi32>], vector<16xf32>,
        %add3A_678 = arith.addi %mul3A_670, %and3A_19 : vector<16xi32>
        %gather3A_679 = tpu.vector_load_idx %arg26[%add3A_678] : memref<12288xf32, #tpu.memory_space<vmem>>[vector<16xi32>], vector<16xf32>,
        %add3A_680 = arith.addi %mul3A_670, %and3A_25 : vector<16xi32>
        %gather3A_681 = tpu.vector_load_idx %arg26[%add3A_680] : memref<12288xf32, #tpu.memory_space<vmem>>[vector<16xi32>], vector<16xf32>,
        %add3A_682 = arith.addi %mul3A_670, %and3A_31 : vector<16xi32>
        %gather3A_683 = tpu.vector_load_idx %arg26[%add3A_682] : memref<12288xf32, #tpu.memory_space<vmem>>[vector<16xi32>], vector<16xf32>,
        %add3A_684 = arith.addi %mul3A_670, %and3A_37 : vector<16xi32>
        %gather3A_685 = tpu.vector_load_idx %arg26[%add3A_684] : memref<12288xf32, #tpu.memory_space<vmem>>[vector<16xi32>], vector<16xf32>,
        %add3A_686 = arith.addi %mul3A_670, %and3A_43 : vector<16xi32>
        %gather3A_687 = tpu.vector_load_idx %arg26[%add3A_686] : memref<12288xf32, #tpu.memory_space<vmem>>[vector<16xi32>], vector<16xf32>,
        %add3A_688 = arith.addi %mul3A_670, %and3A_49 : vector<16xi32>
        %gather3A_689 = tpu.vector_load_idx %arg26[%add3A_688] : memref<12288xf32, #tpu.memory_space<vmem>>[vector<16xi32>], vector<16xf32>,
        %add3A_690 = arith.addi %mul3A_670, %and3A_55 : vector<16xi32>
        %gather3A_691 = tpu.vector_load_idx %arg26[%add3A_690] : memref<12288xf32, #tpu.memory_space<vmem>>[vector<16xi32>], vector<16xf32>,
        %add3A_692 = arith.addi %mul3A_670, %and3A_61 : vector<16xi32>
        %gather3A_693 = tpu.vector_load_idx %arg26[%add3A_692] : memref<12288xf32, #tpu.memory_space<vmem>>[vector<16xi32>], vector<16xf32>,
        %add3A_694 = arith.addi %mul3A_670, %and3A_67 : vector<16xi32>
        %gather3A_695 = tpu.vector_load_idx %arg26[%add3A_694] : memref<12288xf32, #tpu.memory_space<vmem>>[vector<16xi32>], vector<16xf32>,
        %add3A_696 = arith.addi %mul3A_670, %and3A_73 : vector<16xi32>
        %gather3A_697 = tpu.vector_load_idx %arg26[%add3A_696] : memref<12288xf32, #tpu.memory_space<vmem>>[vector<16xi32>], vector<16xf32>,
        %add3A_698 = arith.addi %mul3A_670, %and3A_79 : vector<16xi32>
        %gather3A_699 = tpu.vector_load_idx %arg26[%add3A_698] : memref<12288xf32, #tpu.memory_space<vmem>>[vector<16xi32>], vector<16xf32>,
        %add3A_700 = arith.addi %mul3A_670, %and3A_85 : vector<16xi32>
        %gather3A_701 = tpu.vector_load_idx %arg26[%add3A_700] : memref<12288xf32, #tpu.memory_space<vmem>>[vector<16xi32>], vector<16xf32>,
        %add3A_702 = arith.addi %mul3A_670, %and3A_91 : vector<16xi32>
        %gather3A_703 = tpu.vector_load_idx %arg26[%add3A_702] : memref<12288xf32, #tpu.memory_space<vmem>>[vector<16xi32>], vector<16xf32>,
        %add3A_704 = arith.addi %mul3A_670, %and3A_97 : vector<16xi32>
        %gather3A_705 = tpu.vector_load_idx %arg26[%add3A_704] : memref<12288xf32, #tpu.memory_space<vmem>>[vector<16xi32>], vector<16xf32>,
        tpu.vector_store_idx %arg24[%add3A_674, %and3A_7], %gather3A {add = true} : memref<1024x16xf32, #tpu.memory_space<vmem>>[vector<16xi32>, vector<16xi32>], vector<16xf32>,
        tpu.vector_store_idx %arg24[%add3A_674, %and3A_13], %gather3A_677 {add = true} : memref<1024x16xf32, #tpu.memory_space<vmem>>[vector<16xi32>, vector<16xi32>], vector<16xf32>,
        tpu.vector_store_idx %arg24[%add3A_674, %and3A_19], %gather3A_679 {add = true} : memref<1024x16xf32, #tpu.memory_space<vmem>>[vector<16xi32>, vector<16xi32>], vector<16xf32>,
        tpu.vector_store_idx %arg24[%add3A_674, %and3A_25], %gather3A_681 {add = true} : memref<1024x16xf32, #tpu.memory_space<vmem>>[vector<16xi32>, vector<16xi32>], vector<16xf32>,
        tpu.vector_store_idx %arg24[%add3A_674, %and3A_31], %gather3A_683 {add = true} : memref<1024x16xf32, #tpu.memory_space<vmem>>[vector<16xi32>, vector<16xi32>], vector<16xf32>,
        tpu.vector_store_idx %arg24[%add3A_674, %and3A_37], %gather3A_685 {add = true} : memref<1024x16xf32, #tpu.memory_space<vmem>>[vector<16xi32>, vector<16xi32>], vector<16xf32>,
        tpu.vector_store_idx %arg24[%add3A_674, %and3A_43], %gather3A_687 {add = true} : memref<1024x16xf32, #tpu.memory_space<vmem>>[vector<16xi32>, vector<16xi32>], vector<16xf32>,
        tpu.vector_store_idx %arg24[%add3A_674, %and3A_49], %gather3A_689 {add = true} : memref<1024x16xf32, #tpu.memory_space<vmem>>[vector<16xi32>, vector<16xi32>], vector<16xf32>,
        tpu.vector_store_idx %arg24[%add3A_674, %and3A_55], %gather3A_691 {add = true} : memref<1024x16xf32, #tpu.memory_space<vmem>>[vector<16xi32>, vector<16xi32>], vector<16xf32>,
        tpu.vector_store_idx %arg24[%add3A_674, %and3A_61], %gather3A_693 {add = true} : memref<1024x16xf32, #tpu.memory_space<vmem>>[vector<16xi32>, vector<16xi32>], vector<16xf32>,
        tpu.vector_store_idx %arg24[%add3A_674, %and3A_67], %gather3A_695 {add = true} : memref<1024x16xf32, #tpu.memory_space<vmem>>[vector<16xi32>, vector<16xi32>], vector<16xf32>,
        tpu.vector_store_idx %arg24[%add3A_674, %and3A_73], %gather3A_697 {add = true} : memref<1024x16xf32, #tpu.memory_space<vmem>>[vector<16xi32>, vector<16xi32>], vector<16xf32>,
        tpu.vector_store_idx %arg24[%add3A_674, %and3A_79], %gather3A_699 {add = true} : memref<1024x16xf32, #tpu.memory_space<vmem>>[vector<16xi32>, vector<16xi32>], vector<16xf32>,
        tpu.vector_store_idx %arg24[%add3A_674, %and3A_85], %gather3A_701 {add = true} : memref<1024x16xf32, #tpu.memory_space<vmem>>[vector<16xi32>, vector<16xi32>], vector<16xf32>,
        tpu.vector_store_idx %arg24[%add3A_674, %and3A_91], %gather3A_703 {add = true} : memref<1024x16xf32, #tpu.memory_space<vmem>>[vector<16xi32>, vector<16xi32>], vector<16xf32>,
        tpu.vector_store_idx %arg24[%add3A_674, %and3A_97], %gather3A_705 {add = true} : memref<1024x16xf32, #tpu.memory_space<vmem>>[vector<16xi32>, vector<16xi32>], vector<16xf32>,
        %scan3A_706 = arith.constant 0 : i32
        scf.yield %scan3A_706 : i32
      }
      %scan3A_596 = arith.constant 64 : i32
      %dma_start3A_597 = arith.constant 0 : i32
      %dma_start3A_598 = tpu.memref_slice %arg9[%add3A_586, %dma_start3A_597] : memref<3276800x16xf32, #tpu.memory_space<hbm>> -> memref<1024x16xf32, #tpu.memory_space<hbm>>
      %dma_start3A_599 = arith.constant 0 : i32
      %dma_start3A_600 = tpu.memref_slice %arg9[%add3A_586, %dma_start3A_599] : memref<3276800x16xf32, #tpu.memory_space<hbm>> -> memref<1024x16xf32, #tpu.memory_space<hbm>>
      tpu.enqueue_dma source(%arg24 : memref<1024x16xf32, #tpu.memory_space<vmem>>) target(%dma_start3A_600 : memref<1024x16xf32, #tpu.memory_space<hbm>>) target_semaphore(%arg40 : memref<!tpu.dma_semaphore, #tpu.memory_space<semaphore_mem>>)
      %add3A_601 = arith.constant 3 : i32
      %add3A_602 = arith.addi %add3A_442, %add3A_601 : i32
      %add3A_603 = arith.constant 2 : i32
      %add3A_604 = arith.addi %add3A_602, %add3A_603 : i32
      %mul3A_605 = arith.constant 1024 : i32
      %mul3A_606 = arith.muli %add3A_604, %mul3A_605 : i32
      %add3A_607 = arith.addi %mul3A_2, %mul3A_606 : i32
      %dma_start3A_608 = tpu.memref_slice %arg2[%add3A_607] : memref<3276800xi32, #tpu.memory_space<hbm>> -> memref<1024xi32, #tpu.memory_space<hbm>>
      %dma_start3A_609 = tpu.memref_slice %arg2[%add3A_607] : memref<3276800xi32, #tpu.memory_space<hbm>> -> memref<1024xi32, #tpu.memory_space<hbm>>
      tpu.enqueue_dma source(%dma_start3A_609 : memref<1024xi32, #tpu.memory_space<hbm>>) target(%arg11 : memref<1024xi32, #tpu.memory_space<vmem>>) target_semaphore(%arg31 : memref<!tpu.dma_semaphore, #tpu.memory_space<semaphore_mem>>)
      %dma_start3A_610 = tpu.memref_slice %arg3[%add3A_607] : memref<3276800xi32, #tpu.memory_space<hbm>> -> memref<1024xi32, #tpu.memory_space<hbm>>
      %dma_start3A_611 = tpu.memref_slice %arg3[%add3A_607] : memref<3276800xi32, #tpu.memory_space<hbm>> -> memref<1024xi32, #tpu.memory_space<hbm>>
      tpu.enqueue_dma source(%dma_start3A_611 : memref<1024xi32, #tpu.memory_space<hbm>>) target(%arg15 : memref<1024xi32, #tpu.memory_space<vmem>>) target_semaphore(%arg31 : memref<!tpu.dma_semaphore, #tpu.memory_space<semaphore_mem>>)
      %dma_start3A_612 = tpu.memref_slice %arg4[%add3A_607] : memref<3276800xi32, #tpu.memory_space<hbm>> -> memref<1024xi32, #tpu.memory_space<hbm>>
      %dma_start3A_613 = tpu.memref_slice %arg4[%add3A_607] : memref<3276800xi32, #tpu.memory_space<hbm>> -> memref<1024xi32, #tpu.memory_space<hbm>>
      tpu.enqueue_dma source(%dma_start3A_613 : memref<1024xi32, #tpu.memory_space<hbm>>) target(%arg19 : memref<1024xi32, #tpu.memory_space<vmem>>) target_semaphore(%arg31 : memref<!tpu.dma_semaphore, #tpu.memory_space<semaphore_mem>>)
      %add3A_614 = arith.constant 1 : i32
      %add3A_615 = arith.addi %add3A_602, %add3A_614 : i32
      %mul3A_616 = arith.constant 1024 : i32
      %mul3A_617 = arith.muli %add3A_615, %mul3A_616 : i32
      %add3A_618 = arith.addi %mul3A_2, %mul3A_617 : i32
      %dma_wait3A_619 = tpu.memref_slice %arg2[%add3A_618] : memref<3276800xi32, #tpu.memory_space<hbm>> -> memref<1024xi32, #tpu.memory_space<hbm>>
      %dma_wait3A_620 = tpu.memref_slice %arg2[%add3A_618] : memref<3276800xi32, #tpu.memory_space<hbm>> -> memref<1024xi32, #tpu.memory_space<hbm>>
      tpu.wait_dma2 semaphore(%arg30 : memref<!tpu.dma_semaphore, #tpu.memory_space<semaphore_mem>>) src(%dma_wait3A_620 : memref<1024xi32, #tpu.memory_space<hbm>>) dst(%arg10 : memref<1024xi32, #tpu.memory_space<vmem>>)
      %dma_wait3A_621 = tpu.memref_slice %arg3[%add3A_618] : memref<3276800xi32, #tpu.memory_space<hbm>> -> memref<1024xi32, #tpu.memory_space<hbm>>
      %dma_wait3A_622 = tpu.memref_slice %arg3[%add3A_618] : memref<3276800xi32, #tpu.memory_space<hbm>> -> memref<1024xi32, #tpu.memory_space<hbm>>
      tpu.wait_dma2 semaphore(%arg30 : memref<!tpu.dma_semaphore, #tpu.memory_space<semaphore_mem>>) src(%dma_wait3A_622 : memref<1024xi32, #tpu.memory_space<hbm>>) dst(%arg14 : memref<1024xi32, #tpu.memory_space<vmem>>)
      %dma_wait3A_623 = tpu.memref_slice %arg4[%add3A_618] : memref<3276800xi32, #tpu.memory_space<hbm>> -> memref<1024xi32, #tpu.memory_space<hbm>>
      %dma_wait3A_624 = tpu.memref_slice %arg4[%add3A_618] : memref<3276800xi32, #tpu.memory_space<hbm>> -> memref<1024xi32, #tpu.memory_space<hbm>>
      tpu.wait_dma2 semaphore(%arg30 : memref<!tpu.dma_semaphore, #tpu.memory_space<semaphore_mem>>) src(%dma_wait3A_624 : memref<1024xi32, #tpu.memory_space<hbm>>) dst(%arg18 : memref<1024xi32, #tpu.memory_space<vmem>>)
      %sub3A_625 = arith.constant 4 : i32
      %sub3A_626 = arith.subi %add3A_615, %sub3A_625 : i32
      %mul3A_627 = arith.constant 1024 : i32
      %mul3A_628 = arith.muli %sub3A_626, %mul3A_627 : i32
      %add3A_629 = arith.addi %mul3A_2, %mul3A_628 : i32
      %dma_wait3A_630 = arith.constant 0 : i32
      %dma_wait3A_631 = tpu.memref_slice %arg9[%add3A_629, %dma_wait3A_630] : memref<3276800x16xf32, #tpu.memory_space<hbm>> -> memref<1024x16xf32, #tpu.memory_space<hbm>>
      %dma_wait3A_632 = arith.constant 0 : i32
      %dma_wait3A_633 = tpu.memref_slice %arg9[%add3A_629, %dma_wait3A_632] : memref<3276800x16xf32, #tpu.memory_space<hbm>> -> memref<1024x16xf32, #tpu.memory_space<hbm>>
      tpu.wait_dma2 semaphore(%arg38 : memref<!tpu.dma_semaphore, #tpu.memory_space<semaphore_mem>>) src(%arg22 : memref<1024x16xf32, #tpu.memory_space<vmem>>) dst(%dma_wait3A_633 : memref<1024x16xf32, #tpu.memory_space<hbm>>)
      %dma_start3A_634 = arith.constant 0 : i32
      %dma_start3A_635 = arith.constant 0 : i32
      %dma_start3A_636 = tpu.memref_slice %arg8[%dma_start3A_634, %dma_start3A_635] : memref<1000000x16xf32, #tpu.memory_space<hbm>> -> memref<1000000x16xf32, #tpu.memory_space<hbm>>
      tpu.enqueue_indirect_dma source(%dma_start3A_636 : memref<1000000x16xf32, #tpu.memory_space<hbm>>) target(%arg22 : memref<1024x16xf32, #tpu.memory_space<vmem>>) offsets(%arg10 : memref<1024xi32, #tpu.memory_space<vmem>>) semaphore(%arg34 : memref<!tpu.dma_semaphore, #tpu.memory_space<semaphore_mem>>)
      %mul3A_637 = arith.constant 1024 : i32
      %mul3A_638 = arith.muli %add3A_602, %mul3A_637 : i32
      %add3A_639 = arith.addi %mul3A_2, %mul3A_638 : i32
      %dma_wait3A_640 = arith.constant 0 : i32
      %dma_wait3A_641 = arith.constant 0 : i32
      %dma_wait3A_642 = tpu.memref_slice %arg8[%dma_wait3A_640, %dma_wait3A_641] : memref<1000000x16xf32, #tpu.memory_space<hbm>> -> memref<1000000x16xf32, #tpu.memory_space<hbm>>
      tpu.wait_indirect_dma semaphore(%arg37 : memref<!tpu.dma_semaphore, #tpu.memory_space<semaphore_mem>>) src(%dma_wait3A_642 : memref<1000000x16xf32, #tpu.memory_space<hbm>>) dst(%arg25 : memref<1024x16xf32, #tpu.memory_space<vmem>>)
      %scan3A_643 = arith.constant 0 : i32
      %scan3A_644 = arith.constant 0 : i32
      %scan3A_645 = arith.constant 64 : i32
      %scan3A_646 = arith.addi %scan3A_644, %scan3A_645 : i32
      %scan3A_647 = arith.constant 1 : i32
      %scan3A_648 = scf.for %scan3A_655 = %scan3A_644 to %scan3A_646 step %scan3A_647 iter_args(%scan3A_656 = %scan3A_643) -> (i32)  : i32 {
        %mul3A_657 = arith.constant 16 : i32
        %mul3A_658 = arith.muli %scan3A_655, %mul3A_657 : i32
        %get3A = arith.index_cast %mul3A_658 : i32 to index
        %get3A_659 = tpu.vector_load %arg17[%get3A] {strides = array<i32>} : memref<1024xi32, #tpu.memory_space<vmem>>, vector<16xi32>,
        %mul3A_660 = arith.constant 8 : i32
        %mul3A_661 = vector.broadcast %mul3A_660 : i32 to vector<16xi32>
        %mul3A_662 = arith.muli %get3A_659, %mul3A_661 : vector<16xi32>
        %mul3A_663 = arith.constant 16 : i32
        %mul3A_664 = arith.muli %scan3A_655, %mul3A_663 : i32
        %get3A_665 = arith.index_cast %mul3A_664 : i32 to index
        %get3A_666 = tpu.vector_load %arg21[%get3A_665] {strides = array<i32>} : memref<1024xi32, #tpu.memory_space<vmem>>, vector<16xi32>,
        %add3A_667 = arith.addi %mul3A_662, %get3A_666 : vector<16xi32>
        %mul3A_668 = arith.constant 16 : i32
        %mul3A_669 = vector.broadcast %mul3A_668 : i32 to vector<16xi32>
        %mul3A_670 = arith.muli %add3A_667, %mul3A_669 : vector<16xi32>
        %mul3A_671 = arith.constant 16 : i32
        %mul3A_672 = arith.muli %scan3A_655, %mul3A_671 : i32
        %add3A_673 = vector.broadcast %mul3A_672 : i32 to vector<16xi32>
        %add3A_674 = arith.addi %iota3A, %add3A_673 : vector<16xi32>
        %add3A_675 = arith.addi %mul3A_670, %and3A_7 : vector<16xi32>
        %gather3A = tpu.vector_load_idx %arg26[%add3A_675] : memref<12288xf32, #tpu.memory_space<vmem>>[vector<16xi32>], vector<16xf32>,
        %add3A_676 = arith.addi %mul3A_670, %and3A_13 : vector<16xi32>
        %gather3A_677 = tpu.vector_load_idx %arg26[%add3A_676] : memref<12288xf32, #tpu.memory_space<vmem>>[vector<16xi32>], vector<16xf32>,
        %add3A_678 = arith.addi %mul3A_670, %and3A_19 : vector<16xi32>
        %gather3A_679 = tpu.vector_load_idx %arg26[%add3A_678] : memref<12288xf32, #tpu.memory_space<vmem>>[vector<16xi32>], vector<16xf32>,
        %add3A_680 = arith.addi %mul3A_670, %and3A_25 : vector<16xi32>
        %gather3A_681 = tpu.vector_load_idx %arg26[%add3A_680] : memref<12288xf32, #tpu.memory_space<vmem>>[vector<16xi32>], vector<16xf32>,
        %add3A_682 = arith.addi %mul3A_670, %and3A_31 : vector<16xi32>
        %gather3A_683 = tpu.vector_load_idx %arg26[%add3A_682] : memref<12288xf32, #tpu.memory_space<vmem>>[vector<16xi32>], vector<16xf32>,
        %add3A_684 = arith.addi %mul3A_670, %and3A_37 : vector<16xi32>
        %gather3A_685 = tpu.vector_load_idx %arg26[%add3A_684] : memref<12288xf32, #tpu.memory_space<vmem>>[vector<16xi32>], vector<16xf32>,
        %add3A_686 = arith.addi %mul3A_670, %and3A_43 : vector<16xi32>
        %gather3A_687 = tpu.vector_load_idx %arg26[%add3A_686] : memref<12288xf32, #tpu.memory_space<vmem>>[vector<16xi32>], vector<16xf32>,
        %add3A_688 = arith.addi %mul3A_670, %and3A_49 : vector<16xi32>
        %gather3A_689 = tpu.vector_load_idx %arg26[%add3A_688] : memref<12288xf32, #tpu.memory_space<vmem>>[vector<16xi32>], vector<16xf32>,
        %add3A_690 = arith.addi %mul3A_670, %and3A_55 : vector<16xi32>
        %gather3A_691 = tpu.vector_load_idx %arg26[%add3A_690] : memref<12288xf32, #tpu.memory_space<vmem>>[vector<16xi32>], vector<16xf32>,
        %add3A_692 = arith.addi %mul3A_670, %and3A_61 : vector<16xi32>
        %gather3A_693 = tpu.vector_load_idx %arg26[%add3A_692] : memref<12288xf32, #tpu.memory_space<vmem>>[vector<16xi32>], vector<16xf32>,
        %add3A_694 = arith.addi %mul3A_670, %and3A_67 : vector<16xi32>
        %gather3A_695 = tpu.vector_load_idx %arg26[%add3A_694] : memref<12288xf32, #tpu.memory_space<vmem>>[vector<16xi32>], vector<16xf32>,
        %add3A_696 = arith.addi %mul3A_670, %and3A_73 : vector<16xi32>
        %gather3A_697 = tpu.vector_load_idx %arg26[%add3A_696] : memref<12288xf32, #tpu.memory_space<vmem>>[vector<16xi32>], vector<16xf32>,
        %add3A_698 = arith.addi %mul3A_670, %and3A_79 : vector<16xi32>
        %gather3A_699 = tpu.vector_load_idx %arg26[%add3A_698] : memref<12288xf32, #tpu.memory_space<vmem>>[vector<16xi32>], vector<16xf32>,
        %add3A_700 = arith.addi %mul3A_670, %and3A_85 : vector<16xi32>
        %gather3A_701 = tpu.vector_load_idx %arg26[%add3A_700] : memref<12288xf32, #tpu.memory_space<vmem>>[vector<16xi32>], vector<16xf32>,
        %add3A_702 = arith.addi %mul3A_670, %and3A_91 : vector<16xi32>
        %gather3A_703 = tpu.vector_load_idx %arg26[%add3A_702] : memref<12288xf32, #tpu.memory_space<vmem>>[vector<16xi32>], vector<16xf32>,
        %add3A_704 = arith.addi %mul3A_670, %and3A_97 : vector<16xi32>
        %gather3A_705 = tpu.vector_load_idx %arg26[%add3A_704] : memref<12288xf32, #tpu.memory_space<vmem>>[vector<16xi32>], vector<16xf32>,
        tpu.vector_store_idx %arg25[%add3A_674, %and3A_7], %gather3A {add = true} : memref<1024x16xf32, #tpu.memory_space<vmem>>[vector<16xi32>, vector<16xi32>], vector<16xf32>,
        tpu.vector_store_idx %arg25[%add3A_674, %and3A_13], %gather3A_677 {add = true} : memref<1024x16xf32, #tpu.memory_space<vmem>>[vector<16xi32>, vector<16xi32>], vector<16xf32>,
        tpu.vector_store_idx %arg25[%add3A_674, %and3A_19], %gather3A_679 {add = true} : memref<1024x16xf32, #tpu.memory_space<vmem>>[vector<16xi32>, vector<16xi32>], vector<16xf32>,
        tpu.vector_store_idx %arg25[%add3A_674, %and3A_25], %gather3A_681 {add = true} : memref<1024x16xf32, #tpu.memory_space<vmem>>[vector<16xi32>, vector<16xi32>], vector<16xf32>,
        tpu.vector_store_idx %arg25[%add3A_674, %and3A_31], %gather3A_683 {add = true} : memref<1024x16xf32, #tpu.memory_space<vmem>>[vector<16xi32>, vector<16xi32>], vector<16xf32>,
        tpu.vector_store_idx %arg25[%add3A_674, %and3A_37], %gather3A_685 {add = true} : memref<1024x16xf32, #tpu.memory_space<vmem>>[vector<16xi32>, vector<16xi32>], vector<16xf32>,
        tpu.vector_store_idx %arg25[%add3A_674, %and3A_43], %gather3A_687 {add = true} : memref<1024x16xf32, #tpu.memory_space<vmem>>[vector<16xi32>, vector<16xi32>], vector<16xf32>,
        tpu.vector_store_idx %arg25[%add3A_674, %and3A_49], %gather3A_689 {add = true} : memref<1024x16xf32, #tpu.memory_space<vmem>>[vector<16xi32>, vector<16xi32>], vector<16xf32>,
        tpu.vector_store_idx %arg25[%add3A_674, %and3A_55], %gather3A_691 {add = true} : memref<1024x16xf32, #tpu.memory_space<vmem>>[vector<16xi32>, vector<16xi32>], vector<16xf32>,
        tpu.vector_store_idx %arg25[%add3A_674, %and3A_61], %gather3A_693 {add = true} : memref<1024x16xf32, #tpu.memory_space<vmem>>[vector<16xi32>, vector<16xi32>], vector<16xf32>,
        tpu.vector_store_idx %arg25[%add3A_674, %and3A_67], %gather3A_695 {add = true} : memref<1024x16xf32, #tpu.memory_space<vmem>>[vector<16xi32>, vector<16xi32>], vector<16xf32>,
        tpu.vector_store_idx %arg25[%add3A_674, %and3A_73], %gather3A_697 {add = true} : memref<1024x16xf32, #tpu.memory_space<vmem>>[vector<16xi32>, vector<16xi32>], vector<16xf32>,
        tpu.vector_store_idx %arg25[%add3A_674, %and3A_79], %gather3A_699 {add = true} : memref<1024x16xf32, #tpu.memory_space<vmem>>[vector<16xi32>, vector<16xi32>], vector<16xf32>,
        tpu.vector_store_idx %arg25[%add3A_674, %and3A_85], %gather3A_701 {add = true} : memref<1024x16xf32, #tpu.memory_space<vmem>>[vector<16xi32>, vector<16xi32>], vector<16xf32>,
        tpu.vector_store_idx %arg25[%add3A_674, %and3A_91], %gather3A_703 {add = true} : memref<1024x16xf32, #tpu.memory_space<vmem>>[vector<16xi32>, vector<16xi32>], vector<16xf32>,
        tpu.vector_store_idx %arg25[%add3A_674, %and3A_97], %gather3A_705 {add = true} : memref<1024x16xf32, #tpu.memory_space<vmem>>[vector<16xi32>, vector<16xi32>], vector<16xf32>,
        %scan3A_706 = arith.constant 0 : i32
        scf.yield %scan3A_706 : i32
      }
      %scan3A_649 = arith.constant 64 : i32
      %dma_start3A_650 = arith.constant 0 : i32
      %dma_start3A_651 = tpu.memref_slice %arg9[%add3A_639, %dma_start3A_650] : memref<3276800x16xf32, #tpu.memory_space<hbm>> -> memref<1024x16xf32, #tpu.memory_space<hbm>>
      %dma_start3A_652 = arith.constant 0 : i32
      %dma_start3A_653 = tpu.memref_slice %arg9[%add3A_639, %dma_start3A_652] : memref<3276800x16xf32, #tpu.memory_space<hbm>> -> memref<1024x16xf32, #tpu.memory_space<hbm>>
      tpu.enqueue_dma source(%arg25 : memref<1024x16xf32, #tpu.memory_space<vmem>>) target(%dma_start3A_653 : memref<1024x16xf32, #tpu.memory_space<hbm>>) target_semaphore(%arg41 : memref<!tpu.dma_semaphore, #tpu.memory_space<semaphore_mem>>)
      %scan3A_654 = arith.constant 0 : i32
      scf.yield %scan3A_654 : i32
    }
    %scan3A_281 = arith.constant 23 : i32
    %add3A_282 = arith.constant 100352 : i32
    %add3A_283 = arith.addi %mul3A_2, %add3A_282 : i32
    %dma_start3A_284 = tpu.memref_slice %arg2[%add3A_283] : memref<3276800xi32, #tpu.memory_space<hbm>> -> memref<1024xi32, #tpu.memory_space<hbm>>
    %dma_start3A_285 = tpu.memref_slice %arg2[%add3A_283] : memref<3276800xi32, #tpu.memory_space<hbm>> -> memref<1024xi32, #tpu.memory_space<hbm>>
    tpu.enqueue_dma source(%dma_start3A_285 : memref<1024xi32, #tpu.memory_space<hbm>>) target(%arg12 : memref<1024xi32, #tpu.memory_space<vmem>>) target_semaphore(%arg32 : memref<!tpu.dma_semaphore, #tpu.memory_space<semaphore_mem>>)
    %dma_start3A_286 = tpu.memref_slice %arg3[%add3A_283] : memref<3276800xi32, #tpu.memory_space<hbm>> -> memref<1024xi32, #tpu.memory_space<hbm>>
    %dma_start3A_287 = tpu.memref_slice %arg3[%add3A_283] : memref<3276800xi32, #tpu.memory_space<hbm>> -> memref<1024xi32, #tpu.memory_space<hbm>>
    tpu.enqueue_dma source(%dma_start3A_287 : memref<1024xi32, #tpu.memory_space<hbm>>) target(%arg16 : memref<1024xi32, #tpu.memory_space<vmem>>) target_semaphore(%arg32 : memref<!tpu.dma_semaphore, #tpu.memory_space<semaphore_mem>>)
    %dma_start3A_288 = tpu.memref_slice %arg4[%add3A_283] : memref<3276800xi32, #tpu.memory_space<hbm>> -> memref<1024xi32, #tpu.memory_space<hbm>>
    %dma_start3A_289 = tpu.memref_slice %arg4[%add3A_283] : memref<3276800xi32, #tpu.memory_space<hbm>> -> memref<1024xi32, #tpu.memory_space<hbm>>
    tpu.enqueue_dma source(%dma_start3A_289 : memref<1024xi32, #tpu.memory_space<hbm>>) target(%arg20 : memref<1024xi32, #tpu.memory_space<vmem>>) target_semaphore(%arg32 : memref<!tpu.dma_semaphore, #tpu.memory_space<semaphore_mem>>)
    %add3A_290 = arith.constant 99328 : i32
    %add3A_291 = arith.addi %mul3A_2, %add3A_290 : i32
    %dma_wait3A_292 = tpu.memref_slice %arg2[%add3A_291] : memref<3276800xi32, #tpu.memory_space<hbm>> -> memref<1024xi32, #tpu.memory_space<hbm>>
    %dma_wait3A_293 = tpu.memref_slice %arg2[%add3A_291] : memref<3276800xi32, #tpu.memory_space<hbm>> -> memref<1024xi32, #tpu.memory_space<hbm>>
    tpu.wait_dma2 semaphore(%arg31 : memref<!tpu.dma_semaphore, #tpu.memory_space<semaphore_mem>>) src(%dma_wait3A_293 : memref<1024xi32, #tpu.memory_space<hbm>>) dst(%arg11 : memref<1024xi32, #tpu.memory_space<vmem>>)
    %dma_wait3A_294 = tpu.memref_slice %arg3[%add3A_291] : memref<3276800xi32, #tpu.memory_space<hbm>> -> memref<1024xi32, #tpu.memory_space<hbm>>
    %dma_wait3A_295 = tpu.memref_slice %arg3[%add3A_291] : memref<3276800xi32, #tpu.memory_space<hbm>> -> memref<1024xi32, #tpu.memory_space<hbm>>
    tpu.wait_dma2 semaphore(%arg31 : memref<!tpu.dma_semaphore, #tpu.memory_space<semaphore_mem>>) src(%dma_wait3A_295 : memref<1024xi32, #tpu.memory_space<hbm>>) dst(%arg15 : memref<1024xi32, #tpu.memory_space<vmem>>)
    %dma_wait3A_296 = tpu.memref_slice %arg4[%add3A_291] : memref<3276800xi32, #tpu.memory_space<hbm>> -> memref<1024xi32, #tpu.memory_space<hbm>>
    %dma_wait3A_297 = tpu.memref_slice %arg4[%add3A_291] : memref<3276800xi32, #tpu.memory_space<hbm>> -> memref<1024xi32, #tpu.memory_space<hbm>>
    tpu.wait_dma2 semaphore(%arg31 : memref<!tpu.dma_semaphore, #tpu.memory_space<semaphore_mem>>) src(%dma_wait3A_297 : memref<1024xi32, #tpu.memory_space<hbm>>) dst(%arg19 : memref<1024xi32, #tpu.memory_space<vmem>>)
    %add3A_298 = arith.constant 95232 : i32
    %add3A_299 = arith.addi %mul3A_2, %add3A_298 : i32
    %dma_wait3A_300 = arith.constant 0 : i32
    %dma_wait3A_301 = tpu.memref_slice %arg9[%add3A_299, %dma_wait3A_300] : memref<3276800x16xf32, #tpu.memory_space<hbm>> -> memref<1024x16xf32, #tpu.memory_space<hbm>>
    %dma_wait3A_302 = arith.constant 0 : i32
    %dma_wait3A_303 = tpu.memref_slice %arg9[%add3A_299, %dma_wait3A_302] : memref<3276800x16xf32, #tpu.memory_space<hbm>> -> memref<1024x16xf32, #tpu.memory_space<hbm>>
    tpu.wait_dma2 semaphore(%arg39 : memref<!tpu.dma_semaphore, #tpu.memory_space<semaphore_mem>>) src(%arg23 : memref<1024x16xf32, #tpu.memory_space<vmem>>) dst(%dma_wait3A_303 : memref<1024x16xf32, #tpu.memory_space<hbm>>)
    %dma_start3A_304 = arith.constant 0 : i32
    %dma_start3A_305 = arith.constant 0 : i32
    %dma_start3A_306 = tpu.memref_slice %arg8[%dma_start3A_304, %dma_start3A_305] : memref<1000000x16xf32, #tpu.memory_space<hbm>> -> memref<1000000x16xf32, #tpu.memory_space<hbm>>
    tpu.enqueue_indirect_dma source(%dma_start3A_306 : memref<1000000x16xf32, #tpu.memory_space<hbm>>) target(%arg23 : memref<1024x16xf32, #tpu.memory_space<vmem>>) offsets(%arg11 : memref<1024xi32, #tpu.memory_space<vmem>>) semaphore(%arg35 : memref<!tpu.dma_semaphore, #tpu.memory_space<semaphore_mem>>)
    %add3A_307 = arith.constant 98304 : i32
    %add3A_308 = arith.addi %mul3A_2, %add3A_307 : i32
    %dma_wait3A_309 = arith.constant 0 : i32
    %dma_wait3A_310 = arith.constant 0 : i32
    %dma_wait3A_311 = tpu.memref_slice %arg8[%dma_wait3A_309, %dma_wait3A_310] : memref<1000000x16xf32, #tpu.memory_space<hbm>> -> memref<1000000x16xf32, #tpu.memory_space<hbm>>
    tpu.wait_indirect_dma semaphore(%arg34 : memref<!tpu.dma_semaphore, #tpu.memory_space<semaphore_mem>>) src(%dma_wait3A_311 : memref<1000000x16xf32, #tpu.memory_space<hbm>>) dst(%arg22 : memref<1024x16xf32, #tpu.memory_space<vmem>>)
    %scan3A_312 = arith.constant 0 : i32
    %scan3A_313 = arith.constant 0 : i32
    %scan3A_314 = arith.constant 64 : i32
    %scan3A_315 = arith.addi %scan3A_313, %scan3A_314 : i32
    %scan3A_316 = arith.constant 1 : i32
    %scan3A_317 = scf.for %scan3A_437 = %scan3A_313 to %scan3A_315 step %scan3A_316 iter_args(%scan3A_438 = %scan3A_312) -> (i32)  : i32 {
      %mul3A_439 = arith.constant 16 : i32
      %mul3A_440 = arith.muli %scan3A_437, %mul3A_439 : i32
      %get3A = arith.index_cast %mul3A_440 : i32 to index
      %get3A_441 = tpu.vector_load %arg14[%get3A] {strides = array<i32>} : memref<1024xi32, #tpu.memory_space<vmem>>, vector<16xi32>,
      %mul3A_442 = arith.constant 8 : i32
      %mul3A_443 = vector.broadcast %mul3A_442 : i32 to vector<16xi32>
      %mul3A_444 = arith.muli %get3A_441, %mul3A_443 : vector<16xi32>
      %mul3A_445 = arith.constant 16 : i32
      %mul3A_446 = arith.muli %scan3A_437, %mul3A_445 : i32
      %get3A_447 = arith.index_cast %mul3A_446 : i32 to index
      %get3A_448 = tpu.vector_load %arg18[%get3A_447] {strides = array<i32>} : memref<1024xi32, #tpu.memory_space<vmem>>, vector<16xi32>,
      %add3A_449 = arith.addi %mul3A_444, %get3A_448 : vector<16xi32>
      %mul3A_450 = arith.constant 16 : i32
      %mul3A_451 = vector.broadcast %mul3A_450 : i32 to vector<16xi32>
      %mul3A_452 = arith.muli %add3A_449, %mul3A_451 : vector<16xi32>
      %mul3A_453 = arith.constant 16 : i32
      %mul3A_454 = arith.muli %scan3A_437, %mul3A_453 : i32
      %add3A_455 = vector.broadcast %mul3A_454 : i32 to vector<16xi32>
      %add3A_456 = arith.addi %iota3A, %add3A_455 : vector<16xi32>
      %add3A_457 = arith.addi %mul3A_452, %and3A_7 : vector<16xi32>
      %gather3A = tpu.vector_load_idx %arg26[%add3A_457] : memref<12288xf32, #tpu.memory_space<vmem>>[vector<16xi32>], vector<16xf32>,
      %add3A_458 = arith.addi %mul3A_452, %and3A_13 : vector<16xi32>
      %gather3A_459 = tpu.vector_load_idx %arg26[%add3A_458] : memref<12288xf32, #tpu.memory_space<vmem>>[vector<16xi32>], vector<16xf32>,
      %add3A_460 = arith.addi %mul3A_452, %and3A_19 : vector<16xi32>
      %gather3A_461 = tpu.vector_load_idx %arg26[%add3A_460] : memref<12288xf32, #tpu.memory_space<vmem>>[vector<16xi32>], vector<16xf32>,
      %add3A_462 = arith.addi %mul3A_452, %and3A_25 : vector<16xi32>
      %gather3A_463 = tpu.vector_load_idx %arg26[%add3A_462] : memref<12288xf32, #tpu.memory_space<vmem>>[vector<16xi32>], vector<16xf32>,
      %add3A_464 = arith.addi %mul3A_452, %and3A_31 : vector<16xi32>
      %gather3A_465 = tpu.vector_load_idx %arg26[%add3A_464] : memref<12288xf32, #tpu.memory_space<vmem>>[vector<16xi32>], vector<16xf32>,
      %add3A_466 = arith.addi %mul3A_452, %and3A_37 : vector<16xi32>
      %gather3A_467 = tpu.vector_load_idx %arg26[%add3A_466] : memref<12288xf32, #tpu.memory_space<vmem>>[vector<16xi32>], vector<16xf32>,
      %add3A_468 = arith.addi %mul3A_452, %and3A_43 : vector<16xi32>
      %gather3A_469 = tpu.vector_load_idx %arg26[%add3A_468] : memref<12288xf32, #tpu.memory_space<vmem>>[vector<16xi32>], vector<16xf32>,
      %add3A_470 = arith.addi %mul3A_452, %and3A_49 : vector<16xi32>
      %gather3A_471 = tpu.vector_load_idx %arg26[%add3A_470] : memref<12288xf32, #tpu.memory_space<vmem>>[vector<16xi32>], vector<16xf32>,
      %add3A_472 = arith.addi %mul3A_452, %and3A_55 : vector<16xi32>
      %gather3A_473 = tpu.vector_load_idx %arg26[%add3A_472] : memref<12288xf32, #tpu.memory_space<vmem>>[vector<16xi32>], vector<16xf32>,
      %add3A_474 = arith.addi %mul3A_452, %and3A_61 : vector<16xi32>
      %gather3A_475 = tpu.vector_load_idx %arg26[%add3A_474] : memref<12288xf32, #tpu.memory_space<vmem>>[vector<16xi32>], vector<16xf32>,
      %add3A_476 = arith.addi %mul3A_452, %and3A_67 : vector<16xi32>
      %gather3A_477 = tpu.vector_load_idx %arg26[%add3A_476] : memref<12288xf32, #tpu.memory_space<vmem>>[vector<16xi32>], vector<16xf32>,
      %add3A_478 = arith.addi %mul3A_452, %and3A_73 : vector<16xi32>
      %gather3A_479 = tpu.vector_load_idx %arg26[%add3A_478] : memref<12288xf32, #tpu.memory_space<vmem>>[vector<16xi32>], vector<16xf32>,
      %add3A_480 = arith.addi %mul3A_452, %and3A_79 : vector<16xi32>
      %gather3A_481 = tpu.vector_load_idx %arg26[%add3A_480] : memref<12288xf32, #tpu.memory_space<vmem>>[vector<16xi32>], vector<16xf32>,
      %add3A_482 = arith.addi %mul3A_452, %and3A_85 : vector<16xi32>
      %gather3A_483 = tpu.vector_load_idx %arg26[%add3A_482] : memref<12288xf32, #tpu.memory_space<vmem>>[vector<16xi32>], vector<16xf32>,
      %add3A_484 = arith.addi %mul3A_452, %and3A_91 : vector<16xi32>
      %gather3A_485 = tpu.vector_load_idx %arg26[%add3A_484] : memref<12288xf32, #tpu.memory_space<vmem>>[vector<16xi32>], vector<16xf32>,
      %add3A_486 = arith.addi %mul3A_452, %and3A_97 : vector<16xi32>
      %gather3A_487 = tpu.vector_load_idx %arg26[%add3A_486] : memref<12288xf32, #tpu.memory_space<vmem>>[vector<16xi32>], vector<16xf32>,
      tpu.vector_store_idx %arg22[%add3A_456, %and3A_7], %gather3A {add = true} : memref<1024x16xf32, #tpu.memory_space<vmem>>[vector<16xi32>, vector<16xi32>], vector<16xf32>,
      tpu.vector_store_idx %arg22[%add3A_456, %and3A_13], %gather3A_459 {add = true} : memref<1024x16xf32, #tpu.memory_space<vmem>>[vector<16xi32>, vector<16xi32>], vector<16xf32>,
      tpu.vector_store_idx %arg22[%add3A_456, %and3A_19], %gather3A_461 {add = true} : memref<1024x16xf32, #tpu.memory_space<vmem>>[vector<16xi32>, vector<16xi32>], vector<16xf32>,
      tpu.vector_store_idx %arg22[%add3A_456, %and3A_25], %gather3A_463 {add = true} : memref<1024x16xf32, #tpu.memory_space<vmem>>[vector<16xi32>, vector<16xi32>], vector<16xf32>,
      tpu.vector_store_idx %arg22[%add3A_456, %and3A_31], %gather3A_465 {add = true} : memref<1024x16xf32, #tpu.memory_space<vmem>>[vector<16xi32>, vector<16xi32>], vector<16xf32>,
      tpu.vector_store_idx %arg22[%add3A_456, %and3A_37], %gather3A_467 {add = true} : memref<1024x16xf32, #tpu.memory_space<vmem>>[vector<16xi32>, vector<16xi32>], vector<16xf32>,
      tpu.vector_store_idx %arg22[%add3A_456, %and3A_43], %gather3A_469 {add = true} : memref<1024x16xf32, #tpu.memory_space<vmem>>[vector<16xi32>, vector<16xi32>], vector<16xf32>,
      tpu.vector_store_idx %arg22[%add3A_456, %and3A_49], %gather3A_471 {add = true} : memref<1024x16xf32, #tpu.memory_space<vmem>>[vector<16xi32>, vector<16xi32>], vector<16xf32>,
      tpu.vector_store_idx %arg22[%add3A_456, %and3A_55], %gather3A_473 {add = true} : memref<1024x16xf32, #tpu.memory_space<vmem>>[vector<16xi32>, vector<16xi32>], vector<16xf32>,
      tpu.vector_store_idx %arg22[%add3A_456, %and3A_61], %gather3A_475 {add = true} : memref<1024x16xf32, #tpu.memory_space<vmem>>[vector<16xi32>, vector<16xi32>], vector<16xf32>,
      tpu.vector_store_idx %arg22[%add3A_456, %and3A_67], %gather3A_477 {add = true} : memref<1024x16xf32, #tpu.memory_space<vmem>>[vector<16xi32>, vector<16xi32>], vector<16xf32>,
      tpu.vector_store_idx %arg22[%add3A_456, %and3A_73], %gather3A_479 {add = true} : memref<1024x16xf32, #tpu.memory_space<vmem>>[vector<16xi32>, vector<16xi32>], vector<16xf32>,
      tpu.vector_store_idx %arg22[%add3A_456, %and3A_79], %gather3A_481 {add = true} : memref<1024x16xf32, #tpu.memory_space<vmem>>[vector<16xi32>, vector<16xi32>], vector<16xf32>,
      tpu.vector_store_idx %arg22[%add3A_456, %and3A_85], %gather3A_483 {add = true} : memref<1024x16xf32, #tpu.memory_space<vmem>>[vector<16xi32>, vector<16xi32>], vector<16xf32>,
      tpu.vector_store_idx %arg22[%add3A_456, %and3A_91], %gather3A_485 {add = true} : memref<1024x16xf32, #tpu.memory_space<vmem>>[vector<16xi32>, vector<16xi32>], vector<16xf32>,
      tpu.vector_store_idx %arg22[%add3A_456, %and3A_97], %gather3A_487 {add = true} : memref<1024x16xf32, #tpu.memory_space<vmem>>[vector<16xi32>, vector<16xi32>], vector<16xf32>,
      %scan3A_488 = arith.constant 0 : i32
      scf.yield %scan3A_488 : i32
    }
    %scan3A_318 = arith.constant 64 : i32
    %dma_start3A_319 = arith.constant 0 : i32
    %dma_start3A_320 = tpu.memref_slice %arg9[%add3A_308, %dma_start3A_319] : memref<3276800x16xf32, #tpu.memory_space<hbm>> -> memref<1024x16xf32, #tpu.memory_space<hbm>>
    %dma_start3A_321 = arith.constant 0 : i32
    %dma_start3A_322 = tpu.memref_slice %arg9[%add3A_308, %dma_start3A_321] : memref<3276800x16xf32, #tpu.memory_space<hbm>> -> memref<1024x16xf32, #tpu.memory_space<hbm>>
    tpu.enqueue_dma source(%arg22 : memref<1024x16xf32, #tpu.memory_space<vmem>>) target(%dma_start3A_322 : memref<1024x16xf32, #tpu.memory_space<hbm>>) target_semaphore(%arg38 : memref<!tpu.dma_semaphore, #tpu.memory_space<semaphore_mem>>)
    %add3A_323 = arith.constant 101376 : i32
    %add3A_324 = arith.addi %mul3A_2, %add3A_323 : i32
    %dma_start3A_325 = tpu.memref_slice %arg2[%add3A_324] : memref<3276800xi32, #tpu.memory_space<hbm>> -> memref<1024xi32, #tpu.memory_space<hbm>>
    %dma_start3A_326 = tpu.memref_slice %arg2[%add3A_324] : memref<3276800xi32, #tpu.memory_space<hbm>> -> memref<1024xi32, #tpu.memory_space<hbm>>
    tpu.enqueue_dma source(%dma_start3A_326 : memref<1024xi32, #tpu.memory_space<hbm>>) target(%arg13 : memref<1024xi32, #tpu.memory_space<vmem>>) target_semaphore(%arg33 : memref<!tpu.dma_semaphore, #tpu.memory_space<semaphore_mem>>)
    %dma_start3A_327 = tpu.memref_slice %arg3[%add3A_324] : memref<3276800xi32, #tpu.memory_space<hbm>> -> memref<1024xi32, #tpu.memory_space<hbm>>
    %dma_start3A_328 = tpu.memref_slice %arg3[%add3A_324] : memref<3276800xi32, #tpu.memory_space<hbm>> -> memref<1024xi32, #tpu.memory_space<hbm>>
    tpu.enqueue_dma source(%dma_start3A_328 : memref<1024xi32, #tpu.memory_space<hbm>>) target(%arg17 : memref<1024xi32, #tpu.memory_space<vmem>>) target_semaphore(%arg33 : memref<!tpu.dma_semaphore, #tpu.memory_space<semaphore_mem>>)
    %dma_start3A_329 = tpu.memref_slice %arg4[%add3A_324] : memref<3276800xi32, #tpu.memory_space<hbm>> -> memref<1024xi32, #tpu.memory_space<hbm>>
    %dma_start3A_330 = tpu.memref_slice %arg4[%add3A_324] : memref<3276800xi32, #tpu.memory_space<hbm>> -> memref<1024xi32, #tpu.memory_space<hbm>>
    tpu.enqueue_dma source(%dma_start3A_330 : memref<1024xi32, #tpu.memory_space<hbm>>) target(%arg21 : memref<1024xi32, #tpu.memory_space<vmem>>) target_semaphore(%arg33 : memref<!tpu.dma_semaphore, #tpu.memory_space<semaphore_mem>>)
    %add3A_331 = arith.constant 100352 : i32
    %add3A_332 = arith.addi %mul3A_2, %add3A_331 : i32
    %dma_wait3A_333 = tpu.memref_slice %arg2[%add3A_332] : memref<3276800xi32, #tpu.memory_space<hbm>> -> memref<1024xi32, #tpu.memory_space<hbm>>
    %dma_wait3A_334 = tpu.memref_slice %arg2[%add3A_332] : memref<3276800xi32, #tpu.memory_space<hbm>> -> memref<1024xi32, #tpu.memory_space<hbm>>
    tpu.wait_dma2 semaphore(%arg32 : memref<!tpu.dma_semaphore, #tpu.memory_space<semaphore_mem>>) src(%dma_wait3A_334 : memref<1024xi32, #tpu.memory_space<hbm>>) dst(%arg12 : memref<1024xi32, #tpu.memory_space<vmem>>)
    %dma_wait3A_335 = tpu.memref_slice %arg3[%add3A_332] : memref<3276800xi32, #tpu.memory_space<hbm>> -> memref<1024xi32, #tpu.memory_space<hbm>>
    %dma_wait3A_336 = tpu.memref_slice %arg3[%add3A_332] : memref<3276800xi32, #tpu.memory_space<hbm>> -> memref<1024xi32, #tpu.memory_space<hbm>>
    tpu.wait_dma2 semaphore(%arg32 : memref<!tpu.dma_semaphore, #tpu.memory_space<semaphore_mem>>) src(%dma_wait3A_336 : memref<1024xi32, #tpu.memory_space<hbm>>) dst(%arg16 : memref<1024xi32, #tpu.memory_space<vmem>>)
    %dma_wait3A_337 = tpu.memref_slice %arg4[%add3A_332] : memref<3276800xi32, #tpu.memory_space<hbm>> -> memref<1024xi32, #tpu.memory_space<hbm>>
    %dma_wait3A_338 = tpu.memref_slice %arg4[%add3A_332] : memref<3276800xi32, #tpu.memory_space<hbm>> -> memref<1024xi32, #tpu.memory_space<hbm>>
    tpu.wait_dma2 semaphore(%arg32 : memref<!tpu.dma_semaphore, #tpu.memory_space<semaphore_mem>>) src(%dma_wait3A_338 : memref<1024xi32, #tpu.memory_space<hbm>>) dst(%arg20 : memref<1024xi32, #tpu.memory_space<vmem>>)
    %add3A_339 = arith.constant 96256 : i32
    %add3A_340 = arith.addi %mul3A_2, %add3A_339 : i32
    %dma_wait3A_341 = arith.constant 0 : i32
    %dma_wait3A_342 = tpu.memref_slice %arg9[%add3A_340, %dma_wait3A_341] : memref<3276800x16xf32, #tpu.memory_space<hbm>> -> memref<1024x16xf32, #tpu.memory_space<hbm>>
    %dma_wait3A_343 = arith.constant 0 : i32
    %dma_wait3A_344 = tpu.memref_slice %arg9[%add3A_340, %dma_wait3A_343] : memref<3276800x16xf32, #tpu.memory_space<hbm>> -> memref<1024x16xf32, #tpu.memory_space<hbm>>
    tpu.wait_dma2 semaphore(%arg40 : memref<!tpu.dma_semaphore, #tpu.memory_space<semaphore_mem>>) src(%arg24 : memref<1024x16xf32, #tpu.memory_space<vmem>>) dst(%dma_wait3A_344 : memref<1024x16xf32, #tpu.memory_space<hbm>>)
    %dma_start3A_345 = arith.constant 0 : i32
    %dma_start3A_346 = arith.constant 0 : i32
    %dma_start3A_347 = tpu.memref_slice %arg8[%dma_start3A_345, %dma_start3A_346] : memref<1000000x16xf32, #tpu.memory_space<hbm>> -> memref<1000000x16xf32, #tpu.memory_space<hbm>>
    tpu.enqueue_indirect_dma source(%dma_start3A_347 : memref<1000000x16xf32, #tpu.memory_space<hbm>>) target(%arg24 : memref<1024x16xf32, #tpu.memory_space<vmem>>) offsets(%arg12 : memref<1024xi32, #tpu.memory_space<vmem>>) semaphore(%arg36 : memref<!tpu.dma_semaphore, #tpu.memory_space<semaphore_mem>>)
    %add3A_348 = arith.constant 99328 : i32
    %add3A_349 = arith.addi %mul3A_2, %add3A_348 : i32
    %dma_wait3A_350 = arith.constant 0 : i32
    %dma_wait3A_351 = arith.constant 0 : i32
    %dma_wait3A_352 = tpu.memref_slice %arg8[%dma_wait3A_350, %dma_wait3A_351] : memref<1000000x16xf32, #tpu.memory_space<hbm>> -> memref<1000000x16xf32, #tpu.memory_space<hbm>>
    tpu.wait_indirect_dma semaphore(%arg35 : memref<!tpu.dma_semaphore, #tpu.memory_space<semaphore_mem>>) src(%dma_wait3A_352 : memref<1000000x16xf32, #tpu.memory_space<hbm>>) dst(%arg23 : memref<1024x16xf32, #tpu.memory_space<vmem>>)
    %scan3A_353 = arith.constant 0 : i32
    %scan3A_354 = arith.constant 0 : i32
    %scan3A_355 = arith.constant 64 : i32
    %scan3A_356 = arith.addi %scan3A_354, %scan3A_355 : i32
    %scan3A_357 = arith.constant 1 : i32
    %scan3A_358 = scf.for %scan3A_437 = %scan3A_354 to %scan3A_356 step %scan3A_357 iter_args(%scan3A_438 = %scan3A_353) -> (i32)  : i32 {
      %mul3A_439 = arith.constant 16 : i32
      %mul3A_440 = arith.muli %scan3A_437, %mul3A_439 : i32
      %get3A = arith.index_cast %mul3A_440 : i32 to index
      %get3A_441 = tpu.vector_load %arg15[%get3A] {strides = array<i32>} : memref<1024xi32, #tpu.memory_space<vmem>>, vector<16xi32>,
      %mul3A_442 = arith.constant 8 : i32
      %mul3A_443 = vector.broadcast %mul3A_442 : i32 to vector<16xi32>
      %mul3A_444 = arith.muli %get3A_441, %mul3A_443 : vector<16xi32>
      %mul3A_445 = arith.constant 16 : i32
      %mul3A_446 = arith.muli %scan3A_437, %mul3A_445 : i32
      %get3A_447 = arith.index_cast %mul3A_446 : i32 to index
      %get3A_448 = tpu.vector_load %arg19[%get3A_447] {strides = array<i32>} : memref<1024xi32, #tpu.memory_space<vmem>>, vector<16xi32>,
      %add3A_449 = arith.addi %mul3A_444, %get3A_448 : vector<16xi32>
      %mul3A_450 = arith.constant 16 : i32
      %mul3A_451 = vector.broadcast %mul3A_450 : i32 to vector<16xi32>
      %mul3A_452 = arith.muli %add3A_449, %mul3A_451 : vector<16xi32>
      %mul3A_453 = arith.constant 16 : i32
      %mul3A_454 = arith.muli %scan3A_437, %mul3A_453 : i32
      %add3A_455 = vector.broadcast %mul3A_454 : i32 to vector<16xi32>
      %add3A_456 = arith.addi %iota3A, %add3A_455 : vector<16xi32>
      %add3A_457 = arith.addi %mul3A_452, %and3A_7 : vector<16xi32>
      %gather3A = tpu.vector_load_idx %arg26[%add3A_457] : memref<12288xf32, #tpu.memory_space<vmem>>[vector<16xi32>], vector<16xf32>,
      %add3A_458 = arith.addi %mul3A_452, %and3A_13 : vector<16xi32>
      %gather3A_459 = tpu.vector_load_idx %arg26[%add3A_458] : memref<12288xf32, #tpu.memory_space<vmem>>[vector<16xi32>], vector<16xf32>,
      %add3A_460 = arith.addi %mul3A_452, %and3A_19 : vector<16xi32>
      %gather3A_461 = tpu.vector_load_idx %arg26[%add3A_460] : memref<12288xf32, #tpu.memory_space<vmem>>[vector<16xi32>], vector<16xf32>,
      %add3A_462 = arith.addi %mul3A_452, %and3A_25 : vector<16xi32>
      %gather3A_463 = tpu.vector_load_idx %arg26[%add3A_462] : memref<12288xf32, #tpu.memory_space<vmem>>[vector<16xi32>], vector<16xf32>,
      %add3A_464 = arith.addi %mul3A_452, %and3A_31 : vector<16xi32>
      %gather3A_465 = tpu.vector_load_idx %arg26[%add3A_464] : memref<12288xf32, #tpu.memory_space<vmem>>[vector<16xi32>], vector<16xf32>,
      %add3A_466 = arith.addi %mul3A_452, %and3A_37 : vector<16xi32>
      %gather3A_467 = tpu.vector_load_idx %arg26[%add3A_466] : memref<12288xf32, #tpu.memory_space<vmem>>[vector<16xi32>], vector<16xf32>,
      %add3A_468 = arith.addi %mul3A_452, %and3A_43 : vector<16xi32>
      %gather3A_469 = tpu.vector_load_idx %arg26[%add3A_468] : memref<12288xf32, #tpu.memory_space<vmem>>[vector<16xi32>], vector<16xf32>,
      %add3A_470 = arith.addi %mul3A_452, %and3A_49 : vector<16xi32>
      %gather3A_471 = tpu.vector_load_idx %arg26[%add3A_470] : memref<12288xf32, #tpu.memory_space<vmem>>[vector<16xi32>], vector<16xf32>,
      %add3A_472 = arith.addi %mul3A_452, %and3A_55 : vector<16xi32>
      %gather3A_473 = tpu.vector_load_idx %arg26[%add3A_472] : memref<12288xf32, #tpu.memory_space<vmem>>[vector<16xi32>], vector<16xf32>,
      %add3A_474 = arith.addi %mul3A_452, %and3A_61 : vector<16xi32>
      %gather3A_475 = tpu.vector_load_idx %arg26[%add3A_474] : memref<12288xf32, #tpu.memory_space<vmem>>[vector<16xi32>], vector<16xf32>,
      %add3A_476 = arith.addi %mul3A_452, %and3A_67 : vector<16xi32>
      %gather3A_477 = tpu.vector_load_idx %arg26[%add3A_476] : memref<12288xf32, #tpu.memory_space<vmem>>[vector<16xi32>], vector<16xf32>,
      %add3A_478 = arith.addi %mul3A_452, %and3A_73 : vector<16xi32>
      %gather3A_479 = tpu.vector_load_idx %arg26[%add3A_478] : memref<12288xf32, #tpu.memory_space<vmem>>[vector<16xi32>], vector<16xf32>,
      %add3A_480 = arith.addi %mul3A_452, %and3A_79 : vector<16xi32>
      %gather3A_481 = tpu.vector_load_idx %arg26[%add3A_480] : memref<12288xf32, #tpu.memory_space<vmem>>[vector<16xi32>], vector<16xf32>,
      %add3A_482 = arith.addi %mul3A_452, %and3A_85 : vector<16xi32>
      %gather3A_483 = tpu.vector_load_idx %arg26[%add3A_482] : memref<12288xf32, #tpu.memory_space<vmem>>[vector<16xi32>], vector<16xf32>,
      %add3A_484 = arith.addi %mul3A_452, %and3A_91 : vector<16xi32>
      %gather3A_485 = tpu.vector_load_idx %arg26[%add3A_484] : memref<12288xf32, #tpu.memory_space<vmem>>[vector<16xi32>], vector<16xf32>,
      %add3A_486 = arith.addi %mul3A_452, %and3A_97 : vector<16xi32>
      %gather3A_487 = tpu.vector_load_idx %arg26[%add3A_486] : memref<12288xf32, #tpu.memory_space<vmem>>[vector<16xi32>], vector<16xf32>,
      tpu.vector_store_idx %arg23[%add3A_456, %and3A_7], %gather3A {add = true} : memref<1024x16xf32, #tpu.memory_space<vmem>>[vector<16xi32>, vector<16xi32>], vector<16xf32>,
      tpu.vector_store_idx %arg23[%add3A_456, %and3A_13], %gather3A_459 {add = true} : memref<1024x16xf32, #tpu.memory_space<vmem>>[vector<16xi32>, vector<16xi32>], vector<16xf32>,
      tpu.vector_store_idx %arg23[%add3A_456, %and3A_19], %gather3A_461 {add = true} : memref<1024x16xf32, #tpu.memory_space<vmem>>[vector<16xi32>, vector<16xi32>], vector<16xf32>,
      tpu.vector_store_idx %arg23[%add3A_456, %and3A_25], %gather3A_463 {add = true} : memref<1024x16xf32, #tpu.memory_space<vmem>>[vector<16xi32>, vector<16xi32>], vector<16xf32>,
      tpu.vector_store_idx %arg23[%add3A_456, %and3A_31], %gather3A_465 {add = true} : memref<1024x16xf32, #tpu.memory_space<vmem>>[vector<16xi32>, vector<16xi32>], vector<16xf32>,
      tpu.vector_store_idx %arg23[%add3A_456, %and3A_37], %gather3A_467 {add = true} : memref<1024x16xf32, #tpu.memory_space<vmem>>[vector<16xi32>, vector<16xi32>], vector<16xf32>,
      tpu.vector_store_idx %arg23[%add3A_456, %and3A_43], %gather3A_469 {add = true} : memref<1024x16xf32, #tpu.memory_space<vmem>>[vector<16xi32>, vector<16xi32>], vector<16xf32>,
      tpu.vector_store_idx %arg23[%add3A_456, %and3A_49], %gather3A_471 {add = true} : memref<1024x16xf32, #tpu.memory_space<vmem>>[vector<16xi32>, vector<16xi32>], vector<16xf32>,
      tpu.vector_store_idx %arg23[%add3A_456, %and3A_55], %gather3A_473 {add = true} : memref<1024x16xf32, #tpu.memory_space<vmem>>[vector<16xi32>, vector<16xi32>], vector<16xf32>,
      tpu.vector_store_idx %arg23[%add3A_456, %and3A_61], %gather3A_475 {add = true} : memref<1024x16xf32, #tpu.memory_space<vmem>>[vector<16xi32>, vector<16xi32>], vector<16xf32>,
      tpu.vector_store_idx %arg23[%add3A_456, %and3A_67], %gather3A_477 {add = true} : memref<1024x16xf32, #tpu.memory_space<vmem>>[vector<16xi32>, vector<16xi32>], vector<16xf32>,
      tpu.vector_store_idx %arg23[%add3A_456, %and3A_73], %gather3A_479 {add = true} : memref<1024x16xf32, #tpu.memory_space<vmem>>[vector<16xi32>, vector<16xi32>], vector<16xf32>,
      tpu.vector_store_idx %arg23[%add3A_456, %and3A_79], %gather3A_481 {add = true} : memref<1024x16xf32, #tpu.memory_space<vmem>>[vector<16xi32>, vector<16xi32>], vector<16xf32>,
      tpu.vector_store_idx %arg23[%add3A_456, %and3A_85], %gather3A_483 {add = true} : memref<1024x16xf32, #tpu.memory_space<vmem>>[vector<16xi32>, vector<16xi32>], vector<16xf32>,
      tpu.vector_store_idx %arg23[%add3A_456, %and3A_91], %gather3A_485 {add = true} : memref<1024x16xf32, #tpu.memory_space<vmem>>[vector<16xi32>, vector<16xi32>], vector<16xf32>,
      tpu.vector_store_idx %arg23[%add3A_456, %and3A_97], %gather3A_487 {add = true} : memref<1024x16xf32, #tpu.memory_space<vmem>>[vector<16xi32>, vector<16xi32>], vector<16xf32>,
      %scan3A_488 = arith.constant 0 : i32
      scf.yield %scan3A_488 : i32
    }
    %scan3A_359 = arith.constant 64 : i32
    %dma_start3A_360 = arith.constant 0 : i32
    %dma_start3A_361 = tpu.memref_slice %arg9[%add3A_349, %dma_start3A_360] : memref<3276800x16xf32, #tpu.memory_space<hbm>> -> memref<1024x16xf32, #tpu.memory_space<hbm>>
    %dma_start3A_362 = arith.constant 0 : i32
    %dma_start3A_363 = tpu.memref_slice %arg9[%add3A_349, %dma_start3A_362] : memref<3276800x16xf32, #tpu.memory_space<hbm>> -> memref<1024x16xf32, #tpu.memory_space<hbm>>
    tpu.enqueue_dma source(%arg23 : memref<1024x16xf32, #tpu.memory_space<vmem>>) target(%dma_start3A_363 : memref<1024x16xf32, #tpu.memory_space<hbm>>) target_semaphore(%arg39 : memref<!tpu.dma_semaphore, #tpu.memory_space<semaphore_mem>>)
    %add3A_364 = arith.constant 101376 : i32
    %add3A_365 = arith.addi %mul3A_2, %add3A_364 : i32
    %dma_wait3A_366 = tpu.memref_slice %arg2[%add3A_365] : memref<3276800xi32, #tpu.memory_space<hbm>> -> memref<1024xi32, #tpu.memory_space<hbm>>
    %dma_wait3A_367 = tpu.memref_slice %arg2[%add3A_365] : memref<3276800xi32, #tpu.memory_space<hbm>> -> memref<1024xi32, #tpu.memory_space<hbm>>
    tpu.wait_dma2 semaphore(%arg33 : memref<!tpu.dma_semaphore, #tpu.memory_space<semaphore_mem>>) src(%dma_wait3A_367 : memref<1024xi32, #tpu.memory_space<hbm>>) dst(%arg13 : memref<1024xi32, #tpu.memory_space<vmem>>)
    %dma_wait3A_368 = tpu.memref_slice %arg3[%add3A_365] : memref<3276800xi32, #tpu.memory_space<hbm>> -> memref<1024xi32, #tpu.memory_space<hbm>>
    %dma_wait3A_369 = tpu.memref_slice %arg3[%add3A_365] : memref<3276800xi32, #tpu.memory_space<hbm>> -> memref<1024xi32, #tpu.memory_space<hbm>>
    tpu.wait_dma2 semaphore(%arg33 : memref<!tpu.dma_semaphore, #tpu.memory_space<semaphore_mem>>) src(%dma_wait3A_369 : memref<1024xi32, #tpu.memory_space<hbm>>) dst(%arg17 : memref<1024xi32, #tpu.memory_space<vmem>>)
    %dma_wait3A_370 = tpu.memref_slice %arg4[%add3A_365] : memref<3276800xi32, #tpu.memory_space<hbm>> -> memref<1024xi32, #tpu.memory_space<hbm>>
    %dma_wait3A_371 = tpu.memref_slice %arg4[%add3A_365] : memref<3276800xi32, #tpu.memory_space<hbm>> -> memref<1024xi32, #tpu.memory_space<hbm>>
    tpu.wait_dma2 semaphore(%arg33 : memref<!tpu.dma_semaphore, #tpu.memory_space<semaphore_mem>>) src(%dma_wait3A_371 : memref<1024xi32, #tpu.memory_space<hbm>>) dst(%arg21 : memref<1024xi32, #tpu.memory_space<vmem>>)
    %add3A_372 = arith.constant 97280 : i32
    %add3A_373 = arith.addi %mul3A_2, %add3A_372 : i32
    %dma_wait3A_374 = arith.constant 0 : i32
    %dma_wait3A_375 = tpu.memref_slice %arg9[%add3A_373, %dma_wait3A_374] : memref<3276800x16xf32, #tpu.memory_space<hbm>> -> memref<1024x16xf32, #tpu.memory_space<hbm>>
    %dma_wait3A_376 = arith.constant 0 : i32
    %dma_wait3A_377 = tpu.memref_slice %arg9[%add3A_373, %dma_wait3A_376] : memref<3276800x16xf32, #tpu.memory_space<hbm>> -> memref<1024x16xf32, #tpu.memory_space<hbm>>
    tpu.wait_dma2 semaphore(%arg41 : memref<!tpu.dma_semaphore, #tpu.memory_space<semaphore_mem>>) src(%arg25 : memref<1024x16xf32, #tpu.memory_space<vmem>>) dst(%dma_wait3A_377 : memref<1024x16xf32, #tpu.memory_space<hbm>>)
    %dma_start3A_378 = arith.constant 0 : i32
    %dma_start3A_379 = arith.constant 0 : i32
    %dma_start3A_380 = tpu.memref_slice %arg8[%dma_start3A_378, %dma_start3A_379] : memref<1000000x16xf32, #tpu.memory_space<hbm>> -> memref<1000000x16xf32, #tpu.memory_space<hbm>>
    tpu.enqueue_indirect_dma source(%dma_start3A_380 : memref<1000000x16xf32, #tpu.memory_space<hbm>>) target(%arg25 : memref<1024x16xf32, #tpu.memory_space<vmem>>) offsets(%arg13 : memref<1024xi32, #tpu.memory_space<vmem>>) semaphore(%arg37 : memref<!tpu.dma_semaphore, #tpu.memory_space<semaphore_mem>>)
    %add3A_381 = arith.constant 100352 : i32
    %add3A_382 = arith.addi %mul3A_2, %add3A_381 : i32
    %dma_wait3A_383 = arith.constant 0 : i32
    %dma_wait3A_384 = arith.constant 0 : i32
    %dma_wait3A_385 = tpu.memref_slice %arg8[%dma_wait3A_383, %dma_wait3A_384] : memref<1000000x16xf32, #tpu.memory_space<hbm>> -> memref<1000000x16xf32, #tpu.memory_space<hbm>>
    tpu.wait_indirect_dma semaphore(%arg36 : memref<!tpu.dma_semaphore, #tpu.memory_space<semaphore_mem>>) src(%dma_wait3A_385 : memref<1000000x16xf32, #tpu.memory_space<hbm>>) dst(%arg24 : memref<1024x16xf32, #tpu.memory_space<vmem>>)
    %scan3A_386 = arith.constant 0 : i32
    %scan3A_387 = arith.constant 0 : i32
    %scan3A_388 = arith.constant 64 : i32
    %scan3A_389 = arith.addi %scan3A_387, %scan3A_388 : i32
    %scan3A_390 = arith.constant 1 : i32
    %scan3A_391 = scf.for %scan3A_437 = %scan3A_387 to %scan3A_389 step %scan3A_390 iter_args(%scan3A_438 = %scan3A_386) -> (i32)  : i32 {
      %mul3A_439 = arith.constant 16 : i32
      %mul3A_440 = arith.muli %scan3A_437, %mul3A_439 : i32
      %get3A = arith.index_cast %mul3A_440 : i32 to index
      %get3A_441 = tpu.vector_load %arg16[%get3A] {strides = array<i32>} : memref<1024xi32, #tpu.memory_space<vmem>>, vector<16xi32>,
      %mul3A_442 = arith.constant 8 : i32
      %mul3A_443 = vector.broadcast %mul3A_442 : i32 to vector<16xi32>
      %mul3A_444 = arith.muli %get3A_441, %mul3A_443 : vector<16xi32>
      %mul3A_445 = arith.constant 16 : i32
      %mul3A_446 = arith.muli %scan3A_437, %mul3A_445 : i32
      %get3A_447 = arith.index_cast %mul3A_446 : i32 to index
      %get3A_448 = tpu.vector_load %arg20[%get3A_447] {strides = array<i32>} : memref<1024xi32, #tpu.memory_space<vmem>>, vector<16xi32>,
      %add3A_449 = arith.addi %mul3A_444, %get3A_448 : vector<16xi32>
      %mul3A_450 = arith.constant 16 : i32
      %mul3A_451 = vector.broadcast %mul3A_450 : i32 to vector<16xi32>
      %mul3A_452 = arith.muli %add3A_449, %mul3A_451 : vector<16xi32>
      %mul3A_453 = arith.constant 16 : i32
      %mul3A_454 = arith.muli %scan3A_437, %mul3A_453 : i32
      %add3A_455 = vector.broadcast %mul3A_454 : i32 to vector<16xi32>
      %add3A_456 = arith.addi %iota3A, %add3A_455 : vector<16xi32>
      %add3A_457 = arith.addi %mul3A_452, %and3A_7 : vector<16xi32>
      %gather3A = tpu.vector_load_idx %arg26[%add3A_457] : memref<12288xf32, #tpu.memory_space<vmem>>[vector<16xi32>], vector<16xf32>,
      %add3A_458 = arith.addi %mul3A_452, %and3A_13 : vector<16xi32>
      %gather3A_459 = tpu.vector_load_idx %arg26[%add3A_458] : memref<12288xf32, #tpu.memory_space<vmem>>[vector<16xi32>], vector<16xf32>,
      %add3A_460 = arith.addi %mul3A_452, %and3A_19 : vector<16xi32>
      %gather3A_461 = tpu.vector_load_idx %arg26[%add3A_460] : memref<12288xf32, #tpu.memory_space<vmem>>[vector<16xi32>], vector<16xf32>,
      %add3A_462 = arith.addi %mul3A_452, %and3A_25 : vector<16xi32>
      %gather3A_463 = tpu.vector_load_idx %arg26[%add3A_462] : memref<12288xf32, #tpu.memory_space<vmem>>[vector<16xi32>], vector<16xf32>,
      %add3A_464 = arith.addi %mul3A_452, %and3A_31 : vector<16xi32>
      %gather3A_465 = tpu.vector_load_idx %arg26[%add3A_464] : memref<12288xf32, #tpu.memory_space<vmem>>[vector<16xi32>], vector<16xf32>,
      %add3A_466 = arith.addi %mul3A_452, %and3A_37 : vector<16xi32>
      %gather3A_467 = tpu.vector_load_idx %arg26[%add3A_466] : memref<12288xf32, #tpu.memory_space<vmem>>[vector<16xi32>], vector<16xf32>,
      %add3A_468 = arith.addi %mul3A_452, %and3A_43 : vector<16xi32>
      %gather3A_469 = tpu.vector_load_idx %arg26[%add3A_468] : memref<12288xf32, #tpu.memory_space<vmem>>[vector<16xi32>], vector<16xf32>,
      %add3A_470 = arith.addi %mul3A_452, %and3A_49 : vector<16xi32>
      %gather3A_471 = tpu.vector_load_idx %arg26[%add3A_470] : memref<12288xf32, #tpu.memory_space<vmem>>[vector<16xi32>], vector<16xf32>,
      %add3A_472 = arith.addi %mul3A_452, %and3A_55 : vector<16xi32>
      %gather3A_473 = tpu.vector_load_idx %arg26[%add3A_472] : memref<12288xf32, #tpu.memory_space<vmem>>[vector<16xi32>], vector<16xf32>,
      %add3A_474 = arith.addi %mul3A_452, %and3A_61 : vector<16xi32>
      %gather3A_475 = tpu.vector_load_idx %arg26[%add3A_474] : memref<12288xf32, #tpu.memory_space<vmem>>[vector<16xi32>], vector<16xf32>,
      %add3A_476 = arith.addi %mul3A_452, %and3A_67 : vector<16xi32>
      %gather3A_477 = tpu.vector_load_idx %arg26[%add3A_476] : memref<12288xf32, #tpu.memory_space<vmem>>[vector<16xi32>], vector<16xf32>,
      %add3A_478 = arith.addi %mul3A_452, %and3A_73 : vector<16xi32>
      %gather3A_479 = tpu.vector_load_idx %arg26[%add3A_478] : memref<12288xf32, #tpu.memory_space<vmem>>[vector<16xi32>], vector<16xf32>,
      %add3A_480 = arith.addi %mul3A_452, %and3A_79 : vector<16xi32>
      %gather3A_481 = tpu.vector_load_idx %arg26[%add3A_480] : memref<12288xf32, #tpu.memory_space<vmem>>[vector<16xi32>], vector<16xf32>,
      %add3A_482 = arith.addi %mul3A_452, %and3A_85 : vector<16xi32>
      %gather3A_483 = tpu.vector_load_idx %arg26[%add3A_482] : memref<12288xf32, #tpu.memory_space<vmem>>[vector<16xi32>], vector<16xf32>,
      %add3A_484 = arith.addi %mul3A_452, %and3A_91 : vector<16xi32>
      %gather3A_485 = tpu.vector_load_idx %arg26[%add3A_484] : memref<12288xf32, #tpu.memory_space<vmem>>[vector<16xi32>], vector<16xf32>,
      %add3A_486 = arith.addi %mul3A_452, %and3A_97 : vector<16xi32>
      %gather3A_487 = tpu.vector_load_idx %arg26[%add3A_486] : memref<12288xf32, #tpu.memory_space<vmem>>[vector<16xi32>], vector<16xf32>,
      tpu.vector_store_idx %arg24[%add3A_456, %and3A_7], %gather3A {add = true} : memref<1024x16xf32, #tpu.memory_space<vmem>>[vector<16xi32>, vector<16xi32>], vector<16xf32>,
      tpu.vector_store_idx %arg24[%add3A_456, %and3A_13], %gather3A_459 {add = true} : memref<1024x16xf32, #tpu.memory_space<vmem>>[vector<16xi32>, vector<16xi32>], vector<16xf32>,
      tpu.vector_store_idx %arg24[%add3A_456, %and3A_19], %gather3A_461 {add = true} : memref<1024x16xf32, #tpu.memory_space<vmem>>[vector<16xi32>, vector<16xi32>], vector<16xf32>,
      tpu.vector_store_idx %arg24[%add3A_456, %and3A_25], %gather3A_463 {add = true} : memref<1024x16xf32, #tpu.memory_space<vmem>>[vector<16xi32>, vector<16xi32>], vector<16xf32>,
      tpu.vector_store_idx %arg24[%add3A_456, %and3A_31], %gather3A_465 {add = true} : memref<1024x16xf32, #tpu.memory_space<vmem>>[vector<16xi32>, vector<16xi32>], vector<16xf32>,
      tpu.vector_store_idx %arg24[%add3A_456, %and3A_37], %gather3A_467 {add = true} : memref<1024x16xf32, #tpu.memory_space<vmem>>[vector<16xi32>, vector<16xi32>], vector<16xf32>,
      tpu.vector_store_idx %arg24[%add3A_456, %and3A_43], %gather3A_469 {add = true} : memref<1024x16xf32, #tpu.memory_space<vmem>>[vector<16xi32>, vector<16xi32>], vector<16xf32>,
      tpu.vector_store_idx %arg24[%add3A_456, %and3A_49], %gather3A_471 {add = true} : memref<1024x16xf32, #tpu.memory_space<vmem>>[vector<16xi32>, vector<16xi32>], vector<16xf32>,
      tpu.vector_store_idx %arg24[%add3A_456, %and3A_55], %gather3A_473 {add = true} : memref<1024x16xf32, #tpu.memory_space<vmem>>[vector<16xi32>, vector<16xi32>], vector<16xf32>,
      tpu.vector_store_idx %arg24[%add3A_456, %and3A_61], %gather3A_475 {add = true} : memref<1024x16xf32, #tpu.memory_space<vmem>>[vector<16xi32>, vector<16xi32>], vector<16xf32>,
      tpu.vector_store_idx %arg24[%add3A_456, %and3A_67], %gather3A_477 {add = true} : memref<1024x16xf32, #tpu.memory_space<vmem>>[vector<16xi32>, vector<16xi32>], vector<16xf32>,
      tpu.vector_store_idx %arg24[%add3A_456, %and3A_73], %gather3A_479 {add = true} : memref<1024x16xf32, #tpu.memory_space<vmem>>[vector<16xi32>, vector<16xi32>], vector<16xf32>,
      tpu.vector_store_idx %arg24[%add3A_456, %and3A_79], %gather3A_481 {add = true} : memref<1024x16xf32, #tpu.memory_space<vmem>>[vector<16xi32>, vector<16xi32>], vector<16xf32>,
      tpu.vector_store_idx %arg24[%add3A_456, %and3A_85], %gather3A_483 {add = true} : memref<1024x16xf32, #tpu.memory_space<vmem>>[vector<16xi32>, vector<16xi32>], vector<16xf32>,
      tpu.vector_store_idx %arg24[%add3A_456, %and3A_91], %gather3A_485 {add = true} : memref<1024x16xf32, #tpu.memory_space<vmem>>[vector<16xi32>, vector<16xi32>], vector<16xf32>,
      tpu.vector_store_idx %arg24[%add3A_456, %and3A_97], %gather3A_487 {add = true} : memref<1024x16xf32, #tpu.memory_space<vmem>>[vector<16xi32>, vector<16xi32>], vector<16xf32>,
      %scan3A_488 = arith.constant 0 : i32
      scf.yield %scan3A_488 : i32
    }
    %scan3A_392 = arith.constant 64 : i32
    %dma_start3A_393 = arith.constant 0 : i32
    %dma_start3A_394 = tpu.memref_slice %arg9[%add3A_382, %dma_start3A_393] : memref<3276800x16xf32, #tpu.memory_space<hbm>> -> memref<1024x16xf32, #tpu.memory_space<hbm>>
    %dma_start3A_395 = arith.constant 0 : i32
    %dma_start3A_396 = tpu.memref_slice %arg9[%add3A_382, %dma_start3A_395] : memref<3276800x16xf32, #tpu.memory_space<hbm>> -> memref<1024x16xf32, #tpu.memory_space<hbm>>
    tpu.enqueue_dma source(%arg24 : memref<1024x16xf32, #tpu.memory_space<vmem>>) target(%dma_start3A_396 : memref<1024x16xf32, #tpu.memory_space<hbm>>) target_semaphore(%arg40 : memref<!tpu.dma_semaphore, #tpu.memory_space<semaphore_mem>>)
    %add3A_397 = arith.constant 101376 : i32
    %add3A_398 = arith.addi %mul3A_2, %add3A_397 : i32
    %dma_wait3A_399 = arith.constant 0 : i32
    %dma_wait3A_400 = arith.constant 0 : i32
    %dma_wait3A_401 = tpu.memref_slice %arg8[%dma_wait3A_399, %dma_wait3A_400] : memref<1000000x16xf32, #tpu.memory_space<hbm>> -> memref<1000000x16xf32, #tpu.memory_space<hbm>>
    tpu.wait_indirect_dma semaphore(%arg37 : memref<!tpu.dma_semaphore, #tpu.memory_space<semaphore_mem>>) src(%dma_wait3A_401 : memref<1000000x16xf32, #tpu.memory_space<hbm>>) dst(%arg25 : memref<1024x16xf32, #tpu.memory_space<vmem>>)
    %scan3A_402 = arith.constant 0 : i32
    %scan3A_403 = arith.constant 0 : i32
    %scan3A_404 = arith.constant 64 : i32
    %scan3A_405 = arith.addi %scan3A_403, %scan3A_404 : i32
    %scan3A_406 = arith.constant 1 : i32
    %scan3A_407 = scf.for %scan3A_437 = %scan3A_403 to %scan3A_405 step %scan3A_406 iter_args(%scan3A_438 = %scan3A_402) -> (i32)  : i32 {
      %mul3A_439 = arith.constant 16 : i32
      %mul3A_440 = arith.muli %scan3A_437, %mul3A_439 : i32
      %get3A = arith.index_cast %mul3A_440 : i32 to index
      %get3A_441 = tpu.vector_load %arg17[%get3A] {strides = array<i32>} : memref<1024xi32, #tpu.memory_space<vmem>>, vector<16xi32>,
      %mul3A_442 = arith.constant 8 : i32
      %mul3A_443 = vector.broadcast %mul3A_442 : i32 to vector<16xi32>
      %mul3A_444 = arith.muli %get3A_441, %mul3A_443 : vector<16xi32>
      %mul3A_445 = arith.constant 16 : i32
      %mul3A_446 = arith.muli %scan3A_437, %mul3A_445 : i32
      %get3A_447 = arith.index_cast %mul3A_446 : i32 to index
      %get3A_448 = tpu.vector_load %arg21[%get3A_447] {strides = array<i32>} : memref<1024xi32, #tpu.memory_space<vmem>>, vector<16xi32>,
      %add3A_449 = arith.addi %mul3A_444, %get3A_448 : vector<16xi32>
      %mul3A_450 = arith.constant 16 : i32
      %mul3A_451 = vector.broadcast %mul3A_450 : i32 to vector<16xi32>
      %mul3A_452 = arith.muli %add3A_449, %mul3A_451 : vector<16xi32>
      %mul3A_453 = arith.constant 16 : i32
      %mul3A_454 = arith.muli %scan3A_437, %mul3A_453 : i32
      %add3A_455 = vector.broadcast %mul3A_454 : i32 to vector<16xi32>
      %add3A_456 = arith.addi %iota3A, %add3A_455 : vector<16xi32>
      %add3A_457 = arith.addi %mul3A_452, %and3A_7 : vector<16xi32>
      %gather3A = tpu.vector_load_idx %arg26[%add3A_457] : memref<12288xf32, #tpu.memory_space<vmem>>[vector<16xi32>], vector<16xf32>,
      %add3A_458 = arith.addi %mul3A_452, %and3A_13 : vector<16xi32>
      %gather3A_459 = tpu.vector_load_idx %arg26[%add3A_458] : memref<12288xf32, #tpu.memory_space<vmem>>[vector<16xi32>], vector<16xf32>,
      %add3A_460 = arith.addi %mul3A_452, %and3A_19 : vector<16xi32>
      %gather3A_461 = tpu.vector_load_idx %arg26[%add3A_460] : memref<12288xf32, #tpu.memory_space<vmem>>[vector<16xi32>], vector<16xf32>,
      %add3A_462 = arith.addi %mul3A_452, %and3A_25 : vector<16xi32>
      %gather3A_463 = tpu.vector_load_idx %arg26[%add3A_462] : memref<12288xf32, #tpu.memory_space<vmem>>[vector<16xi32>], vector<16xf32>,
      %add3A_464 = arith.addi %mul3A_452, %and3A_31 : vector<16xi32>
      %gather3A_465 = tpu.vector_load_idx %arg26[%add3A_464] : memref<12288xf32, #tpu.memory_space<vmem>>[vector<16xi32>], vector<16xf32>,
      %add3A_466 = arith.addi %mul3A_452, %and3A_37 : vector<16xi32>
      %gather3A_467 = tpu.vector_load_idx %arg26[%add3A_466] : memref<12288xf32, #tpu.memory_space<vmem>>[vector<16xi32>], vector<16xf32>,
      %add3A_468 = arith.addi %mul3A_452, %and3A_43 : vector<16xi32>
      %gather3A_469 = tpu.vector_load_idx %arg26[%add3A_468] : memref<12288xf32, #tpu.memory_space<vmem>>[vector<16xi32>], vector<16xf32>,
      %add3A_470 = arith.addi %mul3A_452, %and3A_49 : vector<16xi32>
      %gather3A_471 = tpu.vector_load_idx %arg26[%add3A_470] : memref<12288xf32, #tpu.memory_space<vmem>>[vector<16xi32>], vector<16xf32>,
      %add3A_472 = arith.addi %mul3A_452, %and3A_55 : vector<16xi32>
      %gather3A_473 = tpu.vector_load_idx %arg26[%add3A_472] : memref<12288xf32, #tpu.memory_space<vmem>>[vector<16xi32>], vector<16xf32>,
      %add3A_474 = arith.addi %mul3A_452, %and3A_61 : vector<16xi32>
      %gather3A_475 = tpu.vector_load_idx %arg26[%add3A_474] : memref<12288xf32, #tpu.memory_space<vmem>>[vector<16xi32>], vector<16xf32>,
      %add3A_476 = arith.addi %mul3A_452, %and3A_67 : vector<16xi32>
      %gather3A_477 = tpu.vector_load_idx %arg26[%add3A_476] : memref<12288xf32, #tpu.memory_space<vmem>>[vector<16xi32>], vector<16xf32>,
      %add3A_478 = arith.addi %mul3A_452, %and3A_73 : vector<16xi32>
      %gather3A_479 = tpu.vector_load_idx %arg26[%add3A_478] : memref<12288xf32, #tpu.memory_space<vmem>>[vector<16xi32>], vector<16xf32>,
      %add3A_480 = arith.addi %mul3A_452, %and3A_79 : vector<16xi32>
      %gather3A_481 = tpu.vector_load_idx %arg26[%add3A_480] : memref<12288xf32, #tpu.memory_space<vmem>>[vector<16xi32>], vector<16xf32>,
      %add3A_482 = arith.addi %mul3A_452, %and3A_85 : vector<16xi32>
      %gather3A_483 = tpu.vector_load_idx %arg26[%add3A_482] : memref<12288xf32, #tpu.memory_space<vmem>>[vector<16xi32>], vector<16xf32>,
      %add3A_484 = arith.addi %mul3A_452, %and3A_91 : vector<16xi32>
      %gather3A_485 = tpu.vector_load_idx %arg26[%add3A_484] : memref<12288xf32, #tpu.memory_space<vmem>>[vector<16xi32>], vector<16xf32>,
      %add3A_486 = arith.addi %mul3A_452, %and3A_97 : vector<16xi32>
      %gather3A_487 = tpu.vector_load_idx %arg26[%add3A_486] : memref<12288xf32, #tpu.memory_space<vmem>>[vector<16xi32>], vector<16xf32>,
      tpu.vector_store_idx %arg25[%add3A_456, %and3A_7], %gather3A {add = true} : memref<1024x16xf32, #tpu.memory_space<vmem>>[vector<16xi32>, vector<16xi32>], vector<16xf32>,
      tpu.vector_store_idx %arg25[%add3A_456, %and3A_13], %gather3A_459 {add = true} : memref<1024x16xf32, #tpu.memory_space<vmem>>[vector<16xi32>, vector<16xi32>], vector<16xf32>,
      tpu.vector_store_idx %arg25[%add3A_456, %and3A_19], %gather3A_461 {add = true} : memref<1024x16xf32, #tpu.memory_space<vmem>>[vector<16xi32>, vector<16xi32>], vector<16xf32>,
      tpu.vector_store_idx %arg25[%add3A_456, %and3A_25], %gather3A_463 {add = true} : memref<1024x16xf32, #tpu.memory_space<vmem>>[vector<16xi32>, vector<16xi32>], vector<16xf32>,
      tpu.vector_store_idx %arg25[%add3A_456, %and3A_31], %gather3A_465 {add = true} : memref<1024x16xf32, #tpu.memory_space<vmem>>[vector<16xi32>, vector<16xi32>], vector<16xf32>,
      tpu.vector_store_idx %arg25[%add3A_456, %and3A_37], %gather3A_467 {add = true} : memref<1024x16xf32, #tpu.memory_space<vmem>>[vector<16xi32>, vector<16xi32>], vector<16xf32>,
      tpu.vector_store_idx %arg25[%add3A_456, %and3A_43], %gather3A_469 {add = true} : memref<1024x16xf32, #tpu.memory_space<vmem>>[vector<16xi32>, vector<16xi32>], vector<16xf32>,
      tpu.vector_store_idx %arg25[%add3A_456, %and3A_49], %gather3A_471 {add = true} : memref<1024x16xf32, #tpu.memory_space<vmem>>[vector<16xi32>, vector<16xi32>], vector<16xf32>,
      tpu.vector_store_idx %arg25[%add3A_456, %and3A_55], %gather3A_473 {add = true} : memref<1024x16xf32, #tpu.memory_space<vmem>>[vector<16xi32>, vector<16xi32>], vector<16xf32>,
      tpu.vector_store_idx %arg25[%add3A_456, %and3A_61], %gather3A_475 {add = true} : memref<1024x16xf32, #tpu.memory_space<vmem>>[vector<16xi32>, vector<16xi32>], vector<16xf32>,
      tpu.vector_store_idx %arg25[%add3A_456, %and3A_67], %gather3A_477 {add = true} : memref<1024x16xf32, #tpu.memory_space<vmem>>[vector<16xi32>, vector<16xi32>], vector<16xf32>,
      tpu.vector_store_idx %arg25[%add3A_456, %and3A_73], %gather3A_479 {add = true} : memref<1024x16xf32, #tpu.memory_space<vmem>>[vector<16xi32>, vector<16xi32>], vector<16xf32>,
      tpu.vector_store_idx %arg25[%add3A_456, %and3A_79], %gather3A_481 {add = true} : memref<1024x16xf32, #tpu.memory_space<vmem>>[vector<16xi32>, vector<16xi32>], vector<16xf32>,
      tpu.vector_store_idx %arg25[%add3A_456, %and3A_85], %gather3A_483 {add = true} : memref<1024x16xf32, #tpu.memory_space<vmem>>[vector<16xi32>, vector<16xi32>], vector<16xf32>,
      tpu.vector_store_idx %arg25[%add3A_456, %and3A_91], %gather3A_485 {add = true} : memref<1024x16xf32, #tpu.memory_space<vmem>>[vector<16xi32>, vector<16xi32>], vector<16xf32>,
      tpu.vector_store_idx %arg25[%add3A_456, %and3A_97], %gather3A_487 {add = true} : memref<1024x16xf32, #tpu.memory_space<vmem>>[vector<16xi32>, vector<16xi32>], vector<16xf32>,
      %scan3A_488 = arith.constant 0 : i32
      scf.yield %scan3A_488 : i32
    }
    %scan3A_408 = arith.constant 64 : i32
    %dma_start3A_409 = arith.constant 0 : i32
    %dma_start3A_410 = tpu.memref_slice %arg9[%add3A_398, %dma_start3A_409] : memref<3276800x16xf32, #tpu.memory_space<hbm>> -> memref<1024x16xf32, #tpu.memory_space<hbm>>
    %dma_start3A_411 = arith.constant 0 : i32
    %dma_start3A_412 = tpu.memref_slice %arg9[%add3A_398, %dma_start3A_411] : memref<3276800x16xf32, #tpu.memory_space<hbm>> -> memref<1024x16xf32, #tpu.memory_space<hbm>>
    tpu.enqueue_dma source(%arg25 : memref<1024x16xf32, #tpu.memory_space<vmem>>) target(%dma_start3A_412 : memref<1024x16xf32, #tpu.memory_space<hbm>>) target_semaphore(%arg41 : memref<!tpu.dma_semaphore, #tpu.memory_space<semaphore_mem>>)
    %add3A_413 = arith.constant 98304 : i32
    %add3A_414 = arith.addi %mul3A_2, %add3A_413 : i32
    %dma_wait3A_415 = arith.constant 0 : i32
    %dma_wait3A_416 = tpu.memref_slice %arg9[%add3A_414, %dma_wait3A_415] : memref<3276800x16xf32, #tpu.memory_space<hbm>> -> memref<1024x16xf32, #tpu.memory_space<hbm>>
    %dma_wait3A_417 = arith.constant 0 : i32
    %dma_wait3A_418 = tpu.memref_slice %arg9[%add3A_414, %dma_wait3A_417] : memref<3276800x16xf32, #tpu.memory_space<hbm>> -> memref<1024x16xf32, #tpu.memory_space<hbm>>
    tpu.wait_dma2 semaphore(%arg38 : memref<!tpu.dma_semaphore, #tpu.memory_space<semaphore_mem>>) src(%arg22 : memref<1024x16xf32, #tpu.memory_space<vmem>>) dst(%dma_wait3A_418 : memref<1024x16xf32, #tpu.memory_space<hbm>>)
    %add3A_419 = arith.constant 99328 : i32
    %add3A_420 = arith.addi %mul3A_2, %add3A_419 : i32
    %dma_wait3A_421 = arith.constant 0 : i32
    %dma_wait3A_422 = tpu.memref_slice %arg9[%add3A_420, %dma_wait3A_421] : memref<3276800x16xf32, #tpu.memory_space<hbm>> -> memref<1024x16xf32, #tpu.memory_space<hbm>>
    %dma_wait3A_423 = arith.constant 0 : i32
    %dma_wait3A_424 = tpu.memref_slice %arg9[%add3A_420, %dma_wait3A_423] : memref<3276800x16xf32, #tpu.memory_space<hbm>> -> memref<1024x16xf32, #tpu.memory_space<hbm>>
    tpu.wait_dma2 semaphore(%arg39 : memref<!tpu.dma_semaphore, #tpu.memory_space<semaphore_mem>>) src(%arg23 : memref<1024x16xf32, #tpu.memory_space<vmem>>) dst(%dma_wait3A_424 : memref<1024x16xf32, #tpu.memory_space<hbm>>)
    %add3A_425 = arith.constant 100352 : i32
    %add3A_426 = arith.addi %mul3A_2, %add3A_425 : i32
    %dma_wait3A_427 = arith.constant 0 : i32
    %dma_wait3A_428 = tpu.memref_slice %arg9[%add3A_426, %dma_wait3A_427] : memref<3276800x16xf32, #tpu.memory_space<hbm>> -> memref<1024x16xf32, #tpu.memory_space<hbm>>
    %dma_wait3A_429 = arith.constant 0 : i32
    %dma_wait3A_430 = tpu.memref_slice %arg9[%add3A_426, %dma_wait3A_429] : memref<3276800x16xf32, #tpu.memory_space<hbm>> -> memref<1024x16xf32, #tpu.memory_space<hbm>>
    tpu.wait_dma2 semaphore(%arg40 : memref<!tpu.dma_semaphore, #tpu.memory_space<semaphore_mem>>) src(%arg24 : memref<1024x16xf32, #tpu.memory_space<vmem>>) dst(%dma_wait3A_430 : memref<1024x16xf32, #tpu.memory_space<hbm>>)
    %add3A_431 = arith.constant 101376 : i32
    %add3A_432 = arith.addi %mul3A_2, %add3A_431 : i32
    %dma_wait3A_433 = arith.constant 0 : i32
    %dma_wait3A_434 = tpu.memref_slice %arg9[%add3A_432, %dma_wait3A_433] : memref<3276800x16xf32, #tpu.memory_space<hbm>> -> memref<1024x16xf32, #tpu.memory_space<hbm>>
    %dma_wait3A_435 = arith.constant 0 : i32
    %dma_wait3A_436 = tpu.memref_slice %arg9[%add3A_432, %dma_wait3A_435] : memref<3276800x16xf32, #tpu.memory_space<hbm>> -> memref<1024x16xf32, #tpu.memory_space<hbm>>
    tpu.wait_dma2 semaphore(%arg41 : memref<!tpu.dma_semaphore, #tpu.memory_space<semaphore_mem>>) src(%arg25 : memref<1024x16xf32, #tpu.memory_space<vmem>>) dst(%dma_wait3A_436 : memref<1024x16xf32, #tpu.memory_space<hbm>>)
    return
  }
}

</mosaic_0001>

<sc_bundles>
// kernel: kernel.3.cloned.1.call-start
scs
__scs_entry_jumppad:
0x0: {  	(pc) =	sbr.rel $0x88, $3  }
0x1: {  	(tag) =	ssettag $0x0;
	lr =	simm.s32 $0x1  }
0x2: {  	[smem:$0x3F9A] =	sst lr;
	_ =	strace $0xD0000000  }
0x3: {  	_ = 	snop  }
0x4: {  	_ = 	snop  }
0x5: {  	_ = 	snop  }
0x6: {  	_ = 	snop  }
0x7: {  	_ = 	snop  }
__scs_overlays_trampoline_lowered:
0x8: {  	[smem:$0x3FA9] =	sst s0  }
0x9: {  	[smem:$0x3FAA] =	sst s1  }
0xa: {  	[smem:$0x3FAB] =	sst s2  }
0xb: {  	[smem:$0x3FAC] =	sst s3  }
0xc: {  	[smem:$0x3FAD] =	sst s4  }
0xd: {  	[smem:$0x3FAE] =	sst s5  }
0xe: {  	[smem:$0x3FAF] =	sst s6  }
0xf: {  	[smem:$0x3FB0] =	sst s7  }
0x10: {  	[smem:$0x3FB1] =	sst s8  }
0x11: {  	[smem:$0x3FB2] =	sst s9;
	s0 =	simm.s32 @!p0 $0x0  }
0x12: {  	s1 =	sld [smem:$0x3F98];
	s0 =	simm.s32 @p0 $0x1  }
0x13: {  	[smem:$0x3FB3] =	sst s0;
	s0 =	simm.s32 @!p1 $0x0  }
0x14: {  	s2 =	sld [smem:$0x3F97];
	s0 =	simm.s32 @p1 $0x1  }
0x15: {  	[smem:$0x3FB4] =	sst s0;
	s0 =	simm.s32 @!p2 $0x0  }
0x16: {  	s3 =	sld [smem:$0x3FDB];
	s0 =	simm.s32 @p2 $0x1  }
0x17: {  	s4 =	simm.s32 $0x1BF5;
	[smem:$0x3FB6] =	sst s0  }
0x18: {  	s0 =	sld [smem:$0x3F99];
	_ =	swait.ge [sflag:s4], $0x0  }
0x19: {  	s7 =	sld [smem:$0x3F9A]  }
0x1a: {  	s8 =	sadd.s32 $0xFFFFE003, lr  }
0x1b: {  	s9 =	sadd.s32 $0xFFFFFEF7, lr;
	s5 =	simm.s32 $0xFFFFFFFF;
	p2 =	slt.u32 s8, $0xFFFFF086  }
0x1c: {  	p1 =	slt.u32 s9, $0xF7A;
	s5 =	simm.s32 @!p2 $0x0  }
0x1d: {  	s5 =	simm.s32 @p1 $0x1;
	p0 =	seq.s32 s7, s2  }
0x1e: {  	s7 =	smul.u32 @!p0 $0xF7A, s2;
	p2 =	seq.s32 @!p0 s5, $0x0  }
0x1f: {  	s9 =	smul.u32 $0xF7A, s1;
	s8 =	simm.s32 @!p0 $0x1BF5;
	p2 =	por !p2, p0  }
0x20: {  	[sflag:s8] =	ssyncset.s32 @!p0 $0xFFFFF086;
	s6 =	sadd.s32 @!p0 s3, s7;
	s7 =	simm.s32 @!p0 $0x108  }
0x21: {  	s3 =	sadd.s32 s3, s9;
	s6 =	sadd.s32 @!p0 $0x88, s6;
	s7 =	simm.s32 @p2 $0x1082  }
0x22: {  	[simem:s7], [sflag:s8] =	dma.local @!p0 [hbm:s6], $0xF7A  }
0x23: {  	s9 =	sor.u32 $0xD0000000, s2;
	s6 =	simm.s32 $0x108;
	_ =	swait.ge @!p0 [sflag:s8], $0x0  }
0x24: {  	s3 =	sadd.s32 $0x88, s3;
	s6 =	simm.s32 @!p1 $0x1082;
	[sflag:s4] =	ssyncset.s32 $0xFFFFF086  }
0x25: {  	[simem:s6], [sflag:s4] =	dma.local [hbm:s3], $0xF7A  }
0x26: {  	[smem:$0x3F9A] =	sst s1;
	(tag) =	ssettag s2;
	_ =	strace s9  }
0x27: {  	s1 =	sld [smem:$0x3FAA]  }
0x28: {  	s2 =	sld [smem:$0x3FAB]  }
0x29: {  	s4 =	sld [smem:$0x3FAD]  }
0x2a: {  	p0 =	seq.s32 s5, $0x0;
	s5 =	sld [smem:$0x3FAE]  }
0x2b: {  	s6 =	sld [smem:$0x3FAF]  }
0x2c: {  	s7 =	sld [smem:$0x3FB0]  }
0x2d: {  	s3 =	simm.s32 $0x108;
	s8 =	sld [smem:$0x3FB1]  }
0x2e: {  	s3 =	simm.s32 @!p0 $0x1082;
	s9 =	sld [smem:$0x3FB2]  }
0x2f: {  	lr =	sadd.s32 s0, s3;
	s0 =	sld [smem:$0x3FA9]  }
0x30: {  	s3 =	sld [smem:$0x3FAC]  }
0x31: {  	[smem:$0x3FB5] =	sst s10  }
0x32: {  	s10 =	sld [smem:$0x3FB3];
	_ =	sdelay $0x3  }
0x33: {  	p0 =	seq.s32 s10, $0x1;
	s10 =	sld [smem:$0x3FB5];
	_ =	sdelay $0x3  }
0x34: {  	[smem:$0x3FB5] =	sst s10  }
0x35: {  	s10 =	sld [smem:$0x3FB4];
	_ =	sdelay $0x3  }
0x36: {  	p1 =	seq.s32 s10, $0x1;
	s10 =	sld [smem:$0x3FB5];
	_ =	sdelay $0x3  }
0x37: {  	[smem:$0x3FB5] =	sst s10  }
0x38: {  	s10 =	sld [smem:$0x3FB6]  }
0x39: {  	_ = 	snop;
	(pc) =	sbr.ind lr, $3  }
0x3a: {  	_ = 	snop  }
0x3b: {  	_ = 	snop  }
0x3c: {  	p2 =	seq.s32 s10, $0x1;
	s10 =	sld [smem:$0x3FB5]  }
0x3d: {  	_ =	shalt  }
0x3e: {  	_ =	shalt  }
0x3f: {  	_ =	shalt  }
0x40: {  	_ =	shalt  }
0x41: {  	_ =	shalt  }
0x42: {  	_ =	shalt  }
0x43: {  	_ =	shalt  }
0x44: {  	_ =	shalt  }
0x45: {  	_ =	shalt  }
0x46: {  	_ =	shalt  }
0x47: {  	_ =	shalt  }
0x48: {  	_ =	shalt  }
0x49: {  	_ =	shalt  }
0x4a: {  	_ =	shalt  }
0x4b: {  	_ =	shalt  }
0x4c: {  	_ =	shalt  }
0x4d: {  	_ =	shalt  }
0x4e: {  	_ =	shalt  }
0x4f: {  	_ =	shalt  }
0x50: {  	_ =	shalt  }
0x51: {  	_ =	shalt  }
0x52: {  	_ =	shalt  }
0x53: {  	_ =	shalt  }
0x54: {  	_ =	shalt  }
0x55: {  	_ =	shalt  }
0x56: {  	_ =	shalt  }
0x57: {  	_ =	shalt  }
0x58: {  	_ =	shalt  }
0x59: {  	_ =	shalt  }
0x5a: {  	_ =	shalt  }
0x5b: {  	_ =	shalt  }
0x5c: {  	_ =	shalt  }
0x5d: {  	_ =	shalt  }
0x5e: {  	_ =	shalt  }
0x5f: {  	_ =	shalt  }
0x60: {  	_ =	shalt  }
0x61: {  	_ =	shalt  }
0x62: {  	_ =	shalt  }
0x63: {  	_ =	shalt  }
0x64: {  	_ =	shalt  }
0x65: {  	_ =	shalt  }
0x66: {  	_ =	shalt  }
0x67: {  	_ =	shalt  }
0x68: {  	_ =	shalt  }
0x69: {  	_ =	shalt  }
0x6a: {  	_ =	shalt  }
0x6b: {  	_ =	shalt  }
0x6c: {  	_ =	shalt  }
0x6d: {  	_ =	shalt  }
0x6e: {  	_ =	shalt  }
0x6f: {  	_ =	shalt  }
0x70: {  	_ =	shalt  }
0x71: {  	_ =	shalt  }
0x72: {  	_ =	shalt  }
0x73: {  	_ =	shalt  }
0x74: {  	_ =	shalt  }
0x75: {  	_ =	shalt  }
0x76: {  	_ =	shalt  }
0x77: {  	_ =	shalt  }
0x78: {  	_ =	shalt  }
0x79: {  	_ =	shalt  }
0x7a: {  	_ =	shalt  }
0x7b: {  	_ =	shalt  }
0x7c: {  	_ =	shalt  }
0x7d: {  	_ =	shalt  }
0x7e: {  	_ =	shalt  }
0x7f: {  	_ =	shalt  }
0x80: {  	_ =	shalt  }
0x81: {  	_ =	shalt  }
0x82: {  	_ =	shalt  }
0x83: {  	_ =	shalt  }
0x84: {  	_ =	shalt  }
0x85: {  	_ =	shalt  }
0x86: {  	_ =	shalt  }
0x87: {  	_ =	shalt  }
.Lfunc_end0:
.L_simem_size_0:
called_computation.1_lowered:
.L_overlay_start_0:
0x88: {  	s2 =	sld [smem:$0x3FD9]  }
0x89: {  	s3 =	sld [smem:$0x3FFE];
	_ =	sdelay $0x1  }
0x8a: {  	s1 =	srdreg.scid  }
0x8b: {  	s0 =	sand.u32 $0x1, s1  }
0x8c: {  	s17 =	sshll.u32 s0, $0xA;
	s2 =	sadd.s32 s3, s2  }
0x8d: {  	s2 =	sadd.s32 s2, s17  }
0x8e: {  	[smem:$0x3FC1] =	sst s2  }
0x8f: {  	_ = 	snop  }
0x90: {  	s2 =	sld [smem:$0x3FD0];
	(tm) =	ssettm $0x1  }
0x91: {  	s18 =	sld [smem:$0x3FFB];
	_ =	sdelay $0x3  }
0x92: {  	_ =	strace s18  }
0x93: {  	s3 =	sld [smem:$0x3FFC];
	_ =	sdelay $0x3  }
0x94: {  	_ =	strace s3  }
0x95: {  	s3 =	sld [smem:$0x3FFD];
	_ =	sdelay $0x3  }
0x96: {  	_ =	strace s3  }
0x97: {  	_ =	strace $0x8FFFFFFF  }
0x98: {  	s19 =	sld [smem:$0x3FDB];
	_ =	sdelay $0x1  }
0x99: {  	s4 =	simm.s32 $_scs_section_size  }
0x9a: {  	s5 =	simm.s32 $_size__tile_overlayer_lowered;
	s6 =	simm.s32 $_tile_overlayer_lowered  }
0x9b: {  	s22 =	simm.s32 $0x1BFF;
	s21 =	sshll.u32 s6, $0x1;
	s3 =	sadd.s32 s4, s19  }
0x9c: {  	s7 =	simm.s32 $0x0;
	s20 =	sshll.u32 s5, $0x1;
	s5 =	sadd.s32 s21, s3  }
0x9d: {  	[timem:s7], [sflag:s22] =	dma.local [hbm:s5], s20  }
0x9e: {  	_ =	swait.ge [sflag:s22], s20  }
0x9f: {  	s4 =	ssub.s32 $0x0, s20;
	[sflag:s22] =	ssyncset.done $0x0  }
0xa0: {  	[sflag:s22] =	ssyncadd.s32 s4;
	_ =	sdelay $0x1  }
0xa1: {  	s23 =	simm.s32 $0x1B8B  }
0xa2: {  	_ =	swait.ge [sflag:s23], $0x1  }
0xa3: {  	[sflag:s23] =	ssyncset.done $0x0  }
0xa4: {  	s25 =	simm.s32 $0x1B8E;
	s24 =	sld [smem:$0x3FFE];
	[sflag:s23] =	ssyncadd.s32 $0xFFFFFFFF  }
0xa5: {  	s26 =	simm.s32 $execute0_lowered;
	[smem:$0x3FD2] =	sst s25  }
0xa6: {  	s5 =	sshll.u32 s26, $0x1;
	_ =	strace $0x80000046;
	[dreg:$0x1] =	wrdreg $0xFFFFFFFF  }
0xa7: {  	s28 =	simm.s32 $_size_execute0_lowered;
	s3 =	sadd.s32 s3, s5;
	[dreg:$0x0] =	wrdreg $0x0  }
0xa8: {  	s5 =	sshll.u32 s28, $0x1;
	[dreg:$0x2] =	wrdreg s3  }
0xa9: {  	[dreg:$0x3] =	wrdreg s5  }
0xaa: {  	[dreg:$0x4] =	wrdreg $0xC0  }
0xab: {  	_ =	task [dreg:s7], $0x5FFFF  }
0xac: {  	[dreg:$0x1] =	wrdreg $0xFFFFFFFF  }
0xad: {  	[dreg:$0x0] =	wrdreg $0x60  }
0xae: {  	[dreg:$0x2] =	wrdreg s24  }
0xaf: {  	[dreg:$0x3] =	wrdreg s2  }
0xb0: {  	[dreg:$0x4] =	wrdreg $0x9  }
0xb1: {  	_ =	task.clear_ibuf [dreg:s7], $0x5FFFF;
	_ =	strace $0x90000046  }
0xb2: {  	s29 =	simm.s32 $0x9;
	_ =	strace $0x80000048  }
0xb3: {  	_ =	swait.ge [sflag:s29], $0x1  }
0xb4: {  	[sflag:s29] =	ssyncadd.s32 $0xFFFFFFFF  }
0xb5: {  	_ =	strace $0x90000048  }
0xb6: {  	_ =	sfence  }
0xb7: {  	s30 =	sld [smem:$0x0];
	_ =	sdelay $0x2  }
0xb8: {  	s31 =	sshll.u32 s1, $0xD;
	s1 =	sshrl.u32 s1, $0x2  }
0xb9: {  	s3 =	sand.u32 $0x4000, s31;
	s1 =	sadd.s32 s1, s30  }
0xba: {  	s0 =	sor.u32 s3, s0;
	s1 =	sshll.u32 s1, $0x11  }
0xbb: {  	s0 =	sor.u32 s1, s0  }
0xbc: {  	s0 =	sadd.s32 $0x8F2B, s0  }
0xbd: {  	[sflag:s0] =	ssyncadd.remote.s32 $0x1  }
0xbe: {  	_ =	sfence.sel $0xFFFF  }
0xbf: {  	[dreg:$0x0] =	wrdreg $0xFFFFFFFF;
	(pc) =	sbr.abs _section_cstart, $3  }
0xc0: {  	[dreg:$0x1] =	wrdreg $0xFFFFFFFF  }
0xc1: {  	_ =	task.clear_ibuf [dreg:s7], $0x2FFFF;
	_ =	strace $0x9FFFFFFF  }
0xc2: {  	(tm) =	ssettm $0x7FFFFFFF  }
0xc3: {  	_ =	shalt  }
tec
execute0_lowered:
.L_overlay_start_1:
0x0: {  	(tag) =	ssettag $0x1  }
0x1: {  	vm0 =	vcmask $0x1F10;
	v0 =	vimm.s32 $0x3B2A1908;
	v1 =	vimm.s32 $0x7F6E5D4C  }
0x2: {  	v4 =	vimm.s32 $0xFEDCBA9;
	v6 =	vimm.s32 $0x87654321;
	v7 =	vimm.s32 $0x79685746  }
0x3: {  	v8 =	vimm.s32 $0x210FEDCB;
	v9 =	vimm.s32 $0xA9876543;
	v12 =	vimm.s32 $0xCBA98765  }
0x4: {  	v13 =	vimm.s32 $0x37261504;
	v14 =	vimm.s32 $0x7C6B5A49;
	v34 =	vimm.s32 $0x543210FE  }
0x5: {  	v35 =	vimm.s32 $0xDCBA9876;
	v39 =	vimm.s32 $0x39281706;
	v40 =	vimm.s32 $0x7D6C5B4A  }
0x6: {  	v41 =	vimm.s32 $0x6543210F;
	v42 =	vimm.s32 $0xEDCBA987;
	v62 =	vimm.s32 $0x3A291807  }
0x7: {  	v44 =	vimm.s32 $0xFEDCBA98;
	v45 =	vimm.s32 $0x7E6D5C4B;
	v46 =	vimm.s32 $0x76543210  }
0x8: {  	v2 =	vunpack.c.0.s8.s32 v0;
	v1 =	vunpack.c.0.s8.s32 v1;
	v0 =	vimm.s32 $0x33221100  }
0x9: {  	v4 =	vunpack.c.l.s4.s8 v4;
	v7 =	vunpack.c.0.s8.s32 v7;
	v8 =	vunpack.c.l.s4.s8 v8  }
0xa: {  	v9 =	vunpack.c.l.s4.s8 v9;
	v12 =	vunpack.c.l.s4.s8 v12;
	v14 =	vunpack.c.0.s8.s32 v14  }
0xb: {  	s0 =	rddreg [dreg:$0x0];
	v34 =	vunpack.c.l.s4.s8 v34;
	v35 =	vunpack.c.l.s4.s8 v35;
	v39 =	vunpack.c.0.s8.s32 v39  }
0xc: {  	s16 =	simm.s32 $0x0;
	s2 =	srdreg.scid;
	s3 =	stileid.u32;
	v40 =	vunpack.c.0.s8.s32 v40;
	v41 =	vunpack.c.l.s4.s8 v41;
	v44 =	vunpack.c.l.s4.s8 v44  }
0xd: {  	[smem:$0x7FF] =	sst s16;
	s4 =	sadd.s32 $0x1E00, s0;
	s2 =	sand.u32 $0x1, s2;
	v45 =	vunpack.c.0.s8.s32 v45;
	v3 =	vunpack.c.0.s8.s32 v0;
	v0 =	vimm.s32 $0x77665544  }
0xe: {  	s3 =	sshll.u32 s3, $0x1;
	s5 =	sadd.s32 $0x65E00, s0;
	s6 =	sadd.s32 $0xC9E00, s0;
	v46 =	vunpack.c.l.s4.s8 v46;
	v5 =	vunpack.c.0.s8.s32 v0;
	v0 =	vlaneseq.u32  }
0xf: {  	s7 =	sadd.s32 $0x1C00, s0;
	s8 =	sadd.s32 $0x1A00, s0;
	s17 =	sadd.s32 $0x1800, s0;
	v17 =	vsel vm0, v1, v2;
	v1 =	vunpack.c.l.s4.s8 v6;
	v15 =	vunpack.c.0.s8.s32 v4  }
0x10: {  	s1 =	rddreg [dreg:$0x1];
	_ =	strace $0x80000047;
	s3 =	sor.u32 s2, s3;
	v2 =	vimm.s32 $0x3C2B1A09;
	v4 =	vimm.s32 $0x78675645;
	v25 =	vunpack.c.0.s8.s32 v8  }
0x11: {  	[dreg:$0x3] =	wrdreg s7;
	s15 =	ssub.s32 $0x2, s2;
	v26 =	vunpack.c.0.s8.s32 v9;
	v8 =	vimm.s32 $0x36251403;
	s2 =	smul.u32 $0x19000, s3;
	v33 =	vunpack.c.0.s8.s32 v12  }
0x12: {  	s10 =	sadd.s32 $0x1070200, s0;
	[dreg:$0x4] =	wrdreg s8;
	s18 =	sshrl.u32 s15, $0x1;
	v12 =	vimm.s32 $0x74635241;
	v34 =	vunpack.c.0.s8.s32 v34;
	v35 =	vunpack.c.0.s8.s32 v35  }
0x13: {  	[dreg:$0x5] =	wrdreg s17;
	v39 =	vsel vm0, v40, v39;
	v60 =	vunpack.c.0.s8.s32 v41;
	v44 =	vunpack.c.0.s8.s32 v44;
	s0 =	ssub.s32 s15, s18;
	s18 =	sadd.s32 $0x1000, s2  }
0x14: {  	v46 =	vunpack.c.0.s8.s32 v46;
	v4 =	vunpack.c.0.s8.s32 v4;
	v8 =	vunpack.c.0.s8.s32 v8;
	s19 =	sshrl.u32 s2, $0x3;
	s0 =	smax.u32 s0, $0x1;
	[dreg:$0x12] =	wrdreg s18  }
0x15: {  	v12 =	vunpack.c.0.s8.s32 v12;
	v18 =	vsel vm0, v5, v3;
	v16 =	vunpack.c.0.s8.s32 v1;
	s20 =	sadd.s32 s4, s19;
	[smem:$0x7FD] =	sst s0  }
0x16: {  	v1 =	vunpack.c.0.s8.s32 v2;
	v2 =	vimm.s32 $0x706F5E4D;
	v3 =	vimm.s32 $0x34231201;
	s22 =	sor.u32 $0x400, s2;
	s21 =	sadd.s32 s5, s19;
	[dreg:$0x6] =	wrdreg s20  }
0x17: {  	v44 =	vand.u32 $0xF, v44;
	v2 =	vunpack.c.0.s8.s32 v2;
	s7 =	sadd.s32 s6, s19;
	s23 =	sshrl.u32 s22, $0x3;
	v5 =	vcombine.low v16, v15;
	[dreg:$0x7] =	wrdreg s21  }
0x18: {  	v3 =	vunpack.c.0.s8.s32 v3;
	s8 =	sshll.u32 s22, $0x1;
	s22 =	sadd.s32 $0x1400, s2;
	[dreg:$0x8] =	wrdreg s7;
	v48 =	vcombine.low v15, v16;
	v16 =	vcombine.low v44, v46  }
0x19: {  	s11 =	sadd.s32 s4, s23;
	[dreg:$0x17] =	wrdreg s22;
	v19 =	vsel vm0, v2, v1;
	v1 =	vimm.s32 $0x10FEDCBA;
	v2 =	vimm.s32 $0x98765432  }
0x1a: {  	s9 =	sor.u32 $0x800, s2;
	s13 =	sadd.s32 s5, s23;
	v20 =	vsel vm0, v4, v3;
	[dreg:$0x9] =	wrdreg s11;
	v4 =	vunpack.c.l.s4.s8 v1;
	v6 =	vunpack.c.l.s4.s8 v2  }
0x1b: {  	s24 =	sshrl.u32 s9, $0x3;
	s7 =	sadd.s32 s6, s23;
	[dreg:$0xa] =	wrdreg s13;
	v1 =	vcombine.low v18, v17;
	v2 =	vand.u32 $0xF, v5;
	v3 =	vcombine.low v20, v19  }
0x1c: {  	s25 =	sadd.s32 s4, s24;
	[dreg:$0xb] =	wrdreg s7;
	v5 =	vimm.s32 $0x71605F4E;
	v17 =	vcombine.low v17, v18;
	v18 =	vand.u32 $0xF, v48  }
0x1d: {  	s30 =	simm.s32 $0x16180;
	s26 =	sadd.s32 s5, s24;
	[dreg:$0xc] =	wrdreg s25;
	v22 =	vunpack.c.0.s8.s32 v4;
	v24 =	vunpack.c.0.s8.s32 v6;
	v4 =	vimm.s32 $0x3D2C1B0A  }
0x1e: {  	s19 =	sshrl.u32 s18, $0x3;
	s8 =	sadd.s32 s1, s8;
	[dreg:$0xd] =	wrdreg s26;
	v5 =	vunpack.c.0.s8.s32 v5;
	v6 =	vimm.s32 $0x35241302;
	v4 =	vunpack.c.0.s8.s32 v4  }
0x1f: {  	s31 =	simm.s32 $0x161C0;
	s20 =	sadd.s32 s4, s19;
	[dreg:$0x14] =	wrdreg s8;
	v19 =	vcombine.low v19, v20;
	v6 =	vunpack.c.0.s8.s32 v6;
	v10 =	vcombine.low v24, v22  }
0x20: {  	s12 =	smul.u32 $0x32000, s3;
	s21 =	sadd.s32 s5, s19;
	[dreg:$0x15] =	wrdreg s20;
	v22 =	vcombine.low v22, v24;
	v24 =	vcombine.low v25, v26;
	v21 =	vsel vm0, v5, v4  }
0x21: {  	s28 =	simm.s32 $0x3;
	s11 =	sadd.s32 s6, s24;
	[dreg:$0x16] =	wrdreg s21;
	v23 =	vsel vm0, v7, v6;
	v4 =	vimm.s32 $0x3E2D1C0B;
	v5 =	vimm.s32 $0x3210FEDC  }
0x22: {  	s29 =	simm.s32 $0xB;
	s13 =	sadd.s32 s1, s12;
	[dreg:$0xe] =	wrdreg s11;
	v7 =	vimm.s32 $0xBA987654;
	v6 =	vunpack.c.0.s8.s32 v4;
	v4 =	vimm.s32 $0x7261504F  }
0x23: {  	s3 =	smul.u32 $0x190000, s3;
	s8 =	sadd.s32 s6, s19;
	[dreg:$0xf] =	wrdreg s13;
	v5 =	vunpack.c.l.s4.s8 v5;
	v7 =	vunpack.c.l.s4.s8 v7;
	v20 =	vand.u32 $0xF, v22  }
0x24: {  	s23 =	sshll.u32 s9, $0x1;
	s12 =	sadd.s32 $0x1800, s2;
	[dreg:$0x18] =	wrdreg s8;
	v22 =	vand.u32 $0xF, v24;
	v9 =	vunpack.c.0.s8.s32 v4;
	v4 =	vimm.s32 $0x7A695847  }
0x25: {  	s24 =	sshrl.u32 s22, $0x3;
	s8 =	sadd.s32 s1, s23;
	[dreg:$0x1e] =	wrdreg s12;
	v11 =	vunpack.c.0.s8.s32 v4;
	v27 =	vunpack.c.0.s8.s32 v5;
	v29 =	vunpack.c.0.s8.s32 v7  }
0x26: {  	s3 =	sshrl.u32 s3, $0x3;
	s25 =	sadd.s32 s4, s24;
	[dreg:$0x19] =	wrdreg s8;
	v4 =	vand.u32 $0xF, v10;
	v5 =	vcombine.low v23, v21;
	v7 =	vcombine.low v26, v25  }
0x27: {  	s7 =	sor.u32 $0xC00, s2;
	s26 =	sadd.s32 s5, s24;
	[dreg:$0x1a] =	wrdreg s25;
	v10 =	vimm.s32 $0x73625140;
	v21 =	vcombine.low v21, v23;
	v28 =	vsel vm0, v9, v6  }
0x28: {  	s14 =	sshrl.u32 s7, $0x3;
	s13 =	sadd.s32 $0x1C00, s2;
	[dreg:$0x1b] =	wrdreg s26;
	v9 =	vimm.s32 $0x3F2E1D0C;
	v10 =	vunpack.c.0.s8.s32 v10;
	v30 =	vsel vm0, v11, v8  }
0x29: {  	s3 =	sadd.s32 s1, s3;
	s15 =	sadd.s32 s4, s14;
	[dreg:$0x1f] =	wrdreg s13;
	v8 =	vcombine.low v29, v27;
	v6 =	vand.u32 $0xF, v7;
	v9 =	vunpack.c.0.s8.s32 v9  }
0x2a: {  	s0 =	simm.s32 $0x13000;
	s17 =	sadd.s32 s5, s14;
	[dreg:$0x10] =	wrdreg s15;
	v11 =	vimm.s32 $0x43210FED;
	v25 =	vcombine.low v27, v29;
	v7 =	vcombine.low v30, v28  }
0x2b: {  	s7 =	sshll.u32 s7, $0x1;
	s11 =	sadd.s32 s6, s14;
	[dreg:$0x11] =	wrdreg s17;
	v11 =	vunpack.c.l.s4.s8 v11;
	v23 =	vcombine.low v28, v30;
	v28 =	vcombine.low v34, v35  }
0x2c: {  	s9 =	simm.s32 $0xC;
	s7 =	sadd.s32 s1, s7;
	[dreg:$0x13] =	wrdreg s11;
	v8 =	vand.u32 $0xF, v8;
	v31 =	vsel vm0, v10, v9;
	v10 =	vimm.s32 $0x7B6A5948  }
0x2d: {  	s14 =	sadd.s32 $0x2000, s2;
	s25 =	sadd.s32 $0x30000, s3;
	[dreg:$0x1d] =	wrdreg s7;
	v9 =	vunpack.c.0.s8.s32 v13;
	v13 =	vimm.s32 $0x38271605;
	v10 =	vunpack.c.0.s8.s32 v10  }
0x2e: {  	s3 =	sadd.s32 $0x30800, s3;
	s11 =	sadd.s32 s6, s24;
	[smem:$0x7F1] =	sst s14;
	v32 =	vunpack.c.0.s8.s32 v11;
	v11 =	vimm.s32 $0x302F1E0D;
	v13 =	vunpack.c.0.s8.s32 v13  }
0x2f: {  	s15 =	sadd.s32 $0x18800, s2;
	s17 =	sadd.s32 $0x2400, s2;
	[smem:$0x7F9] =	sst s25;
	v24 =	vand.u32 $0xF, v25;
	v28 =	vand.u32 $0xF, v28;
	v11 =	vunpack.c.0.s8.s32 v11  }
0x30: {  	s2 =	sadd.s32 $0x18C00, s2;
	[smem:$0x7FA] =	sst s3;
	s14 =	simm.s32 $0x1;
	v36 =	vsel vm0, v10, v9;
	v10 =	vcombine.low v33, v32;
	v38 =	vsel vm0, v14, v13  }
0x31: {  	s25 =	simm.s32 $0x800;
	[dreg:$0x1c] =	wrdreg s11;
	s18 =	sshrl.u32 s15, $0x3;
	v13 =	vimm.s32 $0x31201F0E;
	v14 =	vimm.s32 $0x75645342;
	v26 =	vcombine.low v32, v33  }
0x32: {  	s7 =	simm.s32 $0xB000;
	[smem:$0x7F2] =	sst s17;
	s19 =	sadd.s32 s4, s18;
	v32 =	vmul.u32 $0x10, v0;
	v13 =	vunpack.c.0.s8.s32 v13;
	v14 =	vunpack.c.0.s8.s32 v14  }
0x33: {  	s21 =	sshrl.u32 s2, $0x3;
	s20 =	sadd.s32 s5, s18;
	[smem:$0x7F3] =	sst s19;
	v37 =	vsel vm0, v12, v11;
	v9 =	vcombine.low v36, v31;
	v12 =	vcombine.low v35, v34  }
0x34: {  	s26 =	sshll.u32 s15, $0x1;
	s8 =	sadd.s32 s6, s18;
	[smem:$0x7F4] =	sst s20;
	v25 =	vcombine.low v31, v36;
	v43 =	vsel vm0, v14, v13;
	v13 =	vunpack.c.l.s4.s8 v42  }
0x35: {  	s2 =	sshll.u32 s2, $0x1;
	s22 =	sadd.s32 s4, s21;
	[smem:$0x7F5] =	sst s8;
	v10 =	vand.u32 $0xF, v10;
	v14 =	vimm.s32 $0x3221100F;
	v42 =	vunpack.c.0.s8.s32 v62  }
0x36: {  	s15 =	simm.s32 $0x3000;
	s23 =	sadd.s32 s5, s21;
	[smem:$0x7F6] =	sst s22;
	v61 =	vunpack.c.0.s8.s32 v13;
	v13 =	vunpack.c.0.s8.s32 v14;
	v14 =	vimm.s32 $0x76655443  }
0x37: {  	s17 =	simm.s32 $0x4;
	s24 =	sadd.s32 s6, s21;
	[smem:$0x7F7] =	sst s23;
	v11 =	vcombine.low v38, v37;
	v26 =	vand.u32 $0xF, v26;
	v14 =	vunpack.c.0.s8.s32 v14  }
0x38: {  	s3 =	sadd.s32 s1, s26;
	s2 =	sadd.s32 s1, s2;
	[smem:$0x7F8] =	sst s24;
	v27 =	vcombine.low v37, v38;
	v29 =	vcombine.low v43, v39;
	v42 =	vsel vm0, v45, v42  }
0x39: {  	s26 =	simm.s32 $0x16000;
	s18 =	simm.s32 $0xF000;
	[smem:$0x7FB] =	sst s3;
	v63 =	vcombine.low v61, v60;
	v30 =	vcombine.low v60, v61;
	v47 =	vsel vm0, v14, v13  }
0x3a: {  	[smem:$0x7FC] =	sst s2;
	s3 =	simm.s32 $0x400;
	s19 =	simm.s32 $0x2;
	v12 =	vand.u32 $0xF, v12;
	v13 =	vcombine.low v39, v43;
	v14 =	vcombine.low v42, v47  }
0x3b: {  	s20 =	simm.s32 $0x7000;
	s23 =	simm.s32 $0xA;
	s2 =	simm.s32 $0x0;
	v15 =	vand.u32 $0xF, v63;
	v30 =	vand.u32 $0xF, v30;
	v31 =	vcombine.low v47, v42  }
.LBB2_1:
0x3c: {  	s8 =	rddreg [dreg:$0x3];
	s11 =	simm.s32 $0xD  }
0x3d: {  	[tilespmem:s26], [sflag:$0xD] =	stream.linear.gather [hbm4b:s8+s16], $0x180, $0x38;
	[tilespmem:$0x16240] =	vst v63  }
0x3e: {  	_ =	swait.ge [sflag:s11], $0x180  }
0x3f: {  	[sflag:s11] =	ssyncset.done $0x0  }
0x40: {  	s22 =	rddreg [dreg:$0x4];
	[sflag:s11] =	ssyncadd.s32 $0xFFFFFE80  }
0x41: {  	v33 =	vmov s16;
	[tilespmem:s30], [sflag:$0xD] =	stream.linear.gather [hbm4b:s22+s16], $0x40, $0x38;
	[tilespmem:$0x16240] =	vst v63  }
0x42: {  	v35 =	vor.u32 s16, v0;
	v33 =	vshrl.u32 v33, $0x1;
	_ =	swait.ge [sflag:s11], $0x40  }
0x43: {  	v34 =	vshll.u32 v35, $0x1;
	v33 =	vand.u32 $0x1F0, v33;
	[sflag:s11] =	ssyncset.done $0x0  }
0x44: {  	v34 =	vand.u32 $0x30, v34;
	v36 =	vor.u32 v0, v33;
	s24 =	rddreg [dreg:$0x5];
	[sflag:s11] =	ssyncadd.s32 $0xFFFFFFC0  }
0x45: {  	v37 =	vor.u32 v0, v34;
	[tilespmem:s31], [sflag:$0xD] =	stream.linear.gather [hbm4b:s24+s16], $0x80, $0x38;
	[tilespmem:$0x16240] =	vst v63  }
0x46: {  	_ =	swait.ge [sflag:s11], $0x80  }
0x47: {  	[sflag:s11] =	ssyncset.done $0x0  }
0x48: {  	[sflag:s11] =	ssyncadd.s32 $0xFFFFFF80  }
0x49: {  	v36 =	vld.idx.msk [tilespmem:v36+s26+$0x0], $0xffff  }
0x4a: {  	v37 =	vld.idx.msk [tilespmem:v37+s30+$0x0], $0xffff;
	_ =	sdelay $0x1  }
0x4b: {  	v38 =	vld.idx.msk [tilespmem:v1+s31+$0x0], $0xffff  }
0x4c: {  	v35 =	vshll.u32 v35, $0x4  }
0x4d: {  	v39 =	vor.u32 v0, v35  }
0x4e: {  	v58 =	vor.u32 v2, v33;
	v36 =	vadd.f32 v37, v36  }
0x4f: {  	v40 =	vor.u32 v2, v34  }
0x50: {  	v36 =	vadd.f32 v38, v36;
	_ =	sdelay $0x1  }
0x51: {  	[tilespmem:v39+s0+$0x0] =	vst.idx.msk $0xffff, v36  }
0x52: {  	v36 =	vld.idx.msk [tilespmem:v58+s26+$0x0], $0xffff  }
0x53: {  	v59 =	vld.idx.msk [tilespmem:v40+s30+$0x0], $0xffff;
	_ =	sdelay $0x1  }
0x54: {  	v60 =	vld.idx.msk [tilespmem:v3+s31+$0x0], $0xffff;
	_ =	sdelay $0x1  }
0x55: {  	v61 =	vor.u32 v2, v35  }
0x56: {  	v62 =	vor.u32 v4, v33;
	v36 =	vadd.f32 v59, v36  }
0x57: {  	v63 =	vor.u32 v4, v34  }
0x58: {  	v36 =	vadd.f32 v60, v36;
	_ =	sdelay $0x1  }
0x59: {  	[tilespmem:v61+s0+$0x0] =	vst.idx.msk $0xffff, v36  }
0x5a: {  	v36 =	vld.idx.msk [tilespmem:v62+s26+$0x0], $0xffff  }
0x5b: {  	v44 =	vld.idx.msk [tilespmem:v63+s30+$0x0], $0xffff;
	_ =	sdelay $0x1  }
0x5c: {  	v45 =	vld.idx.msk [tilespmem:v5+s31+$0x0], $0xffff;
	_ =	sdelay $0x1  }
0x5d: {  	v46 =	vor.u32 v4, v35  }
0x5e: {  	v47 =	vor.u32 v6, v33;
	v36 =	vadd.f32 v44, v36  }
0x5f: {  	v48 =	vor.u32 v6, v34  }
0x60: {  	v36 =	vadd.f32 v45, v36;
	_ =	sdelay $0x1  }
0x61: {  	[tilespmem:v46+s0+$0x0] =	vst.idx.msk $0xffff, v36  }
0x62: {  	v36 =	vld.idx.msk [tilespmem:v47+s26+$0x0], $0xffff  }
0x63: {  	v49 =	vld.idx.msk [tilespmem:v48+s30+$0x0], $0xffff;
	_ =	sdelay $0x1  }
0x64: {  	v50 =	vld.idx.msk [tilespmem:v7+s31+$0x0], $0xffff;
	_ =	sdelay $0x1  }
0x65: {  	v51 =	vor.u32 v6, v35  }
0x66: {  	v52 =	vor.u32 v8, v33;
	v36 =	vadd.f32 v49, v36  }
0x67: {  	v53 =	vor.u32 v8, v34  }
0x68: {  	v36 =	vadd.f32 v50, v36;
	_ =	sdelay $0x1  }
0x69: {  	[tilespmem:v51+s0+$0x0] =	vst.idx.msk $0xffff, v36  }
0x6a: {  	v36 =	vld.idx.msk [tilespmem:v52+s26+$0x0], $0xffff  }
0x6b: {  	v54 =	vld.idx.msk [tilespmem:v53+s30+$0x0], $0xffff;
	_ =	sdelay $0x1  }
0x6c: {  	v55 =	vld.idx.msk [tilespmem:v9+s31+$0x0], $0xffff;
	_ =	sdelay $0x1  }
0x6d: {  	v56 =	vor.u32 v8, v35  }
0x6e: {  	v57 =	vor.u32 v10, v33;
	v36 =	vadd.f32 v54, v36  }
0x6f: {  	v58 =	vor.u32 v10, v34  }
0x70: {  	v36 =	vadd.f32 v55, v36;
	_ =	sdelay $0x1  }
0x71: {  	[tilespmem:v56+s0+$0x0] =	vst.idx.msk $0xffff, v36  }
0x72: {  	v36 =	vld.idx.msk [tilespmem:v57+s26+$0x0], $0xffff  }
0x73: {  	v59 =	vld.idx.msk [tilespmem:v58+s30+$0x0], $0xffff;
	_ =	sdelay $0x1  }
0x74: {  	v60 =	vld.idx.msk [tilespmem:v11+s31+$0x0], $0xffff;
	_ =	sdelay $0x1  }
0x75: {  	v61 =	vor.u32 v10, v35  }
0x76: {  	v62 =	vor.u32 v12, v33;
	v36 =	vadd.f32 v59, v36  }
0x77: {  	v63 =	vor.u32 v12, v34  }
0x78: {  	v36 =	vadd.f32 v60, v36;
	_ =	sdelay $0x1  }
0x79: {  	[tilespmem:v61+s0+$0x0] =	vst.idx.msk $0xffff, v36  }
0x7a: {  	v36 =	vld.idx.msk [tilespmem:v62+s26+$0x0], $0xffff  }
0x7b: {  	v44 =	vld.idx.msk [tilespmem:v63+s30+$0x0], $0xffff;
	_ =	sdelay $0x1  }
0x7c: {  	v45 =	vld.idx.msk [tilespmem:v13+s31+$0x0], $0xffff;
	_ =	sdelay $0x1  }
0x7d: {  	v46 =	vor.u32 v12, v35  }
0x7e: {  	v47 =	vor.u32 v15, v33;
	v36 =	vadd.f32 v44, v36  }
0x7f: {  	v48 =	vor.u32 v15, v34  }
0x80: {  	v36 =	vadd.f32 v45, v36;
	_ =	sdelay $0x1  }
0x81: {  	[tilespmem:v46+s0+$0x0] =	vst.idx.msk $0xffff, v36  }
0x82: {  	v36 =	vld.idx.msk [tilespmem:v47+s26+$0x0], $0xffff  }
0x83: {  	v49 =	vld.idx.msk [tilespmem:v48+s30+$0x0], $0xffff;
	_ =	sdelay $0x1  }
0x84: {  	v50 =	vld.idx.msk [tilespmem:v14+s31+$0x0], $0xffff;
	_ =	sdelay $0x1  }
0x85: {  	v51 =	vor.u32 v15, v35  }
0x86: {  	v52 =	vor.u32 v16, v33;
	v36 =	vadd.f32 v49, v36  }
0x87: {  	v53 =	vor.u32 v16, v34  }
0x88: {  	v36 =	vadd.f32 v50, v36;
	_ =	sdelay $0x1  }
0x89: {  	[tilespmem:v51+s0+$0x0] =	vst.idx.msk $0xffff, v36  }
0x8a: {  	v36 =	vld.idx.msk [tilespmem:v52+s26+$0x0], $0xffff  }
0x8b: {  	v54 =	vld.idx.msk [tilespmem:v53+s30+$0x0], $0xffff;
	_ =	sdelay $0x1  }
0x8c: {  	v55 =	vld.idx.msk [tilespmem:v17+s31+$0x0], $0xffff;
	_ =	sdelay $0x1  }
0x8d: {  	v56 =	vor.u32 v16, v35  }
0x8e: {  	v57 =	vor.u32 v18, v33;
	v36 =	vadd.f32 v54, v36  }
0x8f: {  	v58 =	vor.u32 v18, v34  }
0x90: {  	v36 =	vadd.f32 v55, v36;
	_ =	sdelay $0x1  }
0x91: {  	[tilespmem:v56+s0+$0x0] =	vst.idx.msk $0xffff, v36  }
0x92: {  	v36 =	vld.idx.msk [tilespmem:v57+s26+$0x0], $0xffff  }
0x93: {  	v59 =	vld.idx.msk [tilespmem:v58+s30+$0x0], $0xffff;
	_ =	sdelay $0x1  }
0x94: {  	v60 =	vld.idx.msk [tilespmem:v19+s31+$0x0], $0xffff;
	_ =	sdelay $0x1  }
0x95: {  	v61 =	vor.u32 v18, v35  }
0x96: {  	v62 =	vor.u32 v20, v33;
	v36 =	vadd.f32 v59, v36  }
0x97: {  	v63 =	vor.u32 v20, v34  }
0x98: {  	v36 =	vadd.f32 v60, v36;
	_ =	sdelay $0x1  }
0x99: {  	[tilespmem:v61+s0+$0x0] =	vst.idx.msk $0xffff, v36  }
0x9a: {  	v36 =	vld.idx.msk [tilespmem:v62+s26+$0x0], $0xffff  }
0x9b: {  	v44 =	vld.idx.msk [tilespmem:v63+s30+$0x0], $0xffff;
	_ =	sdelay $0x1  }
0x9c: {  	v45 =	vld.idx.msk [tilespmem:v21+s31+$0x0], $0xffff;
	_ =	sdelay $0x1  }
0x9d: {  	v46 =	vor.u32 v20, v35  }
0x9e: {  	v47 =	vor.u32 v22, v33;
	v36 =	vadd.f32 v44, v36  }
0x9f: {  	v48 =	vor.u32 v22, v34  }
0xa0: {  	v36 =	vadd.f32 v45, v36;
	_ =	sdelay $0x1  }
0xa1: {  	[tilespmem:v46+s0+$0x0] =	vst.idx.msk $0xffff, v36  }
0xa2: {  	v36 =	vld.idx.msk [tilespmem:v47+s26+$0x0], $0xffff  }
0xa3: {  	v49 =	vld.idx.msk [tilespmem:v48+s30+$0x0], $0xffff;
	_ =	sdelay $0x1  }
0xa4: {  	v50 =	vld.idx.msk [tilespmem:v23+s31+$0x0], $0xffff;
	_ =	sdelay $0x1  }
0xa5: {  	v51 =	vor.u32 v22, v35  }
0xa6: {  	v52 =	vor.u32 v24, v33;
	v36 =	vadd.f32 v49, v36  }
0xa7: {  	v53 =	vor.u32 v24, v34  }
0xa8: {  	v36 =	vadd.f32 v50, v36;
	_ =	sdelay $0x1  }
0xa9: {  	[tilespmem:v51+s0+$0x0] =	vst.idx.msk $0xffff, v36  }
0xaa: {  	v36 =	vld.idx.msk [tilespmem:v52+s26+$0x0], $0xffff  }
0xab: {  	v54 =	vld.idx.msk [tilespmem:v53+s30+$0x0], $0xffff;
	_ =	sdelay $0x1  }
0xac: {  	v55 =	vld.idx.msk [tilespmem:v25+s31+$0x0], $0xffff;
	_ =	sdelay $0x1  }
0xad: {  	v56 =	vor.u32 v24, v35  }
0xae: {  	v57 =	vor.u32 v26, v33;
	v36 =	vadd.f32 v54, v36  }
0xaf: {  	v58 =	vor.u32 v26, v34  }
0xb0: {  	v36 =	vadd.f32 v55, v36;
	_ =	sdelay $0x1  }
0xb1: {  	[tilespmem:v56+s0+$0x0] =	vst.idx.msk $0xffff, v36  }
0xb2: {  	v36 =	vld.idx.msk [tilespmem:v57+s26+$0x0], $0xffff  }
0xb3: {  	v59 =	vld.idx.msk [tilespmem:v58+s30+$0x0], $0xffff;
	_ =	sdelay $0x1  }
0xb4: {  	v60 =	vld.idx.msk [tilespmem:v27+s31+$0x0], $0xffff;
	_ =	sdelay $0x1  }
0xb5: {  	v61 =	vor.u32 v26, v35  }
0xb6: {  	v62 =	vor.u32 v28, v33;
	v36 =	vadd.f32 v59, v36  }
0xb7: {  	v63 =	vor.u32 v28, v34  }
0xb8: {  	v36 =	vadd.f32 v60, v36;
	_ =	sdelay $0x1  }
0xb9: {  	[tilespmem:v61+s0+$0x0] =	vst.idx.msk $0xffff, v36  }
0xba: {  	v37 =	vld.idx.msk [tilespmem:v62+s26+$0x0], $0xffff  }
0xbb: {  	v39 =	vld.idx.msk [tilespmem:v63+s30+$0x0], $0xffff  }
0xbc: {  	s11 =	simm.s32 $0x10;
	v36 =	vor.u32 v28, v35;
	v38 =	vld.idx.msk [tilespmem:v29+s31+$0x0], $0xffff  }
.LBB2_2:
0xbd: {  	_ =	sdelay $0x1  }
0xbe: {  	p0 =	sne.s32 s11, $0x2F0;
	s8 =	smov.u32 s11;
	s11 =	sadd.s32 $0x10, s11  }
0xbf: {  	v33 =	vor.u32 v30, v33;
	v37 =	vadd.f32 v39, v37  }
0xc0: {  	v34 =	vor.u32 v30, v34  }
0xc1: {  	v37 =	vadd.f32 v38, v37;
	_ =	sdelay $0x1  }
0xc2: {  	[tilespmem:v36+s0+$0x0] =	vst.idx.msk $0xffff, v37  }
0xc3: {  	v36 =	vld.idx.msk [tilespmem:v33+s26+$0x0], $0xffff  }
0xc4: {  	v37 =	vld.idx.msk [tilespmem:v34+s30+$0x0], $0xffff  }
0xc5: {  	v38 =	vld.idx.msk [tilespmem:v31+s31+$0x0], $0xffff  }
0xc6: {  	v39 =	vor.u32 s8, v0;
	v33 =	vmov s8  }
0xc7: {  	v33 =	vshrl.u32 v33, $0x1;
	v34 =	vshll.u32 v39, $0x1  }
0xc8: {  	v33 =	vand.u32 $0x1F0, v33;
	v34 =	vand.u32 $0x30, v34  }
0xc9: {  	v35 =	vor.u32 v30, v35;
	v40 =	vor.u32 v0, v33;
	v41 =	vor.u32 v0, v34  }
0xca: {  	v36 =	vadd.f32 v37, v36;
	_ =	sdelay $0x1  }
0xcb: {  	v36 =	vadd.f32 v38, v36;
	_ =	sdelay $0x1  }
0xcc: {  	[tilespmem:v35+s0+$0x0] =	vst.idx.msk $0xffff, v36  }
0xcd: {  	v37 =	vld.idx.msk [tilespmem:v40+s26+$0x0], $0xffff  }
0xce: {  	v38 =	vld.idx.msk [tilespmem:v41+s30+$0x0], $0xffff  }
0xcf: {  	v40 =	vld.idx.msk [tilespmem:v1+s31+$0x0], $0xffff  }
0xd0: {  	v35 =	vshll.u32 v39, $0x4  }
0xd1: {  	v39 =	vor.u32 v0, v35;
	v36 =	vor.u32 v28, v35;
	_ =	sdelay $0x2  }
0xd2: {  	v37 =	vadd.f32 v38, v37;
	v38 =	vor.u32 v2, v33  }
0xd3: {  	v41 =	vor.u32 v2, v34  }
0xd4: {  	v37 =	vadd.f32 v40, v37;
	_ =	sdelay $0x1  }
0xd5: {  	[tilespmem:v39+s0+$0x0] =	vst.idx.msk $0xffff, v37  }
0xd6: {  	v37 =	vld.idx.msk [tilespmem:v38+s26+$0x0], $0xffff  }
0xd7: {  	v38 =	vld.idx.msk [tilespmem:v41+s30+$0x0], $0xffff;
	_ =	sdelay $0x1  }
0xd8: {  	v39 =	vld.idx.msk [tilespmem:v3+s31+$0x0], $0xffff;
	_ =	sdelay $0x2  }
0xd9: {  	v40 =	vor.u32 v2, v35  }
0xda: {  	v37 =	vadd.f32 v38, v37;
	v38 =	vor.u32 v4, v33  }
0xdb: {  	v41 =	vor.u32 v4, v34  }
0xdc: {  	v37 =	vadd.f32 v39, v37;
	_ =	sdelay $0x1  }
0xdd: {  	[tilespmem:v40+s0+$0x0] =	vst.idx.msk $0xffff, v37  }
0xde: {  	v37 =	vld.idx.msk [tilespmem:v38+s26+$0x0], $0xffff  }
0xdf: {  	v38 =	vld.idx.msk [tilespmem:v41+s30+$0x0], $0xffff;
	_ =	sdelay $0x1  }
0xe0: {  	v39 =	vld.idx.msk [tilespmem:v5+s31+$0x0], $0xffff;
	_ =	sdelay $0x2  }
0xe1: {  	v40 =	vor.u32 v4, v35  }
0xe2: {  	v37 =	vadd.f32 v38, v37;
	v38 =	vor.u32 v6, v33  }
0xe3: {  	v41 =	vor.u32 v6, v34  }
0xe4: {  	v37 =	vadd.f32 v39, v37;
	_ =	sdelay $0x1  }
0xe5: {  	[tilespmem:v40+s0+$0x0] =	vst.idx.msk $0xffff, v37  }
0xe6: {  	v37 =	vld.idx.msk [tilespmem:v38+s26+$0x0], $0xffff  }
0xe7: {  	v38 =	vld.idx.msk [tilespmem:v41+s30+$0x0], $0xffff;
	_ =	sdelay $0x1  }
0xe8: {  	v39 =	vld.idx.msk [tilespmem:v7+s31+$0x0], $0xffff;
	_ =	sdelay $0x2  }
0xe9: {  	v40 =	vor.u32 v6, v35  }
0xea: {  	v37 =	vadd.f32 v38, v37;
	v38 =	vor.u32 v8, v33  }
0xeb: {  	v41 =	vor.u32 v8, v34  }
0xec: {  	v37 =	vadd.f32 v39, v37;
	_ =	sdelay $0x1  }
0xed: {  	[tilespmem:v40+s0+$0x0] =	vst.idx.msk $0xffff, v37  }
0xee: {  	v37 =	vld.idx.msk [tilespmem:v38+s26+$0x0], $0xffff  }
0xef: {  	v38 =	vld.idx.msk [tilespmem:v41+s30+$0x0], $0xffff;
	_ =	sdelay $0x1  }
0xf0: {  	v39 =	vld.idx.msk [tilespmem:v9+s31+$0x0], $0xffff;
	_ =	sdelay $0x2  }
0xf1: {  	v40 =	vor.u32 v8, v35  }
0xf2: {  	v37 =	vadd.f32 v38, v37;
	v38 =	vor.u32 v10, v33  }
0xf3: {  	v41 =	vor.u32 v10, v34  }
0xf4: {  	v37 =	vadd.f32 v39, v37;
	_ =	sdelay $0x1  }
0xf5: {  	[tilespmem:v40+s0+$0x0] =	vst.idx.msk $0xffff, v37  }
0xf6: {  	v37 =	vld.idx.msk [tilespmem:v38+s26+$0x0], $0xffff  }
0xf7: {  	v38 =	vld.idx.msk [tilespmem:v41+s30+$0x0], $0xffff;
	_ =	sdelay $0x1  }
0xf8: {  	v39 =	vld.idx.msk [tilespmem:v11+s31+$0x0], $0xffff;
	_ =	sdelay $0x2  }
0xf9: {  	v40 =	vor.u32 v10, v35  }
0xfa: {  	v37 =	vadd.f32 v38, v37;
	v38 =	vor.u32 v12, v33  }
0xfb: {  	v41 =	vor.u32 v12, v34  }
0xfc: {  	v37 =	vadd.f32 v39, v37;
	_ =	sdelay $0x1  }
0xfd: {  	[tilespmem:v40+s0+$0x0] =	vst.idx.msk $0xffff, v37  }
0xfe: {  	v37 =	vld.idx.msk [tilespmem:v38+s26+$0x0], $0xffff  }
0xff: {  	v38 =	vld.idx.msk [tilespmem:v41+s30+$0x0], $0xffff  }
0x100: {  	v39 =	vld.idx.msk [tilespmem:v13+s31+$0x0], $0xffff;
	_ =	sdelay $0x3  }
0x101: {  	v40 =	vor.u32 v12, v35  }
0x102: {  	v37 =	vadd.f32 v38, v37;
	v38 =	vor.u32 v15, v33  }
0x103: {  	v41 =	vor.u32 v15, v34  }
0x104: {  	v37 =	vadd.f32 v39, v37;
	_ =	sdelay $0x1  }
0x105: {  	[tilespmem:v40+s0+$0x0] =	vst.idx.msk $0xffff, v37  }
0x106: {  	v37 =	vld.idx.msk [tilespmem:v38+s26+$0x0], $0xffff  }
0x107: {  	v38 =	vld.idx.msk [tilespmem:v41+s30+$0x0], $0xffff;
	_ =	sdelay $0x1  }
0x108: {  	v39 =	vld.idx.msk [tilespmem:v14+s31+$0x0], $0xffff;
	_ =	sdelay $0x2  }
0x109: {  	v40 =	vor.u32 v15, v35  }
0x10a: {  	v37 =	vadd.f32 v38, v37;
	v38 =	vor.u32 v16, v33  }
0x10b: {  	v41 =	vor.u32 v16, v34  }
0x10c: {  	v37 =	vadd.f32 v39, v37;
	_ =	sdelay $0x1  }
0x10d: {  	[tilespmem:v40+s0+$0x0] =	vst.idx.msk $0xffff, v37  }
0x10e: {  	v37 =	vld.idx.msk [tilespmem:v38+s26+$0x0], $0xffff  }
0x10f: {  	v38 =	vld.idx.msk [tilespmem:v41+s30+$0x0], $0xffff;
	_ =	sdelay $0x1  }
0x110: {  	v39 =	vld.idx.msk [tilespmem:v17+s31+$0x0], $0xffff;
	_ =	sdelay $0x2  }
0x111: {  	v40 =	vor.u32 v16, v35  }
0x112: {  	v37 =	vadd.f32 v38, v37;
	v38 =	vor.u32 v18, v33  }
0x113: {  	v41 =	vor.u32 v18, v34  }
0x114: {  	v37 =	vadd.f32 v39, v37;
	_ =	sdelay $0x1  }
0x115: {  	[tilespmem:v40+s0+$0x0] =	vst.idx.msk $0xffff, v37  }
0x116: {  	v37 =	vld.idx.msk [tilespmem:v38+s26+$0x0], $0xffff  }
0x117: {  	v38 =	vld.idx.msk [tilespmem:v41+s30+$0x0], $0xffff  }
0x118: {  	v39 =	vld.idx.msk [tilespmem:v19+s31+$0x0], $0xffff;
	_ =	sdelay $0x3  }
0x119: {  	v40 =	vor.u32 v18, v35  }
0x11a: {  	v37 =	vadd.f32 v38, v37;
	v38 =	vor.u32 v20, v33  }
0x11b: {  	v41 =	vor.u32 v20, v34  }
0x11c: {  	v37 =	vadd.f32 v39, v37;
	_ =	sdelay $0x1  }
0x11d: {  	[tilespmem:v40+s0+$0x0] =	vst.idx.msk $0xffff, v37  }
0x11e: {  	v37 =	vld.idx.msk [tilespmem:v38+s26+$0x0], $0xffff  }
0x11f: {  	v38 =	vld.idx.msk [tilespmem:v41+s30+$0x0], $0xffff  }
0x120: {  	v39 =	vld.idx.msk [tilespmem:v21+s31+$0x0], $0xffff;
	_ =	sdelay $0x3  }
0x121: {  	v40 =	vor.u32 v20, v35  }
0x122: {  	v37 =	vadd.f32 v38, v37;
	v38 =	vor.u32 v22, v33  }
0x123: {  	v41 =	vor.u32 v22, v34  }
0x124: {  	v37 =	vadd.f32 v39, v37;
	_ =	sdelay $0x1  }
0x125: {  	[tilespmem:v40+s0+$0x0] =	vst.idx.msk $0xffff, v37  }
0x126: {  	v37 =	vld.idx.msk [tilespmem:v38+s26+$0x0], $0xffff  }
0x127: {  	v38 =	vld.idx.msk [tilespmem:v41+s30+$0x0], $0xffff  }
0x128: {  	v39 =	vld.idx.msk [tilespmem:v23+s31+$0x0], $0xffff;
	_ =	sdelay $0x3  }
0x129: {  	v40 =	vor.u32 v22, v35  }
0x12a: {  	v37 =	vadd.f32 v38, v37;
	v38 =	vor.u32 v24, v33  }
0x12b: {  	v41 =	vor.u32 v24, v34  }
0x12c: {  	v37 =	vadd.f32 v39, v37;
	_ =	sdelay $0x1  }
0x12d: {  	[tilespmem:v40+s0+$0x0] =	vst.idx.msk $0xffff, v37  }
0x12e: {  	v37 =	vld.idx.msk [tilespmem:v38+s26+$0x0], $0xffff  }
0x12f: {  	v38 =	vld.idx.msk [tilespmem:v41+s30+$0x0], $0xffff  }
0x130: {  	v39 =	vld.idx.msk [tilespmem:v25+s31+$0x0], $0xffff;
	_ =	sdelay $0x3  }
0x131: {  	v40 =	vor.u32 v24, v35  }
0x132: {  	v37 =	vadd.f32 v38, v37;
	v38 =	vor.u32 v26, v33  }
0x133: {  	v41 =	vor.u32 v26, v34  }
0x134: {  	v37 =	vadd.f32 v39, v37;
	_ =	sdelay $0x1  }
0x135: {  	[tilespmem:v40+s0+$0x0] =	vst.idx.msk $0xffff, v37  }
0x136: {  	v37 =	vld.idx.msk [tilespmem:v38+s26+$0x0], $0xffff  }
0x137: {  	v38 =	vld.idx.msk [tilespmem:v41+s30+$0x0], $0xffff  }
0x138: {  	v39 =	vld.idx.msk [tilespmem:v27+s31+$0x0], $0xffff;
	_ =	sdelay $0x3  }
0x139: {  	v40 =	vor.u32 v26, v35  }
0x13a: {  	v37 =	vadd.f32 v38, v37;
	v38 =	vor.u32 v28, v33  }
0x13b: {  	v41 =	vor.u32 v28, v34  }
0x13c: {  	v37 =	vadd.f32 v39, v37  }
.Ltmp0:
0x13d: {  	(pc) =	sbr.rel @p0 .LBB2_2-.Ltmp0, $4  }
0x13e: {  	[tilespmem:v40+s0+$0x0] =	vst.idx.msk $0xffff, v37  }
0x13f: {  	v37 =	vld.idx.msk [tilespmem:v38+s26+$0x0], $0xffff  }
0x140: {  	v39 =	vld.idx.msk [tilespmem:v41+s30+$0x0], $0xffff  }
0x141: {  	v38 =	vld.idx.msk [tilespmem:v29+s31+$0x0], $0xffff  }
0x142: {  	_ =	sdelay $0x2  }
0x143: {  	v33 =	vor.u32 v30, v33;
	v37 =	vadd.f32 v39, v37  }
0x144: {  	v34 =	vor.u32 v30, v34  }
0x145: {  	v37 =	vadd.f32 v38, v37;
	_ =	sdelay $0x1  }
0x146: {  	[tilespmem:v36+s0+$0x0] =	vst.idx.msk $0xffff, v37  }
0x147: {  	v33 =	vld.idx.msk [tilespmem:v33+s26+$0x0], $0xffff  }
0x148: {  	v34 =	vld.idx.msk [tilespmem:v34+s30+$0x0], $0xffff;
	_ =	sdelay $0x1  }
0x149: {  	v36 =	vld.idx.msk [tilespmem:v31+s31+$0x0], $0xffff;
	_ =	sdelay $0x1  }
0x14a: {  	v35 =	vor.u32 v30, v35  }
0x14b: {  	v33 =	vadd.f32 v34, v33;
	_ =	sdelay $0x1  }
0x14c: {  	v33 =	vadd.f32 v36, v33  }
0x14d: {  	[smem:$0x7F0] =	sst s2  }
0x14e: {  	s8 =	simm.s32 $0x0;
	s11 =	rddreg [dreg:$0x6];
	[tilespmem:v35+s0+$0x0] =	vst.idx.msk $0xffff, v33  }
0x14f: {  	[tilespmem:s8], [sflag:$0x1] =	stream.linear.gather [hbm4b:s11+s8], $0x400, $0x38;
	[tilespmem:$0x16240] =	vst v63  }
0x150: {  	s12 =	rddreg [dreg:$0x7];
	s11 =	simm.s32 $0x1000  }
0x151: {  	[tilespmem:s11], [sflag:$0x1] =	stream.linear.gather [hbm4b:s12+s8], $0x400, $0x38;
	[tilespmem:$0x16240] =	vst v63  }
0x152: {  	s13 =	rddreg [dreg:$0x8];
	s12 =	simm.s32 $0x2000  }
0x153: {  	[tilespmem:s12], [sflag:$0x1] =	stream.linear.gather [hbm4b:s13+s8], $0x400, $0x38;
	[tilespmem:$0x16240] =	vst v63  }
0x154: {  	s24 =	rddreg [dreg:$0x9]  }
0x155: {  	[tilespmem:s3], [sflag:$0x2] =	stream.linear.gather [hbm4b:s24+s8], $0x400, $0x38;
	[tilespmem:$0x16240] =	vst v63  }
0x156: {  	s2 =	rddreg [dreg:$0xa];
	s16 =	simm.s32 $0x1400  }
0x157: {  	[tilespmem:s16], [sflag:$0x2] =	stream.linear.gather [hbm4b:s2+s8], $0x400, $0x38;
	[tilespmem:$0x16240] =	vst v63  }
0x158: {  	s21 =	simm.s32 $0x2400;
	s16 =	rddreg [dreg:$0xb]  }
0x159: {  	[tilespmem:s21], [sflag:$0x2] =	stream.linear.gather [hbm4b:s16+s8], $0x400, $0x38;
	[tilespmem:$0x16240] =	vst v63  }
0x15a: {  	_ =	swait.ge [sflag:s14], $0x400  }
0x15b: {  	[sflag:s14] =	ssyncset.done $0x0  }
0x15c: {  	[sflag:s14] =	ssyncadd.s32 $0xFFFFFC00  }
0x15d: {  	_ =	swait.ge [sflag:s14], $0x400  }
0x15e: {  	[sflag:s14] =	ssyncset.done $0x0  }
0x15f: {  	[sflag:s14] =	ssyncadd.s32 $0xFFFFFC00  }
0x160: {  	_ =	swait.ge [sflag:s14], $0x400  }
0x161: {  	[sflag:s14] =	ssyncset.done $0x0  }
0x162: {  	[sflag:s14] =	ssyncadd.s32 $0xFFFFFC00  }
0x163: {  	[tilespmem:s15], [sflag:$0x5] =	stream.indirect.gather [hbm4b:s10+s3], $0x10, s8, s3, $0xb8;
	[tilespmem:$0x16240] =	vst v63  }
0x164: {  	s22 =	rddreg [dreg:$0xc]  }
0x165: {  	[tilespmem:s25], [sflag:$0x3] =	stream.linear.gather [hbm4b:s22+s8], $0x400, $0x38;
	[tilespmem:$0x16240] =	vst v63  }
0x166: {  	s2 =	simm.s32 $0x1800;
	s24 =	rddreg [dreg:$0xd]  }
0x167: {  	[tilespmem:s2], [sflag:$0x3] =	stream.linear.gather [hbm4b:s24+s8], $0x400, $0x38;
	[tilespmem:$0x16240] =	vst v63  }
0x168: {  	s21 =	rddreg [dreg:$0xe];
	s22 =	simm.s32 $0x2800  }
0x169: {  	[tilespmem:s22], [sflag:$0x3] =	stream.linear.gather [hbm4b:s21+s8], $0x400, $0x38;
	[tilespmem:$0x16240] =	vst v63  }
0x16a: {  	_ =	swait.ge [sflag:s19], $0x400  }
0x16b: {  	[sflag:s19] =	ssyncset.done $0x0  }
0x16c: {  	[sflag:s19] =	ssyncadd.s32 $0xFFFFFC00  }
0x16d: {  	_ =	swait.ge [sflag:s19], $0x400  }
0x16e: {  	[sflag:s19] =	ssyncset.done $0x0  }
0x16f: {  	[sflag:s19] =	ssyncadd.s32 $0xFFFFFC00  }
0x170: {  	_ =	swait.ge [sflag:s19], $0x400  }
0x171: {  	[sflag:s19] =	ssyncset.done $0x0  }
0x172: {  	s24 =	simm.s32 $0x5;
	[sflag:s19] =	ssyncadd.s32 $0xFFFFFC00  }
0x173: {  	[tilespmem:s20], [sflag:$0x6] =	stream.indirect.gather [hbm4b:s10+s3], $0x10, s3, s3, $0xb8;
	[tilespmem:$0x16240] =	vst v63  }
0x174: {  	_ =	swait.ge [sflag:s24], $0x4000  }
0x175: {  	[sflag:s24] =	ssyncset.done $0x0  }
0x176: {  	[sflag:s24] =	ssyncadd.s32 $0xFFFFC000  }
0x177: {  	v54 =	vld [tilespmem:s11+$0x0]  }
0x178: {  	v55 =	vld [tilespmem:s12+$0x0];
	_ =	sdelay $0x4  }
0x179: {  	v33 =	vshll.u32 v54, $0x7;
	v34 =	vshll.u32 v55, $0x4  }
0x17a: {  	v41 =	vadd.s32 v33, v34  }
0x17b: {  	v33 =	vor.u32 v6, v41  }
0x17c: {  	v34 =	vor.u32 v12, v41  }
0x17d: {  	v56 =	vor.u32 v10, v41  }
0x17e: {  	v57 =	vor.u32 v2, v41  }
0x17f: {  	v58 =	vor.u32 v30, v41  }
0x180: {  	v40 =	vor.u32 v20, v41;
	v48 =	vld.idx.msk [tilespmem:v33+s0+$0x0], $0xffff  }
0x181: {  	v42 =	vor.u32 v16, v41;
	v36 =	vld.idx.msk [tilespmem:v34+s0+$0x0], $0xffff  }
0x182: {  	v43 =	vor.u32 v26, v41;
	v39 =	vld.idx.msk [tilespmem:v56+s0+$0x0], $0xffff  }
0x183: {  	v44 =	vor.u32 v24, v41;
	v46 =	vld.idx.msk [tilespmem:v57+s0+$0x0], $0xffff  }
0x184: {  	v45 =	vor.u32 v22, v41;
	v33 =	vld.idx.msk [tilespmem:v58+s0+$0x0], $0xffff  }
0x185: {  	v47 =	vor.u32 v0, v41;
	v34 =	vld.idx.msk [tilespmem:v40+s0+$0x0], $0xffff  }
0x186: {  	v49 =	vor.u32 v8, v41;
	v38 =	vld.idx.msk [tilespmem:v42+s0+$0x0], $0xffff  }
0x187: {  	v59 =	vor.u32 v4, v41;
	v35 =	vld.idx.msk [tilespmem:v43+s0+$0x0], $0xffff  }
0x188: {  	v61 =	vmov s8;
	v60 =	vor.u32 v15, v41;
	v37 =	vld.idx.msk [tilespmem:v44+s0+$0x0], $0xffff  }
0x189: {  	v62 =	vshll.u32 v61, $0x4;
	v50 =	vor.u32 v28, v41;
	v40 =	vld.idx.msk [tilespmem:v45+s0+$0x0], $0xffff  }
0x18a: {  	v63 =	vor.u32 v18, v41;
	v41 =	vor.u32 v32, v62;
	v47 =	vld.idx.msk [tilespmem:v47+s0+$0x0], $0xffff  }
0x18b: {  	v51 =	vor.u32 v0, v41;
	v49 =	vld.idx.msk [tilespmem:v49+s0+$0x0], $0xffff  }
0x18c: {  	v52 =	vor.u32 v2, v41;
	v53 =	vld.idx.msk [tilespmem:v59+s0+$0x0], $0xffff  }
0x18d: {  	v54 =	vor.u32 v4, v41;
	v44 =	vld.idx.msk [tilespmem:v60+s0+$0x0], $0xffff  }
0x18e: {  	v55 =	vor.u32 v6, v41;
	v42 =	vld.idx.msk [tilespmem:v50+s0+$0x0], $0xffff  }
0x18f: {  	v56 =	vor.u32 v8, v41;
	v45 =	vld.idx.msk [tilespmem:v63+s0+$0x0], $0xffff  }
0x190: {  	[tilespmem:v51+s15+$0x0] =	vst.idx.add.f32.msk $0xffff, v47;
	v51 =	vor.u32 v10, v41  }
0x191: {  	v50 =	vor.u32 v12, v41;
	[tilespmem:v52+s15+$0x0] =	vst.idx.add.f32.msk $0xffff, v46  }
0x192: {  	v47 =	vor.u32 v15, v41;
	[tilespmem:v54+s15+$0x0] =	vst.idx.add.f32.msk $0xffff, v53  }
0x193: {  	v43 =	vor.u32 v22, v41;
	v46 =	vor.u32 v16, v41;
	[tilespmem:v55+s15+$0x0] =	vst.idx.add.f32.msk $0xffff, v48  }
0x194: {  	s8 =	simm.s32 $0x10;
	v48 =	vor.u32 v18, v41;
	[tilespmem:v56+s15+$0x0] =	vst.idx.add.f32.msk $0xffff, v49;
	v49 =	vor.u32 v20, v41  }
.LBB2_4:
0x195: {  	p0 =	sne.s32 s8, $0x3F0;
	[tilespmem:v51+s15+$0x0] =	vst.idx.add.f32.msk $0xffff, v39;
	s11 =	sadd.s32 $0x10, s11;
	s12 =	sadd.s32 $0x10, s12  }
0x196: {  	s13 =	smov.u32 s8;
	s8 =	sadd.s32 $0x10, s8;
	[tilespmem:v50+s15+$0x0] =	vst.idx.add.f32.msk $0xffff, v36;
	v36 =	vor.u32 v24, v41  }
0x197: {  	v39 =	vor.u32 v26, v41;
	[tilespmem:v47+s15+$0x0] =	vst.idx.add.f32.msk $0xffff, v44  }
0x198: {  	[tilespmem:v46+s15+$0x0] =	vst.idx.add.f32.msk $0xffff, v38;
	v38 =	vor.u32 v28, v41  }
0x199: {  	v41 =	vor.u32 v30, v41;
	[tilespmem:v48+s15+$0x0] =	vst.idx.add.f32.msk $0xffff, v45  }
0x19a: {  	[tilespmem:v49+s15+$0x0] =	vst.idx.add.f32.msk $0xffff, v34  }
0x19b: {  	[tilespmem:v43+s15+$0x0] =	vst.idx.add.f32.msk $0xffff, v40  }
0x19c: {  	[tilespmem:v36+s15+$0x0] =	vst.idx.add.f32.msk $0xffff, v37  }
0x19d: {  	[tilespmem:v39+s15+$0x0] =	vst.idx.add.f32.msk $0xffff, v35  }
0x19e: {  	[tilespmem:v38+s15+$0x0] =	vst.idx.add.f32.msk $0xffff, v42  }
0x19f: {  	[tilespmem:v41+s15+$0x0] =	vst.idx.add.f32.msk $0xffff, v33  }
0x1a0: {  	v33 =	vld [tilespmem:s11+$0x0]  }
0x1a1: {  	v34 =	vld [tilespmem:s12+$0x0];
	_ =	sdelay $0x4  }
0x1a2: {  	v33 =	vshll.u32 v33, $0x7;
	v34 =	vshll.u32 v34, $0x4  }
0x1a3: {  	v33 =	vadd.s32 v33, v34  }
0x1a4: {  	v42 =	vor.u32 v0, v33;
	v34 =	vor.u32 v2, v33;
	v35 =	vor.u32 v6, v33  }
0x1a5: {  	v44 =	vor.u32 v4, v33;
	v37 =	vor.u32 v10, v33;
	v36 =	vor.u32 v12, v33  }
0x1a6: {  	v40 =	vor.u32 v22, v33;
	v41 =	vor.u32 v24, v33;
	v43 =	vor.u32 v26, v33  }
0x1a7: {  	v45 =	vor.u32 v18, v33;
	v46 =	vor.u32 v28, v33;
	v38 =	vor.u32 v30, v33  }
0x1a8: {  	v47 =	vor.u32 v8, v33;
	v48 =	vor.u32 v15, v33;
	v49 =	vor.u32 v16, v33  }
0x1a9: {  	v52 =	vld.idx.msk [tilespmem:v35+s0+$0x0], $0xffff;
	v35 =	vor.u32 v20, v33  }
0x1aa: {  	v36 =	vld.idx.msk [tilespmem:v36+s0+$0x0], $0xffff  }
0x1ab: {  	v39 =	vld.idx.msk [tilespmem:v37+s0+$0x0], $0xffff  }
0x1ac: {  	v53 =	vld.idx.msk [tilespmem:v34+s0+$0x0], $0xffff  }
0x1ad: {  	v33 =	vld.idx.msk [tilespmem:v38+s0+$0x0], $0xffff  }
0x1ae: {  	v34 =	vld.idx.msk [tilespmem:v35+s0+$0x0], $0xffff  }
0x1af: {  	v38 =	vld.idx.msk [tilespmem:v49+s0+$0x0], $0xffff  }
0x1b0: {  	v37 =	vmov s13;
	v35 =	vld.idx.msk [tilespmem:v43+s0+$0x0], $0xffff  }
0x1b1: {  	v43 =	vshll.u32 v37, $0x4;
	v37 =	vld.idx.msk [tilespmem:v41+s0+$0x0], $0xffff  }
0x1b2: {  	v41 =	vor.u32 v32, v43;
	v40 =	vld.idx.msk [tilespmem:v40+s0+$0x0], $0xffff  }
0x1b3: {  	v50 =	vor.u32 v0, v41;
	v43 =	vor.u32 v22, v41;
	v49 =	vld.idx.msk [tilespmem:v42+s0+$0x0], $0xffff  }
0x1b4: {  	v54 =	vld.idx.msk [tilespmem:v47+s0+$0x0], $0xffff;
	v47 =	vor.u32 v2, v41  }
0x1b5: {  	v56 =	vor.u32 v4, v41;
	v55 =	vld.idx.msk [tilespmem:v44+s0+$0x0], $0xffff  }
0x1b6: {  	v44 =	vld.idx.msk [tilespmem:v48+s0+$0x0], $0xffff;
	v48 =	vor.u32 v6, v41  }
0x1b7: {  	v57 =	vor.u32 v8, v41;
	v42 =	vld.idx.msk [tilespmem:v46+s0+$0x0], $0xffff  }
0x1b8: {  	v51 =	vor.u32 v10, v41;
	v45 =	vld.idx.msk [tilespmem:v45+s0+$0x0], $0xffff  }
.Ltmp1:
0x1b9: {  	[tilespmem:v50+s15+$0x0] =	vst.idx.add.f32.msk $0xffff, v49;
	v50 =	vor.u32 v12, v41;
	(pc) =	sbr.rel @p0 .LBB2_4-.Ltmp1, $4  }
0x1ba: {  	[tilespmem:v47+s15+$0x0] =	vst.idx.add.f32.msk $0xffff, v53;
	v47 =	vor.u32 v15, v41  }
0x1bb: {  	v46 =	vor.u32 v16, v41;
	[tilespmem:v56+s15+$0x0] =	vst.idx.add.f32.msk $0xffff, v55  }
0x1bc: {  	[tilespmem:v48+s15+$0x0] =	vst.idx.add.f32.msk $0xffff, v52;
	v48 =	vor.u32 v18, v41  }
0x1bd: {  	v49 =	vor.u32 v20, v41;
	[tilespmem:v57+s15+$0x0] =	vst.idx.add.f32.msk $0xffff, v54  }
0x1be: {  	_ =	sdelay $0x3  }
0x1bf: {  	[tilespmem:v51+s15+$0x0] =	vst.idx.add.f32.msk $0xffff, v39  }
0x1c0: {  	[tilespmem:v50+s15+$0x0] =	vst.idx.add.f32.msk $0xffff, v36  }
0x1c1: {  	v53 =	vor.u32 v24, v41;
	[tilespmem:v47+s15+$0x0] =	vst.idx.add.f32.msk $0xffff, v44  }
0x1c2: {  	v54 =	vor.u32 v26, v41;
	[tilespmem:v46+s15+$0x0] =	vst.idx.add.f32.msk $0xffff, v38  }
0x1c3: {  	v55 =	vor.u32 v28, v41;
	[tilespmem:v48+s15+$0x0] =	vst.idx.add.f32.msk $0xffff, v45  }
0x1c4: {  	v56 =	vor.u32 v30, v41;
	[tilespmem:v49+s15+$0x0] =	vst.idx.add.f32.msk $0xffff, v34  }
0x1c5: {  	[tilespmem:v43+s15+$0x0] =	vst.idx.add.f32.msk $0xffff, v40  }
0x1c6: {  	[tilespmem:v53+s15+$0x0] =	vst.idx.add.f32.msk $0xffff, v37  }
0x1c7: {  	[tilespmem:v54+s15+$0x0] =	vst.idx.add.f32.msk $0xffff, v35  }
0x1c8: {  	[tilespmem:v55+s15+$0x0] =	vst.idx.add.f32.msk $0xffff, v42  }
0x1c9: {  	s8 =	simm.s32 $0x0;
	s11 =	rddreg [dreg:$0xf];
	[tilespmem:v56+s15+$0x0] =	vst.idx.add.f32.msk $0xffff, v33  }
0x1ca: {  	[hbm4b:s11+s8] =	stream.linear.scatter [tilespmem:s15], [sflag:$0x9], $0x4000, $0x38;
	[tilespmem:$0x16240] =	vst v63  }
0x1cb: {  	s12 =	rddreg [dreg:$0x10];
	s2 =	simm.s32 $0xC00  }
0x1cc: {  	[tilespmem:s2], [sflag:$0x4] =	stream.linear.gather [hbm4b:s12+s8], $0x400, $0x38;
	[tilespmem:$0x16240] =	vst v63  }
0x1cd: {  	s13 =	rddreg [dreg:$0x11];
	s16 =	simm.s32 $0x1C00  }
0x1ce: {  	[tilespmem:s16], [sflag:$0x4] =	stream.linear.gather [hbm4b:s13+s8], $0x400, $0x38;
	[tilespmem:$0x16240] =	vst v63  }
0x1cf: {  	s21 =	rddreg [dreg:$0x13];
	s22 =	simm.s32 $0x2C00  }
0x1d0: {  	[tilespmem:s22], [sflag:$0x4] =	stream.linear.gather [hbm4b:s21+s8], $0x400, $0x38;
	[tilespmem:$0x16240] =	vst v63  }
0x1d1: {  	_ =	swait.ge [sflag:s28], $0x400  }
0x1d2: {  	[sflag:s28] =	ssyncset.done $0x0  }
0x1d3: {  	[sflag:s28] =	ssyncadd.s32 $0xFFFFFC00  }
0x1d4: {  	_ =	swait.ge [sflag:s28], $0x400  }
0x1d5: {  	[sflag:s28] =	ssyncset.done $0x0  }
0x1d6: {  	[sflag:s28] =	ssyncadd.s32 $0xFFFFFC00  }
0x1d7: {  	_ =	swait.ge [sflag:s28], $0x400  }
0x1d8: {  	[sflag:s28] =	ssyncset.done $0x0  }
0x1d9: {  	s24 =	simm.s32 $0x6;
	[sflag:s28] =	ssyncadd.s32 $0xFFFFFC00  }
0x1da: {  	[tilespmem:s7], [sflag:$0x7] =	stream.indirect.gather [hbm4b:s10+s3], $0x10, s25, s3, $0xb8;
	[tilespmem:$0x16240] =	vst v63  }
0x1db: {  	_ =	swait.ge [sflag:s24], $0x4000  }
0x1dc: {  	[sflag:s24] =	ssyncset.done $0x0  }
0x1dd: {  	s11 =	simm.s32 $0x1400;
	[sflag:s24] =	ssyncadd.s32 $0xFFFFC000  }
0x1de: {  	s12 =	simm.s32 $0x2400;
	v57 =	vld [tilespmem:s11+$0x0]  }
0x1df: {  	v58 =	vld [tilespmem:s12+$0x0];
	_ =	sdelay $0x4  }
0x1e0: {  	v33 =	vshll.u32 v57, $0x7;
	v34 =	vshll.u32 v58, $0x4  }
0x1e1: {  	v41 =	vadd.s32 v33, v34  }
0x1e2: {  	v33 =	vor.u32 v6, v41  }
0x1e3: {  	v34 =	vor.u32 v12, v41  }
0x1e4: {  	v59 =	vor.u32 v10, v41  }
0x1e5: {  	v60 =	vor.u32 v2, v41  }
0x1e6: {  	v61 =	vor.u32 v30, v41  }
0x1e7: {  	v62 =	vor.u32 v20, v41;
	v48 =	vld.idx.msk [tilespmem:v33+s0+$0x0], $0xffff  }
0x1e8: {  	v63 =	vor.u32 v16, v41;
	v36 =	vld.idx.msk [tilespmem:v34+s0+$0x0], $0xffff  }
0x1e9: {  	v52 =	vor.u32 v26, v41;
	v39 =	vld.idx.msk [tilespmem:v59+s0+$0x0], $0xffff  }
0x1ea: {  	v53 =	vor.u32 v24, v41;
	v46 =	vld.idx.msk [tilespmem:v60+s0+$0x0], $0xffff  }
0x1eb: {  	v54 =	vor.u32 v22, v41;
	v33 =	vld.idx.msk [tilespmem:v61+s0+$0x0], $0xffff  }
0x1ec: {  	v55 =	vor.u32 v0, v41;
	v34 =	vld.idx.msk [tilespmem:v62+s0+$0x0], $0xffff  }
0x1ed: {  	v56 =	vor.u32 v8, v41;
	v38 =	vld.idx.msk [tilespmem:v63+s0+$0x0], $0xffff  }
0x1ee: {  	v57 =	vor.u32 v4, v41;
	v35 =	vld.idx.msk [tilespmem:v52+s0+$0x0], $0xffff  }
0x1ef: {  	v58 =	vor.u32 v15, v41;
	v59 =	vmov s8;
	v37 =	vld.idx.msk [tilespmem:v53+s0+$0x0], $0xffff  }
0x1f0: {  	v60 =	vor.u32 v28, v41;
	v40 =	vld.idx.msk [tilespmem:v54+s0+$0x0], $0xffff;
	v61 =	vshll.u32 v59, $0x4  }
0x1f1: {  	v62 =	vor.u32 v18, v41;
	v47 =	vld.idx.msk [tilespmem:v55+s0+$0x0], $0xffff;
	v41 =	vor.u32 v32, v61  }
0x1f2: {  	v49 =	vld.idx.msk [tilespmem:v56+s0+$0x0], $0xffff;
	v63 =	vor.u32 v0, v41  }
0x1f3: {  	v53 =	vld.idx.msk [tilespmem:v57+s0+$0x0], $0xffff;
	v52 =	vor.u32 v2, v41  }
0x1f4: {  	v44 =	vld.idx.msk [tilespmem:v58+s0+$0x0], $0xffff;
	v54 =	vor.u32 v4, v41  }
0x1f5: {  	v55 =	vor.u32 v6, v41;
	v42 =	vld.idx.msk [tilespmem:v60+s0+$0x0], $0xffff  }
0x1f6: {  	v56 =	vor.u32 v8, v41;
	v45 =	vld.idx.msk [tilespmem:v62+s0+$0x0], $0xffff  }
0x1f7: {  	v51 =	vor.u32 v10, v41;
	[tilespmem:v63+s20+$0x0] =	vst.idx.add.f32.msk $0xffff, v47  }
0x1f8: {  	v50 =	vor.u32 v12, v41;
	[tilespmem:v52+s20+$0x0] =	vst.idx.add.f32.msk $0xffff, v46  }
0x1f9: {  	v47 =	vor.u32 v15, v41;
	[tilespmem:v54+s20+$0x0] =	vst.idx.add.f32.msk $0xffff, v53  }
0x1fa: {  	v43 =	vor.u32 v22, v41;
	v46 =	vor.u32 v16, v41;
	[tilespmem:v55+s20+$0x0] =	vst.idx.add.f32.msk $0xffff, v48  }
0x1fb: {  	s8 =	simm.s32 $0x10;
	v48 =	vor.u32 v18, v41;
	[tilespmem:v56+s20+$0x0] =	vst.idx.add.f32.msk $0xffff, v49;
	v49 =	vor.u32 v20, v41  }
.LBB2_6:
0x1fc: {  	p0 =	sne.s32 s8, $0x3F0;
	[tilespmem:v51+s20+$0x0] =	vst.idx.add.f32.msk $0xffff, v39;
	s11 =	sadd.s32 $0x10, s11;
	s12 =	sadd.s32 $0x10, s12  }
0x1fd: {  	s13 =	smov.u32 s8;
	s8 =	sadd.s32 $0x10, s8;
	[tilespmem:v50+s20+$0x0] =	vst.idx.add.f32.msk $0xffff, v36;
	v36 =	vor.u32 v24, v41  }
0x1fe: {  	v39 =	vor.u32 v26, v41;
	[tilespmem:v47+s20+$0x0] =	vst.idx.add.f32.msk $0xffff, v44  }
0x1ff: {  	[tilespmem:v46+s20+$0x0] =	vst.idx.add.f32.msk $0xffff, v38;
	v38 =	vor.u32 v28, v41  }
0x200: {  	v41 =	vor.u32 v30, v41;
	[tilespmem:v48+s20+$0x0] =	vst.idx.add.f32.msk $0xffff, v45  }
0x201: {  	[tilespmem:v49+s20+$0x0] =	vst.idx.add.f32.msk $0xffff, v34  }
0x202: {  	[tilespmem:v43+s20+$0x0] =	vst.idx.add.f32.msk $0xffff, v40  }
0x203: {  	[tilespmem:v36+s20+$0x0] =	vst.idx.add.f32.msk $0xffff, v37  }
0x204: {  	[tilespmem:v39+s20+$0x0] =	vst.idx.add.f32.msk $0xffff, v35  }
0x205: {  	[tilespmem:v38+s20+$0x0] =	vst.idx.add.f32.msk $0xffff, v42  }
0x206: {  	[tilespmem:v41+s20+$0x0] =	vst.idx.add.f32.msk $0xffff, v33  }
0x207: {  	v33 =	vld [tilespmem:s11+$0x0]  }
0x208: {  	v34 =	vld [tilespmem:s12+$0x0];
	_ =	sdelay $0x4  }
0x209: {  	v33 =	vshll.u32 v33, $0x7;
	v34 =	vshll.u32 v34, $0x4  }
0x20a: {  	v33 =	vadd.s32 v33, v34  }
0x20b: {  	v42 =	vor.u32 v0, v33;
	v34 =	vor.u32 v2, v33;
	v35 =	vor.u32 v6, v33  }
0x20c: {  	v44 =	vor.u32 v4, v33;
	v37 =	vor.u32 v10, v33;
	v36 =	vor.u32 v12, v33  }
0x20d: {  	v40 =	vor.u32 v22, v33;
	v41 =	vor.u32 v24, v33;
	v43 =	vor.u32 v26, v33  }
0x20e: {  	v45 =	vor.u32 v18, v33;
	v46 =	vor.u32 v28, v33;
	v38 =	vor.u32 v30, v33  }
0x20f: {  	v47 =	vor.u32 v8, v33;
	v48 =	vor.u32 v15, v33;
	v49 =	vor.u32 v16, v33  }
0x210: {  	v52 =	vld.idx.msk [tilespmem:v35+s0+$0x0], $0xffff;
	v35 =	vor.u32 v20, v33  }
0x211: {  	v36 =	vld.idx.msk [tilespmem:v36+s0+$0x0], $0xffff  }
0x212: {  	v39 =	vld.idx.msk [tilespmem:v37+s0+$0x0], $0xffff  }
0x213: {  	v53 =	vld.idx.msk [tilespmem:v34+s0+$0x0], $0xffff  }
0x214: {  	v33 =	vld.idx.msk [tilespmem:v38+s0+$0x0], $0xffff  }
0x215: {  	v34 =	vld.idx.msk [tilespmem:v35+s0+$0x0], $0xffff  }
0x216: {  	v38 =	vld.idx.msk [tilespmem:v49+s0+$0x0], $0xffff  }
0x217: {  	v37 =	vmov s13;
	v35 =	vld.idx.msk [tilespmem:v43+s0+$0x0], $0xffff  }
0x218: {  	v43 =	vshll.u32 v37, $0x4;
	v37 =	vld.idx.msk [tilespmem:v41+s0+$0x0], $0xffff  }
0x219: {  	v41 =	vor.u32 v32, v43;
	v40 =	vld.idx.msk [tilespmem:v40+s0+$0x0], $0xffff  }
0x21a: {  	v50 =	vor.u32 v0, v41;
	v43 =	vor.u32 v22, v41;
	v49 =	vld.idx.msk [tilespmem:v42+s0+$0x0], $0xffff  }
0x21b: {  	v54 =	vld.idx.msk [tilespmem:v47+s0+$0x0], $0xffff;
	v47 =	vor.u32 v2, v41  }
0x21c: {  	v56 =	vor.u32 v4, v41;
	v55 =	vld.idx.msk [tilespmem:v44+s0+$0x0], $0xffff  }
0x21d: {  	v44 =	vld.idx.msk [tilespmem:v48+s0+$0x0], $0xffff;
	v48 =	vor.u32 v6, v41  }
0x21e: {  	v57 =	vor.u32 v8, v41;
	v42 =	vld.idx.msk [tilespmem:v46+s0+$0x0], $0xffff  }
0x21f: {  	v51 =	vor.u32 v10, v41;
	v45 =	vld.idx.msk [tilespmem:v45+s0+$0x0], $0xffff  }
.Ltmp2:
0x220: {  	[tilespmem:v50+s20+$0x0] =	vst.idx.add.f32.msk $0xffff, v49;
	v50 =	vor.u32 v12, v41;
	(pc) =	sbr.rel @p0 .LBB2_6-.Ltmp2, $4  }
0x221: {  	[tilespmem:v47+s20+$0x0] =	vst.idx.add.f32.msk $0xffff, v53;
	v47 =	vor.u32 v15, v41  }
0x222: {  	v46 =	vor.u32 v16, v41;
	[tilespmem:v56+s20+$0x0] =	vst.idx.add.f32.msk $0xffff, v55  }
0x223: {  	[tilespmem:v48+s20+$0x0] =	vst.idx.add.f32.msk $0xffff, v52;
	v48 =	vor.u32 v18, v41  }
0x224: {  	v49 =	vor.u32 v20, v41;
	[tilespmem:v57+s20+$0x0] =	vst.idx.add.f32.msk $0xffff, v54  }
0x225: {  	_ =	sdelay $0x3  }
0x226: {  	[tilespmem:v51+s20+$0x0] =	vst.idx.add.f32.msk $0xffff, v39  }
0x227: {  	[tilespmem:v50+s20+$0x0] =	vst.idx.add.f32.msk $0xffff, v36  }
0x228: {  	v53 =	vor.u32 v24, v41;
	[tilespmem:v47+s20+$0x0] =	vst.idx.add.f32.msk $0xffff, v44  }
0x229: {  	v54 =	vor.u32 v26, v41;
	[tilespmem:v46+s20+$0x0] =	vst.idx.add.f32.msk $0xffff, v38  }
0x22a: {  	v55 =	vor.u32 v28, v41;
	[tilespmem:v48+s20+$0x0] =	vst.idx.add.f32.msk $0xffff, v45  }
0x22b: {  	v56 =	vor.u32 v30, v41;
	[tilespmem:v49+s20+$0x0] =	vst.idx.add.f32.msk $0xffff, v34  }
0x22c: {  	[tilespmem:v43+s20+$0x0] =	vst.idx.add.f32.msk $0xffff, v40  }
0x22d: {  	[tilespmem:v53+s20+$0x0] =	vst.idx.add.f32.msk $0xffff, v37  }
0x22e: {  	[tilespmem:v54+s20+$0x0] =	vst.idx.add.f32.msk $0xffff, v35  }
0x22f: {  	[tilespmem:v55+s20+$0x0] =	vst.idx.add.f32.msk $0xffff, v42  }
0x230: {  	s8 =	simm.s32 $0x0;
	s11 =	rddreg [dreg:$0x14];
	[tilespmem:v56+s20+$0x0] =	vst.idx.add.f32.msk $0xffff, v33  }
0x231: {  	[hbm4b:s11+s8] =	stream.linear.scatter [tilespmem:s20], [sflag:$0xA], $0x4000, $0x38;
	[tilespmem:$0x16240] =	vst v63  }
0x232: {  	s12 =	rddreg [dreg:$0x15]  }
0x233: {  	[tilespmem:s8], [sflag:$0x1] =	stream.linear.gather [hbm4b:s12+s8], $0x400, $0x38;
	[tilespmem:$0x16240] =	vst v63  }
0x234: {  	s13 =	rddreg [dreg:$0x16];
	s2 =	simm.s32 $0x1000  }
0x235: {  	[tilespmem:s2], [sflag:$0x1] =	stream.linear.gather [hbm4b:s13+s8], $0x400, $0x38;
	[tilespmem:$0x16240] =	vst v63  }
0x236: {  	s16 =	rddreg [dreg:$0x18];
	s21 =	simm.s32 $0x2000  }
0x237: {  	[tilespmem:s21], [sflag:$0x1] =	stream.linear.gather [hbm4b:s16+s8], $0x400, $0x38;
	[tilespmem:$0x16240] =	vst v63  }
0x238: {  	_ =	swait.ge [sflag:s17], $0x400  }
0x239: {  	[sflag:s17] =	ssyncset.done $0x0  }
0x23a: {  	[sflag:s17] =	ssyncadd.s32 $0xFFFFFC00  }
0x23b: {  	_ =	swait.ge [sflag:s17], $0x400  }
0x23c: {  	[sflag:s17] =	ssyncset.done $0x0  }
0x23d: {  	[sflag:s17] =	ssyncadd.s32 $0xFFFFFC00  }
0x23e: {  	_ =	swait.ge [sflag:s17], $0x400  }
0x23f: {  	[sflag:s17] =	ssyncset.done $0x0  }
0x240: {  	s22 =	simm.s32 $0xC00;
	s24 =	simm.s32 $0x7;
	[sflag:s17] =	ssyncadd.s32 $0xFFFFFC00  }
0x241: {  	[tilespmem:s18], [sflag:$0x8] =	stream.indirect.gather [hbm4b:s10+s3], $0x10, s22, s3, $0xb8;
	[tilespmem:$0x16240] =	vst v63  }
0x242: {  	_ =	swait.ge [sflag:s24], $0x4000  }
0x243: {  	[sflag:s24] =	ssyncset.done $0x0  }
0x244: {  	s11 =	simm.s32 $0x1800;
	[sflag:s24] =	ssyncadd.s32 $0xFFFFC000  }
0x245: {  	s12 =	simm.s32 $0x2800;
	v57 =	vld [tilespmem:s11+$0x0]  }
0x246: {  	v58 =	vld [tilespmem:s12+$0x0];
	_ =	sdelay $0x4  }
0x247: {  	v33 =	vshll.u32 v57, $0x7;
	v34 =	vshll.u32 v58, $0x4  }
0x248: {  	v41 =	vadd.s32 v33, v34  }
0x249: {  	v33 =	vor.u32 v6, v41  }
0x24a: {  	v34 =	vor.u32 v12, v41  }
0x24b: {  	v59 =	vor.u32 v10, v41  }
0x24c: {  	v60 =	vor.u32 v2, v41  }
0x24d: {  	v61 =	vor.u32 v30, v41  }
0x24e: {  	v62 =	vor.u32 v20, v41;
	v48 =	vld.idx.msk [tilespmem:v33+s0+$0x0], $0xffff  }
0x24f: {  	v63 =	vor.u32 v16, v41;
	v36 =	vld.idx.msk [tilespmem:v34+s0+$0x0], $0xffff  }
0x250: {  	v52 =	vor.u32 v26, v41;
	v39 =	vld.idx.msk [tilespmem:v59+s0+$0x0], $0xffff  }
0x251: {  	v53 =	vor.u32 v24, v41;
	v46 =	vld.idx.msk [tilespmem:v60+s0+$0x0], $0xffff  }
0x252: {  	v54 =	vor.u32 v22, v41;
	v33 =	vld.idx.msk [tilespmem:v61+s0+$0x0], $0xffff  }
0x253: {  	v55 =	vor.u32 v0, v41;
	v34 =	vld.idx.msk [tilespmem:v62+s0+$0x0], $0xffff  }
0x254: {  	v56 =	vor.u32 v8, v41;
	v38 =	vld.idx.msk [tilespmem:v63+s0+$0x0], $0xffff  }
0x255: {  	v57 =	vor.u32 v4, v41;
	v35 =	vld.idx.msk [tilespmem:v52+s0+$0x0], $0xffff  }
0x256: {  	v58 =	vor.u32 v15, v41;
	v59 =	vmov s8;
	v37 =	vld.idx.msk [tilespmem:v53+s0+$0x0], $0xffff  }
0x257: {  	v60 =	vor.u32 v28, v41;
	v40 =	vld.idx.msk [tilespmem:v54+s0+$0x0], $0xffff;
	v61 =	vshll.u32 v59, $0x4  }
0x258: {  	v62 =	vor.u32 v18, v41;
	v47 =	vld.idx.msk [tilespmem:v55+s0+$0x0], $0xffff;
	v41 =	vor.u32 v32, v61  }
0x259: {  	v49 =	vld.idx.msk [tilespmem:v56+s0+$0x0], $0xffff;
	v63 =	vor.u32 v0, v41  }
0x25a: {  	v53 =	vld.idx.msk [tilespmem:v57+s0+$0x0], $0xffff;
	v52 =	vor.u32 v2, v41  }
0x25b: {  	v44 =	vld.idx.msk [tilespmem:v58+s0+$0x0], $0xffff;
	v54 =	vor.u32 v4, v41  }
0x25c: {  	v55 =	vor.u32 v6, v41;
	v42 =	vld.idx.msk [tilespmem:v60+s0+$0x0], $0xffff  }
0x25d: {  	v56 =	vor.u32 v8, v41;
	v45 =	vld.idx.msk [tilespmem:v62+s0+$0x0], $0xffff  }
0x25e: {  	v51 =	vor.u32 v10, v41;
	[tilespmem:v63+s7+$0x0] =	vst.idx.add.f32.msk $0xffff, v47  }
0x25f: {  	v50 =	vor.u32 v12, v41;
	[tilespmem:v52+s7+$0x0] =	vst.idx.add.f32.msk $0xffff, v46  }
0x260: {  	v47 =	vor.u32 v15, v41;
	[tilespmem:v54+s7+$0x0] =	vst.idx.add.f32.msk $0xffff, v53  }
0x261: {  	v43 =	vor.u32 v22, v41;
	v46 =	vor.u32 v16, v41;
	[tilespmem:v55+s7+$0x0] =	vst.idx.add.f32.msk $0xffff, v48  }
0x262: {  	s8 =	simm.s32 $0x10;
	v48 =	vor.u32 v18, v41;
	[tilespmem:v56+s7+$0x0] =	vst.idx.add.f32.msk $0xffff, v49;
	v49 =	vor.u32 v20, v41  }
.LBB2_8:
0x263: {  	p0 =	sne.s32 s8, $0x3F0;
	[tilespmem:v51+s7+$0x0] =	vst.idx.add.f32.msk $0xffff, v39;
	s11 =	sadd.s32 $0x10, s11;
	s12 =	sadd.s32 $0x10, s12  }
0x264: {  	s13 =	smov.u32 s8;
	s8 =	sadd.s32 $0x10, s8;
	[tilespmem:v50+s7+$0x0] =	vst.idx.add.f32.msk $0xffff, v36;
	v36 =	vor.u32 v24, v41  }
0x265: {  	v39 =	vor.u32 v26, v41;
	[tilespmem:v47+s7+$0x0] =	vst.idx.add.f32.msk $0xffff, v44  }
0x266: {  	[tilespmem:v46+s7+$0x0] =	vst.idx.add.f32.msk $0xffff, v38;
	v38 =	vor.u32 v28, v41  }
0x267: {  	v41 =	vor.u32 v30, v41;
	[tilespmem:v48+s7+$0x0] =	vst.idx.add.f32.msk $0xffff, v45  }
0x268: {  	[tilespmem:v49+s7+$0x0] =	vst.idx.add.f32.msk $0xffff, v34  }
0x269: {  	[tilespmem:v43+s7+$0x0] =	vst.idx.add.f32.msk $0xffff, v40  }
0x26a: {  	[tilespmem:v36+s7+$0x0] =	vst.idx.add.f32.msk $0xffff, v37  }
0x26b: {  	[tilespmem:v39+s7+$0x0] =	vst.idx.add.f32.msk $0xffff, v35  }
0x26c: {  	[tilespmem:v38+s7+$0x0] =	vst.idx.add.f32.msk $0xffff, v42  }
0x26d: {  	[tilespmem:v41+s7+$0x0] =	vst.idx.add.f32.msk $0xffff, v33  }
0x26e: {  	v33 =	vld [tilespmem:s11+$0x0]  }
0x26f: {  	v34 =	vld [tilespmem:s12+$0x0];
	_ =	sdelay $0x4  }
0x270: {  	v33 =	vshll.u32 v33, $0x7;
	v34 =	vshll.u32 v34, $0x4  }
0x271: {  	v33 =	vadd.s32 v33, v34  }
0x272: {  	v42 =	vor.u32 v0, v33;
	v34 =	vor.u32 v2, v33;
	v35 =	vor.u32 v6, v33  }
0x273: {  	v44 =	vor.u32 v4, v33;
	v37 =	vor.u32 v10, v33;
	v36 =	vor.u32 v12, v33  }
0x274: {  	v40 =	vor.u32 v22, v33;
	v41 =	vor.u32 v24, v33;
	v43 =	vor.u32 v26, v33  }
0x275: {  	v45 =	vor.u32 v18, v33;
	v46 =	vor.u32 v28, v33;
	v38 =	vor.u32 v30, v33  }
0x276: {  	v47 =	vor.u32 v8, v33;
	v48 =	vor.u32 v15, v33;
	v49 =	vor.u32 v16, v33  }
0x277: {  	v52 =	vld.idx.msk [tilespmem:v35+s0+$0x0], $0xffff;
	v35 =	vor.u32 v20, v33  }
0x278: {  	v36 =	vld.idx.msk [tilespmem:v36+s0+$0x0], $0xffff  }
0x279: {  	v39 =	vld.idx.msk [tilespmem:v37+s0+$0x0], $0xffff  }
0x27a: {  	v53 =	vld.idx.msk [tilespmem:v34+s0+$0x0], $0xffff  }
0x27b: {  	v33 =	vld.idx.msk [tilespmem:v38+s0+$0x0], $0xffff  }
0x27c: {  	v34 =	vld.idx.msk [tilespmem:v35+s0+$0x0], $0xffff  }
0x27d: {  	v38 =	vld.idx.msk [tilespmem:v49+s0+$0x0], $0xffff  }
0x27e: {  	v37 =	vmov s13;
	v35 =	vld.idx.msk [tilespmem:v43+s0+$0x0], $0xffff  }
0x27f: {  	v43 =	vshll.u32 v37, $0x4;
	v37 =	vld.idx.msk [tilespmem:v41+s0+$0x0], $0xffff  }
0x280: {  	v41 =	vor.u32 v32, v43;
	v40 =	vld.idx.msk [tilespmem:v40+s0+$0x0], $0xffff  }
0x281: {  	v50 =	vor.u32 v0, v41;
	v43 =	vor.u32 v22, v41;
	v49 =	vld.idx.msk [tilespmem:v42+s0+$0x0], $0xffff  }
0x282: {  	v54 =	vld.idx.msk [tilespmem:v47+s0+$0x0], $0xffff;
	v47 =	vor.u32 v2, v41  }
0x283: {  	v56 =	vor.u32 v4, v41;
	v55 =	vld.idx.msk [tilespmem:v44+s0+$0x0], $0xffff  }
0x284: {  	v44 =	vld.idx.msk [tilespmem:v48+s0+$0x0], $0xffff;
	v48 =	vor.u32 v6, v41  }
0x285: {  	v57 =	vor.u32 v8, v41;
	v42 =	vld.idx.msk [tilespmem:v46+s0+$0x0], $0xffff  }
0x286: {  	v51 =	vor.u32 v10, v41;
	v45 =	vld.idx.msk [tilespmem:v45+s0+$0x0], $0xffff  }
.Ltmp3:
0x287: {  	[tilespmem:v50+s7+$0x0] =	vst.idx.add.f32.msk $0xffff, v49;
	v50 =	vor.u32 v12, v41;
	(pc) =	sbr.rel @p0 .LBB2_8-.Ltmp3, $4  }
0x288: {  	[tilespmem:v47+s7+$0x0] =	vst.idx.add.f32.msk $0xffff, v53;
	v47 =	vor.u32 v15, v41  }
0x289: {  	v46 =	vor.u32 v16, v41;
	[tilespmem:v56+s7+$0x0] =	vst.idx.add.f32.msk $0xffff, v55  }
0x28a: {  	[tilespmem:v48+s7+$0x0] =	vst.idx.add.f32.msk $0xffff, v52;
	v48 =	vor.u32 v18, v41  }
0x28b: {  	v49 =	vor.u32 v20, v41;
	[tilespmem:v57+s7+$0x0] =	vst.idx.add.f32.msk $0xffff, v54  }
0x28c: {  	_ =	sdelay $0x3  }
0x28d: {  	[tilespmem:v51+s7+$0x0] =	vst.idx.add.f32.msk $0xffff, v39  }
0x28e: {  	[tilespmem:v50+s7+$0x0] =	vst.idx.add.f32.msk $0xffff, v36  }
0x28f: {  	v53 =	vor.u32 v24, v41;
	[tilespmem:v47+s7+$0x0] =	vst.idx.add.f32.msk $0xffff, v44  }
0x290: {  	v54 =	vor.u32 v26, v41;
	[tilespmem:v46+s7+$0x0] =	vst.idx.add.f32.msk $0xffff, v38  }
0x291: {  	v55 =	vor.u32 v28, v41;
	[tilespmem:v48+s7+$0x0] =	vst.idx.add.f32.msk $0xffff, v45  }
0x292: {  	v56 =	vor.u32 v30, v41;
	[tilespmem:v49+s7+$0x0] =	vst.idx.add.f32.msk $0xffff, v34  }
0x293: {  	[tilespmem:v43+s7+$0x0] =	vst.idx.add.f32.msk $0xffff, v40  }
0x294: {  	[tilespmem:v53+s7+$0x0] =	vst.idx.add.f32.msk $0xffff, v37  }
0x295: {  	[tilespmem:v54+s7+$0x0] =	vst.idx.add.f32.msk $0xffff, v35  }
0x296: {  	[tilespmem:v55+s7+$0x0] =	vst.idx.add.f32.msk $0xffff, v42  }
0x297: {  	s8 =	simm.s32 $0x0;
	s11 =	rddreg [dreg:$0x19];
	[tilespmem:v56+s7+$0x0] =	vst.idx.add.f32.msk $0xffff, v33  }
0x298: {  	[hbm4b:s11+s8] =	stream.linear.scatter [tilespmem:s7], [sflag:$0xB], $0x4000, $0x38;
	[tilespmem:$0x16240] =	vst v63  }
0x299: {  	s13 =	rddreg [dreg:$0x1a]  }
0x29a: {  	[tilespmem:s3], [sflag:$0x2] =	stream.linear.gather [hbm4b:s13+s8], $0x400, $0x38;
	[tilespmem:$0x16240] =	vst v63  }
0x29b: {  	s16 =	rddreg [dreg:$0x1b];
	s12 =	simm.s32 $0x1400  }
0x29c: {  	[tilespmem:s12], [sflag:$0x2] =	stream.linear.gather [hbm4b:s16+s8], $0x400, $0x38;
	[tilespmem:$0x16240] =	vst v63  }
0x29d: {  	s21 =	rddreg [dreg:$0x1c];
	s22 =	simm.s32 $0x2400  }
0x29e: {  	[tilespmem:s22], [sflag:$0x2] =	stream.linear.gather [hbm4b:s21+s8], $0x400, $0x38;
	[tilespmem:$0x16240] =	vst v63  }
0x29f: {  	_ =	swait.ge [sflag:s14], $0x400  }
0x2a0: {  	[sflag:s14] =	ssyncset.done $0x0  }
0x2a1: {  	[sflag:s14] =	ssyncadd.s32 $0xFFFFFC00  }
0x2a2: {  	_ =	swait.ge [sflag:s14], $0x400  }
0x2a3: {  	[sflag:s14] =	ssyncset.done $0x0  }
0x2a4: {  	[sflag:s14] =	ssyncadd.s32 $0xFFFFFC00  }
0x2a5: {  	_ =	swait.ge [sflag:s14], $0x400  }
0x2a6: {  	[sflag:s14] =	ssyncset.done $0x0  }
0x2a7: {  	s2 =	simm.s32 $0x9;
	[sflag:s14] =	ssyncadd.s32 $0xFFFFFC00  }
0x2a8: {  	_ =	swait.ge [sflag:s2], $0x4000  }
0x2a9: {  	[sflag:s2] =	ssyncset.done $0x0  }
0x2aa: {  	s24 =	simm.s32 $0x8;
	[sflag:s2] =	ssyncadd.s32 $0xFFFFC000  }
0x2ab: {  	[tilespmem:s15], [sflag:$0x5] =	stream.indirect.gather [hbm4b:s10+s3], $0x10, s8, s3, $0xb8;
	[tilespmem:$0x16240] =	vst v63  }
0x2ac: {  	_ =	swait.ge [sflag:s24], $0x4000  }
0x2ad: {  	[sflag:s24] =	ssyncset.done $0x0  }
0x2ae: {  	s11 =	simm.s32 $0x1C00;
	[sflag:s24] =	ssyncadd.s32 $0xFFFFC000  }
0x2af: {  	s12 =	simm.s32 $0x2C00;
	v57 =	vld [tilespmem:s11+$0x0]  }
0x2b0: {  	v58 =	vld [tilespmem:s12+$0x0];
	_ =	sdelay $0x4  }
0x2b1: {  	v33 =	vshll.u32 v57, $0x7;
	v34 =	vshll.u32 v58, $0x4  }
0x2b2: {  	v41 =	vadd.s32 v33, v34  }
0x2b3: {  	v33 =	vor.u32 v6, v41  }
0x2b4: {  	v34 =	vor.u32 v12, v41  }
0x2b5: {  	v59 =	vor.u32 v10, v41  }
0x2b6: {  	v60 =	vor.u32 v2, v41  }
0x2b7: {  	v61 =	vor.u32 v30, v41  }
0x2b8: {  	v62 =	vor.u32 v20, v41;
	v48 =	vld.idx.msk [tilespmem:v33+s0+$0x0], $0xffff  }
0x2b9: {  	v63 =	vor.u32 v16, v41;
	v36 =	vld.idx.msk [tilespmem:v34+s0+$0x0], $0xffff  }
0x2ba: {  	v52 =	vor.u32 v26, v41;
	v39 =	vld.idx.msk [tilespmem:v59+s0+$0x0], $0xffff  }
0x2bb: {  	v53 =	vor.u32 v24, v41;
	v46 =	vld.idx.msk [tilespmem:v60+s0+$0x0], $0xffff  }
0x2bc: {  	v54 =	vor.u32 v22, v41;
	v33 =	vld.idx.msk [tilespmem:v61+s0+$0x0], $0xffff  }
0x2bd: {  	v55 =	vor.u32 v0, v41;
	v34 =	vld.idx.msk [tilespmem:v62+s0+$0x0], $0xffff  }
0x2be: {  	v56 =	vor.u32 v8, v41;
	v38 =	vld.idx.msk [tilespmem:v63+s0+$0x0], $0xffff  }
0x2bf: {  	v57 =	vor.u32 v4, v41;
	v35 =	vld.idx.msk [tilespmem:v52+s0+$0x0], $0xffff  }
0x2c0: {  	v58 =	vor.u32 v15, v41;
	v59 =	vmov s8;
	v37 =	vld.idx.msk [tilespmem:v53+s0+$0x0], $0xffff  }
0x2c1: {  	v60 =	vor.u32 v28, v41;
	v40 =	vld.idx.msk [tilespmem:v54+s0+$0x0], $0xffff;
	v61 =	vshll.u32 v59, $0x4  }
0x2c2: {  	v62 =	vor.u32 v18, v41;
	v47 =	vld.idx.msk [tilespmem:v55+s0+$0x0], $0xffff;
	v41 =	vor.u32 v32, v61  }
0x2c3: {  	v49 =	vld.idx.msk [tilespmem:v56+s0+$0x0], $0xffff;
	v63 =	vor.u32 v0, v41  }
0x2c4: {  	v53 =	vld.idx.msk [tilespmem:v57+s0+$0x0], $0xffff;
	v52 =	vor.u32 v2, v41  }
0x2c5: {  	v44 =	vld.idx.msk [tilespmem:v58+s0+$0x0], $0xffff;
	v54 =	vor.u32 v4, v41  }
0x2c6: {  	v55 =	vor.u32 v6, v41;
	v42 =	vld.idx.msk [tilespmem:v60+s0+$0x0], $0xffff  }
0x2c7: {  	v56 =	vor.u32 v8, v41;
	v45 =	vld.idx.msk [tilespmem:v62+s0+$0x0], $0xffff  }
0x2c8: {  	v51 =	vor.u32 v10, v41;
	[tilespmem:v63+s18+$0x0] =	vst.idx.add.f32.msk $0xffff, v47  }
0x2c9: {  	v50 =	vor.u32 v12, v41;
	[tilespmem:v52+s18+$0x0] =	vst.idx.add.f32.msk $0xffff, v46  }
0x2ca: {  	v47 =	vor.u32 v15, v41;
	[tilespmem:v54+s18+$0x0] =	vst.idx.add.f32.msk $0xffff, v53  }
0x2cb: {  	v43 =	vor.u32 v22, v41;
	v46 =	vor.u32 v16, v41;
	[tilespmem:v55+s18+$0x0] =	vst.idx.add.f32.msk $0xffff, v48  }
0x2cc: {  	s8 =	simm.s32 $0x10;
	v48 =	vor.u32 v18, v41;
	[tilespmem:v56+s18+$0x0] =	vst.idx.add.f32.msk $0xffff, v49;
	v49 =	vor.u32 v20, v41  }
.LBB2_10:
0x2cd: {  	p0 =	sne.s32 s8, $0x3F0;
	[tilespmem:v51+s18+$0x0] =	vst.idx.add.f32.msk $0xffff, v39;
	s11 =	sadd.s32 $0x10, s11;
	s12 =	sadd.s32 $0x10, s12  }
0x2ce: {  	s13 =	smov.u32 s8;
	s8 =	sadd.s32 $0x10, s8;
	[tilespmem:v50+s18+$0x0] =	vst.idx.add.f32.msk $0xffff, v36;
	v36 =	vor.u32 v24, v41  }
0x2cf: {  	v39 =	vor.u32 v26, v41;
	[tilespmem:v47+s18+$0x0] =	vst.idx.add.f32.msk $0xffff, v44  }
0x2d0: {  	[tilespmem:v46+s18+$0x0] =	vst.idx.add.f32.msk $0xffff, v38;
	v38 =	vor.u32 v28, v41  }
0x2d1: {  	v41 =	vor.u32 v30, v41;
	[tilespmem:v48+s18+$0x0] =	vst.idx.add.f32.msk $0xffff, v45  }
0x2d2: {  	[tilespmem:v49+s18+$0x0] =	vst.idx.add.f32.msk $0xffff, v34  }
0x2d3: {  	[tilespmem:v43+s18+$0x0] =	vst.idx.add.f32.msk $0xffff, v40  }
0x2d4: {  	[tilespmem:v36+s18+$0x0] =	vst.idx.add.f32.msk $0xffff, v37  }
0x2d5: {  	[tilespmem:v39+s18+$0x0] =	vst.idx.add.f32.msk $0xffff, v35  }
0x2d6: {  	[tilespmem:v38+s18+$0x0] =	vst.idx.add.f32.msk $0xffff, v42  }
0x2d7: {  	[tilespmem:v41+s18+$0x0] =	vst.idx.add.f32.msk $0xffff, v33  }
0x2d8: {  	v33 =	vld [tilespmem:s11+$0x0]  }
0x2d9: {  	v34 =	vld [tilespmem:s12+$0x0];
	_ =	sdelay $0x4  }
0x2da: {  	v33 =	vshll.u32 v33, $0x7;
	v34 =	vshll.u32 v34, $0x4  }
0x2db: {  	v33 =	vadd.s32 v33, v34  }
0x2dc: {  	v42 =	vor.u32 v0, v33;
	v34 =	vor.u32 v2, v33;
	v35 =	vor.u32 v6, v33  }
0x2dd: {  	v44 =	vor.u32 v4, v33;
	v37 =	vor.u32 v10, v33;
	v36 =	vor.u32 v12, v33  }
0x2de: {  	v40 =	vor.u32 v22, v33;
	v41 =	vor.u32 v24, v33;
	v43 =	vor.u32 v26, v33  }
0x2df: {  	v45 =	vor.u32 v18, v33;
	v46 =	vor.u32 v28, v33;
	v38 =	vor.u32 v30, v33  }
0x2e0: {  	v47 =	vor.u32 v8, v33;
	v48 =	vor.u32 v15, v33;
	v49 =	vor.u32 v16, v33  }
0x2e1: {  	v52 =	vld.idx.msk [tilespmem:v35+s0+$0x0], $0xffff;
	v35 =	vor.u32 v20, v33  }
0x2e2: {  	v36 =	vld.idx.msk [tilespmem:v36+s0+$0x0], $0xffff  }
0x2e3: {  	v39 =	vld.idx.msk [tilespmem:v37+s0+$0x0], $0xffff  }
0x2e4: {  	v53 =	vld.idx.msk [tilespmem:v34+s0+$0x0], $0xffff  }
0x2e5: {  	v33 =	vld.idx.msk [tilespmem:v38+s0+$0x0], $0xffff  }
0x2e6: {  	v34 =	vld.idx.msk [tilespmem:v35+s0+$0x0], $0xffff  }
0x2e7: {  	v38 =	vld.idx.msk [tilespmem:v49+s0+$0x0], $0xffff  }
0x2e8: {  	v37 =	vmov s13;
	v35 =	vld.idx.msk [tilespmem:v43+s0+$0x0], $0xffff  }
0x2e9: {  	v43 =	vshll.u32 v37, $0x4;
	v37 =	vld.idx.msk [tilespmem:v41+s0+$0x0], $0xffff  }
0x2ea: {  	v41 =	vor.u32 v32, v43;
	v40 =	vld.idx.msk [tilespmem:v40+s0+$0x0], $0xffff  }
0x2eb: {  	v50 =	vor.u32 v0, v41;
	v43 =	vor.u32 v22, v41;
	v49 =	vld.idx.msk [tilespmem:v42+s0+$0x0], $0xffff  }
0x2ec: {  	v54 =	vld.idx.msk [tilespmem:v47+s0+$0x0], $0xffff;
	v47 =	vor.u32 v2, v41  }
0x2ed: {  	v56 =	vor.u32 v4, v41;
	v55 =	vld.idx.msk [tilespmem:v44+s0+$0x0], $0xffff  }
0x2ee: {  	v44 =	vld.idx.msk [tilespmem:v48+s0+$0x0], $0xffff;
	v48 =	vor.u32 v6, v41  }
0x2ef: {  	v57 =	vor.u32 v8, v41;
	v42 =	vld.idx.msk [tilespmem:v46+s0+$0x0], $0xffff  }
0x2f0: {  	v51 =	vor.u32 v10, v41;
	v45 =	vld.idx.msk [tilespmem:v45+s0+$0x0], $0xffff  }
.Ltmp4:
0x2f1: {  	[tilespmem:v50+s18+$0x0] =	vst.idx.add.f32.msk $0xffff, v49;
	v50 =	vor.u32 v12, v41;
	(pc) =	sbr.rel @p0 .LBB2_10-.Ltmp4, $4  }
0x2f2: {  	[tilespmem:v47+s18+$0x0] =	vst.idx.add.f32.msk $0xffff, v53;
	v47 =	vor.u32 v15, v41  }
0x2f3: {  	v46 =	vor.u32 v16, v41;
	[tilespmem:v56+s18+$0x0] =	vst.idx.add.f32.msk $0xffff, v55  }
0x2f4: {  	[tilespmem:v48+s18+$0x0] =	vst.idx.add.f32.msk $0xffff, v52;
	v48 =	vor.u32 v18, v41  }
0x2f5: {  	v49 =	vor.u32 v20, v41;
	[tilespmem:v57+s18+$0x0] =	vst.idx.add.f32.msk $0xffff, v54  }
0x2f6: {  	_ =	sdelay $0x3  }
0x2f7: {  	[tilespmem:v51+s18+$0x0] =	vst.idx.add.f32.msk $0xffff, v39  }
0x2f8: {  	[tilespmem:v50+s18+$0x0] =	vst.idx.add.f32.msk $0xffff, v36  }
0x2f9: {  	v60 =	vor.u32 v24, v41;
	[tilespmem:v47+s18+$0x0] =	vst.idx.add.f32.msk $0xffff, v44  }
0x2fa: {  	v61 =	vor.u32 v26, v41;
	[tilespmem:v46+s18+$0x0] =	vst.idx.add.f32.msk $0xffff, v38  }
0x2fb: {  	v62 =	vor.u32 v28, v41;
	[tilespmem:v48+s18+$0x0] =	vst.idx.add.f32.msk $0xffff, v45  }
0x2fc: {  	v63 =	vor.u32 v30, v41;
	[tilespmem:v49+s18+$0x0] =	vst.idx.add.f32.msk $0xffff, v34  }
0x2fd: {  	[tilespmem:v43+s18+$0x0] =	vst.idx.add.f32.msk $0xffff, v40  }
0x2fe: {  	[tilespmem:v60+s18+$0x0] =	vst.idx.add.f32.msk $0xffff, v37  }
0x2ff: {  	[tilespmem:v61+s18+$0x0] =	vst.idx.add.f32.msk $0xffff, v35  }
0x300: {  	[tilespmem:v62+s18+$0x0] =	vst.idx.add.f32.msk $0xffff, v42  }
0x301: {  	s11 =	simm.s32 $0x0;
	s8 =	rddreg [dreg:$0x1d];
	s12 =	simm.s32 $0x0;
	[tilespmem:v63+s18+$0x0] =	vst.idx.add.f32.msk $0xffff, v33  }
0x302: {  	[hbm4b:s8+s11] =	stream.linear.scatter [tilespmem:s18], [sflag:$0xC], $0x4000, $0x38;
	[tilespmem:$0x16240] =	vst v63  }
.LBB2_12:
0x303: {  	s13 =	sshll.u32 s12, $0xC;
	s8 =	rddreg [dreg:$0x1e]  }
0x304: {  	s16 =	sadd.s32 s13, s8  }
0x305: {  	s8 =	sshrl.u32 s16, $0x3  }
0x306: {  	s21 =	sadd.s32 s4, s8  }
0x307: {  	[tilespmem:s25], [sflag:$0x3] =	stream.linear.gather [hbm4b:s21+s11], $0x400, $0x38;
	[tilespmem:$0x16240] =	vst v63  }
0x308: {  	s22 =	simm.s32 $0x1800;
	s2 =	sadd.s32 s5, s8  }
0x309: {  	[tilespmem:s22], [sflag:$0x3] =	stream.linear.gather [hbm4b:s2+s11], $0x400, $0x38;
	[tilespmem:$0x16240] =	vst v63  }
0x30a: {  	s8 =	sadd.s32 s6, s8;
	s22 =	simm.s32 $0x2800  }
0x30b: {  	[tilespmem:s22], [sflag:$0x3] =	stream.linear.gather [hbm4b:s8+s11], $0x400, $0x38;
	[tilespmem:$0x16240] =	vst v63  }
0x30c: {  	_ =	swait.ge [sflag:s19], $0x400  }
0x30d: {  	[sflag:s19] =	ssyncset.done $0x0  }
0x30e: {  	[sflag:s19] =	ssyncadd.s32 $0xFFFFFC00  }
0x30f: {  	_ =	swait.ge [sflag:s19], $0x400  }
0x310: {  	[sflag:s19] =	ssyncset.done $0x0  }
0x311: {  	[sflag:s19] =	ssyncadd.s32 $0xFFFFFC00  }
0x312: {  	_ =	swait.ge [sflag:s19], $0x400  }
0x313: {  	[sflag:s19] =	ssyncset.done $0x0  }
0x314: {  	[sflag:s19] =	ssyncadd.s32 $0xFFFFFC00  }
0x315: {  	_ =	swait.ge [sflag:s23], $0x4000  }
0x316: {  	[sflag:s23] =	ssyncset.done $0x0  }
0x317: {  	s24 =	simm.s32 $0x5;
	[sflag:s23] =	ssyncadd.s32 $0xFFFFC000  }
0x318: {  	[tilespmem:s20], [sflag:$0x6] =	stream.indirect.gather [hbm4b:s10+s3], $0x10, s3, s3, $0xb8;
	[tilespmem:$0x16240] =	vst v63  }
0x319: {  	_ =	swait.ge [sflag:s24], $0x4000  }
0x31a: {  	[sflag:s24] =	ssyncset.done $0x0  }
0x31b: {  	s22 =	simm.s32 $0x1000;
	[sflag:s24] =	ssyncadd.s32 $0xFFFFC000  }
0x31c: {  	s21 =	simm.s32 $0x2000;
	v33 =	vld [tilespmem:s22+$0x0]  }
0x31d: {  	v34 =	vld [tilespmem:s21+$0x0];
	_ =	sdelay $0x4  }
0x31e: {  	v33 =	vshll.u32 v33, $0x7;
	v34 =	vshll.u32 v34, $0x4  }
0x31f: {  	v41 =	vadd.s32 v33, v34  }
0x320: {  	v33 =	vor.u32 v6, v41  }
0x321: {  	v34 =	vor.u32 v12, v41  }
0x322: {  	v35 =	vor.u32 v10, v41  }
0x323: {  	v37 =	vor.u32 v2, v41  }
0x324: {  	v38 =	vor.u32 v30, v41  }
0x325: {  	v40 =	vor.u32 v20, v41;
	v48 =	vld.idx.msk [tilespmem:v33+s0+$0x0], $0xffff  }
0x326: {  	v42 =	vor.u32 v16, v41;
	v36 =	vld.idx.msk [tilespmem:v34+s0+$0x0], $0xffff  }
0x327: {  	v57 =	vor.u32 v26, v41;
	v39 =	vld.idx.msk [tilespmem:v35+s0+$0x0], $0xffff  }
0x328: {  	v43 =	vor.u32 v24, v41;
	v46 =	vld.idx.msk [tilespmem:v37+s0+$0x0], $0xffff  }
0x329: {  	v44 =	vor.u32 v22, v41;
	v33 =	vld.idx.msk [tilespmem:v38+s0+$0x0], $0xffff  }
0x32a: {  	v45 =	vor.u32 v0, v41;
	v35 =	vld.idx.msk [tilespmem:v40+s0+$0x0], $0xffff  }
0x32b: {  	v47 =	vor.u32 v8, v41;
	v38 =	vld.idx.msk [tilespmem:v42+s0+$0x0], $0xffff  }
0x32c: {  	v58 =	vor.u32 v4, v41;
	v34 =	vld.idx.msk [tilespmem:v57+s0+$0x0], $0xffff  }
0x32d: {  	v59 =	vmov s11;
	v49 =	vor.u32 v15, v41;
	v37 =	vld.idx.msk [tilespmem:v43+s0+$0x0], $0xffff  }
0x32e: {  	v50 =	vshll.u32 v59, $0x4;
	v60 =	vor.u32 v28, v41;
	v40 =	vld.idx.msk [tilespmem:v44+s0+$0x0], $0xffff  }
0x32f: {  	v51 =	vor.u32 v18, v41;
	v41 =	vor.u32 v32, v50;
	v61 =	vld.idx.msk [tilespmem:v45+s0+$0x0], $0xffff  }
0x330: {  	v52 =	vor.u32 v0, v41;
	v53 =	vld.idx.msk [tilespmem:v47+s0+$0x0], $0xffff  }
0x331: {  	v62 =	vor.u32 v2, v41;
	v54 =	vld.idx.msk [tilespmem:v58+s0+$0x0], $0xffff  }
0x332: {  	v55 =	vor.u32 v4, v41;
	v44 =	vld.idx.msk [tilespmem:v49+s0+$0x0], $0xffff  }
0x333: {  	v63 =	vor.u32 v6, v41;
	v42 =	vld.idx.msk [tilespmem:v60+s0+$0x0], $0xffff  }
0x334: {  	v56 =	vor.u32 v8, v41;
	v45 =	vld.idx.msk [tilespmem:v51+s0+$0x0], $0xffff  }
0x335: {  	v51 =	vor.u32 v10, v41;
	[tilespmem:v52+s15+$0x0] =	vst.idx.add.f32.msk $0xffff, v61  }
0x336: {  	v50 =	vor.u32 v12, v41;
	[tilespmem:v62+s15+$0x0] =	vst.idx.add.f32.msk $0xffff, v46  }
0x337: {  	v47 =	vor.u32 v15, v41;
	[tilespmem:v55+s15+$0x0] =	vst.idx.add.f32.msk $0xffff, v54  }
0x338: {  	v43 =	vor.u32 v22, v41;
	v46 =	vor.u32 v16, v41;
	[tilespmem:v63+s15+$0x0] =	vst.idx.add.f32.msk $0xffff, v48  }
0x339: {  	s8 =	simm.s32 $0x10;
	v49 =	vor.u32 v20, v41;
	v48 =	vor.u32 v18, v41;
	[tilespmem:v56+s15+$0x0] =	vst.idx.add.f32.msk $0xffff, v53  }
.LBB2_13:
0x33a: {  	p0 =	sne.s32 s8, $0x3F0;
	[tilespmem:v51+s15+$0x0] =	vst.idx.add.f32.msk $0xffff, v39;
	s22 =	sadd.s32 $0x10, s22;
	s21 =	sadd.s32 $0x10, s21  }
0x33b: {  	s24 =	smov.u32 s8;
	s8 =	sadd.s32 $0x10, s8;
	[tilespmem:v50+s15+$0x0] =	vst.idx.add.f32.msk $0xffff, v36;
	v36 =	vor.u32 v24, v41  }
0x33c: {  	v39 =	vor.u32 v26, v41;
	[tilespmem:v47+s15+$0x0] =	vst.idx.add.f32.msk $0xffff, v44  }
0x33d: {  	[tilespmem:v46+s15+$0x0] =	vst.idx.add.f32.msk $0xffff, v38;
	v38 =	vor.u32 v28, v41  }
0x33e: {  	v41 =	vor.u32 v30, v41;
	[tilespmem:v48+s15+$0x0] =	vst.idx.add.f32.msk $0xffff, v45  }
0x33f: {  	[tilespmem:v49+s15+$0x0] =	vst.idx.add.f32.msk $0xffff, v35  }
0x340: {  	[tilespmem:v43+s15+$0x0] =	vst.idx.add.f32.msk $0xffff, v40  }
0x341: {  	[tilespmem:v36+s15+$0x0] =	vst.idx.add.f32.msk $0xffff, v37  }
0x342: {  	[tilespmem:v39+s15+$0x0] =	vst.idx.add.f32.msk $0xffff, v34  }
0x343: {  	[tilespmem:v38+s15+$0x0] =	vst.idx.add.f32.msk $0xffff, v42  }
0x344: {  	[tilespmem:v41+s15+$0x0] =	vst.idx.add.f32.msk $0xffff, v33  }
0x345: {  	v33 =	vld [tilespmem:s22+$0x0]  }
0x346: {  	v34 =	vld [tilespmem:s21+$0x0];
	_ =	sdelay $0x4  }
0x347: {  	v33 =	vshll.u32 v33, $0x7;
	v34 =	vshll.u32 v34, $0x4  }
0x348: {  	v33 =	vadd.s32 v33, v34  }
0x349: {  	v42 =	vor.u32 v0, v33;
	v34 =	vor.u32 v2, v33;
	v35 =	vor.u32 v6, v33  }
0x34a: {  	v44 =	vor.u32 v4, v33;
	v37 =	vor.u32 v10, v33;
	v36 =	vor.u32 v12, v33  }
0x34b: {  	v40 =	vor.u32 v22, v33;
	v41 =	vor.u32 v24, v33;
	v43 =	vor.u32 v26, v33  }
0x34c: {  	v45 =	vor.u32 v18, v33;
	v46 =	vor.u32 v28, v33;
	v38 =	vor.u32 v30, v33  }
0x34d: {  	v47 =	vor.u32 v8, v33;
	v48 =	vor.u32 v15, v33;
	v49 =	vor.u32 v16, v33  }
0x34e: {  	v52 =	vld.idx.msk [tilespmem:v35+s0+$0x0], $0xffff;
	v35 =	vor.u32 v20, v33  }
0x34f: {  	v36 =	vld.idx.msk [tilespmem:v36+s0+$0x0], $0xffff  }
0x350: {  	v39 =	vld.idx.msk [tilespmem:v37+s0+$0x0], $0xffff  }
0x351: {  	v53 =	vld.idx.msk [tilespmem:v34+s0+$0x0], $0xffff  }
0x352: {  	v33 =	vld.idx.msk [tilespmem:v38+s0+$0x0], $0xffff  }
0x353: {  	v35 =	vld.idx.msk [tilespmem:v35+s0+$0x0], $0xffff  }
0x354: {  	v38 =	vld.idx.msk [tilespmem:v49+s0+$0x0], $0xffff  }
0x355: {  	v37 =	vmov s24;
	v34 =	vld.idx.msk [tilespmem:v43+s0+$0x0], $0xffff  }
0x356: {  	v43 =	vshll.u32 v37, $0x4;
	v37 =	vld.idx.msk [tilespmem:v41+s0+$0x0], $0xffff  }
0x357: {  	v41 =	vor.u32 v32, v43;
	v40 =	vld.idx.msk [tilespmem:v40+s0+$0x0], $0xffff  }
0x358: {  	v50 =	vor.u32 v0, v41;
	v43 =	vor.u32 v22, v41;
	v49 =	vld.idx.msk [tilespmem:v42+s0+$0x0], $0xffff  }
0x359: {  	v54 =	vld.idx.msk [tilespmem:v47+s0+$0x0], $0xffff;
	v47 =	vor.u32 v2, v41  }
0x35a: {  	v56 =	vor.u32 v4, v41;
	v55 =	vld.idx.msk [tilespmem:v44+s0+$0x0], $0xffff  }
0x35b: {  	v44 =	vld.idx.msk [tilespmem:v48+s0+$0x0], $0xffff;
	v48 =	vor.u32 v6, v41  }
0x35c: {  	v57 =	vor.u32 v8, v41;
	v42 =	vld.idx.msk [tilespmem:v46+s0+$0x0], $0xffff  }
0x35d: {  	v51 =	vor.u32 v10, v41;
	v45 =	vld.idx.msk [tilespmem:v45+s0+$0x0], $0xffff  }
.Ltmp5:
0x35e: {  	[tilespmem:v50+s15+$0x0] =	vst.idx.add.f32.msk $0xffff, v49;
	v50 =	vor.u32 v12, v41;
	(pc) =	sbr.rel @p0 .LBB2_13-.Ltmp5, $4  }
0x35f: {  	[tilespmem:v47+s15+$0x0] =	vst.idx.add.f32.msk $0xffff, v53;
	v47 =	vor.u32 v15, v41  }
0x360: {  	v46 =	vor.u32 v16, v41;
	[tilespmem:v56+s15+$0x0] =	vst.idx.add.f32.msk $0xffff, v55  }
0x361: {  	[tilespmem:v48+s15+$0x0] =	vst.idx.add.f32.msk $0xffff, v52;
	v48 =	vor.u32 v18, v41  }
0x362: {  	v49 =	vor.u32 v20, v41;
	[tilespmem:v57+s15+$0x0] =	vst.idx.add.f32.msk $0xffff, v54  }
0x363: {  	_ =	sdelay $0x3  }
0x364: {  	[tilespmem:v51+s15+$0x0] =	vst.idx.add.f32.msk $0xffff, v39  }
0x365: {  	[tilespmem:v50+s15+$0x0] =	vst.idx.add.f32.msk $0xffff, v36  }
0x366: {  	v63 =	vor.u32 v24, v41;
	[tilespmem:v47+s15+$0x0] =	vst.idx.add.f32.msk $0xffff, v44  }
0x367: {  	v44 =	vor.u32 v26, v41;
	[tilespmem:v46+s15+$0x0] =	vst.idx.add.f32.msk $0xffff, v38  }
0x368: {  	v47 =	vor.u32 v28, v41;
	[tilespmem:v48+s15+$0x0] =	vst.idx.add.f32.msk $0xffff, v45  }
0x369: {  	v48 =	vor.u32 v30, v41;
	[tilespmem:v49+s15+$0x0] =	vst.idx.add.f32.msk $0xffff, v35  }
0x36a: {  	s8 =	rddreg [dreg:$0x12];
	[tilespmem:v43+s15+$0x0] =	vst.idx.add.f32.msk $0xffff, v40  }
0x36b: {  	s8 =	sadd.s32 s13, s8;
	[tilespmem:v63+s15+$0x0] =	vst.idx.add.f32.msk $0xffff, v37  }
0x36c: {  	s8 =	sshll.u32 s8, $0x1;
	[tilespmem:v44+s15+$0x0] =	vst.idx.add.f32.msk $0xffff, v34  }
0x36d: {  	s2 =	rddreg [dreg:$0x1f];
	s8 =	sand.u32 $0x1FFFE000, s8;
	[tilespmem:v47+s15+$0x0] =	vst.idx.add.f32.msk $0xffff, v42  }
0x36e: {  	s24 =	simm.s32 $0x0;
	s22 =	sadd.s32 s13, s2;
	s8 =	sadd.s32 s1, s8;
	[tilespmem:v48+s15+$0x0] =	vst.idx.add.f32.msk $0xffff, v33  }
0x36f: {  	[hbm4b:s8+s24] =	stream.linear.scatter [tilespmem:s15], [sflag:$0x9], $0x4000, $0x38;
	[tilespmem:$0x16240] =	vst v63  }
0x370: {  	s8 =	sshrl.u32 s22, $0x3  }
0x371: {  	s2 =	simm.s32 $0xC00;
	s21 =	sadd.s32 s4, s8  }
0x372: {  	[tilespmem:s2], [sflag:$0x4] =	stream.linear.gather [hbm4b:s21+s24], $0x400, $0x38;
	[tilespmem:$0x16240] =	vst v63  }
0x373: {  	s21 =	sadd.s32 s5, s8;
	s2 =	simm.s32 $0x1C00  }
0x374: {  	[tilespmem:s2], [sflag:$0x4] =	stream.linear.gather [hbm4b:s21+s24], $0x400, $0x38;
	[tilespmem:$0x16240] =	vst v63  }
0x375: {  	s8 =	sadd.s32 s6, s8;
	s21 =	simm.s32 $0x2C00  }
0x376: {  	[tilespmem:s21], [sflag:$0x4] =	stream.linear.gather [hbm4b:s8+s24], $0x400, $0x38;
	[tilespmem:$0x16240] =	vst v63  }
0x377: {  	_ =	swait.ge [sflag:s28], $0x400  }
0x378: {  	[sflag:s28] =	ssyncset.done $0x0  }
0x379: {  	[sflag:s28] =	ssyncadd.s32 $0xFFFFFC00  }
0x37a: {  	_ =	swait.ge [sflag:s28], $0x400  }
0x37b: {  	[sflag:s28] =	ssyncset.done $0x0  }
0x37c: {  	[sflag:s28] =	ssyncadd.s32 $0xFFFFFC00  }
0x37d: {  	_ =	swait.ge [sflag:s28], $0x400  }
0x37e: {  	[sflag:s28] =	ssyncset.done $0x0  }
0x37f: {  	[sflag:s28] =	ssyncadd.s32 $0xFFFFFC00  }
0x380: {  	_ =	swait.ge [sflag:s29], $0x4000  }
0x381: {  	[sflag:s29] =	ssyncset.done $0x0  }
0x382: {  	[sflag:s29] =	ssyncadd.s32 $0xFFFFC000  }
0x383: {  	[tilespmem:s7], [sflag:$0x7] =	stream.indirect.gather [hbm4b:s10+s3], $0x10, s25, s3, $0xb8;
	[tilespmem:$0x16240] =	vst v63  }
0x384: {  	s25 =	simm.s32 $0x6  }
0x385: {  	_ =	swait.ge [sflag:s25], $0x4000  }
0x386: {  	[sflag:s25] =	ssyncset.done $0x0  }
0x387: {  	s21 =	simm.s32 $0x1400;
	[sflag:s25] =	ssyncadd.s32 $0xFFFFC000  }
0x388: {  	s8 =	simm.s32 $0x2400;
	v50 =	vld [tilespmem:s21+$0x0]  }
0x389: {  	v51 =	vld [tilespmem:s8+$0x0];
	_ =	sdelay $0x4  }
0x38a: {  	v33 =	vshll.u32 v50, $0x7;
	v34 =	vshll.u32 v51, $0x4  }
0x38b: {  	v52 =	vadd.s32 v33, v34  }
0x38c: {  	v33 =	vor.u32 v6, v52  }
0x38d: {  	v34 =	vor.u32 v12, v52  }
0x38e: {  	v53 =	vor.u32 v10, v52  }
0x38f: {  	v54 =	vor.u32 v2, v52  }
0x390: {  	v55 =	vor.u32 v30, v52  }
0x391: {  	v56 =	vor.u32 v20, v52;
	v48 =	vld.idx.msk [tilespmem:v33+s0+$0x0], $0xffff  }
0x392: {  	v57 =	vor.u32 v16, v52;
	v36 =	vld.idx.msk [tilespmem:v34+s0+$0x0], $0xffff  }
0x393: {  	v58 =	vor.u32 v26, v52;
	v39 =	vld.idx.msk [tilespmem:v53+s0+$0x0], $0xffff  }
0x394: {  	v59 =	vor.u32 v24, v52;
	v46 =	vld.idx.msk [tilespmem:v54+s0+$0x0], $0xffff  }
0x395: {  	v60 =	vor.u32 v22, v52;
	v33 =	vld.idx.msk [tilespmem:v55+s0+$0x0], $0xffff  }
0x396: {  	v61 =	vor.u32 v0, v52;
	v35 =	vld.idx.msk [tilespmem:v56+s0+$0x0], $0xffff  }
0x397: {  	v62 =	vor.u32 v8, v52;
	v38 =	vld.idx.msk [tilespmem:v57+s0+$0x0], $0xffff  }
0x398: {  	v63 =	vor.u32 v15, v52;
	v34 =	vld.idx.msk [tilespmem:v58+s0+$0x0], $0xffff  }
0x399: {  	v56 =	vor.u32 v4, v52;
	v57 =	vmov s24;
	v37 =	vld.idx.msk [tilespmem:v59+s0+$0x0], $0xffff  }
0x39a: {  	v58 =	vor.u32 v28, v52;
	v40 =	vld.idx.msk [tilespmem:v60+s0+$0x0], $0xffff;
	v59 =	vshll.u32 v57, $0x4  }
0x39b: {  	v60 =	vor.u32 v18, v52;
	v61 =	vld.idx.msk [tilespmem:v61+s0+$0x0], $0xffff;
	v41 =	vor.u32 v32, v59  }
0x39c: {  	v53 =	vld.idx.msk [tilespmem:v62+s0+$0x0], $0xffff;
	v52 =	vor.u32 v0, v41  }
0x39d: {  	v44 =	vld.idx.msk [tilespmem:v63+s0+$0x0], $0xffff;
	v62 =	vor.u32 v2, v41  }
0x39e: {  	v55 =	vor.u32 v4, v41;
	v54 =	vld.idx.msk [tilespmem:v56+s0+$0x0], $0xffff  }
0x39f: {  	v63 =	vor.u32 v6, v41;
	v42 =	vld.idx.msk [tilespmem:v58+s0+$0x0], $0xffff  }
0x3a0: {  	v56 =	vor.u32 v8, v41;
	v45 =	vld.idx.msk [tilespmem:v60+s0+$0x0], $0xffff  }
0x3a1: {  	v51 =	vor.u32 v10, v41;
	[tilespmem:v52+s20+$0x0] =	vst.idx.add.f32.msk $0xffff, v61  }
0x3a2: {  	v50 =	vor.u32 v12, v41;
	[tilespmem:v62+s20+$0x0] =	vst.idx.add.f32.msk $0xffff, v46  }
0x3a3: {  	v47 =	vor.u32 v15, v41;
	[tilespmem:v55+s20+$0x0] =	vst.idx.add.f32.msk $0xffff, v54  }
0x3a4: {  	v43 =	vor.u32 v22, v41;
	v46 =	vor.u32 v16, v41;
	[tilespmem:v63+s20+$0x0] =	vst.idx.add.f32.msk $0xffff, v48  }
0x3a5: {  	s24 =	simm.s32 $0x10;
	v49 =	vor.u32 v20, v41;
	v48 =	vor.u32 v18, v41;
	[tilespmem:v56+s20+$0x0] =	vst.idx.add.f32.msk $0xffff, v53  }
.LBB2_15:
0x3a6: {  	p0 =	sne.s32 s24, $0x3F0;
	[tilespmem:v51+s20+$0x0] =	vst.idx.add.f32.msk $0xffff, v39;
	s21 =	sadd.s32 $0x10, s21;
	s8 =	sadd.s32 $0x10, s8  }
0x3a7: {  	s25 =	smov.u32 s24;
	s24 =	sadd.s32 $0x10, s24;
	[tilespmem:v50+s20+$0x0] =	vst.idx.add.f32.msk $0xffff, v36;
	v36 =	vor.u32 v24, v41  }
0x3a8: {  	v39 =	vor.u32 v26, v41;
	[tilespmem:v47+s20+$0x0] =	vst.idx.add.f32.msk $0xffff, v44  }
0x3a9: {  	[tilespmem:v46+s20+$0x0] =	vst.idx.add.f32.msk $0xffff, v38;
	v38 =	vor.u32 v28, v41  }
0x3aa: {  	v41 =	vor.u32 v30, v41;
	[tilespmem:v48+s20+$0x0] =	vst.idx.add.f32.msk $0xffff, v45  }
0x3ab: {  	[tilespmem:v49+s20+$0x0] =	vst.idx.add.f32.msk $0xffff, v35  }
0x3ac: {  	[tilespmem:v43+s20+$0x0] =	vst.idx.add.f32.msk $0xffff, v40  }
0x3ad: {  	[tilespmem:v36+s20+$0x0] =	vst.idx.add.f32.msk $0xffff, v37  }
0x3ae: {  	[tilespmem:v39+s20+$0x0] =	vst.idx.add.f32.msk $0xffff, v34  }
0x3af: {  	[tilespmem:v38+s20+$0x0] =	vst.idx.add.f32.msk $0xffff, v42  }
0x3b0: {  	[tilespmem:v41+s20+$0x0] =	vst.idx.add.f32.msk $0xffff, v33  }
0x3b1: {  	v33 =	vld [tilespmem:s21+$0x0]  }
0x3b2: {  	v34 =	vld [tilespmem:s8+$0x0];
	_ =	sdelay $0x4  }
0x3b3: {  	v33 =	vshll.u32 v33, $0x7;
	v34 =	vshll.u32 v34, $0x4  }
0x3b4: {  	v33 =	vadd.s32 v33, v34  }
0x3b5: {  	v42 =	vor.u32 v0, v33;
	v34 =	vor.u32 v2, v33;
	v35 =	vor.u32 v6, v33  }
0x3b6: {  	v44 =	vor.u32 v4, v33;
	v37 =	vor.u32 v10, v33;
	v36 =	vor.u32 v12, v33  }
0x3b7: {  	v40 =	vor.u32 v22, v33;
	v41 =	vor.u32 v24, v33;
	v43 =	vor.u32 v26, v33  }
0x3b8: {  	v45 =	vor.u32 v18, v33;
	v46 =	vor.u32 v28, v33;
	v38 =	vor.u32 v30, v33  }
0x3b9: {  	v47 =	vor.u32 v8, v33;
	v48 =	vor.u32 v15, v33;
	v49 =	vor.u32 v16, v33  }
0x3ba: {  	v52 =	vld.idx.msk [tilespmem:v35+s0+$0x0], $0xffff;
	v35 =	vor.u32 v20, v33  }
0x3bb: {  	v36 =	vld.idx.msk [tilespmem:v36+s0+$0x0], $0xffff  }
0x3bc: {  	v39 =	vld.idx.msk [tilespmem:v37+s0+$0x0], $0xffff  }
0x3bd: {  	v53 =	vld.idx.msk [tilespmem:v34+s0+$0x0], $0xffff  }
0x3be: {  	v33 =	vld.idx.msk [tilespmem:v38+s0+$0x0], $0xffff  }
0x3bf: {  	v35 =	vld.idx.msk [tilespmem:v35+s0+$0x0], $0xffff  }
0x3c0: {  	v38 =	vld.idx.msk [tilespmem:v49+s0+$0x0], $0xffff  }
0x3c1: {  	v37 =	vmov s25;
	v34 =	vld.idx.msk [tilespmem:v43+s0+$0x0], $0xffff  }
0x3c2: {  	v43 =	vshll.u32 v37, $0x4;
	v37 =	vld.idx.msk [tilespmem:v41+s0+$0x0], $0xffff  }
0x3c3: {  	v41 =	vor.u32 v32, v43;
	v40 =	vld.idx.msk [tilespmem:v40+s0+$0x0], $0xffff  }
0x3c4: {  	v50 =	vor.u32 v0, v41;
	v43 =	vor.u32 v22, v41;
	v49 =	vld.idx.msk [tilespmem:v42+s0+$0x0], $0xffff  }
0x3c5: {  	v54 =	vld.idx.msk [tilespmem:v47+s0+$0x0], $0xffff;
	v47 =	vor.u32 v2, v41  }
0x3c6: {  	v56 =	vor.u32 v4, v41;
	v55 =	vld.idx.msk [tilespmem:v44+s0+$0x0], $0xffff  }
0x3c7: {  	v44 =	vld.idx.msk [tilespmem:v48+s0+$0x0], $0xffff;
	v48 =	vor.u32 v6, v41  }
0x3c8: {  	v57 =	vor.u32 v8, v41;
	v42 =	vld.idx.msk [tilespmem:v46+s0+$0x0], $0xffff  }
0x3c9: {  	v51 =	vor.u32 v10, v41;
	v45 =	vld.idx.msk [tilespmem:v45+s0+$0x0], $0xffff  }
.Ltmp6:
0x3ca: {  	[tilespmem:v50+s20+$0x0] =	vst.idx.add.f32.msk $0xffff, v49;
	v50 =	vor.u32 v12, v41;
	(pc) =	sbr.rel @p0 .LBB2_15-.Ltmp6, $4  }
0x3cb: {  	[tilespmem:v47+s20+$0x0] =	vst.idx.add.f32.msk $0xffff, v53;
	v47 =	vor.u32 v15, v41  }
0x3cc: {  	v46 =	vor.u32 v16, v41;
	[tilespmem:v56+s20+$0x0] =	vst.idx.add.f32.msk $0xffff, v55  }
0x3cd: {  	[tilespmem:v48+s20+$0x0] =	vst.idx.add.f32.msk $0xffff, v52;
	v48 =	vor.u32 v18, v41  }
0x3ce: {  	v49 =	vor.u32 v20, v41;
	[tilespmem:v57+s20+$0x0] =	vst.idx.add.f32.msk $0xffff, v54  }
0x3cf: {  	_ =	sdelay $0x3  }
0x3d0: {  	[tilespmem:v51+s20+$0x0] =	vst.idx.add.f32.msk $0xffff, v39  }
0x3d1: {  	[tilespmem:v50+s20+$0x0] =	vst.idx.add.f32.msk $0xffff, v36  }
0x3d2: {  	v53 =	vor.u32 v24, v41;
	[tilespmem:v47+s20+$0x0] =	vst.idx.add.f32.msk $0xffff, v44  }
0x3d3: {  	v54 =	vor.u32 v26, v41;
	[tilespmem:v46+s20+$0x0] =	vst.idx.add.f32.msk $0xffff, v38  }
0x3d4: {  	v55 =	vor.u32 v28, v41;
	[tilespmem:v48+s20+$0x0] =	vst.idx.add.f32.msk $0xffff, v45  }
0x3d5: {  	v56 =	vor.u32 v30, v41;
	[tilespmem:v49+s20+$0x0] =	vst.idx.add.f32.msk $0xffff, v35  }
0x3d6: {  	s8 =	rddreg [dreg:$0x17];
	[tilespmem:v43+s20+$0x0] =	vst.idx.add.f32.msk $0xffff, v40  }
0x3d7: {  	s8 =	sadd.s32 s13, s8;
	[tilespmem:v53+s20+$0x0] =	vst.idx.add.f32.msk $0xffff, v37  }
0x3d8: {  	s8 =	sshll.u32 s8, $0x1;
	[tilespmem:v54+s20+$0x0] =	vst.idx.add.f32.msk $0xffff, v34  }
0x3d9: {  	s21 =	sld [smem:$0x7F1];
	s8 =	sand.u32 $0x1FFFE800, s8;
	[tilespmem:v55+s20+$0x0] =	vst.idx.add.f32.msk $0xffff, v42  }
0x3da: {  	s24 =	simm.s32 $0x0;
	s8 =	sadd.s32 s1, s8;
	[tilespmem:v56+s20+$0x0] =	vst.idx.add.f32.msk $0xffff, v33  }
0x3db: {  	[hbm4b:s8+s24] =	stream.linear.scatter [tilespmem:s20], [sflag:$0xA], $0x4000, $0x38;
	[tilespmem:$0x16240] =	vst v63  }
0x3dc: {  	s8 =	sadd.s32 s13, s21  }
0x3dd: {  	s8 =	sshrl.u32 s8, $0x3  }
0x3de: {  	s21 =	sadd.s32 s4, s8  }
0x3df: {  	[tilespmem:s24], [sflag:$0x1] =	stream.linear.gather [hbm4b:s21+s24], $0x400, $0x38;
	[tilespmem:$0x16240] =	vst v63  }
0x3e0: {  	s2 =	simm.s32 $0x1000;
	s25 =	sadd.s32 s5, s8  }
0x3e1: {  	[tilespmem:s2], [sflag:$0x1] =	stream.linear.gather [hbm4b:s25+s24], $0x400, $0x38;
	[tilespmem:$0x16240] =	vst v63  }
0x3e2: {  	s8 =	sadd.s32 s6, s8;
	s25 =	simm.s32 $0x2000  }
0x3e3: {  	[tilespmem:s25], [sflag:$0x1] =	stream.linear.gather [hbm4b:s8+s24], $0x400, $0x38;
	[tilespmem:$0x16240] =	vst v63  }
0x3e4: {  	_ =	swait.ge [sflag:s17], $0x400  }
0x3e5: {  	[sflag:s17] =	ssyncset.done $0x0  }
0x3e6: {  	[sflag:s17] =	ssyncadd.s32 $0xFFFFFC00  }
0x3e7: {  	_ =	swait.ge [sflag:s17], $0x400  }
0x3e8: {  	[sflag:s17] =	ssyncset.done $0x0  }
0x3e9: {  	[sflag:s17] =	ssyncadd.s32 $0xFFFFFC00  }
0x3ea: {  	_ =	swait.ge [sflag:s17], $0x400  }
0x3eb: {  	[sflag:s17] =	ssyncset.done $0x0  }
0x3ec: {  	[sflag:s17] =	ssyncadd.s32 $0xFFFFFC00  }
0x3ed: {  	_ =	swait.ge [sflag:s9], $0x4000  }
0x3ee: {  	[sflag:s9] =	ssyncset.done $0x0  }
0x3ef: {  	s21 =	simm.s32 $0xC00;
	s25 =	simm.s32 $0x7;
	[sflag:s9] =	ssyncadd.s32 $0xFFFFC000  }
0x3f0: {  	[tilespmem:s18], [sflag:$0x8] =	stream.indirect.gather [hbm4b:s10+s3], $0x10, s21, s3, $0xb8;
	[tilespmem:$0x16240] =	vst v63  }
0x3f1: {  	_ =	swait.ge [sflag:s25], $0x4000  }
0x3f2: {  	[sflag:s25] =	ssyncset.done $0x0  }
0x3f3: {  	s21 =	simm.s32 $0x1800;
	[sflag:s25] =	ssyncadd.s32 $0xFFFFC000  }
0x3f4: {  	s8 =	simm.s32 $0x2800;
	v57 =	vld [tilespmem:s21+$0x0]  }
0x3f5: {  	v58 =	vld [tilespmem:s8+$0x0];
	_ =	sdelay $0x4  }
0x3f6: {  	v33 =	vshll.u32 v57, $0x7;
	v34 =	vshll.u32 v58, $0x4  }
0x3f7: {  	v41 =	vadd.s32 v33, v34  }
0x3f8: {  	v33 =	vor.u32 v6, v41  }
0x3f9: {  	v34 =	vor.u32 v12, v41  }
0x3fa: {  	v59 =	vor.u32 v10, v41  }
0x3fb: {  	v60 =	vor.u32 v2, v41  }
0x3fc: {  	v61 =	vor.u32 v30, v41  }
0x3fd: {  	v62 =	vor.u32 v20, v41;
	v48 =	vld.idx.msk [tilespmem:v33+s0+$0x0], $0xffff  }
0x3fe: {  	v63 =	vor.u32 v16, v41;
	v36 =	vld.idx.msk [tilespmem:v34+s0+$0x0], $0xffff  }
0x3ff: {  	v52 =	vor.u32 v26, v41;
	v39 =	vld.idx.msk [tilespmem:v59+s0+$0x0], $0xffff  }
0x400: {  	v53 =	vor.u32 v24, v41;
	v46 =	vld.idx.msk [tilespmem:v60+s0+$0x0], $0xffff  }
0x401: {  	v54 =	vor.u32 v22, v41;
	v33 =	vld.idx.msk [tilespmem:v61+s0+$0x0], $0xffff  }
0x402: {  	v55 =	vor.u32 v0, v41;
	v34 =	vld.idx.msk [tilespmem:v62+s0+$0x0], $0xffff  }
0x403: {  	v56 =	vor.u32 v8, v41;
	v38 =	vld.idx.msk [tilespmem:v63+s0+$0x0], $0xffff  }
0x404: {  	v57 =	vor.u32 v4, v41;
	v35 =	vld.idx.msk [tilespmem:v52+s0+$0x0], $0xffff  }
0x405: {  	v58 =	vor.u32 v15, v41;
	v59 =	vmov s24;
	v37 =	vld.idx.msk [tilespmem:v53+s0+$0x0], $0xffff  }
0x406: {  	v60 =	vor.u32 v28, v41;
	v40 =	vld.idx.msk [tilespmem:v54+s0+$0x0], $0xffff;
	v61 =	vshll.u32 v59, $0x4  }
0x407: {  	v62 =	vor.u32 v18, v41;
	v47 =	vld.idx.msk [tilespmem:v55+s0+$0x0], $0xffff;
	v41 =	vor.u32 v32, v61  }
0x408: {  	v49 =	vld.idx.msk [tilespmem:v56+s0+$0x0], $0xffff;
	v63 =	vor.u32 v0, v41  }
0x409: {  	v53 =	vld.idx.msk [tilespmem:v57+s0+$0x0], $0xffff;
	v52 =	vor.u32 v2, v41  }
0x40a: {  	v44 =	vld.idx.msk [tilespmem:v58+s0+$0x0], $0xffff;
	v54 =	vor.u32 v4, v41  }
0x40b: {  	v55 =	vor.u32 v6, v41;
	v42 =	vld.idx.msk [tilespmem:v60+s0+$0x0], $0xffff  }
0x40c: {  	v56 =	vor.u32 v8, v41;
	v45 =	vld.idx.msk [tilespmem:v62+s0+$0x0], $0xffff  }
0x40d: {  	v51 =	vor.u32 v10, v41;
	[tilespmem:v63+s7+$0x0] =	vst.idx.add.f32.msk $0xffff, v47  }
0x40e: {  	v50 =	vor.u32 v12, v41;
	[tilespmem:v52+s7+$0x0] =	vst.idx.add.f32.msk $0xffff, v46  }
0x40f: {  	v47 =	vor.u32 v15, v41;
	[tilespmem:v54+s7+$0x0] =	vst.idx.add.f32.msk $0xffff, v53  }
0x410: {  	v43 =	vor.u32 v22, v41;
	v46 =	vor.u32 v16, v41;
	[tilespmem:v55+s7+$0x0] =	vst.idx.add.f32.msk $0xffff, v48  }
0x411: {  	s24 =	simm.s32 $0x10;
	v48 =	vor.u32 v18, v41;
	[tilespmem:v56+s7+$0x0] =	vst.idx.add.f32.msk $0xffff, v49;
	v49 =	vor.u32 v20, v41  }
.LBB2_17:
0x412: {  	p0 =	sne.s32 s24, $0x3F0;
	[tilespmem:v51+s7+$0x0] =	vst.idx.add.f32.msk $0xffff, v39;
	s21 =	sadd.s32 $0x10, s21;
	s8 =	sadd.s32 $0x10, s8  }
0x413: {  	s25 =	smov.u32 s24;
	s24 =	sadd.s32 $0x10, s24;
	[tilespmem:v50+s7+$0x0] =	vst.idx.add.f32.msk $0xffff, v36;
	v36 =	vor.u32 v24, v41  }
0x414: {  	v39 =	vor.u32 v26, v41;
	[tilespmem:v47+s7+$0x0] =	vst.idx.add.f32.msk $0xffff, v44  }
0x415: {  	[tilespmem:v46+s7+$0x0] =	vst.idx.add.f32.msk $0xffff, v38;
	v38 =	vor.u32 v28, v41  }
0x416: {  	v41 =	vor.u32 v30, v41;
	[tilespmem:v48+s7+$0x0] =	vst.idx.add.f32.msk $0xffff, v45  }
0x417: {  	[tilespmem:v49+s7+$0x0] =	vst.idx.add.f32.msk $0xffff, v34  }
0x418: {  	[tilespmem:v43+s7+$0x0] =	vst.idx.add.f32.msk $0xffff, v40  }
0x419: {  	[tilespmem:v36+s7+$0x0] =	vst.idx.add.f32.msk $0xffff, v37  }
0x41a: {  	[tilespmem:v39+s7+$0x0] =	vst.idx.add.f32.msk $0xffff, v35  }
0x41b: {  	[tilespmem:v38+s7+$0x0] =	vst.idx.add.f32.msk $0xffff, v42  }
0x41c: {  	[tilespmem:v41+s7+$0x0] =	vst.idx.add.f32.msk $0xffff, v33  }
0x41d: {  	v33 =	vld [tilespmem:s21+$0x0]  }
0x41e: {  	v34 =	vld [tilespmem:s8+$0x0];
	_ =	sdelay $0x4  }
0x41f: {  	v33 =	vshll.u32 v33, $0x7;
	v34 =	vshll.u32 v34, $0x4  }
0x420: {  	v33 =	vadd.s32 v33, v34  }
0x421: {  	v42 =	vor.u32 v0, v33;
	v34 =	vor.u32 v2, v33;
	v35 =	vor.u32 v6, v33  }
0x422: {  	v44 =	vor.u32 v4, v33;
	v37 =	vor.u32 v10, v33;
	v36 =	vor.u32 v12, v33  }
0x423: {  	v40 =	vor.u32 v22, v33;
	v41 =	vor.u32 v24, v33;
	v43 =	vor.u32 v26, v33  }
0x424: {  	v45 =	vor.u32 v18, v33;
	v46 =	vor.u32 v28, v33;
	v38 =	vor.u32 v30, v33  }
0x425: {  	v47 =	vor.u32 v8, v33;
	v48 =	vor.u32 v15, v33;
	v49 =	vor.u32 v16, v33  }
0x426: {  	v52 =	vld.idx.msk [tilespmem:v35+s0+$0x0], $0xffff;
	v35 =	vor.u32 v20, v33  }
0x427: {  	v36 =	vld.idx.msk [tilespmem:v36+s0+$0x0], $0xffff  }
0x428: {  	v39 =	vld.idx.msk [tilespmem:v37+s0+$0x0], $0xffff  }
0x429: {  	v53 =	vld.idx.msk [tilespmem:v34+s0+$0x0], $0xffff  }
0x42a: {  	v33 =	vld.idx.msk [tilespmem:v38+s0+$0x0], $0xffff  }
0x42b: {  	v34 =	vld.idx.msk [tilespmem:v35+s0+$0x0], $0xffff  }
0x42c: {  	v38 =	vld.idx.msk [tilespmem:v49+s0+$0x0], $0xffff  }
0x42d: {  	v37 =	vmov s25;
	v35 =	vld.idx.msk [tilespmem:v43+s0+$0x0], $0xffff  }
0x42e: {  	v43 =	vshll.u32 v37, $0x4;
	v37 =	vld.idx.msk [tilespmem:v41+s0+$0x0], $0xffff  }
0x42f: {  	v41 =	vor.u32 v32, v43;
	v40 =	vld.idx.msk [tilespmem:v40+s0+$0x0], $0xffff  }
0x430: {  	v50 =	vor.u32 v0, v41;
	v43 =	vor.u32 v22, v41;
	v49 =	vld.idx.msk [tilespmem:v42+s0+$0x0], $0xffff  }
0x431: {  	v54 =	vld.idx.msk [tilespmem:v47+s0+$0x0], $0xffff;
	v47 =	vor.u32 v2, v41  }
0x432: {  	v56 =	vor.u32 v4, v41;
	v55 =	vld.idx.msk [tilespmem:v44+s0+$0x0], $0xffff  }
0x433: {  	v44 =	vld.idx.msk [tilespmem:v48+s0+$0x0], $0xffff;
	v48 =	vor.u32 v6, v41  }
0x434: {  	v57 =	vor.u32 v8, v41;
	v42 =	vld.idx.msk [tilespmem:v46+s0+$0x0], $0xffff  }
0x435: {  	v51 =	vor.u32 v10, v41;
	v45 =	vld.idx.msk [tilespmem:v45+s0+$0x0], $0xffff  }
.Ltmp7:
0x436: {  	[tilespmem:v50+s7+$0x0] =	vst.idx.add.f32.msk $0xffff, v49;
	v50 =	vor.u32 v12, v41;
	(pc) =	sbr.rel @p0 .LBB2_17-.Ltmp7, $4  }
0x437: {  	[tilespmem:v47+s7+$0x0] =	vst.idx.add.f32.msk $0xffff, v53;
	v47 =	vor.u32 v15, v41  }
0x438: {  	v46 =	vor.u32 v16, v41;
	[tilespmem:v56+s7+$0x0] =	vst.idx.add.f32.msk $0xffff, v55  }
0x439: {  	[tilespmem:v48+s7+$0x0] =	vst.idx.add.f32.msk $0xffff, v52;
	v48 =	vor.u32 v18, v41  }
0x43a: {  	v49 =	vor.u32 v20, v41;
	[tilespmem:v57+s7+$0x0] =	vst.idx.add.f32.msk $0xffff, v54  }
0x43b: {  	_ =	sdelay $0x3  }
0x43c: {  	[tilespmem:v51+s7+$0x0] =	vst.idx.add.f32.msk $0xffff, v39  }
0x43d: {  	[tilespmem:v50+s7+$0x0] =	vst.idx.add.f32.msk $0xffff, v36  }
0x43e: {  	v53 =	vor.u32 v24, v41;
	[tilespmem:v47+s7+$0x0] =	vst.idx.add.f32.msk $0xffff, v44  }
0x43f: {  	v54 =	vor.u32 v26, v41;
	[tilespmem:v46+s7+$0x0] =	vst.idx.add.f32.msk $0xffff, v38  }
0x440: {  	v55 =	vor.u32 v28, v41;
	[tilespmem:v48+s7+$0x0] =	vst.idx.add.f32.msk $0xffff, v45  }
0x441: {  	v56 =	vor.u32 v30, v41;
	[tilespmem:v49+s7+$0x0] =	vst.idx.add.f32.msk $0xffff, v34  }
0x442: {  	[tilespmem:v43+s7+$0x0] =	vst.idx.add.f32.msk $0xffff, v40  }
0x443: {  	[tilespmem:v53+s7+$0x0] =	vst.idx.add.f32.msk $0xffff, v37  }
0x444: {  	s8 =	sshll.u32 s16, $0x1;
	[tilespmem:v54+s7+$0x0] =	vst.idx.add.f32.msk $0xffff, v35  }
0x445: {  	s24 =	sld [smem:$0x7F2];
	s8 =	sand.u32 $0x1FFFF000, s8;
	[tilespmem:v55+s7+$0x0] =	vst.idx.add.f32.msk $0xffff, v42  }
0x446: {  	s16 =	simm.s32 $0x0;
	s8 =	sadd.s32 s1, s8;
	[tilespmem:v56+s7+$0x0] =	vst.idx.add.f32.msk $0xffff, v33  }
0x447: {  	[hbm4b:s8+s16] =	stream.linear.scatter [tilespmem:s7], [sflag:$0xB], $0x4000, $0x38;
	[tilespmem:$0x16240] =	vst v63  }
0x448: {  	s8 =	sadd.s32 s13, s24  }
0x449: {  	s8 =	sshrl.u32 s8, $0x3  }
0x44a: {  	s25 =	sadd.s32 s4, s8  }
0x44b: {  	[tilespmem:s3], [sflag:$0x2] =	stream.linear.gather [hbm4b:s25+s16], $0x400, $0x38;
	[tilespmem:$0x16240] =	vst v63  }
0x44c: {  	s21 =	simm.s32 $0x1400;
	s2 =	sadd.s32 s5, s8  }
0x44d: {  	[tilespmem:s21], [sflag:$0x2] =	stream.linear.gather [hbm4b:s2+s16], $0x400, $0x38;
	[tilespmem:$0x16240] =	vst v63  }
0x44e: {  	s24 =	simm.s32 $0x2400;
	s8 =	sadd.s32 s6, s8  }
0x44f: {  	[tilespmem:s24], [sflag:$0x2] =	stream.linear.gather [hbm4b:s8+s16], $0x400, $0x38;
	[tilespmem:$0x16240] =	vst v63  }
0x450: {  	_ =	swait.ge [sflag:s14], $0x400  }
0x451: {  	[sflag:s14] =	ssyncset.done $0x0  }
0x452: {  	[sflag:s14] =	ssyncadd.s32 $0xFFFFFC00  }
0x453: {  	_ =	swait.ge [sflag:s14], $0x400  }
0x454: {  	[sflag:s14] =	ssyncset.done $0x0  }
0x455: {  	[sflag:s14] =	ssyncadd.s32 $0xFFFFFC00  }
0x456: {  	_ =	swait.ge [sflag:s14], $0x400  }
0x457: {  	[sflag:s14] =	ssyncset.done $0x0  }
0x458: {  	s2 =	simm.s32 $0x9;
	[sflag:s14] =	ssyncadd.s32 $0xFFFFFC00  }
0x459: {  	_ =	swait.ge [sflag:s2], $0x4000  }
0x45a: {  	[sflag:s2] =	ssyncset.done $0x0  }
0x45b: {  	s25 =	simm.s32 $0x8;
	[sflag:s2] =	ssyncadd.s32 $0xFFFFC000  }
0x45c: {  	[tilespmem:s15], [sflag:$0x5] =	stream.indirect.gather [hbm4b:s10+s3], $0x10, s16, s3, $0xb8;
	[tilespmem:$0x16240] =	vst v63  }
0x45d: {  	_ =	swait.ge [sflag:s25], $0x4000  }
0x45e: {  	[sflag:s25] =	ssyncset.done $0x0  }
0x45f: {  	s13 =	simm.s32 $0x1C00;
	[sflag:s25] =	ssyncadd.s32 $0xFFFFC000  }
0x460: {  	s8 =	simm.s32 $0x2C00;
	v57 =	vld [tilespmem:s13+$0x0]  }
0x461: {  	v58 =	vld [tilespmem:s8+$0x0];
	_ =	sdelay $0x4  }
0x462: {  	v33 =	vshll.u32 v57, $0x7;
	v34 =	vshll.u32 v58, $0x4  }
0x463: {  	v41 =	vadd.s32 v33, v34  }
0x464: {  	v33 =	vor.u32 v6, v41  }
0x465: {  	v34 =	vor.u32 v12, v41  }
0x466: {  	v59 =	vor.u32 v10, v41  }
0x467: {  	v60 =	vor.u32 v2, v41  }
0x468: {  	v61 =	vor.u32 v30, v41  }
0x469: {  	v62 =	vor.u32 v20, v41;
	v48 =	vld.idx.msk [tilespmem:v33+s0+$0x0], $0xffff  }
0x46a: {  	v63 =	vor.u32 v16, v41;
	v36 =	vld.idx.msk [tilespmem:v34+s0+$0x0], $0xffff  }
0x46b: {  	v52 =	vor.u32 v26, v41;
	v39 =	vld.idx.msk [tilespmem:v59+s0+$0x0], $0xffff  }
0x46c: {  	v53 =	vor.u32 v24, v41;
	v46 =	vld.idx.msk [tilespmem:v60+s0+$0x0], $0xffff  }
0x46d: {  	v54 =	vor.u32 v22, v41;
	v33 =	vld.idx.msk [tilespmem:v61+s0+$0x0], $0xffff  }
0x46e: {  	v55 =	vor.u32 v0, v41;
	v34 =	vld.idx.msk [tilespmem:v62+s0+$0x0], $0xffff  }
0x46f: {  	v56 =	vor.u32 v8, v41;
	v38 =	vld.idx.msk [tilespmem:v63+s0+$0x0], $0xffff  }
0x470: {  	v57 =	vor.u32 v4, v41;
	v35 =	vld.idx.msk [tilespmem:v52+s0+$0x0], $0xffff  }
0x471: {  	v58 =	vor.u32 v15, v41;
	v59 =	vmov s16;
	v37 =	vld.idx.msk [tilespmem:v53+s0+$0x0], $0xffff  }
0x472: {  	v60 =	vor.u32 v28, v41;
	v40 =	vld.idx.msk [tilespmem:v54+s0+$0x0], $0xffff;
	v61 =	vshll.u32 v59, $0x4  }
0x473: {  	v62 =	vor.u32 v18, v41;
	v47 =	vld.idx.msk [tilespmem:v55+s0+$0x0], $0xffff;
	v41 =	vor.u32 v32, v61  }
0x474: {  	v49 =	vld.idx.msk [tilespmem:v56+s0+$0x0], $0xffff;
	v63 =	vor.u32 v0, v41  }
0x475: {  	v53 =	vld.idx.msk [tilespmem:v57+s0+$0x0], $0xffff;
	v52 =	vor.u32 v2, v41  }
0x476: {  	v44 =	vld.idx.msk [tilespmem:v58+s0+$0x0], $0xffff;
	v54 =	vor.u32 v4, v41  }
0x477: {  	v55 =	vor.u32 v6, v41;
	v42 =	vld.idx.msk [tilespmem:v60+s0+$0x0], $0xffff  }
0x478: {  	v56 =	vor.u32 v8, v41;
	v45 =	vld.idx.msk [tilespmem:v62+s0+$0x0], $0xffff  }
0x479: {  	v51 =	vor.u32 v10, v41;
	[tilespmem:v63+s18+$0x0] =	vst.idx.add.f32.msk $0xffff, v47  }
0x47a: {  	v50 =	vor.u32 v12, v41;
	[tilespmem:v52+s18+$0x0] =	vst.idx.add.f32.msk $0xffff, v46  }
0x47b: {  	v47 =	vor.u32 v15, v41;
	[tilespmem:v54+s18+$0x0] =	vst.idx.add.f32.msk $0xffff, v53  }
0x47c: {  	v43 =	vor.u32 v22, v41;
	v46 =	vor.u32 v16, v41;
	[tilespmem:v55+s18+$0x0] =	vst.idx.add.f32.msk $0xffff, v48  }
0x47d: {  	s16 =	simm.s32 $0x10;
	v48 =	vor.u32 v18, v41;
	[tilespmem:v56+s18+$0x0] =	vst.idx.add.f32.msk $0xffff, v49;
	v49 =	vor.u32 v20, v41  }
.LBB2_19:
0x47e: {  	p0 =	sne.s32 s16, $0x3F0;
	[tilespmem:v51+s18+$0x0] =	vst.idx.add.f32.msk $0xffff, v39;
	s13 =	sadd.s32 $0x10, s13;
	s8 =	sadd.s32 $0x10, s8  }
0x47f: {  	s21 =	smov.u32 s16;
	s16 =	sadd.s32 $0x10, s16;
	[tilespmem:v50+s18+$0x0] =	vst.idx.add.f32.msk $0xffff, v36;
	v36 =	vor.u32 v24, v41  }
0x480: {  	v39 =	vor.u32 v26, v41;
	[tilespmem:v47+s18+$0x0] =	vst.idx.add.f32.msk $0xffff, v44  }
0x481: {  	[tilespmem:v46+s18+$0x0] =	vst.idx.add.f32.msk $0xffff, v38;
	v38 =	vor.u32 v28, v41  }
0x482: {  	v41 =	vor.u32 v30, v41;
	[tilespmem:v48+s18+$0x0] =	vst.idx.add.f32.msk $0xffff, v45  }
0x483: {  	[tilespmem:v49+s18+$0x0] =	vst.idx.add.f32.msk $0xffff, v34  }
0x484: {  	[tilespmem:v43+s18+$0x0] =	vst.idx.add.f32.msk $0xffff, v40  }
0x485: {  	[tilespmem:v36+s18+$0x0] =	vst.idx.add.f32.msk $0xffff, v37  }
0x486: {  	[tilespmem:v39+s18+$0x0] =	vst.idx.add.f32.msk $0xffff, v35  }
0x487: {  	[tilespmem:v38+s18+$0x0] =	vst.idx.add.f32.msk $0xffff, v42  }
0x488: {  	[tilespmem:v41+s18+$0x0] =	vst.idx.add.f32.msk $0xffff, v33  }
0x489: {  	v33 =	vld [tilespmem:s13+$0x0]  }
0x48a: {  	v34 =	vld [tilespmem:s8+$0x0];
	_ =	sdelay $0x4  }
0x48b: {  	v33 =	vshll.u32 v33, $0x7;
	v34 =	vshll.u32 v34, $0x4  }
0x48c: {  	v33 =	vadd.s32 v33, v34  }
0x48d: {  	v42 =	vor.u32 v0, v33;
	v34 =	vor.u32 v2, v33;
	v35 =	vor.u32 v6, v33  }
0x48e: {  	v44 =	vor.u32 v4, v33;
	v37 =	vor.u32 v10, v33;
	v36 =	vor.u32 v12, v33  }
0x48f: {  	v40 =	vor.u32 v22, v33;
	v41 =	vor.u32 v24, v33;
	v43 =	vor.u32 v26, v33  }
0x490: {  	v45 =	vor.u32 v18, v33;
	v46 =	vor.u32 v28, v33;
	v38 =	vor.u32 v30, v33  }
0x491: {  	v47 =	vor.u32 v8, v33;
	v48 =	vor.u32 v15, v33;
	v49 =	vor.u32 v16, v33  }
0x492: {  	v52 =	vld.idx.msk [tilespmem:v35+s0+$0x0], $0xffff;
	v35 =	vor.u32 v20, v33  }
0x493: {  	v36 =	vld.idx.msk [tilespmem:v36+s0+$0x0], $0xffff  }
0x494: {  	v39 =	vld.idx.msk [tilespmem:v37+s0+$0x0], $0xffff  }
0x495: {  	v53 =	vld.idx.msk [tilespmem:v34+s0+$0x0], $0xffff  }
0x496: {  	v33 =	vld.idx.msk [tilespmem:v38+s0+$0x0], $0xffff  }
0x497: {  	v34 =	vld.idx.msk [tilespmem:v35+s0+$0x0], $0xffff  }
0x498: {  	v38 =	vld.idx.msk [tilespmem:v49+s0+$0x0], $0xffff  }
0x499: {  	v37 =	vmov s21;
	v35 =	vld.idx.msk [tilespmem:v43+s0+$0x0], $0xffff  }
0x49a: {  	v43 =	vshll.u32 v37, $0x4;
	v37 =	vld.idx.msk [tilespmem:v41+s0+$0x0], $0xffff  }
0x49b: {  	v41 =	vor.u32 v32, v43;
	v40 =	vld.idx.msk [tilespmem:v40+s0+$0x0], $0xffff  }
0x49c: {  	v50 =	vor.u32 v0, v41;
	v43 =	vor.u32 v22, v41;
	v49 =	vld.idx.msk [tilespmem:v42+s0+$0x0], $0xffff  }
0x49d: {  	v54 =	vld.idx.msk [tilespmem:v47+s0+$0x0], $0xffff;
	v47 =	vor.u32 v2, v41  }
0x49e: {  	v56 =	vor.u32 v4, v41;
	v55 =	vld.idx.msk [tilespmem:v44+s0+$0x0], $0xffff  }
0x49f: {  	v44 =	vld.idx.msk [tilespmem:v48+s0+$0x0], $0xffff;
	v48 =	vor.u32 v6, v41  }
0x4a0: {  	v57 =	vor.u32 v8, v41;
	v42 =	vld.idx.msk [tilespmem:v46+s0+$0x0], $0xffff  }
0x4a1: {  	v51 =	vor.u32 v10, v41;
	v45 =	vld.idx.msk [tilespmem:v45+s0+$0x0], $0xffff  }
.Ltmp8:
0x4a2: {  	[tilespmem:v50+s18+$0x0] =	vst.idx.add.f32.msk $0xffff, v49;
	v50 =	vor.u32 v12, v41;
	(pc) =	sbr.rel @p0 .LBB2_19-.Ltmp8, $4  }
0x4a3: {  	[tilespmem:v47+s18+$0x0] =	vst.idx.add.f32.msk $0xffff, v53;
	v47 =	vor.u32 v15, v41  }
0x4a4: {  	v46 =	vor.u32 v16, v41;
	[tilespmem:v56+s18+$0x0] =	vst.idx.add.f32.msk $0xffff, v55  }
0x4a5: {  	[tilespmem:v48+s18+$0x0] =	vst.idx.add.f32.msk $0xffff, v52;
	v48 =	vor.u32 v18, v41  }
0x4a6: {  	v49 =	vor.u32 v20, v41;
	[tilespmem:v57+s18+$0x0] =	vst.idx.add.f32.msk $0xffff, v54  }
0x4a7: {  	_ =	sdelay $0x3  }
0x4a8: {  	[tilespmem:v51+s18+$0x0] =	vst.idx.add.f32.msk $0xffff, v39  }
0x4a9: {  	[tilespmem:v50+s18+$0x0] =	vst.idx.add.f32.msk $0xffff, v36  }
0x4aa: {  	v60 =	vor.u32 v24, v41;
	[tilespmem:v47+s18+$0x0] =	vst.idx.add.f32.msk $0xffff, v44  }
0x4ab: {  	v61 =	vor.u32 v26, v41;
	[tilespmem:v46+s18+$0x0] =	vst.idx.add.f32.msk $0xffff, v38  }
0x4ac: {  	v62 =	vor.u32 v28, v41;
	[tilespmem:v48+s18+$0x0] =	vst.idx.add.f32.msk $0xffff, v45  }
0x4ad: {  	v63 =	vor.u32 v30, v41;
	s12 =	sadd.s32 $0x1, s12;
	[tilespmem:v49+s18+$0x0] =	vst.idx.add.f32.msk $0xffff, v34  }
0x4ae: {  	p0 =	sne.s32 s12, $0x17;
	[tilespmem:v43+s18+$0x0] =	vst.idx.add.f32.msk $0xffff, v40  }
.Ltmp9:
0x4af: {  	[tilespmem:v60+s18+$0x0] =	vst.idx.add.f32.msk $0xffff, v37;
	(pc) =	sbr.rel @p0 .LBB2_12-.Ltmp9, $4  }
0x4b0: {  	s8 =	sshll.u32 s22, $0x1;
	[tilespmem:v61+s18+$0x0] =	vst.idx.add.f32.msk $0xffff, v35  }
0x4b1: {  	s8 =	sand.u32 $0x1FFFF800, s8;
	[tilespmem:v62+s18+$0x0] =	vst.idx.add.f32.msk $0xffff, v42  }
0x4b2: {  	s16 =	simm.s32 $0x0;
	s25 =	simm.s32 $0x800;
	s8 =	sadd.s32 s1, s8;
	[tilespmem:v63+s18+$0x0] =	vst.idx.add.f32.msk $0xffff, v33  }
0x4b3: {  	[hbm4b:s8+s16] =	stream.linear.scatter [tilespmem:s18], [sflag:$0xC], $0x4000, $0x38;
	[tilespmem:$0x16240] =	vst v63  }
0x4b4: {  	s8 =	sld [smem:$0x7F3];
	_ =	sdelay $0x1  }
0x4b5: {  	s12 =	simm.s32 $0x0;
	s13 =	sld [smem:$0x7F4]  }
0x4b6: {  	[tilespmem:s25], [sflag:$0x3] =	stream.linear.gather [hbm4b:s8+s12], $0x400, $0x38;
	[tilespmem:$0x16240] =	vst v63  }
0x4b7: {  	s11 =	simm.s32 $0x1800;
	s21 =	sld [smem:$0x7F5]  }
0x4b8: {  	[tilespmem:s11], [sflag:$0x3] =	stream.linear.gather [hbm4b:s13+s12], $0x400, $0x38;
	[tilespmem:$0x16240] =	vst v63  }
0x4b9: {  	s22 =	simm.s32 $0x2800  }
0x4ba: {  	[tilespmem:s22], [sflag:$0x3] =	stream.linear.gather [hbm4b:s21+s12], $0x400, $0x38;
	[tilespmem:$0x16240] =	vst v63  }
0x4bb: {  	_ =	swait.ge [sflag:s19], $0x400  }
0x4bc: {  	[sflag:s19] =	ssyncset.done $0x0  }
0x4bd: {  	[sflag:s19] =	ssyncadd.s32 $0xFFFFFC00  }
0x4be: {  	_ =	swait.ge [sflag:s19], $0x400  }
0x4bf: {  	[sflag:s19] =	ssyncset.done $0x0  }
0x4c0: {  	[sflag:s19] =	ssyncadd.s32 $0xFFFFFC00  }
0x4c1: {  	_ =	swait.ge [sflag:s19], $0x400  }
0x4c2: {  	[sflag:s19] =	ssyncset.done $0x0  }
0x4c3: {  	[sflag:s19] =	ssyncadd.s32 $0xFFFFFC00  }
0x4c4: {  	_ =	swait.ge [sflag:s23], $0x4000  }
0x4c5: {  	[sflag:s23] =	ssyncset.done $0x0  }
0x4c6: {  	s24 =	simm.s32 $0x5;
	[sflag:s23] =	ssyncadd.s32 $0xFFFFC000  }
0x4c7: {  	[tilespmem:s20], [sflag:$0x6] =	stream.indirect.gather [hbm4b:s10+s3], $0x10, s3, s3, $0xb8;
	[tilespmem:$0x16240] =	vst v63  }
0x4c8: {  	_ =	swait.ge [sflag:s24], $0x4000  }
0x4c9: {  	[sflag:s24] =	ssyncset.done $0x0  }
0x4ca: {  	s11 =	simm.s32 $0x1000;
	[sflag:s24] =	ssyncadd.s32 $0xFFFFC000  }
0x4cb: {  	s8 =	simm.s32 $0x2000;
	v33 =	vld [tilespmem:s11+$0x0]  }
0x4cc: {  	v34 =	vld [tilespmem:s8+$0x0];
	_ =	sdelay $0x4  }
0x4cd: {  	v33 =	vshll.u32 v33, $0x7;
	v34 =	vshll.u32 v34, $0x4  }
0x4ce: {  	v41 =	vadd.s32 v33, v34  }
0x4cf: {  	v33 =	vor.u32 v6, v41  }
0x4d0: {  	v34 =	vor.u32 v12, v41  }
0x4d1: {  	v35 =	vor.u32 v10, v41  }
0x4d2: {  	v37 =	vor.u32 v2, v41  }
0x4d3: {  	v38 =	vor.u32 v30, v41  }
0x4d4: {  	v40 =	vor.u32 v20, v41;
	v48 =	vld.idx.msk [tilespmem:v33+s0+$0x0], $0xffff  }
0x4d5: {  	v42 =	vor.u32 v16, v41;
	v36 =	vld.idx.msk [tilespmem:v34+s0+$0x0], $0xffff  }
0x4d6: {  	v43 =	vor.u32 v26, v41;
	v39 =	vld.idx.msk [tilespmem:v35+s0+$0x0], $0xffff  }
0x4d7: {  	v44 =	vor.u32 v24, v41;
	v46 =	vld.idx.msk [tilespmem:v37+s0+$0x0], $0xffff  }
0x4d8: {  	v45 =	vor.u32 v22, v41;
	v33 =	vld.idx.msk [tilespmem:v38+s0+$0x0], $0xffff  }
0x4d9: {  	v47 =	vor.u32 v0, v41;
	v34 =	vld.idx.msk [tilespmem:v40+s0+$0x0], $0xffff  }
0x4da: {  	v49 =	vor.u32 v8, v41;
	v38 =	vld.idx.msk [tilespmem:v42+s0+$0x0], $0xffff  }
0x4db: {  	v59 =	vor.u32 v4, v41;
	v35 =	vld.idx.msk [tilespmem:v43+s0+$0x0], $0xffff  }
0x4dc: {  	v61 =	vmov s12;
	v60 =	vor.u32 v15, v41;
	v37 =	vld.idx.msk [tilespmem:v44+s0+$0x0], $0xffff  }
0x4dd: {  	v62 =	vshll.u32 v61, $0x4;
	v50 =	vor.u32 v28, v41;
	v40 =	vld.idx.msk [tilespmem:v45+s0+$0x0], $0xffff  }
0x4de: {  	v63 =	vor.u32 v18, v41;
	v41 =	vor.u32 v32, v62;
	v47 =	vld.idx.msk [tilespmem:v47+s0+$0x0], $0xffff  }
0x4df: {  	v51 =	vor.u32 v0, v41;
	v49 =	vld.idx.msk [tilespmem:v49+s0+$0x0], $0xffff  }
0x4e0: {  	v52 =	vor.u32 v2, v41;
	v53 =	vld.idx.msk [tilespmem:v59+s0+$0x0], $0xffff  }
0x4e1: {  	v54 =	vor.u32 v4, v41;
	v44 =	vld.idx.msk [tilespmem:v60+s0+$0x0], $0xffff  }
0x4e2: {  	v55 =	vor.u32 v6, v41;
	v42 =	vld.idx.msk [tilespmem:v50+s0+$0x0], $0xffff  }
0x4e3: {  	v56 =	vor.u32 v8, v41;
	v45 =	vld.idx.msk [tilespmem:v63+s0+$0x0], $0xffff  }
0x4e4: {  	[tilespmem:v51+s15+$0x0] =	vst.idx.add.f32.msk $0xffff, v47;
	v51 =	vor.u32 v10, v41  }
0x4e5: {  	v50 =	vor.u32 v12, v41;
	[tilespmem:v52+s15+$0x0] =	vst.idx.add.f32.msk $0xffff, v46  }
0x4e6: {  	v47 =	vor.u32 v15, v41;
	[tilespmem:v54+s15+$0x0] =	vst.idx.add.f32.msk $0xffff, v53  }
0x4e7: {  	v43 =	vor.u32 v22, v41;
	v46 =	vor.u32 v16, v41;
	[tilespmem:v55+s15+$0x0] =	vst.idx.add.f32.msk $0xffff, v48  }
0x4e8: {  	s12 =	simm.s32 $0x10;
	v48 =	vor.u32 v18, v41;
	[tilespmem:v56+s15+$0x0] =	vst.idx.add.f32.msk $0xffff, v49;
	v49 =	vor.u32 v20, v41  }
.LBB2_22:
0x4e9: {  	p0 =	sne.s32 s12, $0x3F0;
	[tilespmem:v51+s15+$0x0] =	vst.idx.add.f32.msk $0xffff, v39;
	s11 =	sadd.s32 $0x10, s11;
	s8 =	sadd.s32 $0x10, s8  }
0x4ea: {  	s13 =	smov.u32 s12;
	s12 =	sadd.s32 $0x10, s12;
	[tilespmem:v50+s15+$0x0] =	vst.idx.add.f32.msk $0xffff, v36;
	v36 =	vor.u32 v24, v41  }
0x4eb: {  	v39 =	vor.u32 v26, v41;
	[tilespmem:v47+s15+$0x0] =	vst.idx.add.f32.msk $0xffff, v44  }
0x4ec: {  	[tilespmem:v46+s15+$0x0] =	vst.idx.add.f32.msk $0xffff, v38;
	v38 =	vor.u32 v28, v41  }
0x4ed: {  	v41 =	vor.u32 v30, v41;
	[tilespmem:v48+s15+$0x0] =	vst.idx.add.f32.msk $0xffff, v45  }
0x4ee: {  	[tilespmem:v49+s15+$0x0] =	vst.idx.add.f32.msk $0xffff, v34  }
0x4ef: {  	[tilespmem:v43+s15+$0x0] =	vst.idx.add.f32.msk $0xffff, v40  }
0x4f0: {  	[tilespmem:v36+s15+$0x0] =	vst.idx.add.f32.msk $0xffff, v37  }
0x4f1: {  	[tilespmem:v39+s15+$0x0] =	vst.idx.add.f32.msk $0xffff, v35  }
0x4f2: {  	[tilespmem:v38+s15+$0x0] =	vst.idx.add.f32.msk $0xffff, v42  }
0x4f3: {  	[tilespmem:v41+s15+$0x0] =	vst.idx.add.f32.msk $0xffff, v33  }
0x4f4: {  	v33 =	vld [tilespmem:s11+$0x0]  }
0x4f5: {  	v34 =	vld [tilespmem:s8+$0x0];
	_ =	sdelay $0x4  }
0x4f6: {  	v33 =	vshll.u32 v33, $0x7;
	v34 =	vshll.u32 v34, $0x4  }
0x4f7: {  	v33 =	vadd.s32 v33, v34  }
0x4f8: {  	v42 =	vor.u32 v0, v33;
	v34 =	vor.u32 v2, v33;
	v35 =	vor.u32 v6, v33  }
0x4f9: {  	v44 =	vor.u32 v4, v33;
	v37 =	vor.u32 v10, v33;
	v36 =	vor.u32 v12, v33  }
0x4fa: {  	v40 =	vor.u32 v22, v33;
	v41 =	vor.u32 v24, v33;
	v43 =	vor.u32 v26, v33  }
0x4fb: {  	v45 =	vor.u32 v18, v33;
	v46 =	vor.u32 v28, v33;
	v38 =	vor.u32 v30, v33  }
0x4fc: {  	v47 =	vor.u32 v8, v33;
	v48 =	vor.u32 v15, v33;
	v49 =	vor.u32 v16, v33  }
0x4fd: {  	v52 =	vld.idx.msk [tilespmem:v35+s0+$0x0], $0xffff;
	v35 =	vor.u32 v20, v33  }
0x4fe: {  	v36 =	vld.idx.msk [tilespmem:v36+s0+$0x0], $0xffff  }
0x4ff: {  	v39 =	vld.idx.msk [tilespmem:v37+s0+$0x0], $0xffff  }
0x500: {  	v53 =	vld.idx.msk [tilespmem:v34+s0+$0x0], $0xffff  }
0x501: {  	v33 =	vld.idx.msk [tilespmem:v38+s0+$0x0], $0xffff  }
0x502: {  	v34 =	vld.idx.msk [tilespmem:v35+s0+$0x0], $0xffff  }
0x503: {  	v38 =	vld.idx.msk [tilespmem:v49+s0+$0x0], $0xffff  }
0x504: {  	v37 =	vmov s13;
	v35 =	vld.idx.msk [tilespmem:v43+s0+$0x0], $0xffff  }
0x505: {  	v43 =	vshll.u32 v37, $0x4;
	v37 =	vld.idx.msk [tilespmem:v41+s0+$0x0], $0xffff  }
0x506: {  	v41 =	vor.u32 v32, v43;
	v40 =	vld.idx.msk [tilespmem:v40+s0+$0x0], $0xffff  }
0x507: {  	v50 =	vor.u32 v0, v41;
	v43 =	vor.u32 v22, v41;
	v49 =	vld.idx.msk [tilespmem:v42+s0+$0x0], $0xffff  }
0x508: {  	v54 =	vld.idx.msk [tilespmem:v47+s0+$0x0], $0xffff;
	v47 =	vor.u32 v2, v41  }
0x509: {  	v56 =	vor.u32 v4, v41;
	v55 =	vld.idx.msk [tilespmem:v44+s0+$0x0], $0xffff  }
0x50a: {  	v44 =	vld.idx.msk [tilespmem:v48+s0+$0x0], $0xffff;
	v48 =	vor.u32 v6, v41  }
0x50b: {  	v57 =	vor.u32 v8, v41;
	v42 =	vld.idx.msk [tilespmem:v46+s0+$0x0], $0xffff  }
0x50c: {  	v51 =	vor.u32 v10, v41;
	v45 =	vld.idx.msk [tilespmem:v45+s0+$0x0], $0xffff  }
.Ltmp10:
0x50d: {  	[tilespmem:v50+s15+$0x0] =	vst.idx.add.f32.msk $0xffff, v49;
	v50 =	vor.u32 v12, v41;
	(pc) =	sbr.rel @p0 .LBB2_22-.Ltmp10, $4  }
0x50e: {  	[tilespmem:v47+s15+$0x0] =	vst.idx.add.f32.msk $0xffff, v53;
	v47 =	vor.u32 v15, v41  }
0x50f: {  	v46 =	vor.u32 v16, v41;
	[tilespmem:v56+s15+$0x0] =	vst.idx.add.f32.msk $0xffff, v55  }
0x510: {  	[tilespmem:v48+s15+$0x0] =	vst.idx.add.f32.msk $0xffff, v52;
	v48 =	vor.u32 v18, v41  }
0x511: {  	v49 =	vor.u32 v20, v41;
	[tilespmem:v57+s15+$0x0] =	vst.idx.add.f32.msk $0xffff, v54  }
0x512: {  	_ =	sdelay $0x3  }
0x513: {  	[tilespmem:v51+s15+$0x0] =	vst.idx.add.f32.msk $0xffff, v39  }
0x514: {  	[tilespmem:v50+s15+$0x0] =	vst.idx.add.f32.msk $0xffff, v36  }
0x515: {  	v53 =	vor.u32 v24, v41;
	[tilespmem:v47+s15+$0x0] =	vst.idx.add.f32.msk $0xffff, v44  }
0x516: {  	v54 =	vor.u32 v26, v41;
	[tilespmem:v46+s15+$0x0] =	vst.idx.add.f32.msk $0xffff, v38  }
0x517: {  	v55 =	vor.u32 v28, v41;
	[tilespmem:v48+s15+$0x0] =	vst.idx.add.f32.msk $0xffff, v45  }
0x518: {  	v56 =	vor.u32 v30, v41;
	[tilespmem:v49+s15+$0x0] =	vst.idx.add.f32.msk $0xffff, v34  }
0x519: {  	[tilespmem:v43+s15+$0x0] =	vst.idx.add.f32.msk $0xffff, v40  }
0x51a: {  	[tilespmem:v53+s15+$0x0] =	vst.idx.add.f32.msk $0xffff, v37  }
0x51b: {  	s8 =	sld [smem:$0x7F9];
	[tilespmem:v54+s15+$0x0] =	vst.idx.add.f32.msk $0xffff, v35  }
0x51c: {  	[tilespmem:v55+s15+$0x0] =	vst.idx.add.f32.msk $0xffff, v42  }
0x51d: {  	s12 =	simm.s32 $0x0;
	s24 =	sld [smem:$0x7F6];
	[tilespmem:v56+s15+$0x0] =	vst.idx.add.f32.msk $0xffff, v33  }
0x51e: {  	[hbm4b:s8+s12] =	stream.linear.scatter [tilespmem:s15], [sflag:$0x9], $0x4000, $0x38;
	[tilespmem:$0x16240] =	vst v63  }
0x51f: {  	s2 =	simm.s32 $0xC00;
	s11 =	sld [smem:$0x7F7]  }
0x520: {  	[tilespmem:s2], [sflag:$0x4] =	stream.linear.gather [hbm4b:s24+s12], $0x400, $0x38;
	[tilespmem:$0x16240] =	vst v63  }
0x521: {  	s13 =	simm.s32 $0x1C00;
	s21 =	sld [smem:$0x7F8]  }
0x522: {  	[tilespmem:s13], [sflag:$0x4] =	stream.linear.gather [hbm4b:s11+s12], $0x400, $0x38;
	[tilespmem:$0x16240] =	vst v63  }
0x523: {  	s22 =	simm.s32 $0x2C00  }
0x524: {  	[tilespmem:s22], [sflag:$0x4] =	stream.linear.gather [hbm4b:s21+s12], $0x400, $0x38;
	[tilespmem:$0x16240] =	vst v63  }
0x525: {  	_ =	swait.ge [sflag:s28], $0x400  }
0x526: {  	[sflag:s28] =	ssyncset.done $0x0  }
0x527: {  	[sflag:s28] =	ssyncadd.s32 $0xFFFFFC00  }
0x528: {  	_ =	swait.ge [sflag:s28], $0x400  }
0x529: {  	[sflag:s28] =	ssyncset.done $0x0  }
0x52a: {  	[sflag:s28] =	ssyncadd.s32 $0xFFFFFC00  }
0x52b: {  	_ =	swait.ge [sflag:s28], $0x400  }
0x52c: {  	[sflag:s28] =	ssyncset.done $0x0  }
0x52d: {  	[sflag:s28] =	ssyncadd.s32 $0xFFFFFC00  }
0x52e: {  	_ =	swait.ge [sflag:s29], $0x4000  }
0x52f: {  	[sflag:s29] =	ssyncset.done $0x0  }
0x530: {  	s24 =	simm.s32 $0x6;
	[sflag:s29] =	ssyncadd.s32 $0xFFFFC000  }
0x531: {  	[tilespmem:s7], [sflag:$0x7] =	stream.indirect.gather [hbm4b:s10+s3], $0x10, s25, s3, $0xb8;
	[tilespmem:$0x16240] =	vst v63  }
0x532: {  	_ =	swait.ge [sflag:s24], $0x4000  }
0x533: {  	[sflag:s24] =	ssyncset.done $0x0  }
0x534: {  	s11 =	simm.s32 $0x1400;
	[sflag:s24] =	ssyncadd.s32 $0xFFFFC000  }
0x535: {  	s8 =	simm.s32 $0x2400;
	v57 =	vld [tilespmem:s11+$0x0]  }
0x536: {  	v58 =	vld [tilespmem:s8+$0x0];
	_ =	sdelay $0x4  }
0x537: {  	v33 =	vshll.u32 v57, $0x7;
	v34 =	vshll.u32 v58, $0x4  }
0x538: {  	v41 =	vadd.s32 v33, v34  }
0x539: {  	v33 =	vor.u32 v6, v41  }
0x53a: {  	v34 =	vor.u32 v12, v41  }
0x53b: {  	v59 =	vor.u32 v10, v41  }
0x53c: {  	v60 =	vor.u32 v2, v41  }
0x53d: {  	v61 =	vor.u32 v30, v41  }
0x53e: {  	v62 =	vor.u32 v20, v41;
	v48 =	vld.idx.msk [tilespmem:v33+s0+$0x0], $0xffff  }
0x53f: {  	v63 =	vor.u32 v16, v41;
	v36 =	vld.idx.msk [tilespmem:v34+s0+$0x0], $0xffff  }
0x540: {  	v52 =	vor.u32 v26, v41;
	v39 =	vld.idx.msk [tilespmem:v59+s0+$0x0], $0xffff  }
0x541: {  	v53 =	vor.u32 v24, v41;
	v46 =	vld.idx.msk [tilespmem:v60+s0+$0x0], $0xffff  }
0x542: {  	v54 =	vor.u32 v22, v41;
	v33 =	vld.idx.msk [tilespmem:v61+s0+$0x0], $0xffff  }
0x543: {  	v55 =	vor.u32 v0, v41;
	v34 =	vld.idx.msk [tilespmem:v62+s0+$0x0], $0xffff  }
0x544: {  	v56 =	vor.u32 v8, v41;
	v38 =	vld.idx.msk [tilespmem:v63+s0+$0x0], $0xffff  }
0x545: {  	v57 =	vor.u32 v4, v41;
	v35 =	vld.idx.msk [tilespmem:v52+s0+$0x0], $0xffff  }
0x546: {  	v58 =	vor.u32 v15, v41;
	v59 =	vmov s12;
	v37 =	vld.idx.msk [tilespmem:v53+s0+$0x0], $0xffff  }
0x547: {  	v60 =	vor.u32 v28, v41;
	v40 =	vld.idx.msk [tilespmem:v54+s0+$0x0], $0xffff;
	v61 =	vshll.u32 v59, $0x4  }
0x548: {  	v62 =	vor.u32 v18, v41;
	v47 =	vld.idx.msk [tilespmem:v55+s0+$0x0], $0xffff;
	v41 =	vor.u32 v32, v61  }
0x549: {  	v49 =	vld.idx.msk [tilespmem:v56+s0+$0x0], $0xffff;
	v63 =	vor.u32 v0, v41  }
0x54a: {  	v53 =	vld.idx.msk [tilespmem:v57+s0+$0x0], $0xffff;
	v52 =	vor.u32 v2, v41  }
0x54b: {  	v44 =	vld.idx.msk [tilespmem:v58+s0+$0x0], $0xffff;
	v54 =	vor.u32 v4, v41  }
0x54c: {  	v55 =	vor.u32 v6, v41;
	v42 =	vld.idx.msk [tilespmem:v60+s0+$0x0], $0xffff  }
0x54d: {  	v56 =	vor.u32 v8, v41;
	v45 =	vld.idx.msk [tilespmem:v62+s0+$0x0], $0xffff  }
0x54e: {  	v51 =	vor.u32 v10, v41;
	[tilespmem:v63+s20+$0x0] =	vst.idx.add.f32.msk $0xffff, v47  }
0x54f: {  	v50 =	vor.u32 v12, v41;
	[tilespmem:v52+s20+$0x0] =	vst.idx.add.f32.msk $0xffff, v46  }
0x550: {  	v47 =	vor.u32 v15, v41;
	[tilespmem:v54+s20+$0x0] =	vst.idx.add.f32.msk $0xffff, v53  }
0x551: {  	v43 =	vor.u32 v22, v41;
	v46 =	vor.u32 v16, v41;
	[tilespmem:v55+s20+$0x0] =	vst.idx.add.f32.msk $0xffff, v48  }
0x552: {  	s12 =	simm.s32 $0x10;
	v48 =	vor.u32 v18, v41;
	[tilespmem:v56+s20+$0x0] =	vst.idx.add.f32.msk $0xffff, v49;
	v49 =	vor.u32 v20, v41  }
.LBB2_24:
0x553: {  	p0 =	sne.s32 s12, $0x3F0;
	[tilespmem:v51+s20+$0x0] =	vst.idx.add.f32.msk $0xffff, v39;
	s11 =	sadd.s32 $0x10, s11;
	s8 =	sadd.s32 $0x10, s8  }
0x554: {  	s13 =	smov.u32 s12;
	s12 =	sadd.s32 $0x10, s12;
	[tilespmem:v50+s20+$0x0] =	vst.idx.add.f32.msk $0xffff, v36;
	v36 =	vor.u32 v24, v41  }
0x555: {  	v39 =	vor.u32 v26, v41;
	[tilespmem:v47+s20+$0x0] =	vst.idx.add.f32.msk $0xffff, v44  }
0x556: {  	[tilespmem:v46+s20+$0x0] =	vst.idx.add.f32.msk $0xffff, v38;
	v38 =	vor.u32 v28, v41  }
0x557: {  	v41 =	vor.u32 v30, v41;
	[tilespmem:v48+s20+$0x0] =	vst.idx.add.f32.msk $0xffff, v45  }
0x558: {  	[tilespmem:v49+s20+$0x0] =	vst.idx.add.f32.msk $0xffff, v34  }
0x559: {  	[tilespmem:v43+s20+$0x0] =	vst.idx.add.f32.msk $0xffff, v40  }
0x55a: {  	[tilespmem:v36+s20+$0x0] =	vst.idx.add.f32.msk $0xffff, v37  }
0x55b: {  	[tilespmem:v39+s20+$0x0] =	vst.idx.add.f32.msk $0xffff, v35  }
0x55c: {  	[tilespmem:v38+s20+$0x0] =	vst.idx.add.f32.msk $0xffff, v42  }
0x55d: {  	[tilespmem:v41+s20+$0x0] =	vst.idx.add.f32.msk $0xffff, v33  }
0x55e: {  	v33 =	vld [tilespmem:s11+$0x0]  }
0x55f: {  	v34 =	vld [tilespmem:s8+$0x0];
	_ =	sdelay $0x4  }
0x560: {  	v33 =	vshll.u32 v33, $0x7;
	v34 =	vshll.u32 v34, $0x4  }
0x561: {  	v33 =	vadd.s32 v33, v34  }
0x562: {  	v42 =	vor.u32 v0, v33;
	v34 =	vor.u32 v2, v33;
	v35 =	vor.u32 v6, v33  }
0x563: {  	v44 =	vor.u32 v4, v33;
	v37 =	vor.u32 v10, v33;
	v36 =	vor.u32 v12, v33  }
0x564: {  	v40 =	vor.u32 v22, v33;
	v41 =	vor.u32 v24, v33;
	v43 =	vor.u32 v26, v33  }
0x565: {  	v45 =	vor.u32 v18, v33;
	v46 =	vor.u32 v28, v33;
	v38 =	vor.u32 v30, v33  }
0x566: {  	v47 =	vor.u32 v8, v33;
	v48 =	vor.u32 v15, v33;
	v49 =	vor.u32 v16, v33  }
0x567: {  	v52 =	vld.idx.msk [tilespmem:v35+s0+$0x0], $0xffff;
	v35 =	vor.u32 v20, v33  }
0x568: {  	v36 =	vld.idx.msk [tilespmem:v36+s0+$0x0], $0xffff  }
0x569: {  	v39 =	vld.idx.msk [tilespmem:v37+s0+$0x0], $0xffff  }
0x56a: {  	v53 =	vld.idx.msk [tilespmem:v34+s0+$0x0], $0xffff  }
0x56b: {  	v33 =	vld.idx.msk [tilespmem:v38+s0+$0x0], $0xffff  }
0x56c: {  	v34 =	vld.idx.msk [tilespmem:v35+s0+$0x0], $0xffff  }
0x56d: {  	v38 =	vld.idx.msk [tilespmem:v49+s0+$0x0], $0xffff  }
0x56e: {  	v37 =	vmov s13;
	v35 =	vld.idx.msk [tilespmem:v43+s0+$0x0], $0xffff  }
0x56f: {  	v43 =	vshll.u32 v37, $0x4;
	v37 =	vld.idx.msk [tilespmem:v41+s0+$0x0], $0xffff  }
0x570: {  	v41 =	vor.u32 v32, v43;
	v40 =	vld.idx.msk [tilespmem:v40+s0+$0x0], $0xffff  }
0x571: {  	v50 =	vor.u32 v0, v41;
	v43 =	vor.u32 v22, v41;
	v49 =	vld.idx.msk [tilespmem:v42+s0+$0x0], $0xffff  }
0x572: {  	v54 =	vld.idx.msk [tilespmem:v47+s0+$0x0], $0xffff;
	v47 =	vor.u32 v2, v41  }
0x573: {  	v56 =	vor.u32 v4, v41;
	v55 =	vld.idx.msk [tilespmem:v44+s0+$0x0], $0xffff  }
0x574: {  	v44 =	vld.idx.msk [tilespmem:v48+s0+$0x0], $0xffff;
	v48 =	vor.u32 v6, v41  }
0x575: {  	v57 =	vor.u32 v8, v41;
	v42 =	vld.idx.msk [tilespmem:v46+s0+$0x0], $0xffff  }
0x576: {  	v51 =	vor.u32 v10, v41;
	v45 =	vld.idx.msk [tilespmem:v45+s0+$0x0], $0xffff  }
.Ltmp11:
0x577: {  	[tilespmem:v50+s20+$0x0] =	vst.idx.add.f32.msk $0xffff, v49;
	v50 =	vor.u32 v12, v41;
	(pc) =	sbr.rel @p0 .LBB2_24-.Ltmp11, $4  }
0x578: {  	[tilespmem:v47+s20+$0x0] =	vst.idx.add.f32.msk $0xffff, v53;
	v47 =	vor.u32 v15, v41  }
0x579: {  	v46 =	vor.u32 v16, v41;
	[tilespmem:v56+s20+$0x0] =	vst.idx.add.f32.msk $0xffff, v55  }
0x57a: {  	[tilespmem:v48+s20+$0x0] =	vst.idx.add.f32.msk $0xffff, v52;
	v48 =	vor.u32 v18, v41  }
0x57b: {  	v49 =	vor.u32 v20, v41;
	[tilespmem:v57+s20+$0x0] =	vst.idx.add.f32.msk $0xffff, v54  }
0x57c: {  	_ =	sdelay $0x3  }
0x57d: {  	[tilespmem:v51+s20+$0x0] =	vst.idx.add.f32.msk $0xffff, v39  }
0x57e: {  	[tilespmem:v50+s20+$0x0] =	vst.idx.add.f32.msk $0xffff, v36  }
0x57f: {  	v53 =	vor.u32 v24, v41;
	[tilespmem:v47+s20+$0x0] =	vst.idx.add.f32.msk $0xffff, v44  }
0x580: {  	v54 =	vor.u32 v26, v41;
	[tilespmem:v46+s20+$0x0] =	vst.idx.add.f32.msk $0xffff, v38  }
0x581: {  	v55 =	vor.u32 v28, v41;
	[tilespmem:v48+s20+$0x0] =	vst.idx.add.f32.msk $0xffff, v45  }
0x582: {  	v56 =	vor.u32 v30, v41;
	[tilespmem:v49+s20+$0x0] =	vst.idx.add.f32.msk $0xffff, v34  }
0x583: {  	[tilespmem:v43+s20+$0x0] =	vst.idx.add.f32.msk $0xffff, v40  }
0x584: {  	[tilespmem:v53+s20+$0x0] =	vst.idx.add.f32.msk $0xffff, v37  }
0x585: {  	s8 =	sld [smem:$0x7FA];
	[tilespmem:v54+s20+$0x0] =	vst.idx.add.f32.msk $0xffff, v35  }
0x586: {  	[tilespmem:v55+s20+$0x0] =	vst.idx.add.f32.msk $0xffff, v42  }
0x587: {  	s12 =	simm.s32 $0x0;
	[tilespmem:v56+s20+$0x0] =	vst.idx.add.f32.msk $0xffff, v33  }
0x588: {  	[hbm4b:s8+s12] =	stream.linear.scatter [tilespmem:s20], [sflag:$0xA], $0x4000, $0x38;
	[tilespmem:$0x16240] =	vst v63  }
0x589: {  	_ =	swait.ge [sflag:s17], $0x400  }
0x58a: {  	[sflag:s17] =	ssyncset.done $0x0  }
0x58b: {  	[sflag:s17] =	ssyncadd.s32 $0xFFFFFC00  }
0x58c: {  	_ =	swait.ge [sflag:s17], $0x400  }
0x58d: {  	[sflag:s17] =	ssyncset.done $0x0  }
0x58e: {  	[sflag:s17] =	ssyncadd.s32 $0xFFFFFC00  }
0x58f: {  	_ =	swait.ge [sflag:s17], $0x400  }
0x590: {  	[sflag:s17] =	ssyncset.done $0x0  }
0x591: {  	[sflag:s17] =	ssyncadd.s32 $0xFFFFFC00  }
0x592: {  	_ =	swait.ge [sflag:s9], $0x4000  }
0x593: {  	[sflag:s9] =	ssyncset.done $0x0  }
0x594: {  	s2 =	simm.s32 $0xC00;
	s24 =	simm.s32 $0x7;
	[sflag:s9] =	ssyncadd.s32 $0xFFFFC000  }
0x595: {  	[tilespmem:s18], [sflag:$0x8] =	stream.indirect.gather [hbm4b:s10+s3], $0x10, s2, s3, $0xb8;
	[tilespmem:$0x16240] =	vst v63  }
0x596: {  	_ =	swait.ge [sflag:s24], $0x4000  }
0x597: {  	[sflag:s24] =	ssyncset.done $0x0  }
0x598: {  	s11 =	simm.s32 $0x1800;
	[sflag:s24] =	ssyncadd.s32 $0xFFFFC000  }
0x599: {  	s8 =	simm.s32 $0x2800;
	v57 =	vld [tilespmem:s11+$0x0]  }
0x59a: {  	v58 =	vld [tilespmem:s8+$0x0];
	_ =	sdelay $0x4  }
0x59b: {  	v33 =	vshll.u32 v57, $0x7;
	v34 =	vshll.u32 v58, $0x4  }
0x59c: {  	v41 =	vadd.s32 v33, v34  }
0x59d: {  	v33 =	vor.u32 v6, v41  }
0x59e: {  	v34 =	vor.u32 v12, v41  }
0x59f: {  	v59 =	vor.u32 v10, v41  }
0x5a0: {  	v60 =	vor.u32 v2, v41  }
0x5a1: {  	v61 =	vor.u32 v30, v41  }
0x5a2: {  	v62 =	vor.u32 v20, v41;
	v48 =	vld.idx.msk [tilespmem:v33+s0+$0x0], $0xffff  }
0x5a3: {  	v63 =	vor.u32 v16, v41;
	v36 =	vld.idx.msk [tilespmem:v34+s0+$0x0], $0xffff  }
0x5a4: {  	v52 =	vor.u32 v26, v41;
	v39 =	vld.idx.msk [tilespmem:v59+s0+$0x0], $0xffff  }
0x5a5: {  	v53 =	vor.u32 v24, v41;
	v46 =	vld.idx.msk [tilespmem:v60+s0+$0x0], $0xffff  }
0x5a6: {  	v54 =	vor.u32 v22, v41;
	v33 =	vld.idx.msk [tilespmem:v61+s0+$0x0], $0xffff  }
0x5a7: {  	v55 =	vor.u32 v0, v41;
	v34 =	vld.idx.msk [tilespmem:v62+s0+$0x0], $0xffff  }
0x5a8: {  	v56 =	vor.u32 v8, v41;
	v38 =	vld.idx.msk [tilespmem:v63+s0+$0x0], $0xffff  }
0x5a9: {  	v57 =	vor.u32 v4, v41;
	v35 =	vld.idx.msk [tilespmem:v52+s0+$0x0], $0xffff  }
0x5aa: {  	v58 =	vor.u32 v15, v41;
	v59 =	vmov s12;
	v37 =	vld.idx.msk [tilespmem:v53+s0+$0x0], $0xffff  }
0x5ab: {  	v60 =	vor.u32 v28, v41;
	v40 =	vld.idx.msk [tilespmem:v54+s0+$0x0], $0xffff;
	v61 =	vshll.u32 v59, $0x4  }
0x5ac: {  	v62 =	vor.u32 v18, v41;
	v47 =	vld.idx.msk [tilespmem:v55+s0+$0x0], $0xffff;
	v41 =	vor.u32 v32, v61  }
0x5ad: {  	v49 =	vld.idx.msk [tilespmem:v56+s0+$0x0], $0xffff;
	v63 =	vor.u32 v0, v41  }
0x5ae: {  	v53 =	vld.idx.msk [tilespmem:v57+s0+$0x0], $0xffff;
	v52 =	vor.u32 v2, v41  }
0x5af: {  	v44 =	vld.idx.msk [tilespmem:v58+s0+$0x0], $0xffff;
	v54 =	vor.u32 v4, v41  }
0x5b0: {  	v55 =	vor.u32 v6, v41;
	v42 =	vld.idx.msk [tilespmem:v60+s0+$0x0], $0xffff  }
0x5b1: {  	v56 =	vor.u32 v8, v41;
	v45 =	vld.idx.msk [tilespmem:v62+s0+$0x0], $0xffff  }
0x5b2: {  	v51 =	vor.u32 v10, v41;
	[tilespmem:v63+s7+$0x0] =	vst.idx.add.f32.msk $0xffff, v47  }
0x5b3: {  	v50 =	vor.u32 v12, v41;
	[tilespmem:v52+s7+$0x0] =	vst.idx.add.f32.msk $0xffff, v46  }
0x5b4: {  	v47 =	vor.u32 v15, v41;
	[tilespmem:v54+s7+$0x0] =	vst.idx.add.f32.msk $0xffff, v53  }
0x5b5: {  	v43 =	vor.u32 v22, v41;
	v46 =	vor.u32 v16, v41;
	[tilespmem:v55+s7+$0x0] =	vst.idx.add.f32.msk $0xffff, v48  }
0x5b6: {  	s12 =	simm.s32 $0x10;
	v48 =	vor.u32 v18, v41;
	[tilespmem:v56+s7+$0x0] =	vst.idx.add.f32.msk $0xffff, v49;
	v49 =	vor.u32 v20, v41  }
.LBB2_26:
0x5b7: {  	p0 =	sne.s32 s12, $0x3F0;
	[tilespmem:v51+s7+$0x0] =	vst.idx.add.f32.msk $0xffff, v39;
	s11 =	sadd.s32 $0x10, s11;
	s8 =	sadd.s32 $0x10, s8  }
0x5b8: {  	s13 =	smov.u32 s12;
	s12 =	sadd.s32 $0x10, s12;
	[tilespmem:v50+s7+$0x0] =	vst.idx.add.f32.msk $0xffff, v36;
	v36 =	vor.u32 v24, v41  }
0x5b9: {  	v39 =	vor.u32 v26, v41;
	[tilespmem:v47+s7+$0x0] =	vst.idx.add.f32.msk $0xffff, v44  }
0x5ba: {  	[tilespmem:v46+s7+$0x0] =	vst.idx.add.f32.msk $0xffff, v38;
	v38 =	vor.u32 v28, v41  }
0x5bb: {  	v41 =	vor.u32 v30, v41;
	[tilespmem:v48+s7+$0x0] =	vst.idx.add.f32.msk $0xffff, v45  }
0x5bc: {  	[tilespmem:v49+s7+$0x0] =	vst.idx.add.f32.msk $0xffff, v34  }
0x5bd: {  	[tilespmem:v43+s7+$0x0] =	vst.idx.add.f32.msk $0xffff, v40  }
0x5be: {  	[tilespmem:v36+s7+$0x0] =	vst.idx.add.f32.msk $0xffff, v37  }
0x5bf: {  	[tilespmem:v39+s7+$0x0] =	vst.idx.add.f32.msk $0xffff, v35  }
0x5c0: {  	[tilespmem:v38+s7+$0x0] =	vst.idx.add.f32.msk $0xffff, v42  }
0x5c1: {  	[tilespmem:v41+s7+$0x0] =	vst.idx.add.f32.msk $0xffff, v33  }
0x5c2: {  	v33 =	vld [tilespmem:s11+$0x0]  }
0x5c3: {  	v34 =	vld [tilespmem:s8+$0x0];
	_ =	sdelay $0x4  }
0x5c4: {  	v33 =	vshll.u32 v33, $0x7;
	v34 =	vshll.u32 v34, $0x4  }
0x5c5: {  	v33 =	vadd.s32 v33, v34  }
0x5c6: {  	v42 =	vor.u32 v0, v33;
	v34 =	vor.u32 v2, v33;
	v35 =	vor.u32 v6, v33  }
0x5c7: {  	v44 =	vor.u32 v4, v33;
	v37 =	vor.u32 v10, v33;
	v36 =	vor.u32 v12, v33  }
0x5c8: {  	v40 =	vor.u32 v22, v33;
	v41 =	vor.u32 v24, v33;
	v43 =	vor.u32 v26, v33  }
0x5c9: {  	v45 =	vor.u32 v18, v33;
	v46 =	vor.u32 v28, v33;
	v38 =	vor.u32 v30, v33  }
0x5ca: {  	v47 =	vor.u32 v8, v33;
	v48 =	vor.u32 v15, v33;
	v49 =	vor.u32 v16, v33  }
0x5cb: {  	v52 =	vld.idx.msk [tilespmem:v35+s0+$0x0], $0xffff;
	v35 =	vor.u32 v20, v33  }
0x5cc: {  	v36 =	vld.idx.msk [tilespmem:v36+s0+$0x0], $0xffff  }
0x5cd: {  	v39 =	vld.idx.msk [tilespmem:v37+s0+$0x0], $0xffff  }
0x5ce: {  	v53 =	vld.idx.msk [tilespmem:v34+s0+$0x0], $0xffff  }
0x5cf: {  	v33 =	vld.idx.msk [tilespmem:v38+s0+$0x0], $0xffff  }
0x5d0: {  	v34 =	vld.idx.msk [tilespmem:v35+s0+$0x0], $0xffff  }
0x5d1: {  	v38 =	vld.idx.msk [tilespmem:v49+s0+$0x0], $0xffff  }
0x5d2: {  	v37 =	vmov s13;
	v35 =	vld.idx.msk [tilespmem:v43+s0+$0x0], $0xffff  }
0x5d3: {  	v43 =	vshll.u32 v37, $0x4;
	v37 =	vld.idx.msk [tilespmem:v41+s0+$0x0], $0xffff  }
0x5d4: {  	v41 =	vor.u32 v32, v43;
	v40 =	vld.idx.msk [tilespmem:v40+s0+$0x0], $0xffff  }
0x5d5: {  	v50 =	vor.u32 v0, v41;
	v43 =	vor.u32 v22, v41;
	v49 =	vld.idx.msk [tilespmem:v42+s0+$0x0], $0xffff  }
0x5d6: {  	v54 =	vld.idx.msk [tilespmem:v47+s0+$0x0], $0xffff;
	v47 =	vor.u32 v2, v41  }
0x5d7: {  	v56 =	vor.u32 v4, v41;
	v55 =	vld.idx.msk [tilespmem:v44+s0+$0x0], $0xffff  }
0x5d8: {  	v44 =	vld.idx.msk [tilespmem:v48+s0+$0x0], $0xffff;
	v48 =	vor.u32 v6, v41  }
0x5d9: {  	v57 =	vor.u32 v8, v41;
	v42 =	vld.idx.msk [tilespmem:v46+s0+$0x0], $0xffff  }
0x5da: {  	v51 =	vor.u32 v10, v41;
	v45 =	vld.idx.msk [tilespmem:v45+s0+$0x0], $0xffff  }
.Ltmp12:
0x5db: {  	[tilespmem:v50+s7+$0x0] =	vst.idx.add.f32.msk $0xffff, v49;
	v50 =	vor.u32 v12, v41;
	(pc) =	sbr.rel @p0 .LBB2_26-.Ltmp12, $4  }
0x5dc: {  	[tilespmem:v47+s7+$0x0] =	vst.idx.add.f32.msk $0xffff, v53;
	v47 =	vor.u32 v15, v41  }
0x5dd: {  	v46 =	vor.u32 v16, v41;
	[tilespmem:v56+s7+$0x0] =	vst.idx.add.f32.msk $0xffff, v55  }
0x5de: {  	[tilespmem:v48+s7+$0x0] =	vst.idx.add.f32.msk $0xffff, v52;
	v48 =	vor.u32 v18, v41  }
0x5df: {  	v49 =	vor.u32 v20, v41;
	[tilespmem:v57+s7+$0x0] =	vst.idx.add.f32.msk $0xffff, v54  }
0x5e0: {  	_ =	sdelay $0x3  }
0x5e1: {  	[tilespmem:v51+s7+$0x0] =	vst.idx.add.f32.msk $0xffff, v39  }
0x5e2: {  	[tilespmem:v50+s7+$0x0] =	vst.idx.add.f32.msk $0xffff, v36  }
0x5e3: {  	v53 =	vor.u32 v24, v41;
	[tilespmem:v47+s7+$0x0] =	vst.idx.add.f32.msk $0xffff, v44  }
0x5e4: {  	v54 =	vor.u32 v26, v41;
	[tilespmem:v46+s7+$0x0] =	vst.idx.add.f32.msk $0xffff, v38  }
0x5e5: {  	v55 =	vor.u32 v28, v41;
	[tilespmem:v48+s7+$0x0] =	vst.idx.add.f32.msk $0xffff, v45  }
0x5e6: {  	v56 =	vor.u32 v30, v41;
	[tilespmem:v49+s7+$0x0] =	vst.idx.add.f32.msk $0xffff, v34  }
0x5e7: {  	[tilespmem:v43+s7+$0x0] =	vst.idx.add.f32.msk $0xffff, v40  }
0x5e8: {  	[tilespmem:v53+s7+$0x0] =	vst.idx.add.f32.msk $0xffff, v37  }
0x5e9: {  	s8 =	sld [smem:$0x7FB];
	[tilespmem:v54+s7+$0x0] =	vst.idx.add.f32.msk $0xffff, v35  }
0x5ea: {  	[tilespmem:v55+s7+$0x0] =	vst.idx.add.f32.msk $0xffff, v42  }
0x5eb: {  	s12 =	simm.s32 $0x0;
	s2 =	simm.s32 $0x8;
	[tilespmem:v56+s7+$0x0] =	vst.idx.add.f32.msk $0xffff, v33  }
0x5ec: {  	[hbm4b:s8+s12] =	stream.linear.scatter [tilespmem:s7], [sflag:$0xB], $0x4000, $0x38;
	[tilespmem:$0x16240] =	vst v63  }
0x5ed: {  	_ =	swait.ge [sflag:s2], $0x4000  }
0x5ee: {  	[sflag:s2] =	ssyncset.done $0x0  }
0x5ef: {  	s11 =	simm.s32 $0x1C00;
	[sflag:s2] =	ssyncadd.s32 $0xFFFFC000  }
0x5f0: {  	s8 =	simm.s32 $0x2C00;
	v57 =	vld [tilespmem:s11+$0x0]  }
0x5f1: {  	v58 =	vld [tilespmem:s8+$0x0];
	_ =	sdelay $0x4  }
0x5f2: {  	v33 =	vshll.u32 v57, $0x7;
	v34 =	vshll.u32 v58, $0x4  }
0x5f3: {  	v41 =	vadd.s32 v33, v34  }
0x5f4: {  	v33 =	vor.u32 v6, v41  }
0x5f5: {  	v34 =	vor.u32 v12, v41  }
0x5f6: {  	v59 =	vor.u32 v10, v41  }
0x5f7: {  	v60 =	vor.u32 v2, v41  }
0x5f8: {  	v61 =	vor.u32 v30, v41  }
0x5f9: {  	v62 =	vor.u32 v20, v41;
	v48 =	vld.idx.msk [tilespmem:v33+s0+$0x0], $0xffff  }
0x5fa: {  	v63 =	vor.u32 v16, v41;
	v36 =	vld.idx.msk [tilespmem:v34+s0+$0x0], $0xffff  }
0x5fb: {  	v52 =	vor.u32 v26, v41;
	v39 =	vld.idx.msk [tilespmem:v59+s0+$0x0], $0xffff  }
0x5fc: {  	v53 =	vor.u32 v24, v41;
	v46 =	vld.idx.msk [tilespmem:v60+s0+$0x0], $0xffff  }
0x5fd: {  	v54 =	vor.u32 v22, v41;
	v33 =	vld.idx.msk [tilespmem:v61+s0+$0x0], $0xffff  }
0x5fe: {  	v55 =	vor.u32 v0, v41;
	v34 =	vld.idx.msk [tilespmem:v62+s0+$0x0], $0xffff  }
0x5ff: {  	v56 =	vor.u32 v8, v41;
	v38 =	vld.idx.msk [tilespmem:v63+s0+$0x0], $0xffff  }
0x600: {  	v57 =	vor.u32 v4, v41;
	v35 =	vld.idx.msk [tilespmem:v52+s0+$0x0], $0xffff  }
0x601: {  	v58 =	vor.u32 v15, v41;
	v59 =	vmov s12;
	v37 =	vld.idx.msk [tilespmem:v53+s0+$0x0], $0xffff  }
0x602: {  	v60 =	vor.u32 v28, v41;
	v40 =	vld.idx.msk [tilespmem:v54+s0+$0x0], $0xffff;
	v61 =	vshll.u32 v59, $0x4  }
0x603: {  	v62 =	vor.u32 v18, v41;
	v47 =	vld.idx.msk [tilespmem:v55+s0+$0x0], $0xffff;
	v41 =	vor.u32 v32, v61  }
0x604: {  	v49 =	vld.idx.msk [tilespmem:v56+s0+$0x0], $0xffff;
	v63 =	vor.u32 v0, v41  }
0x605: {  	v53 =	vld.idx.msk [tilespmem:v57+s0+$0x0], $0xffff;
	v52 =	vor.u32 v2, v41  }
0x606: {  	v44 =	vld.idx.msk [tilespmem:v58+s0+$0x0], $0xffff;
	v54 =	vor.u32 v4, v41  }
0x607: {  	v55 =	vor.u32 v6, v41;
	v42 =	vld.idx.msk [tilespmem:v60+s0+$0x0], $0xffff  }
0x608: {  	v56 =	vor.u32 v8, v41;
	v45 =	vld.idx.msk [tilespmem:v62+s0+$0x0], $0xffff  }
0x609: {  	v51 =	vor.u32 v10, v41;
	[tilespmem:v63+s18+$0x0] =	vst.idx.add.f32.msk $0xffff, v47  }
0x60a: {  	v50 =	vor.u32 v12, v41;
	[tilespmem:v52+s18+$0x0] =	vst.idx.add.f32.msk $0xffff, v46  }
0x60b: {  	v47 =	vor.u32 v15, v41;
	[tilespmem:v54+s18+$0x0] =	vst.idx.add.f32.msk $0xffff, v53  }
0x60c: {  	v43 =	vor.u32 v22, v41;
	v46 =	vor.u32 v16, v41;
	[tilespmem:v55+s18+$0x0] =	vst.idx.add.f32.msk $0xffff, v48  }
0x60d: {  	s12 =	simm.s32 $0x10;
	v48 =	vor.u32 v18, v41;
	[tilespmem:v56+s18+$0x0] =	vst.idx.add.f32.msk $0xffff, v49;
	v49 =	vor.u32 v20, v41  }
.LBB2_28:
0x60e: {  	p0 =	sne.s32 s12, $0x3F0;
	[tilespmem:v51+s18+$0x0] =	vst.idx.add.f32.msk $0xffff, v39;
	s11 =	sadd.s32 $0x10, s11;
	s8 =	sadd.s32 $0x10, s8  }
0x60f: {  	s13 =	smov.u32 s12;
	s12 =	sadd.s32 $0x10, s12;
	[tilespmem:v50+s18+$0x0] =	vst.idx.add.f32.msk $0xffff, v36;
	v36 =	vor.u32 v24, v41  }
0x610: {  	v39 =	vor.u32 v26, v41;
	[tilespmem:v47+s18+$0x0] =	vst.idx.add.f32.msk $0xffff, v44  }
0x611: {  	[tilespmem:v46+s18+$0x0] =	vst.idx.add.f32.msk $0xffff, v38;
	v38 =	vor.u32 v28, v41  }
0x612: {  	v41 =	vor.u32 v30, v41;
	[tilespmem:v48+s18+$0x0] =	vst.idx.add.f32.msk $0xffff, v45  }
0x613: {  	[tilespmem:v49+s18+$0x0] =	vst.idx.add.f32.msk $0xffff, v34  }
0x614: {  	[tilespmem:v43+s18+$0x0] =	vst.idx.add.f32.msk $0xffff, v40  }
0x615: {  	[tilespmem:v36+s18+$0x0] =	vst.idx.add.f32.msk $0xffff, v37  }
0x616: {  	[tilespmem:v39+s18+$0x0] =	vst.idx.add.f32.msk $0xffff, v35  }
0x617: {  	[tilespmem:v38+s18+$0x0] =	vst.idx.add.f32.msk $0xffff, v42  }
0x618: {  	[tilespmem:v41+s18+$0x0] =	vst.idx.add.f32.msk $0xffff, v33  }
0x619: {  	v33 =	vld [tilespmem:s11+$0x0]  }
0x61a: {  	v34 =	vld [tilespmem:s8+$0x0];
	_ =	sdelay $0x4  }
0x61b: {  	v33 =	vshll.u32 v33, $0x7;
	v34 =	vshll.u32 v34, $0x4  }
0x61c: {  	v33 =	vadd.s32 v33, v34  }
0x61d: {  	v42 =	vor.u32 v0, v33;
	v34 =	vor.u32 v2, v33;
	v35 =	vor.u32 v6, v33  }
0x61e: {  	v44 =	vor.u32 v4, v33;
	v37 =	vor.u32 v10, v33;
	v36 =	vor.u32 v12, v33  }
0x61f: {  	v40 =	vor.u32 v22, v33;
	v41 =	vor.u32 v24, v33;
	v43 =	vor.u32 v26, v33  }
0x620: {  	v45 =	vor.u32 v18, v33;
	v46 =	vor.u32 v28, v33;
	v38 =	vor.u32 v30, v33  }
0x621: {  	v47 =	vor.u32 v8, v33;
	v48 =	vor.u32 v15, v33;
	v49 =	vor.u32 v16, v33  }
0x622: {  	v52 =	vld.idx.msk [tilespmem:v35+s0+$0x0], $0xffff;
	v35 =	vor.u32 v20, v33  }
0x623: {  	v36 =	vld.idx.msk [tilespmem:v36+s0+$0x0], $0xffff  }
0x624: {  	v39 =	vld.idx.msk [tilespmem:v37+s0+$0x0], $0xffff  }
0x625: {  	v53 =	vld.idx.msk [tilespmem:v34+s0+$0x0], $0xffff  }
0x626: {  	v33 =	vld.idx.msk [tilespmem:v38+s0+$0x0], $0xffff  }
0x627: {  	v34 =	vld.idx.msk [tilespmem:v35+s0+$0x0], $0xffff  }
0x628: {  	v38 =	vld.idx.msk [tilespmem:v49+s0+$0x0], $0xffff  }
0x629: {  	v37 =	vmov s13;
	v35 =	vld.idx.msk [tilespmem:v43+s0+$0x0], $0xffff  }
0x62a: {  	v43 =	vshll.u32 v37, $0x4;
	v37 =	vld.idx.msk [tilespmem:v41+s0+$0x0], $0xffff  }
0x62b: {  	v41 =	vor.u32 v32, v43;
	v40 =	vld.idx.msk [tilespmem:v40+s0+$0x0], $0xffff  }
0x62c: {  	v50 =	vor.u32 v0, v41;
	v43 =	vor.u32 v22, v41;
	v49 =	vld.idx.msk [tilespmem:v42+s0+$0x0], $0xffff  }
0x62d: {  	v54 =	vld.idx.msk [tilespmem:v47+s0+$0x0], $0xffff;
	v47 =	vor.u32 v2, v41  }
0x62e: {  	v56 =	vor.u32 v4, v41;
	v55 =	vld.idx.msk [tilespmem:v44+s0+$0x0], $0xffff  }
0x62f: {  	v44 =	vld.idx.msk [tilespmem:v48+s0+$0x0], $0xffff;
	v48 =	vor.u32 v6, v41  }
0x630: {  	v57 =	vor.u32 v8, v41;
	v42 =	vld.idx.msk [tilespmem:v46+s0+$0x0], $0xffff  }
0x631: {  	v51 =	vor.u32 v10, v41;
	v45 =	vld.idx.msk [tilespmem:v45+s0+$0x0], $0xffff  }
.Ltmp13:
0x632: {  	[tilespmem:v50+s18+$0x0] =	vst.idx.add.f32.msk $0xffff, v49;
	v50 =	vor.u32 v12, v41;
	(pc) =	sbr.rel @p0 .LBB2_28-.Ltmp13, $4  }
0x633: {  	[tilespmem:v47+s18+$0x0] =	vst.idx.add.f32.msk $0xffff, v53;
	v47 =	vor.u32 v15, v41  }
0x634: {  	v46 =	vor.u32 v16, v41;
	[tilespmem:v56+s18+$0x0] =	vst.idx.add.f32.msk $0xffff, v55  }
0x635: {  	[tilespmem:v48+s18+$0x0] =	vst.idx.add.f32.msk $0xffff, v52;
	v48 =	vor.u32 v18, v41  }
0x636: {  	v49 =	vor.u32 v20, v41;
	[tilespmem:v57+s18+$0x0] =	vst.idx.add.f32.msk $0xffff, v54  }
0x637: {  	_ =	sdelay $0x3  }
0x638: {  	[tilespmem:v51+s18+$0x0] =	vst.idx.add.f32.msk $0xffff, v39  }
0x639: {  	[tilespmem:v50+s18+$0x0] =	vst.idx.add.f32.msk $0xffff, v36  }
0x63a: {  	v60 =	vor.u32 v24, v41;
	[tilespmem:v47+s18+$0x0] =	vst.idx.add.f32.msk $0xffff, v44  }
0x63b: {  	v61 =	vor.u32 v26, v41;
	[tilespmem:v46+s18+$0x0] =	vst.idx.add.f32.msk $0xffff, v38  }
0x63c: {  	v62 =	vor.u32 v28, v41;
	[tilespmem:v48+s18+$0x0] =	vst.idx.add.f32.msk $0xffff, v45  }
0x63d: {  	v63 =	vor.u32 v30, v41;
	[tilespmem:v49+s18+$0x0] =	vst.idx.add.f32.msk $0xffff, v34  }
0x63e: {  	[tilespmem:v43+s18+$0x0] =	vst.idx.add.f32.msk $0xffff, v40  }
0x63f: {  	[tilespmem:v60+s18+$0x0] =	vst.idx.add.f32.msk $0xffff, v37  }
0x640: {  	s8 =	sld [smem:$0x7FC];
	[tilespmem:v61+s18+$0x0] =	vst.idx.add.f32.msk $0xffff, v35  }
0x641: {  	[tilespmem:v62+s18+$0x0] =	vst.idx.add.f32.msk $0xffff, v42  }
0x642: {  	s2 =	simm.s32 $0x9;
	[tilespmem:v63+s18+$0x0] =	vst.idx.add.f32.msk $0xffff, v33  }
0x643: {  	[hbm4b:s8+s16] =	stream.linear.scatter [tilespmem:s18], [sflag:$0xC], $0x4000, $0x38;
	[tilespmem:$0x16240] =	vst v63  }
0x644: {  	_ =	swait.ge [sflag:s2], $0x4000  }
0x645: {  	[sflag:s2] =	ssyncset.done $0x0  }
0x646: {  	[sflag:s2] =	ssyncadd.s32 $0xFFFFC000  }
0x647: {  	_ =	swait.ge [sflag:s23], $0x4000  }
0x648: {  	[sflag:s23] =	ssyncset.done $0x0  }
0x649: {  	[sflag:s23] =	ssyncadd.s32 $0xFFFFC000  }
0x64a: {  	_ =	swait.ge [sflag:s29], $0x4000  }
0x64b: {  	[sflag:s29] =	ssyncset.done $0x0  }
0x64c: {  	[sflag:s29] =	ssyncadd.s32 $0xFFFFC000  }
0x64d: {  	_ =	swait.ge [sflag:s9], $0x4000  }
0x64e: {  	s22 =	sld [smem:$0x7F0]  }
0x64f: {  	s24 =	sld [smem:$0x7FD];
	_ =	sdelay $0x1  }
0x650: {  	s2 =	sadd.s32 $0x1, s22  }
0x651: {  	p0 =	sne.s32 s2, s24  }
.Ltmp14:
0x652: {  	_ = 	snop;
	(pc) =	sbr.rel @p0 .LBB2_1-.Ltmp14, $3  }
0x653: {  	_ =	sdelay $0x1  }
0x654: {  	[sflag:s9] =	ssyncset.done $0x0  }
0x655: {  	[sflag:s9] =	ssyncadd.s32 $0xFFFFC000  }
0x656: {  	_ =	sfence.sel $0x180000  }
0x657: {  	[bflag:$0x0] =	sbarrier.arrive $0xFFFF  }
0x658: {  	_ =	strace $0x90000047  }
0x659: {  	s0 =	stileid.u32;
	[bflag:$0x2] =	sbarrier.arrive $0xFFFF  }
0x65a: {  	p0 =	sne.s32 s0, $0x0;
	s0 =	rddreg [dreg:$0x2]  }
0x65b: {  	s0 =	sadd.s32 @!p0 $0x100000, s0  }
0x65c: {  	[sflag:s0] =	ssyncadd.tile.s32 @!p0 $0x1;
	_ =	shalt  }
.Lfunc_end2:
_tile_overlayer_lowered:
.L_overlay_start_2:
0x65d: {  	(tag) =	ssettag $0x2  }
0x65e: {  	s0 =	rddreg [dreg:$0x0];
	s2 =	stileid.u32  }
0x65f: {  	s1 =	rddreg [dreg:$0x1];
	p0 =	sne.s32 s2, $0x0  }
0x660: {  	s3 =	rddreg [dreg:$0x2];
	[bflag:$0x3] =	sbarrier.arrive $0xFFFF;
	s2 =	simm.s32 @!p0 $0x1C0D  }
0x661: {  	[timem:s3], [sflag:s2] =	dma.local @!p0 [hbm:s0], s1  }
0x662: {  	s0 =	simm.s32 @!p0 $0xD  }
0x663: {  	_ =	swait.ge @!p0 [sflag:s0], s1  }
0x664: {  	s1 =	ssub.s32 @!p0 $0x0, s1;
	[sflag:s0] =	ssyncset.done @!p0 $0x0  }
0x665: {  	[sflag:s0] =	ssyncadd.s32 @!p0 s1  }
0x666: {  	[bflag:$0x3] =	sbarrier.arrive $0xFFFF  }
0x667: {  	_ =	shalt  }

// kernel: sparse-core-data-format-call.cloned.1.call-start
scs
called_computation_lowered:
.L_overlay_start_0:
0x0: {  	s2 =	sld [smem:$0x3FD9]  }
0x1: {  	s3 =	sld [smem:$0x3FFE];
	_ =	sdelay $0x1  }
0x2: {  	s1 =	srdreg.scid  }
0x3: {  	s0 =	sand.u32 $0x1, s1  }
0x4: {  	s18 =	sshll.u32 s0, $0xA;
	s2 =	sadd.s32 s3, s2  }
0x5: {  	s2 =	sadd.s32 s2, s18  }
0x6: {  	[smem:$0x3FC1] =	sst s2  }
0x7: {  	_ = 	snop  }
0x8: {  	s2 =	sld [smem:$0x3FD0];
	(tm) =	ssettm $0x1  }
0x9: {  	s19 =	sld [smem:$0x3FFB];
	_ =	sdelay $0x3  }
0xa: {  	_ =	strace s19  }
0xb: {  	s3 =	sld [smem:$0x3FFC];
	_ =	sdelay $0x3  }
0xc: {  	_ =	strace s3  }
0xd: {  	s3 =	sld [smem:$0x3FFD];
	_ =	sdelay $0x3  }
0xe: {  	_ =	strace s3  }
0xf: {  	_ =	strace $0x8FFFFFFF  }
0x10: {  	s20 =	sld [smem:$0x3FDB];
	_ =	sdelay $0x1  }
0x11: {  	s4 =	simm.s32 $_scs_section_size  }
0x12: {  	s5 =	simm.s32 $_size__tile_overlayer_lowered;
	s6 =	simm.s32 $_tile_overlayer_lowered  }
0x13: {  	s23 =	simm.s32 $0x1BFF;
	s22 =	sshll.u32 s6, $0x1;
	s3 =	sadd.s32 s4, s20  }
0x14: {  	s7 =	simm.s32 $0x0;
	s21 =	sshll.u32 s5, $0x1;
	s5 =	sadd.s32 s22, s3  }
0x15: {  	[timem:s7], [sflag:s23] =	dma.local [hbm:s5], s21  }
0x16: {  	_ =	swait.ge [sflag:s23], s21  }
0x17: {  	s4 =	ssub.s32 $0x0, s21;
	[sflag:s23] =	ssyncset.done $0x0  }
0x18: {  	[sflag:s23] =	ssyncadd.s32 s4;
	_ =	sdelay $0x1  }
0x19: {  	s24 =	simm.s32 $0x1B8B  }
0x1a: {  	_ =	swait.ge [sflag:s24], $0x1  }
0x1b: {  	[sflag:s24] =	ssyncset.done $0x0  }
0x1c: {  	s26 =	simm.s32 $0x1B8E;
	s25 =	sld [smem:$0x3FFE];
	[sflag:s24] =	ssyncadd.s32 $0xFFFFFFFF  }
0x1d: {  	s27 =	simm.s32 $execute0_lowered;
	[smem:$0x3FD2] =	sst s26  }
0x1e: {  	s5 =	sshll.u32 s27, $0x1;
	_ =	strace $0x80000049;
	[dreg:$0x1] =	wrdreg $0xFFFFFFFF  }
0x1f: {  	s28 =	simm.s32 $_size_execute0_lowered;
	s3 =	sadd.s32 s3, s5;
	[dreg:$0x0] =	wrdreg $0x0  }
0x20: {  	s5 =	sshll.u32 s28, $0x1;
	[dreg:$0x2] =	wrdreg s3  }
0x21: {  	[dreg:$0x3] =	wrdreg s5  }
0x22: {  	[dreg:$0x4] =	wrdreg $0xC0  }
0x23: {  	_ =	task [dreg:s7], $0x5FFFF  }
0x24: {  	[dreg:$0x1] =	wrdreg $0xFFFFFFFF  }
0x25: {  	[dreg:$0x0] =	wrdreg $0x60  }
0x26: {  	[dreg:$0x2] =	wrdreg s25  }
0x27: {  	[dreg:$0x3] =	wrdreg s2  }
0x28: {  	[dreg:$0x4] =	wrdreg $0x9  }
0x29: {  	_ =	task.clear_ibuf [dreg:s7], $0x5FFFF;
	_ =	strace $0x90000049  }
0x2a: {  	s29 =	simm.s32 $0x9;
	_ =	strace $0x8000004B  }
0x2b: {  	_ =	swait.ge [sflag:s29], $0x1  }
0x2c: {  	[sflag:s29] =	ssyncadd.s32 $0xFFFFFFFF  }
0x2d: {  	_ =	strace $0x9000004B  }
0x2e: {  	_ =	sfence  }
0x2f: {  	s30 =	sld [smem:$0x0];
	_ =	sdelay $0x2  }
0x30: {  	s31 =	sshll.u32 s1, $0xD;
	s1 =	sshrl.u32 s1, $0x2  }
0x31: {  	s3 =	sand.u32 $0x4000, s31;
	s1 =	sadd.s32 s1, s30  }
0x32: {  	s0 =	sor.u32 s3, s0;
	s1 =	sshll.u32 s1, $0x11  }
0x33: {  	s0 =	sor.u32 s1, s0  }
0x34: {  	s0 =	sadd.s32 $0x8F2B, s0  }
0x35: {  	[sflag:s0] =	ssyncadd.remote.s32 $0x1  }
0x36: {  	_ =	sfence.sel $0xFFFF  }
0x37: {  	[dreg:$0x0] =	wrdreg $0xFFFFFFFF;
	(pc) =	sbr.abs _section_cstart, $3  }
0x38: {  	[dreg:$0x1] =	wrdreg $0xFFFFFFFF  }
0x39: {  	_ =	task.clear_ibuf [dreg:s7], $0x2FFFF;
	_ =	strace $0x9FFFFFFF  }
0x3a: {  	(tm) =	ssettm $0x7FFFFFFF  }
0x3b: {  	_ =	shalt  }
tec
execute0_lowered:
.L_overlay_start_1:
0x0: {  	(tag) =	ssettag $0x1  }
0x1: {  	s0 =	srdreg.scid  }
0x2: {  	s1 =	sshll.u32 s0, $0x4  }
0x3: {  	s0 =	stileid.u32;
	s1 =	sand.u32 $0x10, s1  }
0x4: {  	s1 =	sor.u32 s0, s1  }
0x5: {  	s6 =	rddreg [dreg:$0x0];
	s4 =	simm.s32 $0x1;
	s2 =	sshll.u32 s1, $0x7  }
0x6: {  	s7 =	simm.s32 $0x2;
	s12 =	simm.s32 $0x0;
	s1 =	ssub.s32 $0x4000, s2  }
0x7: {  	s8 =	simm.s32 $0x20000;
	s13 =	simm.s32 $0x0;
	s3 =	sand.u32 $0xF80, s1  }
0x8: {  	s9 =	simm.s32 $0x0;
	s5 =	sshrl.u32 s1, $0xC;
	p0 =	sne.s32 s3, $0x0  }
.Ltmp0:
0x9: {  	s1 =	rddreg [dreg:$0x2];
	s4 =	simm.s32 @!p0 $0x0;
	(pc) =	sbr.rel .LBB1_1-.Ltmp0, $4  }
0xa: {  	s11 =	simm.s32 $0x0;
	s3 =	rddreg [dreg:$0x1];
	s5 =	sadd.s32 s4, s5  }
0xb: {  	_ =	strace $0x8000004A;
	s4 =	simm.s32 $0x1;
	s5 =	smul.u32 $0xC8, s5  }
0xc: {  	s6 =	sadd.s32 $0x1800, s6;
	s10 =	smov.u32 s2;
	[sflag:s4] =	ssyncpa.u1 $0x0  }
0xd: {  	p0 =	por $0x0, $0x0;
	[sflag:s7] =	ssyncpa.u1 $0x0;
	s7 =	sor.u32 $0x1, s5  }
.LBB1_4:
0xe: {  	s16 =	sshll.u32 s13, $0x3;
	s17 =	sand.u32 $0x78, s13  }
0xf: {  	s30 =	sand.u32 $0x7800, s13;
	s12 =	sshll.u32 s12, $0xF;
	s16 =	sand.u32 $0x3C00, s16  }
0x10: {  	s31 =	sand.u32 $0x7, s13;
	s16 =	sor.u32 s17, s16;
	s17 =	sadd.s32 s3, s30  }
0x11: {  	s13 =	sshll.u32 s31, $0x12;
	s16 =	sshrl.u32 s16, $0x3;
	s12 =	sadd.s32 s12, s17  }
0x12: {  	[tilespmem:s15+$0x0 ss:$0x81] =	vst.msk $0xffff, v1;
	s13 =	sor.u32 $0x400, s13;
	s12 =	sadd.s32 s16, s12  }
0x13: {  	[hbm4b:s12+s13] =	stream.strided.scatter [tilespmem:s14], [sflag:$0x2], $0x800, s8, s13, $0x20;
	[tilespmem:$0x2020] =	vst v63  }
.LBB1_5:
0x14: {  	s14 =	sadd.s32 $0x1, s9  }
0x15: {  	s12 =	sadd.s32 $0x1000, s10;
	s16 =	smov.u32 s10;
	p2 =	sgt.s32 s14, $0xC7  }
0x16: {  	s16 =	smov.u32 @p2 s12  }
0x17: {  	s14 =	simm.s32 @p2 $0x0;
	p2 =	sgt.s32 s16, $0x3FFF  }
0x18: {  	s16 =	smov.u32 @p2 s2;
	p2 =	sne.s32 s11, s7  }
.Ltmp1:
0x19: {  	p1 =	slt.u32 s11, $0x2;
	(pc) =	sbr.rel @!p2 .LBB1_6-.Ltmp1, $4  }
0x1a: {  	s15 =	simm.s32 @!p1 $0x2  }
0x1b: {  	s13 =	smov.u32 s10;
	p0 =	por !p0, !p0;
	_ =	swait.ge @!p1 [sflag:s15], $0x800  }
0x1c: {  	s12 =	smov.u32 s9;
	[sflag:s15] =	ssyncset.done @!p1 $0x0;
	s9 =	smov.u32 s14  }
0x1d: {  	s11 =	sadd.s32 $0x1, s11;
	[sflag:s15] =	ssyncadd.s32 @!p1 $0xFFFFF800;
	s10 =	smov.u32 s16  }
.LBB1_1:
0x1e: {  	p1 =	sge.u32 s11, s5  }
0x1f: {  	s14 =	sand.u32 @!p1 $0x1FFFFFF, s9  }
0x20: {  	s15 =	smulhi.u32 @!p1 $0x147AE15, s14;
	_ =	sdelay $0x1  }
0x21: {  	s15 =	smul.u32 @!p1 $0xC8, s15  }
0x22: {  	s16 =	sxor.u32 @!p1 $0xFFFFFFFF, s11;
	s17 =	smul.u32 @!p1 $0xC80, s10  }
0x23: {  	s31 =	sadd.s32 $0xFFFFFFFF, s11;
	s16 =	sshll.u32 @!p1 s16, $0xB;
	s14 =	ssub.s32 @!p1 s14, s15  }
0x24: {  	s15 =	sand.u32 @!p1 $0x800, s16;
	s16 =	sadd.s32 @!p1 s6, s17;
	s14 =	sshll.u32 @!p1 s14, $0x4  }
0x25: {  	s17 =	simm.s32 @!p1 $0x6400;
	s14 =	sadd.s32 @!p1 s14, s16;
	s16 =	simm.s32 @!p1 $0x10  }
0x26: {  	[tilespmem:s15], [sflag:$0x1] =	stream.strided.gather @!p1 [hbm4b:s14+s16], $0x800, s17, s16, $0x38;
	[tilespmem:$0x2020] =	vst v63  }
0x27: {  	p1 =	sge.u32 s31, s5  }
.Ltmp2:
0x28: {  	_ = 	snop;
	(pc) =	sbr.rel @p1 .LBB1_5-.Ltmp2, $1  }
0x29: {  	_ =	sdelay $0x3  }
0x2a: {  	s14 =	simm.s32 $0x1  }
0x2b: {  	s14 =	simm.s32 @!p0 $0x0  }
0x2c: {  	s15 =	sshll.u32 s14, $0xB  }
0x2d: {  	v0 =	vmov s15;
	_ =	sdelay $0x1  }
0x2e: {  	_ =	swait.ge [sflag:s4], $0x800  }
0x2f: {  	s31 =	sand.u32 $0x1, s11;
	[sflag:s4] =	ssyncset.done $0x0  }
0x30: {  	s17 =	simm.s32 $0x0;
	s14 =	smul.u32 $0x2040, s14;
	[sflag:s4] =	ssyncadd.s32 $0xFFFFF800  }
0x31: {  	s15 =	smul.u32 $0x2040, s31;
	v1 =	vld.idx.msk [tilespmem:v0+s17+$0x0 ss:$0x1], $0xffff;
	_ =	sdelay $0x1  }
0x32: {  	s14 =	sshrl.u32 s14, $0x2;
	s16 =	sshrl.u32 s15, $0x2  }
0x33: {  	s15 =	sor.u32 $0x1000, s14;
	s14 =	sor.u32 $0x1000, s16;
	s16 =	simm.s32 $0x40  }
.LBB1_3:
0x34: {  	s17 =	sshra.s32 s16, $0x2;
	p1 =	sne.s32 s16, $0x1FC0;
	s16 =	sadd.s32 $0x40, s16  }
.Ltmp3:
0x35: {  	[tilespmem:s15+$0x0 ss:$0x81] =	vst.msk $0xffff, v1;
	v1 =	vld.idx.msk [tilespmem:v0+s17+$0x0 ss:$0x1], $0xffff;
	(pc) =	sbr.rel @p1 .LBB1_3-.Ltmp3, $2  }
0x36: {  	_ =	sdelay $0x2  }
0x37: {  	s15 =	sadd.s32 $0x1, s15  }
.Ltmp4:
0x38: {  	_ = 	snop;
	(pc) =	sbr.rel .LBB1_4-.Ltmp4, $1  }
0x39: {  	_ =	sdelay $0x3  }
.LBB1_6:
0x3a: {  	_ =	sfence.sel $0x180000  }
0x3b: {  	s2 =	simm.s32 $0x1;
	[bflag:$0x0] =	sbarrier.arrive $0xFFFF  }
0x3c: {  	s31 =	simm.s32 $0x2;
	[sflag:s2] =	ssyncpa.u1 $0x1  }
0x3d: {  	[sflag:s31] =	ssyncpa.u1 $0x1  }
0x3e: {  	p0 =	sne.s32 s0, $0x0;
	_ =	strace $0x9000004A  }
0x3f: {  	s0 =	sadd.s32 @!p0 $0x100000, s1;
	[bflag:$0x2] =	sbarrier.arrive $0xFFFF  }
0x40: {  	[sflag:s0] =	ssyncadd.tile.s32 @!p0 $0x1;
	_ =	shalt  }
.Lfunc_end1:
_tile_overlayer_lowered:
.L_overlay_start_2:
0x41: {  	(tag) =	ssettag $0x2  }
0x42: {  	s0 =	rddreg [dreg:$0x0];
	s2 =	stileid.u32  }
0x43: {  	s1 =	rddreg [dreg:$0x1];
	p0 =	sne.s32 s2, $0x0  }
0x44: {  	s3 =	rddreg [dreg:$0x2];
	[bflag:$0x3] =	sbarrier.arrive $0xFFFF;
	s2 =	simm.s32 @!p0 $0x1C01  }
0x45: {  	[timem:s3], [sflag:s2] =	dma.local @!p0 [hbm:s0], s1  }
0x46: {  	s0 =	simm.s32 @!p0 $0x1  }
0x47: {  	_ =	swait.ge @!p0 [sflag:s0], s1  }
0x48: {  	s1 =	ssub.s32 @!p0 $0x0, s1;
	[sflag:s0] =	ssyncset.done @!p0 $0x0  }
0x49: {  	[sflag:s0] =	ssyncadd.s32 @!p0 s1  }
0x4a: {  	[bflag:$0x3] =	sbarrier.arrive $0xFFFF  }
0x4b: {  	_ =	shalt  }

</sc_bundles>
